<compile_context>
chip_gen: v7x
topology: tpu7x:2x2x1
jax: 0.10.2.dev20260603
libtpu: 0.0.44.dev20260713+nightly
codegen_flags: <defaults>
</compile_context>

<pallas_src>
import jax
import jax.numpy as jnp
from jax import lax
from jax.experimental import pallas as pl
from jax.experimental.pallas import tpu as pltpu
from jax.experimental.pallas import tpu_sc as plsc

K = 256
N_ROWS = 128
N_COLS = 2048
NW = 32
ROWS_PER_W = N_ROWS // NW
NCHUNK = N_COLS // 16
INT_MIN32 = -2147483648


def _srl(a, n):
    return lax.shift_right_logical(a, jnp.full(a.shape, n, a.dtype))


def _sra(a, n):
    return lax.shift_right_arithmetic(a, jnp.full(a.shape, n, a.dtype))


def _sc_select(x_hbm, tau_hbm, x_v0, x_v1, x_v2, x_v3, keys_x, ckeys,
               hist4, o_v0, o_v1, o_v2, o_v3, sem_in, sem_out):
    wid = lax.axis_index("s") * 2 + lax.axis_index("c")
    base = wid * ROWS_PER_W
    xrows = [x_v0, x_v1, x_v2, x_v3]
    orows = [o_v0, o_v1, o_v2, o_v3]
    copies = [pltpu.async_copy(x_hbm.at[base + r], xrows[r], sem_in)
              for r in range(ROWS_PER_W)]
    for c in copies:
        c.wait()

    iota = lax.iota(jnp.int32, 16)
    lane16 = iota * 16
    ones = jnp.ones((16,), jnp.float32)
    zvec = jnp.zeros((16,), jnp.float32)
    zivec = jnp.zeros((16,), jnp.int32)

    def dyng(vec, lane_v):
        return vec.at[lane_v].get(mode="promise_in_bounds")

    def suffix(vec):
        return lax.rev(jnp.cumsum(lax.rev(vec, (0,))), (0,))

    def scan_hist(rem_v, hb):
        totv = zvec
        for c in range(16):
            totv = totv + plsc.load_gather(hist4, [hb + lane16 + c])
        sstv = suffix(totv)
        pcv = zivec + plsc.all_reduce_population_count(sstv >= rem_v)
        jstar = pcv - 1
        tot_j = dyng(totv, jstar)
        sst_j = dyng(sstv, jstar)
        above_vecs = sst_j - tot_j
        h = plsc.load_gather(hist4, [hb + jstar * 16 + iota])
        ssv = suffix(h)
        pc2 = zivec + plsc.all_reduce_population_count(
            (above_vecs + ssv) >= rem_v)
        lstar = pc2 - 1
        ss_l = dyng(ssv, lstar)
        h_l = dyng(h, lstar)
        bstar = jstar * 16 + lstar
        above = above_vecs + ss_l - h_l
        return bstar, above, h_l

    def zero_hists():
        def zb(i, c):
            for u in range(4):
                hist4[pl.ds((i * 4 + u) * 16, 16)] = zvec
            return c
        lax.fori_loop(0, 16, zb, jnp.int32(0))

    def key_of(xv):
        ib = lax.bitcast_convert_type(xv, jnp.int32)
        sgn = _sra(ib, 31)
        return ib ^ ((sgn & 0x7FFFFFFF) | INT_MIN32)

    NR = ROWS_PER_W
    U = 2

    zero_hists()

    def body0(i, c):
        for u in range(U):
            off = i * (16 * U) + u * 16
            for r in range(NR):
                uk = key_of(xrows[r][pl.ds(off, 16)])
                keys_x[pl.ds(r * N_COLS + off, 16)] = uk
                plsc.addupdate_scatter(hist4, [r * 256 + _srl(uk, 24)],
                                       ones)
        return c
    lax.fori_loop(0, NCHUNK // U, body0, jnp.int32(0))

    rems = []
    b0s = []
    n1s = []
    for r in range(NR):
        b0, above0, n1f = scan_hist(zvec + jnp.float32(K), r * 256)
        rems.append(zvec + jnp.float32(K) - above0)
        b0s.append(b0)
        n1s.append(n1f.astype(jnp.int32))

    def bodyc(i, offs):
        offs = list(offs)
        for u in range(U):
            off = i * (16 * U) + u * 16
            for r in range(NR):
                uk = keys_x[pl.ds(r * N_COLS + off, 16)]
                msk = _srl(uk, 24) == b0s[r]
                mi = jnp.where(msk, jnp.int32(1), jnp.int32(0))
                excl = jnp.cumsum(mi) - mi
                plsc.store_scatter(ckeys, [r * N_COLS + offs[r] + excl],
                                   uk, mask=msk)
                offs[r] = offs[r] + plsc.all_reduce_population_count(msk)
        return tuple(offs)
    lax.fori_loop(0, NCHUNK // U, bodyc, tuple(zivec for _ in range(NR)))

    nch1 = jnp.max(_srl(jnp.maximum(jnp.maximum(n1s[0], n1s[1]),
                                    jnp.maximum(n1s[2], n1s[3])) + 15, 4))

    b1s = b2s = b3s = None
    for l in range(1, 4):
        zero_hists()

        def bodyl(i, c, _l=l, _b1=b1s, _b2=b2s):
            for r in range(NR):
                uk = ckeys[pl.ds(r * N_COLS + i * 16, 16)]
                msk = (i * 16 + iota) < n1s[r]
                if _l >= 2:
                    msk = msk & ((_srl(uk, 16) & 0xFF) == _b1[r])
                if _l >= 3:
                    msk = msk & ((_srl(uk, 8) & 0xFF) == _b2[r])
                binv = _srl(uk, 24 - 8 * _l) & 0xFF
                plsc.addupdate_scatter(hist4, [r * 256 + binv], ones,
                                       mask=msk)
            return c
        lax.fori_loop(0, nch1, bodyl, jnp.int32(0))

        bls = []
        for r in range(NR):
            bl, above_l, _hl = scan_hist(rems[r], r * 256)
            rems[r] = rems[r] - above_l
            bls.append(bl)
        if l == 1:
            b1s = bls
        elif l == 2:
            b2s = bls
        else:
            b3s = bls

    out_copies = []
    for r in range(NR):
        prefix = (jnp.left_shift(b0s[r], 24) | jnp.left_shift(b1s[r], 16)
                  | jnp.left_shift(b2s[r], 8) | b3s[r])
        orows[r][...] = prefix
        out_copies.append(
            pltpu.async_copy(orows[r], tau_hbm.at[base + r], sem_out))
    for c in out_copies:
        c.wait()


def _tc_pre(x_ref, t_ref, m_ref, v_ref, tu_ref):
    x = x_ref[:]
    t = t_ref[:]
    m_ref[:, :] = jnp.max(x, axis=1, keepdims=True)
    col = jax.lax.broadcasted_iota(jnp.int32, (N_ROWS, N_COLS), 1)
    at_t = col == t
    v_ref[:, :] = jnp.sum(jnp.where(at_t, x, 0.0), axis=1, keepdims=True)
    ub = jax.lax.bitcast_convert_type(x, jnp.uint32)
    ukey = jnp.where(ub >= jnp.uint32(0x80000000), ~ub,
                     ub | jnp.uint32(0x80000000))
    ukey_i = jax.lax.bitcast_convert_type(ukey, jnp.int32)
    tu_ref[:, :] = jnp.sum(jnp.where(at_t, ukey_i, 0), axis=1,
                           keepdims=True)


def _tc_finish(x_ref, t_ref, p_ref, m_ref, v_ref, tu_ref, out_ref):
    x = x_ref[:]
    t = t_ref[:]
    p_i = p_ref[:][:, :1]
    p = jax.lax.bitcast_convert_type(p_i, jnp.uint32)
    m = m_ref[:]
    v = v_ref[:]
    tu = jax.lax.bitcast_convert_type(tu_ref[:], jnp.uint32)

    ub = jax.lax.bitcast_convert_type(x, jnp.uint32)
    ukey = jnp.where(ub >= jnp.uint32(0x80000000), ~ub,
                     ub | jnp.uint32(0x80000000))

    ub_tau = jnp.where(p >= jnp.uint32(0x80000000),
                       p ^ jnp.uint32(0x80000000), ~p)
    tau = jax.lax.bitcast_convert_type(ub_tau, jnp.float32)

    gt = ukey > p
    c_gt = jnp.sum(gt.astype(jnp.int32), axis=1, keepdims=True)
    e = jnp.exp(x - m)
    s_above = jnp.sum(jnp.where(gt, e, 0.0), axis=1, keepdims=True)
    S = s_above + (K - c_gt).astype(jnp.float32) * jnp.exp(tau - m)

    col = jax.lax.broadcasted_iota(jnp.int32, (N_ROWS, N_COLS), 1)
    eq_before = jnp.sum(((col < t) & (ukey == p)).astype(jnp.int32),
                        axis=1, keepdims=True)
    in_topk = (tu > p) | ((tu == p) & (c_gt + eq_before < K))
    inf = in_topk.astype(jnp.float32)

    contrib = v - m - jnp.log(S)
    total = jnp.sum(inf * contrib)
    count = jnp.sum(inf)
    out_ref[:, :] = jnp.full((1, 1), -(total / count), dtype=jnp.float32)


def kernel(outputs, targets):
    t32 = targets.astype(jnp.int32).reshape(N_ROWS, 1)

    sc = pl.kernel(
        _sc_select,
        out_type=jax.ShapeDtypeStruct((N_ROWS, 16), jnp.int32),
        mesh=plsc.VectorSubcoreMesh(core_axis_name="c", subcore_axis_name="s"),
        compiler_params=pltpu.CompilerParams(needs_layout_passes=False),
        scratch_types=[
            pltpu.VMEM((N_COLS,), jnp.float32),
            pltpu.VMEM((N_COLS,), jnp.float32),
            pltpu.VMEM((N_COLS,), jnp.float32),
            pltpu.VMEM((N_COLS,), jnp.float32),
            pltpu.VMEM((ROWS_PER_W * N_COLS,), jnp.int32),
            pltpu.VMEM((ROWS_PER_W * N_COLS,), jnp.int32),
            pltpu.VMEM((ROWS_PER_W * 256,), jnp.float32),
            pltpu.VMEM((16,), jnp.int32),
            pltpu.VMEM((16,), jnp.int32),
            pltpu.VMEM((16,), jnp.int32),
            pltpu.VMEM((16,), jnp.int32),
            pltpu.SemaphoreType.DMA,
            pltpu.SemaphoreType.DMA,
        ],
    )
    tau_packed = sc(outputs)

    m, v, tu = pl.pallas_call(
        _tc_pre,
        out_shape=[
            jax.ShapeDtypeStruct((N_ROWS, 1), jnp.float32),
            jax.ShapeDtypeStruct((N_ROWS, 1), jnp.float32),
            jax.ShapeDtypeStruct((N_ROWS, 1), jnp.int32),
        ],
    )(outputs, t32)

    out = pl.pallas_call(
        _tc_finish,
        out_shape=jax.ShapeDtypeStruct((1, 1), jnp.float32),
    )(outputs, t32, tau_packed, m, v, tu)
    return out.reshape(())

# --- scband reference (transcript-rebuilt; emitter-appended) ---
"""Pipeline reference for scband-top-kloss-3341484556709 (READ-ONLY COPY).

The authoritative reference and input builder live on the scoring server;
editing this copy changes nothing except your own understanding.
"""

import jax, jax.numpy as jnp
import numpy as np

K = 256

def setup_inputs(seed: int = 0) -> dict:
    key = jax.random.key(seed)
    k1, k2 = jax.random.split(key)
    outputs = jax.random.normal(k1, (128, 2048), dtype=jnp.float32)
    targets = jax.random.randint(k2, (128,), 0, 2048, dtype=jnp.int64)
    return {"outputs": outputs, "targets": targets}

def reference(outputs, targets):
    top_k_logits, top_k_indices = jax.lax.top_k(outputs, K)
    top_k_log_probs = jax.nn.log_softmax(top_k_logits, axis=1)
    target_mask = top_k_indices == targets.reshape(-1, 1)
    count = jnp.sum(target_mask)
    masked_sum = jnp.sum(jnp.where(target_mask, top_k_log_probs, 0.0))
    loss = -(masked_sum / count)
    return loss

if __name__ == "__main__":
    import jax
    _d = setup_inputs()
    print(jax.jit(kernel)(*tuple(_d.values())))

</pallas_src>

<mosaic_0001>
#map = affine_map<(d0, d1) -> (0, 0)>
module attributes {stable_mosaic.version = 14 : i64} {
  func.func @_sc_select(%arg0: i32, %arg1: i32, %arg2: memref<128x2048xf32, #tpu.memory_space<hbm>>, %arg3: memref<128x16xi32, #tpu.memory_space<hbm>>, %arg4: memref<2048xf32, #tpu.memory_space<vmem>>, %arg5: memref<2048xf32, #tpu.memory_space<vmem>>, %arg6: memref<2048xf32, #tpu.memory_space<vmem>>, %arg7: memref<2048xf32, #tpu.memory_space<vmem>>, %arg8: memref<8192xi32, #tpu.memory_space<vmem>>, %arg9: memref<8192xi32, #tpu.memory_space<vmem>>, %arg10: memref<1024xf32, #tpu.memory_space<vmem>>, %arg11: memref<16xi32, #tpu.memory_space<vmem>>, %arg12: memref<16xi32, #tpu.memory_space<vmem>>, %arg13: memref<16xi32, #tpu.memory_space<vmem>>, %arg14: memref<16xi32, #tpu.memory_space<vmem>>, %arg15: memref<!tpu.dma_semaphore, #tpu.memory_space<semaphore_mem>>, %arg16: memref<!tpu.dma_semaphore, #tpu.memory_space<semaphore_mem>>) attributes {dimension_semantics = [#tpu.dimension_semantics<core_parallel>, #tpu.dimension_semantics<subcore_parallel>], iteration_bounds = array<i64: 2, 16>, scalar_prefetch = 0 : i64, scratch_operands = 13 : i64, tpu.core_type = #tpu.core_type<sc_vector_subcore>, window_params = [{transform_indices = #map}, {transform_indices = #map}]} {
    %mul3A = arith.constant 2 : i32
    %mul3A_0 = arith.muli %arg1, %mul3A : i32
    %add3A = arith.addi %mul3A_0, %arg0 : i32
    %mul3A_1 = arith.constant 4 : i32
    %mul3A_2 = arith.muli %add3A, %mul3A_1 : i32
    %add3A_3 = arith.constant 0 : i32
    %add3A_4 = arith.addi %mul3A_2, %add3A_3 : i32
    %dma_start3A = arith.constant 0 : i32
    %dma_start3A_5 = tpu.memref_slice %arg2[%add3A_4, %dma_start3A] : memref<128x2048xf32, #tpu.memory_space<hbm>> -> memref<1x2048xf32, #tpu.memory_space<hbm>>
    %dma_start3A_6 = tpu.memref_squeeze %dma_start3A_5 : memref<1x2048xf32, #tpu.memory_space<hbm>> -> memref<2048xf32, #tpu.memory_space<hbm>>
    %dma_start3A_7 = arith.constant 0 : i32
    %dma_start3A_8 = tpu.memref_slice %arg2[%add3A_4, %dma_start3A_7] : memref<128x2048xf32, #tpu.memory_space<hbm>> -> memref<1x2048xf32, #tpu.memory_space<hbm>>
    %dma_start3A_9 = tpu.memref_squeeze %dma_start3A_8 : memref<1x2048xf32, #tpu.memory_space<hbm>> -> memref<2048xf32, #tpu.memory_space<hbm>>
    tpu.enqueue_dma source(%dma_start3A_9 : memref<2048xf32, #tpu.memory_space<hbm>>) target(%arg4 : memref<2048xf32, #tpu.memory_space<vmem>>) target_semaphore(%arg15 : memref<!tpu.dma_semaphore, #tpu.memory_space<semaphore_mem>>)
    %add3A_10 = arith.constant 1 : i32
    %add3A_11 = arith.addi %mul3A_2, %add3A_10 : i32
    %dma_start3A_12 = arith.constant 0 : i32
    %dma_start3A_13 = tpu.memref_slice %arg2[%add3A_11, %dma_start3A_12] : memref<128x2048xf32, #tpu.memory_space<hbm>> -> memref<1x2048xf32, #tpu.memory_space<hbm>>
    %dma_start3A_14 = tpu.memref_squeeze %dma_start3A_13 : memref<1x2048xf32, #tpu.memory_space<hbm>> -> memref<2048xf32, #tpu.memory_space<hbm>>
    %dma_start3A_15 = arith.constant 0 : i32
    %dma_start3A_16 = tpu.memref_slice %arg2[%add3A_11, %dma_start3A_15] : memref<128x2048xf32, #tpu.memory_space<hbm>> -> memref<1x2048xf32, #tpu.memory_space<hbm>>
    %dma_start3A_17 = tpu.memref_squeeze %dma_start3A_16 : memref<1x2048xf32, #tpu.memory_space<hbm>> -> memref<2048xf32, #tpu.memory_space<hbm>>
    tpu.enqueue_dma source(%dma_start3A_17 : memref<2048xf32, #tpu.memory_space<hbm>>) target(%arg5 : memref<2048xf32, #tpu.memory_space<vmem>>) target_semaphore(%arg15 : memref<!tpu.dma_semaphore, #tpu.memory_space<semaphore_mem>>)
    %add3A_18 = arith.constant 2 : i32
    %add3A_19 = arith.addi %mul3A_2, %add3A_18 : i32
    %dma_start3A_20 = arith.constant 0 : i32
    %dma_start3A_21 = tpu.memref_slice %arg2[%add3A_19, %dma_start3A_20] : memref<128x2048xf32, #tpu.memory_space<hbm>> -> memref<1x2048xf32, #tpu.memory_space<hbm>>
    %dma_start3A_22 = tpu.memref_squeeze %dma_start3A_21 : memref<1x2048xf32, #tpu.memory_space<hbm>> -> memref<2048xf32, #tpu.memory_space<hbm>>
    %dma_start3A_23 = arith.constant 0 : i32
    %dma_start3A_24 = tpu.memref_slice %arg2[%add3A_19, %dma_start3A_23] : memref<128x2048xf32, #tpu.memory_space<hbm>> -> memref<1x2048xf32, #tpu.memory_space<hbm>>
    %dma_start3A_25 = tpu.memref_squeeze %dma_start3A_24 : memref<1x2048xf32, #tpu.memory_space<hbm>> -> memref<2048xf32, #tpu.memory_space<hbm>>
    tpu.enqueue_dma source(%dma_start3A_25 : memref<2048xf32, #tpu.memory_space<hbm>>) target(%arg6 : memref<2048xf32, #tpu.memory_space<vmem>>) target_semaphore(%arg15 : memref<!tpu.dma_semaphore, #tpu.memory_space<semaphore_mem>>)
    %add3A_26 = arith.constant 3 : i32
    %add3A_27 = arith.addi %mul3A_2, %add3A_26 : i32
    %dma_start3A_28 = arith.constant 0 : i32
    %dma_start3A_29 = tpu.memref_slice %arg2[%add3A_27, %dma_start3A_28] : memref<128x2048xf32, #tpu.memory_space<hbm>> -> memref<1x2048xf32, #tpu.memory_space<hbm>>
    %dma_start3A_30 = tpu.memref_squeeze %dma_start3A_29 : memref<1x2048xf32, #tpu.memory_space<hbm>> -> memref<2048xf32, #tpu.memory_space<hbm>>
    %dma_start3A_31 = arith.constant 0 : i32
    %dma_start3A_32 = tpu.memref_slice %arg2[%add3A_27, %dma_start3A_31] : memref<128x2048xf32, #tpu.memory_space<hbm>> -> memref<1x2048xf32, #tpu.memory_space<hbm>>
    %dma_start3A_33 = tpu.memref_squeeze %dma_start3A_32 : memref<1x2048xf32, #tpu.memory_space<hbm>> -> memref<2048xf32, #tpu.memory_space<hbm>>
    tpu.enqueue_dma source(%dma_start3A_33 : memref<2048xf32, #tpu.memory_space<hbm>>) target(%arg7 : memref<2048xf32, #tpu.memory_space<vmem>>) target_semaphore(%arg15 : memref<!tpu.dma_semaphore, #tpu.memory_space<semaphore_mem>>)
    %dma_wait3A = arith.constant 0 : i32
    %dma_wait3A_34 = tpu.memref_slice %arg2[%add3A_4, %dma_wait3A] : memref<128x2048xf32, #tpu.memory_space<hbm>> -> memref<1x2048xf32, #tpu.memory_space<hbm>>
    %dma_wait3A_35 = tpu.memref_squeeze %dma_wait3A_34 : memref<1x2048xf32, #tpu.memory_space<hbm>> -> memref<2048xf32, #tpu.memory_space<hbm>>
    %dma_wait3A_36 = arith.constant 0 : i32
    %dma_wait3A_37 = tpu.memref_slice %arg2[%add3A_4, %dma_wait3A_36] : memref<128x2048xf32, #tpu.memory_space<hbm>> -> memref<1x2048xf32, #tpu.memory_space<hbm>>
    %dma_wait3A_38 = tpu.memref_squeeze %dma_wait3A_37 : memref<1x2048xf32, #tpu.memory_space<hbm>> -> memref<2048xf32, #tpu.memory_space<hbm>>
    tpu.wait_dma2 semaphore(%arg15 : memref<!tpu.dma_semaphore, #tpu.memory_space<semaphore_mem>>) src(%dma_wait3A_38 : memref<2048xf32, #tpu.memory_space<hbm>>) dst(%arg4 : memref<2048xf32, #tpu.memory_space<vmem>>)
    %dma_wait3A_39 = arith.constant 0 : i32
    %dma_wait3A_40 = tpu.memref_slice %arg2[%add3A_11, %dma_wait3A_39] : memref<128x2048xf32, #tpu.memory_space<hbm>> -> memref<1x2048xf32, #tpu.memory_space<hbm>>
    %dma_wait3A_41 = tpu.memref_squeeze %dma_wait3A_40 : memref<1x2048xf32, #tpu.memory_space<hbm>> -> memref<2048xf32, #tpu.memory_space<hbm>>
    %dma_wait3A_42 = arith.constant 0 : i32
    %dma_wait3A_43 = tpu.memref_slice %arg2[%add3A_11, %dma_wait3A_42] : memref<128x2048xf32, #tpu.memory_space<hbm>> -> memref<1x2048xf32, #tpu.memory_space<hbm>>
    %dma_wait3A_44 = tpu.memref_squeeze %dma_wait3A_43 : memref<1x2048xf32, #tpu.memory_space<hbm>> -> memref<2048xf32, #tpu.memory_space<hbm>>
    tpu.wait_dma2 semaphore(%arg15 : memref<!tpu.dma_semaphore, #tpu.memory_space<semaphore_mem>>) src(%dma_wait3A_44 : memref<2048xf32, #tpu.memory_space<hbm>>) dst(%arg5 : memref<2048xf32, #tpu.memory_space<vmem>>)
    %dma_wait3A_45 = arith.constant 0 : i32
    %dma_wait3A_46 = tpu.memref_slice %arg2[%add3A_19, %dma_wait3A_45] : memref<128x2048xf32, #tpu.memory_space<hbm>> -> memref<1x2048xf32, #tpu.memory_space<hbm>>
    %dma_wait3A_47 = tpu.memref_squeeze %dma_wait3A_46 : memref<1x2048xf32, #tpu.memory_space<hbm>> -> memref<2048xf32, #tpu.memory_space<hbm>>
    %dma_wait3A_48 = arith.constant 0 : i32
    %dma_wait3A_49 = tpu.memref_slice %arg2[%add3A_19, %dma_wait3A_48] : memref<128x2048xf32, #tpu.memory_space<hbm>> -> memref<1x2048xf32, #tpu.memory_space<hbm>>
    %dma_wait3A_50 = tpu.memref_squeeze %dma_wait3A_49 : memref<1x2048xf32, #tpu.memory_space<hbm>> -> memref<2048xf32, #tpu.memory_space<hbm>>
    tpu.wait_dma2 semaphore(%arg15 : memref<!tpu.dma_semaphore, #tpu.memory_space<semaphore_mem>>) src(%dma_wait3A_50 : memref<2048xf32, #tpu.memory_space<hbm>>) dst(%arg6 : memref<2048xf32, #tpu.memory_space<vmem>>)
    %dma_wait3A_51 = arith.constant 0 : i32
    %dma_wait3A_52 = tpu.memref_slice %arg2[%add3A_27, %dma_wait3A_51] : memref<128x2048xf32, #tpu.memory_space<hbm>> -> memref<1x2048xf32, #tpu.memory_space<hbm>>
    %dma_wait3A_53 = tpu.memref_squeeze %dma_wait3A_52 : memref<1x2048xf32, #tpu.memory_space<hbm>> -> memref<2048xf32, #tpu.memory_space<hbm>>
    %dma_wait3A_54 = arith.constant 0 : i32
    %dma_wait3A_55 = tpu.memref_slice %arg2[%add3A_27, %dma_wait3A_54] : memref<128x2048xf32, #tpu.memory_space<hbm>> -> memref<1x2048xf32, #tpu.memory_space<hbm>>
    %dma_wait3A_56 = tpu.memref_squeeze %dma_wait3A_55 : memref<1x2048xf32, #tpu.memory_space<hbm>> -> memref<2048xf32, #tpu.memory_space<hbm>>
    tpu.wait_dma2 semaphore(%arg15 : memref<!tpu.dma_semaphore, #tpu.memory_space<semaphore_mem>>) src(%dma_wait3A_56 : memref<2048xf32, #tpu.memory_space<hbm>>) dst(%arg7 : memref<2048xf32, #tpu.memory_space<vmem>>)
    %iota3A = tpu.iota {dimensions = array<i32: 0>} : vector<16xi32>
    %mul3A_57 = arith.constant 16 : i32
    %mul3A_58 = vector.broadcast %mul3A_57 : i32 to vector<16xi32>
    %mul3A_59 = arith.muli %iota3A, %mul3A_58 : vector<16xi32>
    %broadcast_in_dim3A = arith.constant 1.000000e+00 : f32
    %broadcast_in_dim3A_60 = vector.broadcast %broadcast_in_dim3A : f32 to vector<16xf32>
    %broadcast_in_dim3A_61 = arith.constant 0.000000e+00 : f32
    %broadcast_in_dim3A_62 = vector.broadcast %broadcast_in_dim3A_61 : f32 to vector<16xf32>
    %broadcast_in_dim3A_63 = arith.constant 0 : i32
    %broadcast_in_dim3A_64 = vector.broadcast %broadcast_in_dim3A_63 : i32 to vector<16xi32>
    %scan3A = arith.constant 0 : i32
    %scan3A_65 = arith.constant 0 : i32
    %scan3A_66 = arith.constant 16 : i32
    %scan3A_67 = arith.addi %scan3A_65, %scan3A_66 : i32
    %scan3A_68 = arith.constant 1 : i32
    scf.for %scan3A_3839 = %scan3A_65 to %scan3A_67 step %scan3A_68  : i32 {
      %mul3A_3840 = arith.constant 4 : i32
      %mul3A_3841 = arith.muli %scan3A_3839, %mul3A_3840 : i32
      %add3A_3842 = arith.constant 0 : i32
      %add3A_3843 = arith.addi %mul3A_3841, %add3A_3842 : i32
      %mul3A_3844 = arith.constant 16 : i32
      %mul3A_3845 = arith.muli %add3A_3843, %mul3A_3844 : i32
      %swap3A_3846 = arith.index_cast %mul3A_3845 : i32 to index
      %swap3A_3847 = tpu.vector_load %arg10[%swap3A_3846] {strides = array<i32>} : memref<1024xf32, #tpu.memory_space<vmem>>, vector<16xf32>,
      tpu.vector_store %arg10[%swap3A_3846], %broadcast_in_dim3A_62 {strides = array<i32>} : memref<1024xf32, #tpu.memory_space<vmem>>, vector<16xf32>,
      %mul3A_3848 = arith.constant 4 : i32
      %mul3A_3849 = arith.muli %scan3A_3839, %mul3A_3848 : i32
      %add3A_3850 = arith.constant 1 : i32
      %add3A_3851 = arith.addi %mul3A_3849, %add3A_3850 : i32
      %mul3A_3852 = arith.constant 16 : i32
      %mul3A_3853 = arith.muli %add3A_3851, %mul3A_3852 : i32
      %swap3A_3854 = arith.index_cast %mul3A_3853 : i32 to index
      %swap3A_3855 = tpu.vector_load %arg10[%swap3A_3854] {strides = array<i32>} : memref<1024xf32, #tpu.memory_space<vmem>>, vector<16xf32>,
      tpu.vector_store %arg10[%swap3A_3854], %broadcast_in_dim3A_62 {strides = array<i32>} : memref<1024xf32, #tpu.memory_space<vmem>>, vector<16xf32>,
      %mul3A_3856 = arith.constant 4 : i32
      %mul3A_3857 = arith.muli %scan3A_3839, %mul3A_3856 : i32
      %add3A_3858 = arith.constant 2 : i32
      %add3A_3859 = arith.addi %mul3A_3857, %add3A_3858 : i32
      %mul3A_3860 = arith.constant 16 : i32
      %mul3A_3861 = arith.muli %add3A_3859, %mul3A_3860 : i32
      %swap3A_3862 = arith.index_cast %mul3A_3861 : i32 to index
      %swap3A_3863 = tpu.vector_load %arg10[%swap3A_3862] {strides = array<i32>} : memref<1024xf32, #tpu.memory_space<vmem>>, vector<16xf32>,
      tpu.vector_store %arg10[%swap3A_3862], %broadcast_in_dim3A_62 {strides = array<i32>} : memref<1024xf32, #tpu.memory_space<vmem>>, vector<16xf32>,
      %mul3A_3864 = arith.constant 4 : i32
      %mul3A_3865 = arith.muli %scan3A_3839, %mul3A_3864 : i32
      %add3A_3866 = arith.constant 3 : i32
      %add3A_3867 = arith.addi %mul3A_3865, %add3A_3866 : i32
      %mul3A_3868 = arith.constant 16 : i32
      %mul3A_3869 = arith.muli %add3A_3867, %mul3A_3868 : i32
      %swap3A_3870 = arith.index_cast %mul3A_3869 : i32 to index
      %swap3A_3871 = tpu.vector_load %arg10[%swap3A_3870] {strides = array<i32>} : memref<1024xf32, #tpu.memory_space<vmem>>, vector<16xf32>,
      tpu.vector_store %arg10[%swap3A_3870], %broadcast_in_dim3A_62 {strides = array<i32>} : memref<1024xf32, #tpu.memory_space<vmem>>, vector<16xf32>,
    }
    %scan3A_69 = arith.constant 16 : i32
    %scan3A_70 = arith.constant 0 : i32
    %scan3A_71 = arith.constant 0 : i32
    %scan3A_72 = arith.constant 64 : i32
    %scan3A_73 = arith.addi %scan3A_71, %scan3A_72 : i32
    %scan3A_74 = arith.constant 1 : i32
    scf.for %scan3A_3839 = %scan3A_71 to %scan3A_73 step %scan3A_74  : i32 {
      %mul3A_3840 = arith.constant 32 : i32
      %mul3A_3841 = arith.muli %scan3A_3839, %mul3A_3840 : i32
      %add3A_3842 = arith.constant 0 : i32
      %add3A_3843 = arith.addi %mul3A_3841, %add3A_3842 : i32
      %get3A = arith.index_cast %add3A_3843 : i32 to index
      %get3A_3844 = tpu.vector_load %arg4[%get3A] {strides = array<i32>} : memref<2048xf32, #tpu.memory_space<vmem>>, vector<16xf32>,
      %bitcast_convert_type3A = tpu.bitcast %get3A_3844 : vector<16xf32> -> vector<16xi32>
      %broadcast_in_dim3A_3845 = arith.constant 31 : i32
      %broadcast_in_dim3A_3846 = vector.broadcast %broadcast_in_dim3A_3845 : i32 to vector<16xi32>
      %shift_right_arithmetic3A = arith.shrsi %bitcast_convert_type3A, %broadcast_in_dim3A_3846 : vector<16xi32>
      %and3A = arith.constant 2147483647 : i32
      %and3A_3847 = vector.broadcast %and3A : i32 to vector<16xi32>
      %and3A_3848 = arith.andi %shift_right_arithmetic3A, %and3A_3847 : vector<16xi32>
      %or3A_3849 = arith.constant -2147483648 : i32
      %or3A_3850 = vector.broadcast %or3A_3849 : i32 to vector<16xi32>
      %or3A_3851 = arith.ori %and3A_3848, %or3A_3850 : vector<16xi32>
      %xor3A = arith.xori %bitcast_convert_type3A, %or3A_3851 : vector<16xi32>
      %add3A_3852 = arith.constant 0 : i32
      %add3A_3853 = arith.addi %add3A_3852, %add3A_3843 : i32
      %swap3A_3854 = arith.index_cast %add3A_3853 : i32 to index
      %swap3A_3855 = tpu.vector_load %arg8[%swap3A_3854] {strides = array<i32>} : memref<8192xi32, #tpu.memory_space<vmem>>, vector<16xi32>,
      tpu.vector_store %arg8[%swap3A_3854], %xor3A {strides = array<i32>} : memref<8192xi32, #tpu.memory_space<vmem>>, vector<16xi32>,
      %broadcast_in_dim3A_3856 = arith.constant 24 : i32
      %broadcast_in_dim3A_3857 = vector.broadcast %broadcast_in_dim3A_3856 : i32 to vector<16xi32>
      %shift_right_logical3A_3858 = arith.shrui %xor3A, %broadcast_in_dim3A_3857 : vector<16xi32>
      %add3A_3859 = arith.constant 0 : i32
      %add3A_3860 = vector.broadcast %add3A_3859 : i32 to vector<16xi32>
      %add3A_3861 = arith.addi %add3A_3860, %shift_right_logical3A_3858 : vector<16xi32>
      tpu.vector_store_idx %arg10[%add3A_3861], %broadcast_in_dim3A_60 {add = true} : memref<1024xf32, #tpu.memory_space<vmem>>[vector<16xi32>], vector<16xf32>,
      %get3A_3862 = arith.index_cast %add3A_3843 : i32 to index
      %get3A_3863 = tpu.vector_load %arg5[%get3A_3862] {strides = array<i32>} : memref<2048xf32, #tpu.memory_space<vmem>>, vector<16xf32>,
      %bitcast_convert_type3A_3864 = tpu.bitcast %get3A_3863 : vector<16xf32> -> vector<16xi32>
      %broadcast_in_dim3A_3865 = arith.constant 31 : i32
      %broadcast_in_dim3A_3866 = vector.broadcast %broadcast_in_dim3A_3865 : i32 to vector<16xi32>
      %shift_right_arithmetic3A_3867 = arith.shrsi %bitcast_convert_type3A_3864, %broadcast_in_dim3A_3866 : vector<16xi32>
      %and3A_3868 = arith.constant 2147483647 : i32
      %and3A_3869 = vector.broadcast %and3A_3868 : i32 to vector<16xi32>
      %and3A_3870 = arith.andi %shift_right_arithmetic3A_3867, %and3A_3869 : vector<16xi32>
      %or3A_3871 = arith.constant -2147483648 : i32
      %or3A_3872 = vector.broadcast %or3A_3871 : i32 to vector<16xi32>
      %or3A_3873 = arith.ori %and3A_3870, %or3A_3872 : vector<16xi32>
      %xor3A_3874 = arith.xori %bitcast_convert_type3A_3864, %or3A_3873 : vector<16xi32>
      %add3A_3875 = arith.constant 2048 : i32
      %add3A_3876 = arith.addi %add3A_3875, %add3A_3843 : i32
      %swap3A_3877 = arith.index_cast %add3A_3876 : i32 to index
      %swap3A_3878 = tpu.vector_load %arg8[%swap3A_3877] {strides = array<i32>} : memref<8192xi32, #tpu.memory_space<vmem>>, vector<16xi32>,
      tpu.vector_store %arg8[%swap3A_3877], %xor3A_3874 {strides = array<i32>} : memref<8192xi32, #tpu.memory_space<vmem>>, vector<16xi32>,
      %broadcast_in_dim3A_3879 = arith.constant 24 : i32
      %broadcast_in_dim3A_3880 = vector.broadcast %broadcast_in_dim3A_3879 : i32 to vector<16xi32>
      %shift_right_logical3A_3881 = arith.shrui %xor3A_3874, %broadcast_in_dim3A_3880 : vector<16xi32>
      %add3A_3882 = arith.constant 256 : i32
      %add3A_3883 = vector.broadcast %add3A_3882 : i32 to vector<16xi32>
      %add3A_3884 = arith.addi %add3A_3883, %shift_right_logical3A_3881 : vector<16xi32>
      tpu.vector_store_idx %arg10[%add3A_3884], %broadcast_in_dim3A_60 {add = true} : memref<1024xf32, #tpu.memory_space<vmem>>[vector<16xi32>], vector<16xf32>,
      %get3A_3885 = arith.index_cast %add3A_3843 : i32 to index
      %get3A_3886 = tpu.vector_load %arg6[%get3A_3885] {strides = array<i32>} : memref<2048xf32, #tpu.memory_space<vmem>>, vector<16xf32>,
      %bitcast_convert_type3A_3887 = tpu.bitcast %get3A_3886 : vector<16xf32> -> vector<16xi32>
      %broadcast_in_dim3A_3888 = arith.constant 31 : i32
      %broadcast_in_dim3A_3889 = vector.broadcast %broadcast_in_dim3A_3888 : i32 to vector<16xi32>
      %shift_right_arithmetic3A_3890 = arith.shrsi %bitcast_convert_type3A_3887, %broadcast_in_dim3A_3889 : vector<16xi32>
      %and3A_3891 = arith.constant 2147483647 : i32
      %and3A_3892 = vector.broadcast %and3A_3891 : i32 to vector<16xi32>
      %and3A_3893 = arith.andi %shift_right_arithmetic3A_3890, %and3A_3892 : vector<16xi32>
      %or3A_3894 = arith.constant -2147483648 : i32
      %or3A_3895 = vector.broadcast %or3A_3894 : i32 to vector<16xi32>
      %or3A_3896 = arith.ori %and3A_3893, %or3A_3895 : vector<16xi32>
      %xor3A_3897 = arith.xori %bitcast_convert_type3A_3887, %or3A_3896 : vector<16xi32>
      %add3A_3898 = arith.constant 4096 : i32
      %add3A_3899 = arith.addi %add3A_3898, %add3A_3843 : i32
      %swap3A_3900 = arith.index_cast %add3A_3899 : i32 to index
      %swap3A_3901 = tpu.vector_load %arg8[%swap3A_3900] {strides = array<i32>} : memref<8192xi32, #tpu.memory_space<vmem>>, vector<16xi32>,
      tpu.vector_store %arg8[%swap3A_3900], %xor3A_3897 {strides = array<i32>} : memref<8192xi32, #tpu.memory_space<vmem>>, vector<16xi32>,
      %broadcast_in_dim3A_3902 = arith.constant 24 : i32
      %broadcast_in_dim3A_3903 = vector.broadcast %broadcast_in_dim3A_3902 : i32 to vector<16xi32>
      %shift_right_logical3A_3904 = arith.shrui %xor3A_3897, %broadcast_in_dim3A_3903 : vector<16xi32>
      %add3A_3905 = arith.constant 512 : i32
      %add3A_3906 = vector.broadcast %add3A_3905 : i32 to vector<16xi32>
      %add3A_3907 = arith.addi %add3A_3906, %shift_right_logical3A_3904 : vector<16xi32>
      tpu.vector_store_idx %arg10[%add3A_3907], %broadcast_in_dim3A_60 {add = true} : memref<1024xf32, #tpu.memory_space<vmem>>[vector<16xi32>], vector<16xf32>,
      %get3A_3908 = arith.index_cast %add3A_3843 : i32 to index
      %get3A_3909 = tpu.vector_load %arg7[%get3A_3908] {strides = array<i32>} : memref<2048xf32, #tpu.memory_space<vmem>>, vector<16xf32>,
      %bitcast_convert_type3A_3910 = tpu.bitcast %get3A_3909 : vector<16xf32> -> vector<16xi32>
      %broadcast_in_dim3A_3911 = arith.constant 31 : i32
      %broadcast_in_dim3A_3912 = vector.broadcast %broadcast_in_dim3A_3911 : i32 to vector<16xi32>
      %shift_right_arithmetic3A_3913 = arith.shrsi %bitcast_convert_type3A_3910, %broadcast_in_dim3A_3912 : vector<16xi32>
      %and3A_3914 = arith.constant 2147483647 : i32
      %and3A_3915 = vector.broadcast %and3A_3914 : i32 to vector<16xi32>
      %and3A_3916 = arith.andi %shift_right_arithmetic3A_3913, %and3A_3915 : vector<16xi32>
      %or3A_3917 = arith.constant -2147483648 : i32
      %or3A_3918 = vector.broadcast %or3A_3917 : i32 to vector<16xi32>
      %or3A_3919 = arith.ori %and3A_3916, %or3A_3918 : vector<16xi32>
      %xor3A_3920 = arith.xori %bitcast_convert_type3A_3910, %or3A_3919 : vector<16xi32>
      %add3A_3921 = arith.constant 6144 : i32
      %add3A_3922 = arith.addi %add3A_3921, %add3A_3843 : i32
      %swap3A_3923 = arith.index_cast %add3A_3922 : i32 to index
      %swap3A_3924 = tpu.vector_load %arg8[%swap3A_3923] {strides = array<i32>} : memref<8192xi32, #tpu.memory_space<vmem>>, vector<16xi32>,
      tpu.vector_store %arg8[%swap3A_3923], %xor3A_3920 {strides = array<i32>} : memref<8192xi32, #tpu.memory_space<vmem>>, vector<16xi32>,
      %broadcast_in_dim3A_3925 = arith.constant 24 : i32
      %broadcast_in_dim3A_3926 = vector.broadcast %broadcast_in_dim3A_3925 : i32 to vector<16xi32>
      %shift_right_logical3A_3927 = arith.shrui %xor3A_3920, %broadcast_in_dim3A_3926 : vector<16xi32>
      %add3A_3928 = arith.constant 768 : i32
      %add3A_3929 = vector.broadcast %add3A_3928 : i32 to vector<16xi32>
      %add3A_3930 = arith.addi %add3A_3929, %shift_right_logical3A_3927 : vector<16xi32>
      tpu.vector_store_idx %arg10[%add3A_3930], %broadcast_in_dim3A_60 {add = true} : memref<1024xf32, #tpu.memory_space<vmem>>[vector<16xi32>], vector<16xf32>,
      %mul3A_3931 = arith.constant 32 : i32
      %mul3A_3932 = arith.muli %scan3A_3839, %mul3A_3931 : i32
      %add3A_3933 = arith.constant 16 : i32
      %add3A_3934 = arith.addi %mul3A_3932, %add3A_3933 : i32
      %get3A_3935 = arith.index_cast %add3A_3934 : i32 to index
      %get3A_3936 = tpu.vector_load %arg4[%get3A_3935] {strides = array<i32>} : memref<2048xf32, #tpu.memory_space<vmem>>, vector<16xf32>,
      %bitcast_convert_type3A_3937 = tpu.bitcast %get3A_3936 : vector<16xf32> -> vector<16xi32>
      %broadcast_in_dim3A_3938 = arith.constant 31 : i32
      %broadcast_in_dim3A_3939 = vector.broadcast %broadcast_in_dim3A_3938 : i32 to vector<16xi32>
      %shift_right_arithmetic3A_3940 = arith.shrsi %bitcast_convert_type3A_3937, %broadcast_in_dim3A_3939 : vector<16xi32>
      %and3A_3941 = arith.constant 2147483647 : i32
      %and3A_3942 = vector.broadcast %and3A_3941 : i32 to vector<16xi32>
      %and3A_3943 = arith.andi %shift_right_arithmetic3A_3940, %and3A_3942 : vector<16xi32>
      %or3A_3944 = arith.constant -2147483648 : i32
      %or3A_3945 = vector.broadcast %or3A_3944 : i32 to vector<16xi32>
      %or3A_3946 = arith.ori %and3A_3943, %or3A_3945 : vector<16xi32>
      %xor3A_3947 = arith.xori %bitcast_convert_type3A_3937, %or3A_3946 : vector<16xi32>
      %add3A_3948 = arith.constant 0 : i32
      %add3A_3949 = arith.addi %add3A_3948, %add3A_3934 : i32
      %swap3A_3950 = arith.index_cast %add3A_3949 : i32 to index
      %swap3A_3951 = tpu.vector_load %arg8[%swap3A_3950] {strides = array<i32>} : memref<8192xi32, #tpu.memory_space<vmem>>, vector<16xi32>,
      tpu.vector_store %arg8[%swap3A_3950], %xor3A_3947 {strides = array<i32>} : memref<8192xi32, #tpu.memory_space<vmem>>, vector<16xi32>,
      %broadcast_in_dim3A_3952 = arith.constant 24 : i32
      %broadcast_in_dim3A_3953 = vector.broadcast %broadcast_in_dim3A_3952 : i32 to vector<16xi32>
      %shift_right_logical3A_3954 = arith.shrui %xor3A_3947, %broadcast_in_dim3A_3953 : vector<16xi32>
      %add3A_3955 = arith.constant 0 : i32
      %add3A_3956 = vector.broadcast %add3A_3955 : i32 to vector<16xi32>
      %add3A_3957 = arith.addi %add3A_3956, %shift_right_logical3A_3954 : vector<16xi32>
      tpu.vector_store_idx %arg10[%add3A_3957], %broadcast_in_dim3A_60 {add = true} : memref<1024xf32, #tpu.memory_space<vmem>>[vector<16xi32>], vector<16xf32>,
      %get3A_3958 = arith.index_cast %add3A_3934 : i32 to index
      %get3A_3959 = tpu.vector_load %arg5[%get3A_3958] {strides = array<i32>} : memref<2048xf32, #tpu.memory_space<vmem>>, vector<16xf32>,
      %bitcast_convert_type3A_3960 = tpu.bitcast %get3A_3959 : vector<16xf32> -> vector<16xi32>
      %broadcast_in_dim3A_3961 = arith.constant 31 : i32
      %broadcast_in_dim3A_3962 = vector.broadcast %broadcast_in_dim3A_3961 : i32 to vector<16xi32>
      %shift_right_arithmetic3A_3963 = arith.shrsi %bitcast_convert_type3A_3960, %broadcast_in_dim3A_3962 : vector<16xi32>
      %and3A_3964 = arith.constant 2147483647 : i32
      %and3A_3965 = vector.broadcast %and3A_3964 : i32 to vector<16xi32>
      %and3A_3966 = arith.andi %shift_right_arithmetic3A_3963, %and3A_3965 : vector<16xi32>
      %or3A_3967 = arith.constant -2147483648 : i32
      %or3A_3968 = vector.broadcast %or3A_3967 : i32 to vector<16xi32>
      %or3A_3969 = arith.ori %and3A_3966, %or3A_3968 : vector<16xi32>
      %xor3A_3970 = arith.xori %bitcast_convert_type3A_3960, %or3A_3969 : vector<16xi32>
      %add3A_3971 = arith.constant 2048 : i32
      %add3A_3972 = arith.addi %add3A_3971, %add3A_3934 : i32
      %swap3A_3973 = arith.index_cast %add3A_3972 : i32 to index
      %swap3A_3974 = tpu.vector_load %arg8[%swap3A_3973] {strides = array<i32>} : memref<8192xi32, #tpu.memory_space<vmem>>, vector<16xi32>,
      tpu.vector_store %arg8[%swap3A_3973], %xor3A_3970 {strides = array<i32>} : memref<8192xi32, #tpu.memory_space<vmem>>, vector<16xi32>,
      %broadcast_in_dim3A_3975 = arith.constant 24 : i32
      %broadcast_in_dim3A_3976 = vector.broadcast %broadcast_in_dim3A_3975 : i32 to vector<16xi32>
      %shift_right_logical3A_3977 = arith.shrui %xor3A_3970, %broadcast_in_dim3A_3976 : vector<16xi32>
      %add3A_3978 = arith.constant 256 : i32
      %add3A_3979 = vector.broadcast %add3A_3978 : i32 to vector<16xi32>
      %add3A_3980 = arith.addi %add3A_3979, %shift_right_logical3A_3977 : vector<16xi32>
      tpu.vector_store_idx %arg10[%add3A_3980], %broadcast_in_dim3A_60 {add = true} : memref<1024xf32, #tpu.memory_space<vmem>>[vector<16xi32>], vector<16xf32>,
      %get3A_3981 = arith.index_cast %add3A_3934 : i32 to index
      %get3A_3982 = tpu.vector_load %arg6[%get3A_3981] {strides = array<i32>} : memref<2048xf32, #tpu.memory_space<vmem>>, vector<16xf32>,
      %bitcast_convert_type3A_3983 = tpu.bitcast %get3A_3982 : vector<16xf32> -> vector<16xi32>
      %broadcast_in_dim3A_3984 = arith.constant 31 : i32
      %broadcast_in_dim3A_3985 = vector.broadcast %broadcast_in_dim3A_3984 : i32 to vector<16xi32>
      %shift_right_arithmetic3A_3986 = arith.shrsi %bitcast_convert_type3A_3983, %broadcast_in_dim3A_3985 : vector<16xi32>
      %and3A_3987 = arith.constant 2147483647 : i32
      %and3A_3988 = vector.broadcast %and3A_3987 : i32 to vector<16xi32>
      %and3A_3989 = arith.andi %shift_right_arithmetic3A_3986, %and3A_3988 : vector<16xi32>
      %or3A_3990 = arith.constant -2147483648 : i32
      %or3A_3991 = vector.broadcast %or3A_3990 : i32 to vector<16xi32>
      %or3A_3992 = arith.ori %and3A_3989, %or3A_3991 : vector<16xi32>
      %xor3A_3993 = arith.xori %bitcast_convert_type3A_3983, %or3A_3992 : vector<16xi32>
      %add3A_3994 = arith.constant 4096 : i32
      %add3A_3995 = arith.addi %add3A_3994, %add3A_3934 : i32
      %swap3A_3996 = arith.index_cast %add3A_3995 : i32 to index
      %swap3A_3997 = tpu.vector_load %arg8[%swap3A_3996] {strides = array<i32>} : memref<8192xi32, #tpu.memory_space<vmem>>, vector<16xi32>,
      tpu.vector_store %arg8[%swap3A_3996], %xor3A_3993 {strides = array<i32>} : memref<8192xi32, #tpu.memory_space<vmem>>, vector<16xi32>,
      %broadcast_in_dim3A_3998 = arith.constant 24 : i32
      %broadcast_in_dim3A_3999 = vector.broadcast %broadcast_in_dim3A_3998 : i32 to vector<16xi32>
      %shift_right_logical3A_4000 = arith.shrui %xor3A_3993, %broadcast_in_dim3A_3999 : vector<16xi32>
      %add3A_4001 = arith.constant 512 : i32
      %add3A_4002 = vector.broadcast %add3A_4001 : i32 to vector<16xi32>
      %add3A_4003 = arith.addi %add3A_4002, %shift_right_logical3A_4000 : vector<16xi32>
      tpu.vector_store_idx %arg10[%add3A_4003], %broadcast_in_dim3A_60 {add = true} : memref<1024xf32, #tpu.memory_space<vmem>>[vector<16xi32>], vector<16xf32>,
      %get3A_4004 = arith.index_cast %add3A_3934 : i32 to index
      %get3A_4005 = tpu.vector_load %arg7[%get3A_4004] {strides = array<i32>} : memref<2048xf32, #tpu.memory_space<vmem>>, vector<16xf32>,
      %bitcast_convert_type3A_4006 = tpu.bitcast %get3A_4005 : vector<16xf32> -> vector<16xi32>
      %broadcast_in_dim3A_4007 = arith.constant 31 : i32
      %broadcast_in_dim3A_4008 = vector.broadcast %broadcast_in_dim3A_4007 : i32 to vector<16xi32>
      %shift_right_arithmetic3A_4009 = arith.shrsi %bitcast_convert_type3A_4006, %broadcast_in_dim3A_4008 : vector<16xi32>
      %and3A_4010 = arith.constant 2147483647 : i32
      %and3A_4011 = vector.broadcast %and3A_4010 : i32 to vector<16xi32>
      %and3A_4012 = arith.andi %shift_right_arithmetic3A_4009, %and3A_4011 : vector<16xi32>
      %or3A_4013 = arith.constant -2147483648 : i32
      %or3A_4014 = vector.broadcast %or3A_4013 : i32 to vector<16xi32>
      %or3A_4015 = arith.ori %and3A_4012, %or3A_4014 : vector<16xi32>
      %xor3A_4016 = arith.xori %bitcast_convert_type3A_4006, %or3A_4015 : vector<16xi32>
      %add3A_4017 = arith.constant 6144 : i32
      %add3A_4018 = arith.addi %add3A_4017, %add3A_3934 : i32
      %swap3A_4019 = arith.index_cast %add3A_4018 : i32 to index
      %swap3A_4020 = tpu.vector_load %arg8[%swap3A_4019] {strides = array<i32>} : memref<8192xi32, #tpu.memory_space<vmem>>, vector<16xi32>,
      tpu.vector_store %arg8[%swap3A_4019], %xor3A_4016 {strides = array<i32>} : memref<8192xi32, #tpu.memory_space<vmem>>, vector<16xi32>,
      %broadcast_in_dim3A_4021 = arith.constant 24 : i32
      %broadcast_in_dim3A_4022 = vector.broadcast %broadcast_in_dim3A_4021 : i32 to vector<16xi32>
      %shift_right_logical3A_4023 = arith.shrui %xor3A_4016, %broadcast_in_dim3A_4022 : vector<16xi32>
      %add3A_4024 = arith.constant 768 : i32
      %add3A_4025 = vector.broadcast %add3A_4024 : i32 to vector<16xi32>
      %add3A_4026 = arith.addi %add3A_4025, %shift_right_logical3A_4023 : vector<16xi32>
      tpu.vector_store_idx %arg10[%add3A_4026], %broadcast_in_dim3A_60 {add = true} : memref<1024xf32, #tpu.memory_space<vmem>>[vector<16xi32>], vector<16xf32>,
    }
    %scan3A_75 = arith.constant 64 : i32
    %add3A_76 = arith.constant 2.560000e+02 : f32
    %add3A_77 = vector.broadcast %add3A_76 : f32 to vector<16xf32>
    %add3A_78 = arith.addf %broadcast_in_dim3A_62, %add3A_77 : vector<16xf32>
    %add3A_79 = arith.constant 0 : i32
    %add3A_80 = vector.broadcast %add3A_79 : i32 to vector<16xi32>
    %add3A_81 = arith.addi %add3A_80, %mul3A_59 : vector<16xi32>
    %add3A_82 = arith.constant 0 : i32
    %add3A_83 = vector.broadcast %add3A_82 : i32 to vector<16xi32>
    %add3A_84 = arith.addi %add3A_81, %add3A_83 : vector<16xi32>
    %gather3A = tpu.vector_load_idx %arg10[%add3A_84] : memref<1024xf32, #tpu.memory_space<vmem>>[vector<16xi32>], vector<16xf32>,
    %add3A_85 = arith.addf %broadcast_in_dim3A_62, %gather3A : vector<16xf32>
    %add3A_86 = arith.constant 0 : i32
    %add3A_87 = vector.broadcast %add3A_86 : i32 to vector<16xi32>
    %add3A_88 = arith.addi %add3A_87, %mul3A_59 : vector<16xi32>
    %add3A_89 = arith.constant 1 : i32
    %add3A_90 = vector.broadcast %add3A_89 : i32 to vector<16xi32>
    %add3A_91 = arith.addi %add3A_88, %add3A_90 : vector<16xi32>
    %gather3A_92 = tpu.vector_load_idx %arg10[%add3A_91] : memref<1024xf32, #tpu.memory_space<vmem>>[vector<16xi32>], vector<16xf32>,
    %add3A_93 = arith.addf %add3A_85, %gather3A_92 : vector<16xf32>
    %add3A_94 = arith.constant 0 : i32
    %add3A_95 = vector.broadcast %add3A_94 : i32 to vector<16xi32>
    %add3A_96 = arith.addi %add3A_95, %mul3A_59 : vector<16xi32>
    %add3A_97 = arith.constant 2 : i32
    %add3A_98 = vector.broadcast %add3A_97 : i32 to vector<16xi32>
    %add3A_99 = arith.addi %add3A_96, %add3A_98 : vector<16xi32>
    %gather3A_100 = tpu.vector_load_idx %arg10[%add3A_99] : memref<1024xf32, #tpu.memory_space<vmem>>[vector<16xi32>], vector<16xf32>,
    %add3A_101 = arith.addf %add3A_93, %gather3A_100 : vector<16xf32>
    %add3A_102 = arith.constant 0 : i32
    %add3A_103 = vector.broadcast %add3A_102 : i32 to vector<16xi32>
    %add3A_104 = arith.addi %add3A_103, %mul3A_59 : vector<16xi32>
    %add3A_105 = arith.constant 3 : i32
    %add3A_106 = vector.broadcast %add3A_105 : i32 to vector<16xi32>
    %add3A_107 = arith.addi %add3A_104, %add3A_106 : vector<16xi32>
    %gather3A_108 = tpu.vector_load_idx %arg10[%add3A_107] : memref<1024xf32, #tpu.memory_space<vmem>>[vector<16xi32>], vector<16xf32>,
    %add3A_109 = arith.addf %add3A_101, %gather3A_108 : vector<16xf32>
    %add3A_110 = arith.constant 0 : i32
    %add3A_111 = vector.broadcast %add3A_110 : i32 to vector<16xi32>
    %add3A_112 = arith.addi %add3A_111, %mul3A_59 : vector<16xi32>
    %add3A_113 = arith.constant 4 : i32
    %add3A_114 = vector.broadcast %add3A_113 : i32 to vector<16xi32>
    %add3A_115 = arith.addi %add3A_112, %add3A_114 : vector<16xi32>
    %gather3A_116 = tpu.vector_load_idx %arg10[%add3A_115] : memref<1024xf32, #tpu.memory_space<vmem>>[vector<16xi32>], vector<16xf32>,
    %add3A_117 = arith.addf %add3A_109, %gather3A_116 : vector<16xf32>
    %add3A_118 = arith.constant 0 : i32
    %add3A_119 = vector.broadcast %add3A_118 : i32 to vector<16xi32>
    %add3A_120 = arith.addi %add3A_119, %mul3A_59 : vector<16xi32>
    %add3A_121 = arith.constant 5 : i32
    %add3A_122 = vector.broadcast %add3A_121 : i32 to vector<16xi32>
    %add3A_123 = arith.addi %add3A_120, %add3A_122 : vector<16xi32>
    %gather3A_124 = tpu.vector_load_idx %arg10[%add3A_123] : memref<1024xf32, #tpu.memory_space<vmem>>[vector<16xi32>], vector<16xf32>,
    %add3A_125 = arith.addf %add3A_117, %gather3A_124 : vector<16xf32>
    %add3A_126 = arith.constant 0 : i32
    %add3A_127 = vector.broadcast %add3A_126 : i32 to vector<16xi32>
    %add3A_128 = arith.addi %add3A_127, %mul3A_59 : vector<16xi32>
    %add3A_129 = arith.constant 6 : i32
    %add3A_130 = vector.broadcast %add3A_129 : i32 to vector<16xi32>
    %add3A_131 = arith.addi %add3A_128, %add3A_130 : vector<16xi32>
    %gather3A_132 = tpu.vector_load_idx %arg10[%add3A_131] : memref<1024xf32, #tpu.memory_space<vmem>>[vector<16xi32>], vector<16xf32>,
    %add3A_133 = arith.addf %add3A_125, %gather3A_132 : vector<16xf32>
    %add3A_134 = arith.constant 0 : i32
    %add3A_135 = vector.broadcast %add3A_134 : i32 to vector<16xi32>
    %add3A_136 = arith.addi %add3A_135, %mul3A_59 : vector<16xi32>
    %add3A_137 = arith.constant 7 : i32
    %add3A_138 = vector.broadcast %add3A_137 : i32 to vector<16xi32>
    %add3A_139 = arith.addi %add3A_136, %add3A_138 : vector<16xi32>
    %gather3A_140 = tpu.vector_load_idx %arg10[%add3A_139] : memref<1024xf32, #tpu.memory_space<vmem>>[vector<16xi32>], vector<16xf32>,
    %add3A_141 = arith.addf %add3A_133, %gather3A_140 : vector<16xf32>
    %add3A_142 = arith.constant 0 : i32
    %add3A_143 = vector.broadcast %add3A_142 : i32 to vector<16xi32>
    %add3A_144 = arith.addi %add3A_143, %mul3A_59 : vector<16xi32>
    %add3A_145 = arith.constant 8 : i32
    %add3A_146 = vector.broadcast %add3A_145 : i32 to vector<16xi32>
    %add3A_147 = arith.addi %add3A_144, %add3A_146 : vector<16xi32>
    %gather3A_148 = tpu.vector_load_idx %arg10[%add3A_147] : memref<1024xf32, #tpu.memory_space<vmem>>[vector<16xi32>], vector<16xf32>,
    %add3A_149 = arith.addf %add3A_141, %gather3A_148 : vector<16xf32>
    %add3A_150 = arith.constant 0 : i32
    %add3A_151 = vector.broadcast %add3A_150 : i32 to vector<16xi32>
    %add3A_152 = arith.addi %add3A_151, %mul3A_59 : vector<16xi32>
    %add3A_153 = arith.constant 9 : i32
    %add3A_154 = vector.broadcast %add3A_153 : i32 to vector<16xi32>
    %add3A_155 = arith.addi %add3A_152, %add3A_154 : vector<16xi32>
    %gather3A_156 = tpu.vector_load_idx %arg10[%add3A_155] : memref<1024xf32, #tpu.memory_space<vmem>>[vector<16xi32>], vector<16xf32>,
    %add3A_157 = arith.addf %add3A_149, %gather3A_156 : vector<16xf32>
    %add3A_158 = arith.constant 0 : i32
    %add3A_159 = vector.broadcast %add3A_158 : i32 to vector<16xi32>
    %add3A_160 = arith.addi %add3A_159, %mul3A_59 : vector<16xi32>
    %add3A_161 = arith.constant 10 : i32
    %add3A_162 = vector.broadcast %add3A_161 : i32 to vector<16xi32>
    %add3A_163 = arith.addi %add3A_160, %add3A_162 : vector<16xi32>
    %gather3A_164 = tpu.vector_load_idx %arg10[%add3A_163] : memref<1024xf32, #tpu.memory_space<vmem>>[vector<16xi32>], vector<16xf32>,
    %add3A_165 = arith.addf %add3A_157, %gather3A_164 : vector<16xf32>
    %add3A_166 = arith.constant 0 : i32
    %add3A_167 = vector.broadcast %add3A_166 : i32 to vector<16xi32>
    %add3A_168 = arith.addi %add3A_167, %mul3A_59 : vector<16xi32>
    %add3A_169 = arith.constant 11 : i32
    %add3A_170 = vector.broadcast %add3A_169 : i32 to vector<16xi32>
    %add3A_171 = arith.addi %add3A_168, %add3A_170 : vector<16xi32>
    %gather3A_172 = tpu.vector_load_idx %arg10[%add3A_171] : memref<1024xf32, #tpu.memory_space<vmem>>[vector<16xi32>], vector<16xf32>,
    %add3A_173 = arith.addf %add3A_165, %gather3A_172 : vector<16xf32>
    %add3A_174 = arith.constant 0 : i32
    %add3A_175 = vector.broadcast %add3A_174 : i32 to vector<16xi32>
    %add3A_176 = arith.addi %add3A_175, %mul3A_59 : vector<16xi32>
    %add3A_177 = arith.constant 12 : i32
    %add3A_178 = vector.broadcast %add3A_177 : i32 to vector<16xi32>
    %add3A_179 = arith.addi %add3A_176, %add3A_178 : vector<16xi32>
    %gather3A_180 = tpu.vector_load_idx %arg10[%add3A_179] : memref<1024xf32, #tpu.memory_space<vmem>>[vector<16xi32>], vector<16xf32>,
    %add3A_181 = arith.addf %add3A_173, %gather3A_180 : vector<16xf32>
    %add3A_182 = arith.constant 0 : i32
    %add3A_183 = vector.broadcast %add3A_182 : i32 to vector<16xi32>
    %add3A_184 = arith.addi %add3A_183, %mul3A_59 : vector<16xi32>
    %add3A_185 = arith.constant 13 : i32
    %add3A_186 = vector.broadcast %add3A_185 : i32 to vector<16xi32>
    %add3A_187 = arith.addi %add3A_184, %add3A_186 : vector<16xi32>
    %gather3A_188 = tpu.vector_load_idx %arg10[%add3A_187] : memref<1024xf32, #tpu.memory_space<vmem>>[vector<16xi32>], vector<16xf32>,
    %add3A_189 = arith.addf %add3A_181, %gather3A_188 : vector<16xf32>
    %add3A_190 = arith.constant 0 : i32
    %add3A_191 = vector.broadcast %add3A_190 : i32 to vector<16xi32>
    %add3A_192 = arith.addi %add3A_191, %mul3A_59 : vector<16xi32>
    %add3A_193 = arith.constant 14 : i32
    %add3A_194 = vector.broadcast %add3A_193 : i32 to vector<16xi32>
    %add3A_195 = arith.addi %add3A_192, %add3A_194 : vector<16xi32>
    %gather3A_196 = tpu.vector_load_idx %arg10[%add3A_195] : memref<1024xf32, #tpu.memory_space<vmem>>[vector<16xi32>], vector<16xf32>,
    %add3A_197 = arith.addf %add3A_189, %gather3A_196 : vector<16xf32>
    %add3A_198 = arith.constant 0 : i32
    %add3A_199 = vector.broadcast %add3A_198 : i32 to vector<16xi32>
    %add3A_200 = arith.addi %add3A_199, %mul3A_59 : vector<16xi32>
    %add3A_201 = arith.constant 15 : i32
    %add3A_202 = vector.broadcast %add3A_201 : i32 to vector<16xi32>
    %add3A_203 = arith.addi %add3A_200, %add3A_202 : vector<16xi32>
    %gather3A_204 = tpu.vector_load_idx %arg10[%add3A_203] : memref<1024xf32, #tpu.memory_space<vmem>>[vector<16xi32>], vector<16xf32>,
    %add3A_205 = arith.addf %add3A_197, %gather3A_204 : vector<16xf32>
    %rev3A = arith.constant 15 : i32
    %rev3A_206 = vector.broadcast %rev3A : i32 to vector<16xi32>
    %rev3A_207 = tpu.iota {dimensions = array<i32: 0>} : vector<16xi32>
    %rev3A_208 = arith.subi %rev3A_206, %rev3A_207 : vector<16xi32>
    %rev3A_209 = tpu.dynamic_gather %add3A_205[%rev3A_208] in [0] : vector<16xf32>, vector<16xi32> -> vector<16xf32>
    %cumsum3A = arith.constant true
    %cumsum3A_210 = vector.broadcast %cumsum3A : i1 to vector<16xi1>
    %cumsum3A_211 = tpu.scan <sum>, %rev3A_209 masked %cumsum3A_210 : vector<16xf32>, vector<16xi1> -> vector<16xf32>
    %rev3A_212 = arith.constant 15 : i32
    %rev3A_213 = vector.broadcast %rev3A_212 : i32 to vector<16xi32>
    %rev3A_214 = tpu.iota {dimensions = array<i32: 0>} : vector<16xi32>
    %rev3A_215 = arith.subi %rev3A_213, %rev3A_214 : vector<16xi32>
    %rev3A_216 = tpu.dynamic_gather %cumsum3A_211[%rev3A_215] in [0] : vector<16xf32>, vector<16xi32> -> vector<16xf32>
    %ge3A = arith.cmpf oge, %rev3A_216, %add3A_78 : vector<16xf32>
    %all_reduce_population_count3A = tpu.all_reduce %ge3A {dim = 0 : i64, kind = #tpu.reduction_kind<sum>} : vector<16xi1> -> vector<16xi32>
    %add3A_217 = arith.addi %broadcast_in_dim3A_64, %all_reduce_population_count3A : vector<16xi32>
    %sub3A = arith.constant 1 : i32
    %sub3A_218 = vector.broadcast %sub3A : i32 to vector<16xi32>
    %sub3A_219 = arith.subi %add3A_217, %sub3A_218 : vector<16xi32>
    %lt3A = arith.constant 0 : i32
    %lt3A_220 = vector.broadcast %lt3A : i32 to vector<16xi32>
    %lt3A_221 = arith.cmpi slt, %sub3A_219, %lt3A_220 : vector<16xi32>
    %add3A_222 = arith.constant 16 : i32
    %add3A_223 = vector.broadcast %add3A_222 : i32 to vector<16xi32>
    %add3A_224 = arith.addi %sub3A_219, %add3A_223 : vector<16xi32>
    %select_n3A = arith.select %lt3A_221, %add3A_224, %sub3A_219 : vector<16xi1>, vector<16xi32>
    %broadcast_in_dim3A_225 = vector.shape_cast %select_n3A : vector<16xi32> to vector<16x1xi32>
    %gather3A_226 = vector.shape_cast %broadcast_in_dim3A_225 : vector<16x1xi32> to vector<16xi32>
    %gather3A_227 = tpu.dynamic_gather %add3A_205[%gather3A_226] in [0] : vector<16xf32>, vector<16xi32> -> vector<16xf32>
    %lt3A_228 = arith.constant 0 : i32
    %lt3A_229 = vector.broadcast %lt3A_228 : i32 to vector<16xi32>
    %lt3A_230 = arith.cmpi slt, %sub3A_219, %lt3A_229 : vector<16xi32>
    %add3A_231 = arith.constant 16 : i32
    %add3A_232 = vector.broadcast %add3A_231 : i32 to vector<16xi32>
    %add3A_233 = arith.addi %sub3A_219, %add3A_232 : vector<16xi32>
    %select_n3A_234 = arith.select %lt3A_230, %add3A_233, %sub3A_219 : vector<16xi1>, vector<16xi32>
    %broadcast_in_dim3A_235 = vector.shape_cast %select_n3A_234 : vector<16xi32> to vector<16x1xi32>
    %gather3A_236 = vector.shape_cast %broadcast_in_dim3A_235 : vector<16x1xi32> to vector<16xi32>
    %gather3A_237 = tpu.dynamic_gather %rev3A_216[%gather3A_236] in [0] : vector<16xf32>, vector<16xi32> -> vector<16xf32>
    %sub3A_238 = arith.subf %gather3A_237, %gather3A_227 : vector<16xf32>
    %mul3A_239 = arith.constant 16 : i32
    %mul3A_240 = vector.broadcast %mul3A_239 : i32 to vector<16xi32>
    %mul3A_241 = arith.muli %sub3A_219, %mul3A_240 : vector<16xi32>
    %add3A_242 = arith.constant 0 : i32
    %add3A_243 = vector.broadcast %add3A_242 : i32 to vector<16xi32>
    %add3A_244 = arith.addi %add3A_243, %mul3A_241 : vector<16xi32>
    %add3A_245 = arith.addi %add3A_244, %iota3A : vector<16xi32>
    %gather3A_246 = tpu.vector_load_idx %arg10[%add3A_245] : memref<1024xf32, #tpu.memory_space<vmem>>[vector<16xi32>], vector<16xf32>,
    %rev3A_247 = arith.constant 15 : i32
    %rev3A_248 = vector.broadcast %rev3A_247 : i32 to vector<16xi32>
    %rev3A_249 = tpu.iota {dimensions = array<i32: 0>} : vector<16xi32>
    %rev3A_250 = arith.subi %rev3A_248, %rev3A_249 : vector<16xi32>
    %rev3A_251 = tpu.dynamic_gather %gather3A_246[%rev3A_250] in [0] : vector<16xf32>, vector<16xi32> -> vector<16xf32>
    %cumsum3A_252 = arith.constant true
    %cumsum3A_253 = vector.broadcast %cumsum3A_252 : i1 to vector<16xi1>
    %cumsum3A_254 = tpu.scan <sum>, %rev3A_251 masked %cumsum3A_253 : vector<16xf32>, vector<16xi1> -> vector<16xf32>
    %rev3A_255 = arith.constant 15 : i32
    %rev3A_256 = vector.broadcast %rev3A_255 : i32 to vector<16xi32>
    %rev3A_257 = tpu.iota {dimensions = array<i32: 0>} : vector<16xi32>
    %rev3A_258 = arith.subi %rev3A_256, %rev3A_257 : vector<16xi32>
    %rev3A_259 = tpu.dynamic_gather %cumsum3A_254[%rev3A_258] in [0] : vector<16xf32>, vector<16xi32> -> vector<16xf32>
    %add3A_260 = arith.addf %sub3A_238, %rev3A_259 : vector<16xf32>
    %ge3A_261 = arith.cmpf oge, %add3A_260, %add3A_78 : vector<16xf32>
    %all_reduce_population_count3A_262 = tpu.all_reduce %ge3A_261 {dim = 0 : i64, kind = #tpu.reduction_kind<sum>} : vector<16xi1> -> vector<16xi32>
    %add3A_263 = arith.addi %broadcast_in_dim3A_64, %all_reduce_population_count3A_262 : vector<16xi32>
    %sub3A_264 = arith.constant 1 : i32
    %sub3A_265 = vector.broadcast %sub3A_264 : i32 to vector<16xi32>
    %sub3A_266 = arith.subi %add3A_263, %sub3A_265 : vector<16xi32>
    %lt3A_267 = arith.constant 0 : i32
    %lt3A_268 = vector.broadcast %lt3A_267 : i32 to vector<16xi32>
    %lt3A_269 = arith.cmpi slt, %sub3A_266, %lt3A_268 : vector<16xi32>
    %add3A_270 = arith.constant 16 : i32
    %add3A_271 = vector.broadcast %add3A_270 : i32 to vector<16xi32>
    %add3A_272 = arith.addi %sub3A_266, %add3A_271 : vector<16xi32>
    %select_n3A_273 = arith.select %lt3A_269, %add3A_272, %sub3A_266 : vector<16xi1>, vector<16xi32>
    %broadcast_in_dim3A_274 = vector.shape_cast %select_n3A_273 : vector<16xi32> to vector<16x1xi32>
    %gather3A_275 = vector.shape_cast %broadcast_in_dim3A_274 : vector<16x1xi32> to vector<16xi32>
    %gather3A_276 = tpu.dynamic_gather %rev3A_259[%gather3A_275] in [0] : vector<16xf32>, vector<16xi32> -> vector<16xf32>
    %lt3A_277 = arith.constant 0 : i32
    %lt3A_278 = vector.broadcast %lt3A_277 : i32 to vector<16xi32>
    %lt3A_279 = arith.cmpi slt, %sub3A_266, %lt3A_278 : vector<16xi32>
    %add3A_280 = arith.constant 16 : i32
    %add3A_281 = vector.broadcast %add3A_280 : i32 to vector<16xi32>
    %add3A_282 = arith.addi %sub3A_266, %add3A_281 : vector<16xi32>
    %select_n3A_283 = arith.select %lt3A_279, %add3A_282, %sub3A_266 : vector<16xi1>, vector<16xi32>
    %broadcast_in_dim3A_284 = vector.shape_cast %select_n3A_283 : vector<16xi32> to vector<16x1xi32>
    %gather3A_285 = vector.shape_cast %broadcast_in_dim3A_284 : vector<16x1xi32> to vector<16xi32>
    %gather3A_286 = tpu.dynamic_gather %gather3A_246[%gather3A_285] in [0] : vector<16xf32>, vector<16xi32> -> vector<16xf32>
    %mul3A_287 = arith.constant 16 : i32
    %mul3A_288 = vector.broadcast %mul3A_287 : i32 to vector<16xi32>
    %mul3A_289 = arith.muli %sub3A_219, %mul3A_288 : vector<16xi32>
    %add3A_290 = arith.addi %mul3A_289, %sub3A_266 : vector<16xi32>
    %add3A_291 = arith.addf %sub3A_238, %gather3A_276 : vector<16xf32>
    %sub3A_292 = arith.subf %add3A_291, %gather3A_286 : vector<16xf32>
    %add3A_293 = arith.constant 2.560000e+02 : f32
    %add3A_294 = vector.broadcast %add3A_293 : f32 to vector<16xf32>
    %add3A_295 = arith.addf %broadcast_in_dim3A_62, %add3A_294 : vector<16xf32>
    %sub3A_296 = arith.subf %add3A_295, %sub3A_292 : vector<16xf32>
    %convert_element_type3A = arith.fptosi %gather3A_286 : vector<16xf32> to vector<16xi32>
    %add3A_297 = arith.constant 2.560000e+02 : f32
    %add3A_298 = vector.broadcast %add3A_297 : f32 to vector<16xf32>
    %add3A_299 = arith.addf %broadcast_in_dim3A_62, %add3A_298 : vector<16xf32>
    %add3A_300 = arith.constant 256 : i32
    %add3A_301 = vector.broadcast %add3A_300 : i32 to vector<16xi32>
    %add3A_302 = arith.addi %add3A_301, %mul3A_59 : vector<16xi32>
    %add3A_303 = arith.constant 0 : i32
    %add3A_304 = vector.broadcast %add3A_303 : i32 to vector<16xi32>
    %add3A_305 = arith.addi %add3A_302, %add3A_304 : vector<16xi32>
    %gather3A_306 = tpu.vector_load_idx %arg10[%add3A_305] : memref<1024xf32, #tpu.memory_space<vmem>>[vector<16xi32>], vector<16xf32>,
    %add3A_307 = arith.addf %broadcast_in_dim3A_62, %gather3A_306 : vector<16xf32>
    %add3A_308 = arith.constant 256 : i32
    %add3A_309 = vector.broadcast %add3A_308 : i32 to vector<16xi32>
    %add3A_310 = arith.addi %add3A_309, %mul3A_59 : vector<16xi32>
    %add3A_311 = arith.constant 1 : i32
    %add3A_312 = vector.broadcast %add3A_311 : i32 to vector<16xi32>
    %add3A_313 = arith.addi %add3A_310, %add3A_312 : vector<16xi32>
    %gather3A_314 = tpu.vector_load_idx %arg10[%add3A_313] : memref<1024xf32, #tpu.memory_space<vmem>>[vector<16xi32>], vector<16xf32>,
    %add3A_315 = arith.addf %add3A_307, %gather3A_314 : vector<16xf32>
    %add3A_316 = arith.constant 256 : i32
    %add3A_317 = vector.broadcast %add3A_316 : i32 to vector<16xi32>
    %add3A_318 = arith.addi %add3A_317, %mul3A_59 : vector<16xi32>
    %add3A_319 = arith.constant 2 : i32
    %add3A_320 = vector.broadcast %add3A_319 : i32 to vector<16xi32>
    %add3A_321 = arith.addi %add3A_318, %add3A_320 : vector<16xi32>
    %gather3A_322 = tpu.vector_load_idx %arg10[%add3A_321] : memref<1024xf32, #tpu.memory_space<vmem>>[vector<16xi32>], vector<16xf32>,
    %add3A_323 = arith.addf %add3A_315, %gather3A_322 : vector<16xf32>
    %add3A_324 = arith.constant 256 : i32
    %add3A_325 = vector.broadcast %add3A_324 : i32 to vector<16xi32>
    %add3A_326 = arith.addi %add3A_325, %mul3A_59 : vector<16xi32>
    %add3A_327 = arith.constant 3 : i32
    %add3A_328 = vector.broadcast %add3A_327 : i32 to vector<16xi32>
    %add3A_329 = arith.addi %add3A_326, %add3A_328 : vector<16xi32>
    %gather3A_330 = tpu.vector_load_idx %arg10[%add3A_329] : memref<1024xf32, #tpu.memory_space<vmem>>[vector<16xi32>], vector<16xf32>,
    %add3A_331 = arith.addf %add3A_323, %gather3A_330 : vector<16xf32>
    %add3A_332 = arith.constant 256 : i32
    %add3A_333 = vector.broadcast %add3A_332 : i32 to vector<16xi32>
    %add3A_334 = arith.addi %add3A_333, %mul3A_59 : vector<16xi32>
    %add3A_335 = arith.constant 4 : i32
    %add3A_336 = vector.broadcast %add3A_335 : i32 to vector<16xi32>
    %add3A_337 = arith.addi %add3A_334, %add3A_336 : vector<16xi32>
    %gather3A_338 = tpu.vector_load_idx %arg10[%add3A_337] : memref<1024xf32, #tpu.memory_space<vmem>>[vector<16xi32>], vector<16xf32>,
    %add3A_339 = arith.addf %add3A_331, %gather3A_338 : vector<16xf32>
    %add3A_340 = arith.constant 256 : i32
    %add3A_341 = vector.broadcast %add3A_340 : i32 to vector<16xi32>
    %add3A_342 = arith.addi %add3A_341, %mul3A_59 : vector<16xi32>
    %add3A_343 = arith.constant 5 : i32
    %add3A_344 = vector.broadcast %add3A_343 : i32 to vector<16xi32>
    %add3A_345 = arith.addi %add3A_342, %add3A_344 : vector<16xi32>
    %gather3A_346 = tpu.vector_load_idx %arg10[%add3A_345] : memref<1024xf32, #tpu.memory_space<vmem>>[vector<16xi32>], vector<16xf32>,
    %add3A_347 = arith.addf %add3A_339, %gather3A_346 : vector<16xf32>
    %add3A_348 = arith.constant 256 : i32
    %add3A_349 = vector.broadcast %add3A_348 : i32 to vector<16xi32>
    %add3A_350 = arith.addi %add3A_349, %mul3A_59 : vector<16xi32>
    %add3A_351 = arith.constant 6 : i32
    %add3A_352 = vector.broadcast %add3A_351 : i32 to vector<16xi32>
    %add3A_353 = arith.addi %add3A_350, %add3A_352 : vector<16xi32>
    %gather3A_354 = tpu.vector_load_idx %arg10[%add3A_353] : memref<1024xf32, #tpu.memory_space<vmem>>[vector<16xi32>], vector<16xf32>,
    %add3A_355 = arith.addf %add3A_347, %gather3A_354 : vector<16xf32>
    %add3A_356 = arith.constant 256 : i32
    %add3A_357 = vector.broadcast %add3A_356 : i32 to vector<16xi32>
    %add3A_358 = arith.addi %add3A_357, %mul3A_59 : vector<16xi32>
    %add3A_359 = arith.constant 7 : i32
    %add3A_360 = vector.broadcast %add3A_359 : i32 to vector<16xi32>
    %add3A_361 = arith.addi %add3A_358, %add3A_360 : vector<16xi32>
    %gather3A_362 = tpu.vector_load_idx %arg10[%add3A_361] : memref<1024xf32, #tpu.memory_space<vmem>>[vector<16xi32>], vector<16xf32>,
    %add3A_363 = arith.addf %add3A_355, %gather3A_362 : vector<16xf32>
    %add3A_364 = arith.constant 256 : i32
    %add3A_365 = vector.broadcast %add3A_364 : i32 to vector<16xi32>
    %add3A_366 = arith.addi %add3A_365, %mul3A_59 : vector<16xi32>
    %add3A_367 = arith.constant 8 : i32
    %add3A_368 = vector.broadcast %add3A_367 : i32 to vector<16xi32>
    %add3A_369 = arith.addi %add3A_366, %add3A_368 : vector<16xi32>
    %gather3A_370 = tpu.vector_load_idx %arg10[%add3A_369] : memref<1024xf32, #tpu.memory_space<vmem>>[vector<16xi32>], vector<16xf32>,
    %add3A_371 = arith.addf %add3A_363, %gather3A_370 : vector<16xf32>
    %add3A_372 = arith.constant 256 : i32
    %add3A_373 = vector.broadcast %add3A_372 : i32 to vector<16xi32>
    %add3A_374 = arith.addi %add3A_373, %mul3A_59 : vector<16xi32>
    %add3A_375 = arith.constant 9 : i32
    %add3A_376 = vector.broadcast %add3A_375 : i32 to vector<16xi32>
    %add3A_377 = arith.addi %add3A_374, %add3A_376 : vector<16xi32>
    %gather3A_378 = tpu.vector_load_idx %arg10[%add3A_377] : memref<1024xf32, #tpu.memory_space<vmem>>[vector<16xi32>], vector<16xf32>,
    %add3A_379 = arith.addf %add3A_371, %gather3A_378 : vector<16xf32>
    %add3A_380 = arith.constant 256 : i32
    %add3A_381 = vector.broadcast %add3A_380 : i32 to vector<16xi32>
    %add3A_382 = arith.addi %add3A_381, %mul3A_59 : vector<16xi32>
    %add3A_383 = arith.constant 10 : i32
    %add3A_384 = vector.broadcast %add3A_383 : i32 to vector<16xi32>
    %add3A_385 = arith.addi %add3A_382, %add3A_384 : vector<16xi32>
    %gather3A_386 = tpu.vector_load_idx %arg10[%add3A_385] : memref<1024xf32, #tpu.memory_space<vmem>>[vector<16xi32>], vector<16xf32>,
    %add3A_387 = arith.addf %add3A_379, %gather3A_386 : vector<16xf32>
    %add3A_388 = arith.constant 256 : i32
    %add3A_389 = vector.broadcast %add3A_388 : i32 to vector<16xi32>
    %add3A_390 = arith.addi %add3A_389, %mul3A_59 : vector<16xi32>
    %add3A_391 = arith.constant 11 : i32
    %add3A_392 = vector.broadcast %add3A_391 : i32 to vector<16xi32>
    %add3A_393 = arith.addi %add3A_390, %add3A_392 : vector<16xi32>
    %gather3A_394 = tpu.vector_load_idx %arg10[%add3A_393] : memref<1024xf32, #tpu.memory_space<vmem>>[vector<16xi32>], vector<16xf32>,
    %add3A_395 = arith.addf %add3A_387, %gather3A_394 : vector<16xf32>
    %add3A_396 = arith.constant 256 : i32
    %add3A_397 = vector.broadcast %add3A_396 : i32 to vector<16xi32>
    %add3A_398 = arith.addi %add3A_397, %mul3A_59 : vector<16xi32>
    %add3A_399 = arith.constant 12 : i32
    %add3A_400 = vector.broadcast %add3A_399 : i32 to vector<16xi32>
    %add3A_401 = arith.addi %add3A_398, %add3A_400 : vector<16xi32>
    %gather3A_402 = tpu.vector_load_idx %arg10[%add3A_401] : memref<1024xf32, #tpu.memory_space<vmem>>[vector<16xi32>], vector<16xf32>,
    %add3A_403 = arith.addf %add3A_395, %gather3A_402 : vector<16xf32>
    %add3A_404 = arith.constant 256 : i32
    %add3A_405 = vector.broadcast %add3A_404 : i32 to vector<16xi32>
    %add3A_406 = arith.addi %add3A_405, %mul3A_59 : vector<16xi32>
    %add3A_407 = arith.constant 13 : i32
    %add3A_408 = vector.broadcast %add3A_407 : i32 to vector<16xi32>
    %add3A_409 = arith.addi %add3A_406, %add3A_408 : vector<16xi32>
    %gather3A_410 = tpu.vector_load_idx %arg10[%add3A_409] : memref<1024xf32, #tpu.memory_space<vmem>>[vector<16xi32>], vector<16xf32>,
    %add3A_411 = arith.addf %add3A_403, %gather3A_410 : vector<16xf32>
    %add3A_412 = arith.constant 256 : i32
    %add3A_413 = vector.broadcast %add3A_412 : i32 to vector<16xi32>
    %add3A_414 = arith.addi %add3A_413, %mul3A_59 : vector<16xi32>
    %add3A_415 = arith.constant 14 : i32
    %add3A_416 = vector.broadcast %add3A_415 : i32 to vector<16xi32>
    %add3A_417 = arith.addi %add3A_414, %add3A_416 : vector<16xi32>
    %gather3A_418 = tpu.vector_load_idx %arg10[%add3A_417] : memref<1024xf32, #tpu.memory_space<vmem>>[vector<16xi32>], vector<16xf32>,
    %add3A_419 = arith.addf %add3A_411, %gather3A_418 : vector<16xf32>
    %add3A_420 = arith.constant 256 : i32
    %add3A_421 = vector.broadcast %add3A_420 : i32 to vector<16xi32>
    %add3A_422 = arith.addi %add3A_421, %mul3A_59 : vector<16xi32>
    %add3A_423 = arith.constant 15 : i32
    %add3A_424 = vector.broadcast %add3A_423 : i32 to vector<16xi32>
    %add3A_425 = arith.addi %add3A_422, %add3A_424 : vector<16xi32>
    %gather3A_426 = tpu.vector_load_idx %arg10[%add3A_425] : memref<1024xf32, #tpu.memory_space<vmem>>[vector<16xi32>], vector<16xf32>,
    %add3A_427 = arith.addf %add3A_419, %gather3A_426 : vector<16xf32>
    %rev3A_428 = arith.constant 15 : i32
    %rev3A_429 = vector.broadcast %rev3A_428 : i32 to vector<16xi32>
    %rev3A_430 = tpu.iota {dimensions = array<i32: 0>} : vector<16xi32>
    %rev3A_431 = arith.subi %rev3A_429, %rev3A_430 : vector<16xi32>
    %rev3A_432 = tpu.dynamic_gather %add3A_427[%rev3A_431] in [0] : vector<16xf32>, vector<16xi32> -> vector<16xf32>
    %cumsum3A_433 = arith.constant true
    %cumsum3A_434 = vector.broadcast %cumsum3A_433 : i1 to vector<16xi1>
    %cumsum3A_435 = tpu.scan <sum>, %rev3A_432 masked %cumsum3A_434 : vector<16xf32>, vector<16xi1> -> vector<16xf32>
    %rev3A_436 = arith.constant 15 : i32
    %rev3A_437 = vector.broadcast %rev3A_436 : i32 to vector<16xi32>
    %rev3A_438 = tpu.iota {dimensions = array<i32: 0>} : vector<16xi32>
    %rev3A_439 = arith.subi %rev3A_437, %rev3A_438 : vector<16xi32>
    %rev3A_440 = tpu.dynamic_gather %cumsum3A_435[%rev3A_439] in [0] : vector<16xf32>, vector<16xi32> -> vector<16xf32>
    %ge3A_441 = arith.cmpf oge, %rev3A_440, %add3A_299 : vector<16xf32>
    %all_reduce_population_count3A_442 = tpu.all_reduce %ge3A_441 {dim = 0 : i64, kind = #tpu.reduction_kind<sum>} : vector<16xi1> -> vector<16xi32>
    %add3A_443 = arith.addi %broadcast_in_dim3A_64, %all_reduce_population_count3A_442 : vector<16xi32>
    %sub3A_444 = arith.constant 1 : i32
    %sub3A_445 = vector.broadcast %sub3A_444 : i32 to vector<16xi32>
    %sub3A_446 = arith.subi %add3A_443, %sub3A_445 : vector<16xi32>
    %lt3A_447 = arith.constant 0 : i32
    %lt3A_448 = vector.broadcast %lt3A_447 : i32 to vector<16xi32>
    %lt3A_449 = arith.cmpi slt, %sub3A_446, %lt3A_448 : vector<16xi32>
    %add3A_450 = arith.constant 16 : i32
    %add3A_451 = vector.broadcast %add3A_450 : i32 to vector<16xi32>
    %add3A_452 = arith.addi %sub3A_446, %add3A_451 : vector<16xi32>
    %select_n3A_453 = arith.select %lt3A_449, %add3A_452, %sub3A_446 : vector<16xi1>, vector<16xi32>
    %broadcast_in_dim3A_454 = vector.shape_cast %select_n3A_453 : vector<16xi32> to vector<16x1xi32>
    %gather3A_455 = vector.shape_cast %broadcast_in_dim3A_454 : vector<16x1xi32> to vector<16xi32>
    %gather3A_456 = tpu.dynamic_gather %add3A_427[%gather3A_455] in [0] : vector<16xf32>, vector<16xi32> -> vector<16xf32>
    %lt3A_457 = arith.constant 0 : i32
    %lt3A_458 = vector.broadcast %lt3A_457 : i32 to vector<16xi32>
    %lt3A_459 = arith.cmpi slt, %sub3A_446, %lt3A_458 : vector<16xi32>
    %add3A_460 = arith.constant 16 : i32
    %add3A_461 = vector.broadcast %add3A_460 : i32 to vector<16xi32>
    %add3A_462 = arith.addi %sub3A_446, %add3A_461 : vector<16xi32>
    %select_n3A_463 = arith.select %lt3A_459, %add3A_462, %sub3A_446 : vector<16xi1>, vector<16xi32>
    %broadcast_in_dim3A_464 = vector.shape_cast %select_n3A_463 : vector<16xi32> to vector<16x1xi32>
    %gather3A_465 = vector.shape_cast %broadcast_in_dim3A_464 : vector<16x1xi32> to vector<16xi32>
    %gather3A_466 = tpu.dynamic_gather %rev3A_440[%gather3A_465] in [0] : vector<16xf32>, vector<16xi32> -> vector<16xf32>
    %sub3A_467 = arith.subf %gather3A_466, %gather3A_456 : vector<16xf32>
    %mul3A_468 = arith.constant 16 : i32
    %mul3A_469 = vector.broadcast %mul3A_468 : i32 to vector<16xi32>
    %mul3A_470 = arith.muli %sub3A_446, %mul3A_469 : vector<16xi32>
    %add3A_471 = arith.constant 256 : i32
    %add3A_472 = vector.broadcast %add3A_471 : i32 to vector<16xi32>
    %add3A_473 = arith.addi %add3A_472, %mul3A_470 : vector<16xi32>
    %add3A_474 = arith.addi %add3A_473, %iota3A : vector<16xi32>
    %gather3A_475 = tpu.vector_load_idx %arg10[%add3A_474] : memref<1024xf32, #tpu.memory_space<vmem>>[vector<16xi32>], vector<16xf32>,
    %rev3A_476 = arith.constant 15 : i32
    %rev3A_477 = vector.broadcast %rev3A_476 : i32 to vector<16xi32>
    %rev3A_478 = tpu.iota {dimensions = array<i32: 0>} : vector<16xi32>
    %rev3A_479 = arith.subi %rev3A_477, %rev3A_478 : vector<16xi32>
    %rev3A_480 = tpu.dynamic_gather %gather3A_475[%rev3A_479] in [0] : vector<16xf32>, vector<16xi32> -> vector<16xf32>
    %cumsum3A_481 = arith.constant true
    %cumsum3A_482 = vector.broadcast %cumsum3A_481 : i1 to vector<16xi1>
    %cumsum3A_483 = tpu.scan <sum>, %rev3A_480 masked %cumsum3A_482 : vector<16xf32>, vector<16xi1> -> vector<16xf32>
    %rev3A_484 = arith.constant 15 : i32
    %rev3A_485 = vector.broadcast %rev3A_484 : i32 to vector<16xi32>
    %rev3A_486 = tpu.iota {dimensions = array<i32: 0>} : vector<16xi32>
    %rev3A_487 = arith.subi %rev3A_485, %rev3A_486 : vector<16xi32>
    %rev3A_488 = tpu.dynamic_gather %cumsum3A_483[%rev3A_487] in [0] : vector<16xf32>, vector<16xi32> -> vector<16xf32>
    %add3A_489 = arith.addf %sub3A_467, %rev3A_488 : vector<16xf32>
    %ge3A_490 = arith.cmpf oge, %add3A_489, %add3A_299 : vector<16xf32>
    %all_reduce_population_count3A_491 = tpu.all_reduce %ge3A_490 {dim = 0 : i64, kind = #tpu.reduction_kind<sum>} : vector<16xi1> -> vector<16xi32>
    %add3A_492 = arith.addi %broadcast_in_dim3A_64, %all_reduce_population_count3A_491 : vector<16xi32>
    %sub3A_493 = arith.constant 1 : i32
    %sub3A_494 = vector.broadcast %sub3A_493 : i32 to vector<16xi32>
    %sub3A_495 = arith.subi %add3A_492, %sub3A_494 : vector<16xi32>
    %lt3A_496 = arith.constant 0 : i32
    %lt3A_497 = vector.broadcast %lt3A_496 : i32 to vector<16xi32>
    %lt3A_498 = arith.cmpi slt, %sub3A_495, %lt3A_497 : vector<16xi32>
    %add3A_499 = arith.constant 16 : i32
    %add3A_500 = vector.broadcast %add3A_499 : i32 to vector<16xi32>
    %add3A_501 = arith.addi %sub3A_495, %add3A_500 : vector<16xi32>
    %select_n3A_502 = arith.select %lt3A_498, %add3A_501, %sub3A_495 : vector<16xi1>, vector<16xi32>
    %broadcast_in_dim3A_503 = vector.shape_cast %select_n3A_502 : vector<16xi32> to vector<16x1xi32>
    %gather3A_504 = vector.shape_cast %broadcast_in_dim3A_503 : vector<16x1xi32> to vector<16xi32>
    %gather3A_505 = tpu.dynamic_gather %rev3A_488[%gather3A_504] in [0] : vector<16xf32>, vector<16xi32> -> vector<16xf32>
    %lt3A_506 = arith.constant 0 : i32
    %lt3A_507 = vector.broadcast %lt3A_506 : i32 to vector<16xi32>
    %lt3A_508 = arith.cmpi slt, %sub3A_495, %lt3A_507 : vector<16xi32>
    %add3A_509 = arith.constant 16 : i32
    %add3A_510 = vector.broadcast %add3A_509 : i32 to vector<16xi32>
    %add3A_511 = arith.addi %sub3A_495, %add3A_510 : vector<16xi32>
    %select_n3A_512 = arith.select %lt3A_508, %add3A_511, %sub3A_495 : vector<16xi1>, vector<16xi32>
    %broadcast_in_dim3A_513 = vector.shape_cast %select_n3A_512 : vector<16xi32> to vector<16x1xi32>
    %gather3A_514 = vector.shape_cast %broadcast_in_dim3A_513 : vector<16x1xi32> to vector<16xi32>
    %gather3A_515 = tpu.dynamic_gather %gather3A_475[%gather3A_514] in [0] : vector<16xf32>, vector<16xi32> -> vector<16xf32>
    %mul3A_516 = arith.constant 16 : i32
    %mul3A_517 = vector.broadcast %mul3A_516 : i32 to vector<16xi32>
    %mul3A_518 = arith.muli %sub3A_446, %mul3A_517 : vector<16xi32>
    %add3A_519 = arith.addi %mul3A_518, %sub3A_495 : vector<16xi32>
    %add3A_520 = arith.addf %sub3A_467, %gather3A_505 : vector<16xf32>
    %sub3A_521 = arith.subf %add3A_520, %gather3A_515 : vector<16xf32>
    %add3A_522 = arith.constant 2.560000e+02 : f32
    %add3A_523 = vector.broadcast %add3A_522 : f32 to vector<16xf32>
    %add3A_524 = arith.addf %broadcast_in_dim3A_62, %add3A_523 : vector<16xf32>
    %sub3A_525 = arith.subf %add3A_524, %sub3A_521 : vector<16xf32>
    %convert_element_type3A_526 = arith.fptosi %gather3A_515 : vector<16xf32> to vector<16xi32>
    %add3A_527 = arith.constant 2.560000e+02 : f32
    %add3A_528 = vector.broadcast %add3A_527 : f32 to vector<16xf32>
    %add3A_529 = arith.addf %broadcast_in_dim3A_62, %add3A_528 : vector<16xf32>
    %add3A_530 = arith.constant 512 : i32
    %add3A_531 = vector.broadcast %add3A_530 : i32 to vector<16xi32>
    %add3A_532 = arith.addi %add3A_531, %mul3A_59 : vector<16xi32>
    %add3A_533 = arith.constant 0 : i32
    %add3A_534 = vector.broadcast %add3A_533 : i32 to vector<16xi32>
    %add3A_535 = arith.addi %add3A_532, %add3A_534 : vector<16xi32>
    %gather3A_536 = tpu.vector_load_idx %arg10[%add3A_535] : memref<1024xf32, #tpu.memory_space<vmem>>[vector<16xi32>], vector<16xf32>,
    %add3A_537 = arith.addf %broadcast_in_dim3A_62, %gather3A_536 : vector<16xf32>
    %add3A_538 = arith.constant 512 : i32
    %add3A_539 = vector.broadcast %add3A_538 : i32 to vector<16xi32>
    %add3A_540 = arith.addi %add3A_539, %mul3A_59 : vector<16xi32>
    %add3A_541 = arith.constant 1 : i32
    %add3A_542 = vector.broadcast %add3A_541 : i32 to vector<16xi32>
    %add3A_543 = arith.addi %add3A_540, %add3A_542 : vector<16xi32>
    %gather3A_544 = tpu.vector_load_idx %arg10[%add3A_543] : memref<1024xf32, #tpu.memory_space<vmem>>[vector<16xi32>], vector<16xf32>,
    %add3A_545 = arith.addf %add3A_537, %gather3A_544 : vector<16xf32>
    %add3A_546 = arith.constant 512 : i32
    %add3A_547 = vector.broadcast %add3A_546 : i32 to vector<16xi32>
    %add3A_548 = arith.addi %add3A_547, %mul3A_59 : vector<16xi32>
    %add3A_549 = arith.constant 2 : i32
    %add3A_550 = vector.broadcast %add3A_549 : i32 to vector<16xi32>
    %add3A_551 = arith.addi %add3A_548, %add3A_550 : vector<16xi32>
    %gather3A_552 = tpu.vector_load_idx %arg10[%add3A_551] : memref<1024xf32, #tpu.memory_space<vmem>>[vector<16xi32>], vector<16xf32>,
    %add3A_553 = arith.addf %add3A_545, %gather3A_552 : vector<16xf32>
    %add3A_554 = arith.constant 512 : i32
    %add3A_555 = vector.broadcast %add3A_554 : i32 to vector<16xi32>
    %add3A_556 = arith.addi %add3A_555, %mul3A_59 : vector<16xi32>
    %add3A_557 = arith.constant 3 : i32
    %add3A_558 = vector.broadcast %add3A_557 : i32 to vector<16xi32>
    %add3A_559 = arith.addi %add3A_556, %add3A_558 : vector<16xi32>
    %gather3A_560 = tpu.vector_load_idx %arg10[%add3A_559] : memref<1024xf32, #tpu.memory_space<vmem>>[vector<16xi32>], vector<16xf32>,
    %add3A_561 = arith.addf %add3A_553, %gather3A_560 : vector<16xf32>
    %add3A_562 = arith.constant 512 : i32
    %add3A_563 = vector.broadcast %add3A_562 : i32 to vector<16xi32>
    %add3A_564 = arith.addi %add3A_563, %mul3A_59 : vector<16xi32>
    %add3A_565 = arith.constant 4 : i32
    %add3A_566 = vector.broadcast %add3A_565 : i32 to vector<16xi32>
    %add3A_567 = arith.addi %add3A_564, %add3A_566 : vector<16xi32>
    %gather3A_568 = tpu.vector_load_idx %arg10[%add3A_567] : memref<1024xf32, #tpu.memory_space<vmem>>[vector<16xi32>], vector<16xf32>,
    %add3A_569 = arith.addf %add3A_561, %gather3A_568 : vector<16xf32>
    %add3A_570 = arith.constant 512 : i32
    %add3A_571 = vector.broadcast %add3A_570 : i32 to vector<16xi32>
    %add3A_572 = arith.addi %add3A_571, %mul3A_59 : vector<16xi32>
    %add3A_573 = arith.constant 5 : i32
    %add3A_574 = vector.broadcast %add3A_573 : i32 to vector<16xi32>
    %add3A_575 = arith.addi %add3A_572, %add3A_574 : vector<16xi32>
    %gather3A_576 = tpu.vector_load_idx %arg10[%add3A_575] : memref<1024xf32, #tpu.memory_space<vmem>>[vector<16xi32>], vector<16xf32>,
    %add3A_577 = arith.addf %add3A_569, %gather3A_576 : vector<16xf32>
    %add3A_578 = arith.constant 512 : i32
    %add3A_579 = vector.broadcast %add3A_578 : i32 to vector<16xi32>
    %add3A_580 = arith.addi %add3A_579, %mul3A_59 : vector<16xi32>
    %add3A_581 = arith.constant 6 : i32
    %add3A_582 = vector.broadcast %add3A_581 : i32 to vector<16xi32>
    %add3A_583 = arith.addi %add3A_580, %add3A_582 : vector<16xi32>
    %gather3A_584 = tpu.vector_load_idx %arg10[%add3A_583] : memref<1024xf32, #tpu.memory_space<vmem>>[vector<16xi32>], vector<16xf32>,
    %add3A_585 = arith.addf %add3A_577, %gather3A_584 : vector<16xf32>
    %add3A_586 = arith.constant 512 : i32
    %add3A_587 = vector.broadcast %add3A_586 : i32 to vector<16xi32>
    %add3A_588 = arith.addi %add3A_587, %mul3A_59 : vector<16xi32>
    %add3A_589 = arith.constant 7 : i32
    %add3A_590 = vector.broadcast %add3A_589 : i32 to vector<16xi32>
    %add3A_591 = arith.addi %add3A_588, %add3A_590 : vector<16xi32>
    %gather3A_592 = tpu.vector_load_idx %arg10[%add3A_591] : memref<1024xf32, #tpu.memory_space<vmem>>[vector<16xi32>], vector<16xf32>,
    %add3A_593 = arith.addf %add3A_585, %gather3A_592 : vector<16xf32>
    %add3A_594 = arith.constant 512 : i32
    %add3A_595 = vector.broadcast %add3A_594 : i32 to vector<16xi32>
    %add3A_596 = arith.addi %add3A_595, %mul3A_59 : vector<16xi32>
    %add3A_597 = arith.constant 8 : i32
    %add3A_598 = vector.broadcast %add3A_597 : i32 to vector<16xi32>
    %add3A_599 = arith.addi %add3A_596, %add3A_598 : vector<16xi32>
    %gather3A_600 = tpu.vector_load_idx %arg10[%add3A_599] : memref<1024xf32, #tpu.memory_space<vmem>>[vector<16xi32>], vector<16xf32>,
    %add3A_601 = arith.addf %add3A_593, %gather3A_600 : vector<16xf32>
    %add3A_602 = arith.constant 512 : i32
    %add3A_603 = vector.broadcast %add3A_602 : i32 to vector<16xi32>
    %add3A_604 = arith.addi %add3A_603, %mul3A_59 : vector<16xi32>
    %add3A_605 = arith.constant 9 : i32
    %add3A_606 = vector.broadcast %add3A_605 : i32 to vector<16xi32>
    %add3A_607 = arith.addi %add3A_604, %add3A_606 : vector<16xi32>
    %gather3A_608 = tpu.vector_load_idx %arg10[%add3A_607] : memref<1024xf32, #tpu.memory_space<vmem>>[vector<16xi32>], vector<16xf32>,
    %add3A_609 = arith.addf %add3A_601, %gather3A_608 : vector<16xf32>
    %add3A_610 = arith.constant 512 : i32
    %add3A_611 = vector.broadcast %add3A_610 : i32 to vector<16xi32>
    %add3A_612 = arith.addi %add3A_611, %mul3A_59 : vector<16xi32>
    %add3A_613 = arith.constant 10 : i32
    %add3A_614 = vector.broadcast %add3A_613 : i32 to vector<16xi32>
    %add3A_615 = arith.addi %add3A_612, %add3A_614 : vector<16xi32>
    %gather3A_616 = tpu.vector_load_idx %arg10[%add3A_615] : memref<1024xf32, #tpu.memory_space<vmem>>[vector<16xi32>], vector<16xf32>,
    %add3A_617 = arith.addf %add3A_609, %gather3A_616 : vector<16xf32>
    %add3A_618 = arith.constant 512 : i32
    %add3A_619 = vector.broadcast %add3A_618 : i32 to vector<16xi32>
    %add3A_620 = arith.addi %add3A_619, %mul3A_59 : vector<16xi32>
    %add3A_621 = arith.constant 11 : i32
    %add3A_622 = vector.broadcast %add3A_621 : i32 to vector<16xi32>
    %add3A_623 = arith.addi %add3A_620, %add3A_622 : vector<16xi32>
    %gather3A_624 = tpu.vector_load_idx %arg10[%add3A_623] : memref<1024xf32, #tpu.memory_space<vmem>>[vector<16xi32>], vector<16xf32>,
    %add3A_625 = arith.addf %add3A_617, %gather3A_624 : vector<16xf32>
    %add3A_626 = arith.constant 512 : i32
    %add3A_627 = vector.broadcast %add3A_626 : i32 to vector<16xi32>
    %add3A_628 = arith.addi %add3A_627, %mul3A_59 : vector<16xi32>
    %add3A_629 = arith.constant 12 : i32
    %add3A_630 = vector.broadcast %add3A_629 : i32 to vector<16xi32>
    %add3A_631 = arith.addi %add3A_628, %add3A_630 : vector<16xi32>
    %gather3A_632 = tpu.vector_load_idx %arg10[%add3A_631] : memref<1024xf32, #tpu.memory_space<vmem>>[vector<16xi32>], vector<16xf32>,
    %add3A_633 = arith.addf %add3A_625, %gather3A_632 : vector<16xf32>
    %add3A_634 = arith.constant 512 : i32
    %add3A_635 = vector.broadcast %add3A_634 : i32 to vector<16xi32>
    %add3A_636 = arith.addi %add3A_635, %mul3A_59 : vector<16xi32>
    %add3A_637 = arith.constant 13 : i32
    %add3A_638 = vector.broadcast %add3A_637 : i32 to vector<16xi32>
    %add3A_639 = arith.addi %add3A_636, %add3A_638 : vector<16xi32>
    %gather3A_640 = tpu.vector_load_idx %arg10[%add3A_639] : memref<1024xf32, #tpu.memory_space<vmem>>[vector<16xi32>], vector<16xf32>,
    %add3A_641 = arith.addf %add3A_633, %gather3A_640 : vector<16xf32>
    %add3A_642 = arith.constant 512 : i32
    %add3A_643 = vector.broadcast %add3A_642 : i32 to vector<16xi32>
    %add3A_644 = arith.addi %add3A_643, %mul3A_59 : vector<16xi32>
    %add3A_645 = arith.constant 14 : i32
    %add3A_646 = vector.broadcast %add3A_645 : i32 to vector<16xi32>
    %add3A_647 = arith.addi %add3A_644, %add3A_646 : vector<16xi32>
    %gather3A_648 = tpu.vector_load_idx %arg10[%add3A_647] : memref<1024xf32, #tpu.memory_space<vmem>>[vector<16xi32>], vector<16xf32>,
    %add3A_649 = arith.addf %add3A_641, %gather3A_648 : vector<16xf32>
    %add3A_650 = arith.constant 512 : i32
    %add3A_651 = vector.broadcast %add3A_650 : i32 to vector<16xi32>
    %add3A_652 = arith.addi %add3A_651, %mul3A_59 : vector<16xi32>
    %add3A_653 = arith.constant 15 : i32
    %add3A_654 = vector.broadcast %add3A_653 : i32 to vector<16xi32>
    %add3A_655 = arith.addi %add3A_652, %add3A_654 : vector<16xi32>
    %gather3A_656 = tpu.vector_load_idx %arg10[%add3A_655] : memref<1024xf32, #tpu.memory_space<vmem>>[vector<16xi32>], vector<16xf32>,
    %add3A_657 = arith.addf %add3A_649, %gather3A_656 : vector<16xf32>
    %rev3A_658 = arith.constant 15 : i32
    %rev3A_659 = vector.broadcast %rev3A_658 : i32 to vector<16xi32>
    %rev3A_660 = tpu.iota {dimensions = array<i32: 0>} : vector<16xi32>
    %rev3A_661 = arith.subi %rev3A_659, %rev3A_660 : vector<16xi32>
    %rev3A_662 = tpu.dynamic_gather %add3A_657[%rev3A_661] in [0] : vector<16xf32>, vector<16xi32> -> vector<16xf32>
    %cumsum3A_663 = arith.constant true
    %cumsum3A_664 = vector.broadcast %cumsum3A_663 : i1 to vector<16xi1>
    %cumsum3A_665 = tpu.scan <sum>, %rev3A_662 masked %cumsum3A_664 : vector<16xf32>, vector<16xi1> -> vector<16xf32>
    %rev3A_666 = arith.constant 15 : i32
    %rev3A_667 = vector.broadcast %rev3A_666 : i32 to vector<16xi32>
    %rev3A_668 = tpu.iota {dimensions = array<i32: 0>} : vector<16xi32>
    %rev3A_669 = arith.subi %rev3A_667, %rev3A_668 : vector<16xi32>
    %rev3A_670 = tpu.dynamic_gather %cumsum3A_665[%rev3A_669] in [0] : vector<16xf32>, vector<16xi32> -> vector<16xf32>
    %ge3A_671 = arith.cmpf oge, %rev3A_670, %add3A_529 : vector<16xf32>
    %all_reduce_population_count3A_672 = tpu.all_reduce %ge3A_671 {dim = 0 : i64, kind = #tpu.reduction_kind<sum>} : vector<16xi1> -> vector<16xi32>
    %add3A_673 = arith.addi %broadcast_in_dim3A_64, %all_reduce_population_count3A_672 : vector<16xi32>
    %sub3A_674 = arith.constant 1 : i32
    %sub3A_675 = vector.broadcast %sub3A_674 : i32 to vector<16xi32>
    %sub3A_676 = arith.subi %add3A_673, %sub3A_675 : vector<16xi32>
    %lt3A_677 = arith.constant 0 : i32
    %lt3A_678 = vector.broadcast %lt3A_677 : i32 to vector<16xi32>
    %lt3A_679 = arith.cmpi slt, %sub3A_676, %lt3A_678 : vector<16xi32>
    %add3A_680 = arith.constant 16 : i32
    %add3A_681 = vector.broadcast %add3A_680 : i32 to vector<16xi32>
    %add3A_682 = arith.addi %sub3A_676, %add3A_681 : vector<16xi32>
    %select_n3A_683 = arith.select %lt3A_679, %add3A_682, %sub3A_676 : vector<16xi1>, vector<16xi32>
    %broadcast_in_dim3A_684 = vector.shape_cast %select_n3A_683 : vector<16xi32> to vector<16x1xi32>
    %gather3A_685 = vector.shape_cast %broadcast_in_dim3A_684 : vector<16x1xi32> to vector<16xi32>
    %gather3A_686 = tpu.dynamic_gather %add3A_657[%gather3A_685] in [0] : vector<16xf32>, vector<16xi32> -> vector<16xf32>
    %lt3A_687 = arith.constant 0 : i32
    %lt3A_688 = vector.broadcast %lt3A_687 : i32 to vector<16xi32>
    %lt3A_689 = arith.cmpi slt, %sub3A_676, %lt3A_688 : vector<16xi32>
    %add3A_690 = arith.constant 16 : i32
    %add3A_691 = vector.broadcast %add3A_690 : i32 to vector<16xi32>
    %add3A_692 = arith.addi %sub3A_676, %add3A_691 : vector<16xi32>
    %select_n3A_693 = arith.select %lt3A_689, %add3A_692, %sub3A_676 : vector<16xi1>, vector<16xi32>
    %broadcast_in_dim3A_694 = vector.shape_cast %select_n3A_693 : vector<16xi32> to vector<16x1xi32>
    %gather3A_695 = vector.shape_cast %broadcast_in_dim3A_694 : vector<16x1xi32> to vector<16xi32>
    %gather3A_696 = tpu.dynamic_gather %rev3A_670[%gather3A_695] in [0] : vector<16xf32>, vector<16xi32> -> vector<16xf32>
    %sub3A_697 = arith.subf %gather3A_696, %gather3A_686 : vector<16xf32>
    %mul3A_698 = arith.constant 16 : i32
    %mul3A_699 = vector.broadcast %mul3A_698 : i32 to vector<16xi32>
    %mul3A_700 = arith.muli %sub3A_676, %mul3A_699 : vector<16xi32>
    %add3A_701 = arith.constant 512 : i32
    %add3A_702 = vector.broadcast %add3A_701 : i32 to vector<16xi32>
    %add3A_703 = arith.addi %add3A_702, %mul3A_700 : vector<16xi32>
    %add3A_704 = arith.addi %add3A_703, %iota3A : vector<16xi32>
    %gather3A_705 = tpu.vector_load_idx %arg10[%add3A_704] : memref<1024xf32, #tpu.memory_space<vmem>>[vector<16xi32>], vector<16xf32>,
    %rev3A_706 = arith.constant 15 : i32
    %rev3A_707 = vector.broadcast %rev3A_706 : i32 to vector<16xi32>
    %rev3A_708 = tpu.iota {dimensions = array<i32: 0>} : vector<16xi32>
    %rev3A_709 = arith.subi %rev3A_707, %rev3A_708 : vector<16xi32>
    %rev3A_710 = tpu.dynamic_gather %gather3A_705[%rev3A_709] in [0] : vector<16xf32>, vector<16xi32> -> vector<16xf32>
    %cumsum3A_711 = arith.constant true
    %cumsum3A_712 = vector.broadcast %cumsum3A_711 : i1 to vector<16xi1>
    %cumsum3A_713 = tpu.scan <sum>, %rev3A_710 masked %cumsum3A_712 : vector<16xf32>, vector<16xi1> -> vector<16xf32>
    %rev3A_714 = arith.constant 15 : i32
    %rev3A_715 = vector.broadcast %rev3A_714 : i32 to vector<16xi32>
    %rev3A_716 = tpu.iota {dimensions = array<i32: 0>} : vector<16xi32>
    %rev3A_717 = arith.subi %rev3A_715, %rev3A_716 : vector<16xi32>
    %rev3A_718 = tpu.dynamic_gather %cumsum3A_713[%rev3A_717] in [0] : vector<16xf32>, vector<16xi32> -> vector<16xf32>
    %add3A_719 = arith.addf %sub3A_697, %rev3A_718 : vector<16xf32>
    %ge3A_720 = arith.cmpf oge, %add3A_719, %add3A_529 : vector<16xf32>
    %all_reduce_population_count3A_721 = tpu.all_reduce %ge3A_720 {dim = 0 : i64, kind = #tpu.reduction_kind<sum>} : vector<16xi1> -> vector<16xi32>
    %add3A_722 = arith.addi %broadcast_in_dim3A_64, %all_reduce_population_count3A_721 : vector<16xi32>
    %sub3A_723 = arith.constant 1 : i32
    %sub3A_724 = vector.broadcast %sub3A_723 : i32 to vector<16xi32>
    %sub3A_725 = arith.subi %add3A_722, %sub3A_724 : vector<16xi32>
    %lt3A_726 = arith.constant 0 : i32
    %lt3A_727 = vector.broadcast %lt3A_726 : i32 to vector<16xi32>
    %lt3A_728 = arith.cmpi slt, %sub3A_725, %lt3A_727 : vector<16xi32>
    %add3A_729 = arith.constant 16 : i32
    %add3A_730 = vector.broadcast %add3A_729 : i32 to vector<16xi32>
    %add3A_731 = arith.addi %sub3A_725, %add3A_730 : vector<16xi32>
    %select_n3A_732 = arith.select %lt3A_728, %add3A_731, %sub3A_725 : vector<16xi1>, vector<16xi32>
    %broadcast_in_dim3A_733 = vector.shape_cast %select_n3A_732 : vector<16xi32> to vector<16x1xi32>
    %gather3A_734 = vector.shape_cast %broadcast_in_dim3A_733 : vector<16x1xi32> to vector<16xi32>
    %gather3A_735 = tpu.dynamic_gather %rev3A_718[%gather3A_734] in [0] : vector<16xf32>, vector<16xi32> -> vector<16xf32>
    %lt3A_736 = arith.constant 0 : i32
    %lt3A_737 = vector.broadcast %lt3A_736 : i32 to vector<16xi32>
    %lt3A_738 = arith.cmpi slt, %sub3A_725, %lt3A_737 : vector<16xi32>
    %add3A_739 = arith.constant 16 : i32
    %add3A_740 = vector.broadcast %add3A_739 : i32 to vector<16xi32>
    %add3A_741 = arith.addi %sub3A_725, %add3A_740 : vector<16xi32>
    %select_n3A_742 = arith.select %lt3A_738, %add3A_741, %sub3A_725 : vector<16xi1>, vector<16xi32>
    %broadcast_in_dim3A_743 = vector.shape_cast %select_n3A_742 : vector<16xi32> to vector<16x1xi32>
    %gather3A_744 = vector.shape_cast %broadcast_in_dim3A_743 : vector<16x1xi32> to vector<16xi32>
    %gather3A_745 = tpu.dynamic_gather %gather3A_705[%gather3A_744] in [0] : vector<16xf32>, vector<16xi32> -> vector<16xf32>
    %mul3A_746 = arith.constant 16 : i32
    %mul3A_747 = vector.broadcast %mul3A_746 : i32 to vector<16xi32>
    %mul3A_748 = arith.muli %sub3A_676, %mul3A_747 : vector<16xi32>
    %add3A_749 = arith.addi %mul3A_748, %sub3A_725 : vector<16xi32>
    %add3A_750 = arith.addf %sub3A_697, %gather3A_735 : vector<16xf32>
    %sub3A_751 = arith.subf %add3A_750, %gather3A_745 : vector<16xf32>
    %add3A_752 = arith.constant 2.560000e+02 : f32
    %add3A_753 = vector.broadcast %add3A_752 : f32 to vector<16xf32>
    %add3A_754 = arith.addf %broadcast_in_dim3A_62, %add3A_753 : vector<16xf32>
    %sub3A_755 = arith.subf %add3A_754, %sub3A_751 : vector<16xf32>
    %convert_element_type3A_756 = arith.fptosi %gather3A_745 : vector<16xf32> to vector<16xi32>
    %add3A_757 = arith.constant 2.560000e+02 : f32
    %add3A_758 = vector.broadcast %add3A_757 : f32 to vector<16xf32>
    %add3A_759 = arith.addf %broadcast_in_dim3A_62, %add3A_758 : vector<16xf32>
    %add3A_760 = arith.constant 768 : i32
    %add3A_761 = vector.broadcast %add3A_760 : i32 to vector<16xi32>
    %add3A_762 = arith.addi %add3A_761, %mul3A_59 : vector<16xi32>
    %add3A_763 = arith.constant 0 : i32
    %add3A_764 = vector.broadcast %add3A_763 : i32 to vector<16xi32>
    %add3A_765 = arith.addi %add3A_762, %add3A_764 : vector<16xi32>
    %gather3A_766 = tpu.vector_load_idx %arg10[%add3A_765] : memref<1024xf32, #tpu.memory_space<vmem>>[vector<16xi32>], vector<16xf32>,
    %add3A_767 = arith.addf %broadcast_in_dim3A_62, %gather3A_766 : vector<16xf32>
    %add3A_768 = arith.constant 768 : i32
    %add3A_769 = vector.broadcast %add3A_768 : i32 to vector<16xi32>
    %add3A_770 = arith.addi %add3A_769, %mul3A_59 : vector<16xi32>
    %add3A_771 = arith.constant 1 : i32
    %add3A_772 = vector.broadcast %add3A_771 : i32 to vector<16xi32>
    %add3A_773 = arith.addi %add3A_770, %add3A_772 : vector<16xi32>
    %gather3A_774 = tpu.vector_load_idx %arg10[%add3A_773] : memref<1024xf32, #tpu.memory_space<vmem>>[vector<16xi32>], vector<16xf32>,
    %add3A_775 = arith.addf %add3A_767, %gather3A_774 : vector<16xf32>
    %add3A_776 = arith.constant 768 : i32
    %add3A_777 = vector.broadcast %add3A_776 : i32 to vector<16xi32>
    %add3A_778 = arith.addi %add3A_777, %mul3A_59 : vector<16xi32>
    %add3A_779 = arith.constant 2 : i32
    %add3A_780 = vector.broadcast %add3A_779 : i32 to vector<16xi32>
    %add3A_781 = arith.addi %add3A_778, %add3A_780 : vector<16xi32>
    %gather3A_782 = tpu.vector_load_idx %arg10[%add3A_781] : memref<1024xf32, #tpu.memory_space<vmem>>[vector<16xi32>], vector<16xf32>,
    %add3A_783 = arith.addf %add3A_775, %gather3A_782 : vector<16xf32>
    %add3A_784 = arith.constant 768 : i32
    %add3A_785 = vector.broadcast %add3A_784 : i32 to vector<16xi32>
    %add3A_786 = arith.addi %add3A_785, %mul3A_59 : vector<16xi32>
    %add3A_787 = arith.constant 3 : i32
    %add3A_788 = vector.broadcast %add3A_787 : i32 to vector<16xi32>
    %add3A_789 = arith.addi %add3A_786, %add3A_788 : vector<16xi32>
    %gather3A_790 = tpu.vector_load_idx %arg10[%add3A_789] : memref<1024xf32, #tpu.memory_space<vmem>>[vector<16xi32>], vector<16xf32>,
    %add3A_791 = arith.addf %add3A_783, %gather3A_790 : vector<16xf32>
    %add3A_792 = arith.constant 768 : i32
    %add3A_793 = vector.broadcast %add3A_792 : i32 to vector<16xi32>
    %add3A_794 = arith.addi %add3A_793, %mul3A_59 : vector<16xi32>
    %add3A_795 = arith.constant 4 : i32
    %add3A_796 = vector.broadcast %add3A_795 : i32 to vector<16xi32>
    %add3A_797 = arith.addi %add3A_794, %add3A_796 : vector<16xi32>
    %gather3A_798 = tpu.vector_load_idx %arg10[%add3A_797] : memref<1024xf32, #tpu.memory_space<vmem>>[vector<16xi32>], vector<16xf32>,
    %add3A_799 = arith.addf %add3A_791, %gather3A_798 : vector<16xf32>
    %add3A_800 = arith.constant 768 : i32
    %add3A_801 = vector.broadcast %add3A_800 : i32 to vector<16xi32>
    %add3A_802 = arith.addi %add3A_801, %mul3A_59 : vector<16xi32>
    %add3A_803 = arith.constant 5 : i32
    %add3A_804 = vector.broadcast %add3A_803 : i32 to vector<16xi32>
    %add3A_805 = arith.addi %add3A_802, %add3A_804 : vector<16xi32>
    %gather3A_806 = tpu.vector_load_idx %arg10[%add3A_805] : memref<1024xf32, #tpu.memory_space<vmem>>[vector<16xi32>], vector<16xf32>,
    %add3A_807 = arith.addf %add3A_799, %gather3A_806 : vector<16xf32>
    %add3A_808 = arith.constant 768 : i32
    %add3A_809 = vector.broadcast %add3A_808 : i32 to vector<16xi32>
    %add3A_810 = arith.addi %add3A_809, %mul3A_59 : vector<16xi32>
    %add3A_811 = arith.constant 6 : i32
    %add3A_812 = vector.broadcast %add3A_811 : i32 to vector<16xi32>
    %add3A_813 = arith.addi %add3A_810, %add3A_812 : vector<16xi32>
    %gather3A_814 = tpu.vector_load_idx %arg10[%add3A_813] : memref<1024xf32, #tpu.memory_space<vmem>>[vector<16xi32>], vector<16xf32>,
    %add3A_815 = arith.addf %add3A_807, %gather3A_814 : vector<16xf32>
    %add3A_816 = arith.constant 768 : i32
    %add3A_817 = vector.broadcast %add3A_816 : i32 to vector<16xi32>
    %add3A_818 = arith.addi %add3A_817, %mul3A_59 : vector<16xi32>
    %add3A_819 = arith.constant 7 : i32
    %add3A_820 = vector.broadcast %add3A_819 : i32 to vector<16xi32>
    %add3A_821 = arith.addi %add3A_818, %add3A_820 : vector<16xi32>
    %gather3A_822 = tpu.vector_load_idx %arg10[%add3A_821] : memref<1024xf32, #tpu.memory_space<vmem>>[vector<16xi32>], vector<16xf32>,
    %add3A_823 = arith.addf %add3A_815, %gather3A_822 : vector<16xf32>
    %add3A_824 = arith.constant 768 : i32
    %add3A_825 = vector.broadcast %add3A_824 : i32 to vector<16xi32>
    %add3A_826 = arith.addi %add3A_825, %mul3A_59 : vector<16xi32>
    %add3A_827 = arith.constant 8 : i32
    %add3A_828 = vector.broadcast %add3A_827 : i32 to vector<16xi32>
    %add3A_829 = arith.addi %add3A_826, %add3A_828 : vector<16xi32>
    %gather3A_830 = tpu.vector_load_idx %arg10[%add3A_829] : memref<1024xf32, #tpu.memory_space<vmem>>[vector<16xi32>], vector<16xf32>,
    %add3A_831 = arith.addf %add3A_823, %gather3A_830 : vector<16xf32>
    %add3A_832 = arith.constant 768 : i32
    %add3A_833 = vector.broadcast %add3A_832 : i32 to vector<16xi32>
    %add3A_834 = arith.addi %add3A_833, %mul3A_59 : vector<16xi32>
    %add3A_835 = arith.constant 9 : i32
    %add3A_836 = vector.broadcast %add3A_835 : i32 to vector<16xi32>
    %add3A_837 = arith.addi %add3A_834, %add3A_836 : vector<16xi32>
    %gather3A_838 = tpu.vector_load_idx %arg10[%add3A_837] : memref<1024xf32, #tpu.memory_space<vmem>>[vector<16xi32>], vector<16xf32>,
    %add3A_839 = arith.addf %add3A_831, %gather3A_838 : vector<16xf32>
    %add3A_840 = arith.constant 768 : i32
    %add3A_841 = vector.broadcast %add3A_840 : i32 to vector<16xi32>
    %add3A_842 = arith.addi %add3A_841, %mul3A_59 : vector<16xi32>
    %add3A_843 = arith.constant 10 : i32
    %add3A_844 = vector.broadcast %add3A_843 : i32 to vector<16xi32>
    %add3A_845 = arith.addi %add3A_842, %add3A_844 : vector<16xi32>
    %gather3A_846 = tpu.vector_load_idx %arg10[%add3A_845] : memref<1024xf32, #tpu.memory_space<vmem>>[vector<16xi32>], vector<16xf32>,
    %add3A_847 = arith.addf %add3A_839, %gather3A_846 : vector<16xf32>
    %add3A_848 = arith.constant 768 : i32
    %add3A_849 = vector.broadcast %add3A_848 : i32 to vector<16xi32>
    %add3A_850 = arith.addi %add3A_849, %mul3A_59 : vector<16xi32>
    %add3A_851 = arith.constant 11 : i32
    %add3A_852 = vector.broadcast %add3A_851 : i32 to vector<16xi32>
    %add3A_853 = arith.addi %add3A_850, %add3A_852 : vector<16xi32>
    %gather3A_854 = tpu.vector_load_idx %arg10[%add3A_853] : memref<1024xf32, #tpu.memory_space<vmem>>[vector<16xi32>], vector<16xf32>,
    %add3A_855 = arith.addf %add3A_847, %gather3A_854 : vector<16xf32>
    %add3A_856 = arith.constant 768 : i32
    %add3A_857 = vector.broadcast %add3A_856 : i32 to vector<16xi32>
    %add3A_858 = arith.addi %add3A_857, %mul3A_59 : vector<16xi32>
    %add3A_859 = arith.constant 12 : i32
    %add3A_860 = vector.broadcast %add3A_859 : i32 to vector<16xi32>
    %add3A_861 = arith.addi %add3A_858, %add3A_860 : vector<16xi32>
    %gather3A_862 = tpu.vector_load_idx %arg10[%add3A_861] : memref<1024xf32, #tpu.memory_space<vmem>>[vector<16xi32>], vector<16xf32>,
    %add3A_863 = arith.addf %add3A_855, %gather3A_862 : vector<16xf32>
    %add3A_864 = arith.constant 768 : i32
    %add3A_865 = vector.broadcast %add3A_864 : i32 to vector<16xi32>
    %add3A_866 = arith.addi %add3A_865, %mul3A_59 : vector<16xi32>
    %add3A_867 = arith.constant 13 : i32
    %add3A_868 = vector.broadcast %add3A_867 : i32 to vector<16xi32>
    %add3A_869 = arith.addi %add3A_866, %add3A_868 : vector<16xi32>
    %gather3A_870 = tpu.vector_load_idx %arg10[%add3A_869] : memref<1024xf32, #tpu.memory_space<vmem>>[vector<16xi32>], vector<16xf32>,
    %add3A_871 = arith.addf %add3A_863, %gather3A_870 : vector<16xf32>
    %add3A_872 = arith.constant 768 : i32
    %add3A_873 = vector.broadcast %add3A_872 : i32 to vector<16xi32>
    %add3A_874 = arith.addi %add3A_873, %mul3A_59 : vector<16xi32>
    %add3A_875 = arith.constant 14 : i32
    %add3A_876 = vector.broadcast %add3A_875 : i32 to vector<16xi32>
    %add3A_877 = arith.addi %add3A_874, %add3A_876 : vector<16xi32>
    %gather3A_878 = tpu.vector_load_idx %arg10[%add3A_877] : memref<1024xf32, #tpu.memory_space<vmem>>[vector<16xi32>], vector<16xf32>,
    %add3A_879 = arith.addf %add3A_871, %gather3A_878 : vector<16xf32>
    %add3A_880 = arith.constant 768 : i32
    %add3A_881 = vector.broadcast %add3A_880 : i32 to vector<16xi32>
    %add3A_882 = arith.addi %add3A_881, %mul3A_59 : vector<16xi32>
    %add3A_883 = arith.constant 15 : i32
    %add3A_884 = vector.broadcast %add3A_883 : i32 to vector<16xi32>
    %add3A_885 = arith.addi %add3A_882, %add3A_884 : vector<16xi32>
    %gather3A_886 = tpu.vector_load_idx %arg10[%add3A_885] : memref<1024xf32, #tpu.memory_space<vmem>>[vector<16xi32>], vector<16xf32>,
    %add3A_887 = arith.addf %add3A_879, %gather3A_886 : vector<16xf32>
    %rev3A_888 = arith.constant 15 : i32
    %rev3A_889 = vector.broadcast %rev3A_888 : i32 to vector<16xi32>
    %rev3A_890 = tpu.iota {dimensions = array<i32: 0>} : vector<16xi32>
    %rev3A_891 = arith.subi %rev3A_889, %rev3A_890 : vector<16xi32>
    %rev3A_892 = tpu.dynamic_gather %add3A_887[%rev3A_891] in [0] : vector<16xf32>, vector<16xi32> -> vector<16xf32>
    %cumsum3A_893 = arith.constant true
    %cumsum3A_894 = vector.broadcast %cumsum3A_893 : i1 to vector<16xi1>
    %cumsum3A_895 = tpu.scan <sum>, %rev3A_892 masked %cumsum3A_894 : vector<16xf32>, vector<16xi1> -> vector<16xf32>
    %rev3A_896 = arith.constant 15 : i32
    %rev3A_897 = vector.broadcast %rev3A_896 : i32 to vector<16xi32>
    %rev3A_898 = tpu.iota {dimensions = array<i32: 0>} : vector<16xi32>
    %rev3A_899 = arith.subi %rev3A_897, %rev3A_898 : vector<16xi32>
    %rev3A_900 = tpu.dynamic_gather %cumsum3A_895[%rev3A_899] in [0] : vector<16xf32>, vector<16xi32> -> vector<16xf32>
    %ge3A_901 = arith.cmpf oge, %rev3A_900, %add3A_759 : vector<16xf32>
    %all_reduce_population_count3A_902 = tpu.all_reduce %ge3A_901 {dim = 0 : i64, kind = #tpu.reduction_kind<sum>} : vector<16xi1> -> vector<16xi32>
    %add3A_903 = arith.addi %broadcast_in_dim3A_64, %all_reduce_population_count3A_902 : vector<16xi32>
    %sub3A_904 = arith.constant 1 : i32
    %sub3A_905 = vector.broadcast %sub3A_904 : i32 to vector<16xi32>
    %sub3A_906 = arith.subi %add3A_903, %sub3A_905 : vector<16xi32>
    %lt3A_907 = arith.constant 0 : i32
    %lt3A_908 = vector.broadcast %lt3A_907 : i32 to vector<16xi32>
    %lt3A_909 = arith.cmpi slt, %sub3A_906, %lt3A_908 : vector<16xi32>
    %add3A_910 = arith.constant 16 : i32
    %add3A_911 = vector.broadcast %add3A_910 : i32 to vector<16xi32>
    %add3A_912 = arith.addi %sub3A_906, %add3A_911 : vector<16xi32>
    %select_n3A_913 = arith.select %lt3A_909, %add3A_912, %sub3A_906 : vector<16xi1>, vector<16xi32>
    %broadcast_in_dim3A_914 = vector.shape_cast %select_n3A_913 : vector<16xi32> to vector<16x1xi32>
    %gather3A_915 = vector.shape_cast %broadcast_in_dim3A_914 : vector<16x1xi32> to vector<16xi32>
    %gather3A_916 = tpu.dynamic_gather %add3A_887[%gather3A_915] in [0] : vector<16xf32>, vector<16xi32> -> vector<16xf32>
    %lt3A_917 = arith.constant 0 : i32
    %lt3A_918 = vector.broadcast %lt3A_917 : i32 to vector<16xi32>
    %lt3A_919 = arith.cmpi slt, %sub3A_906, %lt3A_918 : vector<16xi32>
    %add3A_920 = arith.constant 16 : i32
    %add3A_921 = vector.broadcast %add3A_920 : i32 to vector<16xi32>
    %add3A_922 = arith.addi %sub3A_906, %add3A_921 : vector<16xi32>
    %select_n3A_923 = arith.select %lt3A_919, %add3A_922, %sub3A_906 : vector<16xi1>, vector<16xi32>
    %broadcast_in_dim3A_924 = vector.shape_cast %select_n3A_923 : vector<16xi32> to vector<16x1xi32>
    %gather3A_925 = vector.shape_cast %broadcast_in_dim3A_924 : vector<16x1xi32> to vector<16xi32>
    %gather3A_926 = tpu.dynamic_gather %rev3A_900[%gather3A_925] in [0] : vector<16xf32>, vector<16xi32> -> vector<16xf32>
    %sub3A_927 = arith.subf %gather3A_926, %gather3A_916 : vector<16xf32>
    %mul3A_928 = arith.constant 16 : i32
    %mul3A_929 = vector.broadcast %mul3A_928 : i32 to vector<16xi32>
    %mul3A_930 = arith.muli %sub3A_906, %mul3A_929 : vector<16xi32>
    %add3A_931 = arith.constant 768 : i32
    %add3A_932 = vector.broadcast %add3A_931 : i32 to vector<16xi32>
    %add3A_933 = arith.addi %add3A_932, %mul3A_930 : vector<16xi32>
    %add3A_934 = arith.addi %add3A_933, %iota3A : vector<16xi32>
    %gather3A_935 = tpu.vector_load_idx %arg10[%add3A_934] : memref<1024xf32, #tpu.memory_space<vmem>>[vector<16xi32>], vector<16xf32>,
    %rev3A_936 = arith.constant 15 : i32
    %rev3A_937 = vector.broadcast %rev3A_936 : i32 to vector<16xi32>
    %rev3A_938 = tpu.iota {dimensions = array<i32: 0>} : vector<16xi32>
    %rev3A_939 = arith.subi %rev3A_937, %rev3A_938 : vector<16xi32>
    %rev3A_940 = tpu.dynamic_gather %gather3A_935[%rev3A_939] in [0] : vector<16xf32>, vector<16xi32> -> vector<16xf32>
    %cumsum3A_941 = arith.constant true
    %cumsum3A_942 = vector.broadcast %cumsum3A_941 : i1 to vector<16xi1>
    %cumsum3A_943 = tpu.scan <sum>, %rev3A_940 masked %cumsum3A_942 : vector<16xf32>, vector<16xi1> -> vector<16xf32>
    %rev3A_944 = arith.constant 15 : i32
    %rev3A_945 = vector.broadcast %rev3A_944 : i32 to vector<16xi32>
    %rev3A_946 = tpu.iota {dimensions = array<i32: 0>} : vector<16xi32>
    %rev3A_947 = arith.subi %rev3A_945, %rev3A_946 : vector<16xi32>
    %rev3A_948 = tpu.dynamic_gather %cumsum3A_943[%rev3A_947] in [0] : vector<16xf32>, vector<16xi32> -> vector<16xf32>
    %add3A_949 = arith.addf %sub3A_927, %rev3A_948 : vector<16xf32>
    %ge3A_950 = arith.cmpf oge, %add3A_949, %add3A_759 : vector<16xf32>
    %all_reduce_population_count3A_951 = tpu.all_reduce %ge3A_950 {dim = 0 : i64, kind = #tpu.reduction_kind<sum>} : vector<16xi1> -> vector<16xi32>
    %add3A_952 = arith.addi %broadcast_in_dim3A_64, %all_reduce_population_count3A_951 : vector<16xi32>
    %sub3A_953 = arith.constant 1 : i32
    %sub3A_954 = vector.broadcast %sub3A_953 : i32 to vector<16xi32>
    %sub3A_955 = arith.subi %add3A_952, %sub3A_954 : vector<16xi32>
    %lt3A_956 = arith.constant 0 : i32
    %lt3A_957 = vector.broadcast %lt3A_956 : i32 to vector<16xi32>
    %lt3A_958 = arith.cmpi slt, %sub3A_955, %lt3A_957 : vector<16xi32>
    %add3A_959 = arith.constant 16 : i32
    %add3A_960 = vector.broadcast %add3A_959 : i32 to vector<16xi32>
    %add3A_961 = arith.addi %sub3A_955, %add3A_960 : vector<16xi32>
    %select_n3A_962 = arith.select %lt3A_958, %add3A_961, %sub3A_955 : vector<16xi1>, vector<16xi32>
    %broadcast_in_dim3A_963 = vector.shape_cast %select_n3A_962 : vector<16xi32> to vector<16x1xi32>
    %gather3A_964 = vector.shape_cast %broadcast_in_dim3A_963 : vector<16x1xi32> to vector<16xi32>
    %gather3A_965 = tpu.dynamic_gather %rev3A_948[%gather3A_964] in [0] : vector<16xf32>, vector<16xi32> -> vector<16xf32>
    %lt3A_966 = arith.constant 0 : i32
    %lt3A_967 = vector.broadcast %lt3A_966 : i32 to vector<16xi32>
    %lt3A_968 = arith.cmpi slt, %sub3A_955, %lt3A_967 : vector<16xi32>
    %add3A_969 = arith.constant 16 : i32
    %add3A_970 = vector.broadcast %add3A_969 : i32 to vector<16xi32>
    %add3A_971 = arith.addi %sub3A_955, %add3A_970 : vector<16xi32>
    %select_n3A_972 = arith.select %lt3A_968, %add3A_971, %sub3A_955 : vector<16xi1>, vector<16xi32>
    %broadcast_in_dim3A_973 = vector.shape_cast %select_n3A_972 : vector<16xi32> to vector<16x1xi32>
    %gather3A_974 = vector.shape_cast %broadcast_in_dim3A_973 : vector<16x1xi32> to vector<16xi32>
    %gather3A_975 = tpu.dynamic_gather %gather3A_935[%gather3A_974] in [0] : vector<16xf32>, vector<16xi32> -> vector<16xf32>
    %mul3A_976 = arith.constant 16 : i32
    %mul3A_977 = vector.broadcast %mul3A_976 : i32 to vector<16xi32>
    %mul3A_978 = arith.muli %sub3A_906, %mul3A_977 : vector<16xi32>
    %add3A_979 = arith.addi %mul3A_978, %sub3A_955 : vector<16xi32>
    %add3A_980 = arith.addf %sub3A_927, %gather3A_965 : vector<16xf32>
    %sub3A_981 = arith.subf %add3A_980, %gather3A_975 : vector<16xf32>
    %add3A_982 = arith.constant 2.560000e+02 : f32
    %add3A_983 = vector.broadcast %add3A_982 : f32 to vector<16xf32>
    %add3A_984 = arith.addf %broadcast_in_dim3A_62, %add3A_983 : vector<16xf32>
    %sub3A_985 = arith.subf %add3A_984, %sub3A_981 : vector<16xf32>
    %convert_element_type3A_986 = arith.fptosi %gather3A_975 : vector<16xf32> to vector<16xi32>
    %scan3A_987 = arith.constant 0 : i32
    %scan3A_988 = arith.constant 64 : i32
    %scan3A_989 = arith.addi %scan3A_987, %scan3A_988 : i32
    %scan3A_990 = arith.constant 1 : i32
    %scan3A_991:4 = scf.for %scan3A_3839 = %scan3A_987 to %scan3A_989 step %scan3A_990 iter_args(%scan3A_3840 = %broadcast_in_dim3A_64, %scan3A_3841 = %broadcast_in_dim3A_64, %scan3A_3842 = %broadcast_in_dim3A_64, %scan3A_3843 = %broadcast_in_dim3A_64) -> (vector<16xi32>, vector<16xi32>, vector<16xi32>, vector<16xi32>)  : i32 {
      %mul3A_3844 = arith.constant 32 : i32
      %mul3A_3845 = arith.muli %scan3A_3839, %mul3A_3844 : i32
      %add3A_3846 = arith.constant 0 : i32
      %add3A_3847 = arith.addi %mul3A_3845, %add3A_3846 : i32
      %add3A_3848 = arith.constant 0 : i32
      %add3A_3849 = arith.addi %add3A_3848, %add3A_3847 : i32
      %get3A = arith.index_cast %add3A_3849 : i32 to index
      %get3A_3850 = tpu.vector_load %arg8[%get3A] {strides = array<i32>} : memref<8192xi32, #tpu.memory_space<vmem>>, vector<16xi32>,
      %broadcast_in_dim3A_3851 = arith.constant 24 : i32
      %broadcast_in_dim3A_3852 = vector.broadcast %broadcast_in_dim3A_3851 : i32 to vector<16xi32>
      %shift_right_logical3A_3853 = arith.shrui %get3A_3850, %broadcast_in_dim3A_3852 : vector<16xi32>
      %eq3A = arith.cmpi eq, %shift_right_logical3A_3853, %add3A_290 : vector<16xi32>
      %jit3A = arith.constant 1 : i32
      %jit3A_3854 = arith.constant 0 : i32
      %broadcast_in_dim3A_3855 = vector.broadcast %jit3A : i32 to vector<16xi32>
      %broadcast_in_dim3A_3856 = vector.broadcast %jit3A_3854 : i32 to vector<16xi32>
      %select_n3A_3857 = arith.select %eq3A, %broadcast_in_dim3A_3855, %broadcast_in_dim3A_3856 : vector<16xi1>, vector<16xi32>
      %cumsum3A_3858 = arith.constant true
      %cumsum3A_3859 = vector.broadcast %cumsum3A_3858 : i1 to vector<16xi1>
      %cumsum3A_3860 = tpu.scan <sum>, %select_n3A_3857 masked %cumsum3A_3859 : vector<16xi32>, vector<16xi1> -> vector<16xi32>
      %sub3A_3861 = arith.subi %cumsum3A_3860, %select_n3A_3857 : vector<16xi32>
      %add3A_3862 = arith.constant 0 : i32
      %add3A_3863 = vector.broadcast %add3A_3862 : i32 to vector<16xi32>
      %add3A_3864 = arith.addi %add3A_3863, %scan3A_3840 : vector<16xi32>
      %add3A_3865 = arith.addi %add3A_3864, %sub3A_3861 : vector<16xi32>
      tpu.vector_store_idx %arg9[%add3A_3865], %get3A_3850 masked %eq3A : memref<8192xi32, #tpu.memory_space<vmem>>[vector<16xi32>], vector<16xi32>, vector<16xi1>
      %all_reduce_population_count3A_3866 = tpu.all_reduce %eq3A {dim = 0 : i64, kind = #tpu.reduction_kind<sum>} : vector<16xi1> -> vector<16xi32>
      %add3A_3867 = arith.addi %scan3A_3840, %all_reduce_population_count3A_3866 : vector<16xi32>
      %add3A_3868 = arith.constant 2048 : i32
      %add3A_3869 = arith.addi %add3A_3868, %add3A_3847 : i32
      %get3A_3870 = arith.index_cast %add3A_3869 : i32 to index
      %get3A_3871 = tpu.vector_load %arg8[%get3A_3870] {strides = array<i32>} : memref<8192xi32, #tpu.memory_space<vmem>>, vector<16xi32>,
      %broadcast_in_dim3A_3872 = arith.constant 24 : i32
      %broadcast_in_dim3A_3873 = vector.broadcast %broadcast_in_dim3A_3872 : i32 to vector<16xi32>
      %shift_right_logical3A_3874 = arith.shrui %get3A_3871, %broadcast_in_dim3A_3873 : vector<16xi32>
      %eq3A_3875 = arith.cmpi eq, %shift_right_logical3A_3874, %add3A_519 : vector<16xi32>
      %jit3A_3876 = arith.constant 1 : i32
      %jit3A_3877 = arith.constant 0 : i32
      %broadcast_in_dim3A_3878 = vector.broadcast %jit3A_3876 : i32 to vector<16xi32>
      %broadcast_in_dim3A_3879 = vector.broadcast %jit3A_3877 : i32 to vector<16xi32>
      %select_n3A_3880 = arith.select %eq3A_3875, %broadcast_in_dim3A_3878, %broadcast_in_dim3A_3879 : vector<16xi1>, vector<16xi32>
      %cumsum3A_3881 = arith.constant true
      %cumsum3A_3882 = vector.broadcast %cumsum3A_3881 : i1 to vector<16xi1>
      %cumsum3A_3883 = tpu.scan <sum>, %select_n3A_3880 masked %cumsum3A_3882 : vector<16xi32>, vector<16xi1> -> vector<16xi32>
      %sub3A_3884 = arith.subi %cumsum3A_3883, %select_n3A_3880 : vector<16xi32>
      %add3A_3885 = arith.constant 2048 : i32
      %add3A_3886 = vector.broadcast %add3A_3885 : i32 to vector<16xi32>
      %add3A_3887 = arith.addi %add3A_3886, %scan3A_3841 : vector<16xi32>
      %add3A_3888 = arith.addi %add3A_3887, %sub3A_3884 : vector<16xi32>
      tpu.vector_store_idx %arg9[%add3A_3888], %get3A_3871 masked %eq3A_3875 : memref<8192xi32, #tpu.memory_space<vmem>>[vector<16xi32>], vector<16xi32>, vector<16xi1>
      %all_reduce_population_count3A_3889 = tpu.all_reduce %eq3A_3875 {dim = 0 : i64, kind = #tpu.reduction_kind<sum>} : vector<16xi1> -> vector<16xi32>
      %add3A_3890 = arith.addi %scan3A_3841, %all_reduce_population_count3A_3889 : vector<16xi32>
      %add3A_3891 = arith.constant 4096 : i32
      %add3A_3892 = arith.addi %add3A_3891, %add3A_3847 : i32
      %get3A_3893 = arith.index_cast %add3A_3892 : i32 to index
      %get3A_3894 = tpu.vector_load %arg8[%get3A_3893] {strides = array<i32>} : memref<8192xi32, #tpu.memory_space<vmem>>, vector<16xi32>,
      %broadcast_in_dim3A_3895 = arith.constant 24 : i32
      %broadcast_in_dim3A_3896 = vector.broadcast %broadcast_in_dim3A_3895 : i32 to vector<16xi32>
      %shift_right_logical3A_3897 = arith.shrui %get3A_3894, %broadcast_in_dim3A_3896 : vector<16xi32>
      %eq3A_3898 = arith.cmpi eq, %shift_right_logical3A_3897, %add3A_749 : vector<16xi32>
      %jit3A_3899 = arith.constant 1 : i32
      %jit3A_3900 = arith.constant 0 : i32
      %broadcast_in_dim3A_3901 = vector.broadcast %jit3A_3899 : i32 to vector<16xi32>
      %broadcast_in_dim3A_3902 = vector.broadcast %jit3A_3900 : i32 to vector<16xi32>
      %select_n3A_3903 = arith.select %eq3A_3898, %broadcast_in_dim3A_3901, %broadcast_in_dim3A_3902 : vector<16xi1>, vector<16xi32>
      %cumsum3A_3904 = arith.constant true
      %cumsum3A_3905 = vector.broadcast %cumsum3A_3904 : i1 to vector<16xi1>
      %cumsum3A_3906 = tpu.scan <sum>, %select_n3A_3903 masked %cumsum3A_3905 : vector<16xi32>, vector<16xi1> -> vector<16xi32>
      %sub3A_3907 = arith.subi %cumsum3A_3906, %select_n3A_3903 : vector<16xi32>
      %add3A_3908 = arith.constant 4096 : i32
      %add3A_3909 = vector.broadcast %add3A_3908 : i32 to vector<16xi32>
      %add3A_3910 = arith.addi %add3A_3909, %scan3A_3842 : vector<16xi32>
      %add3A_3911 = arith.addi %add3A_3910, %sub3A_3907 : vector<16xi32>
      tpu.vector_store_idx %arg9[%add3A_3911], %get3A_3894 masked %eq3A_3898 : memref<8192xi32, #tpu.memory_space<vmem>>[vector<16xi32>], vector<16xi32>, vector<16xi1>
      %all_reduce_population_count3A_3912 = tpu.all_reduce %eq3A_3898 {dim = 0 : i64, kind = #tpu.reduction_kind<sum>} : vector<16xi1> -> vector<16xi32>
      %add3A_3913 = arith.addi %scan3A_3842, %all_reduce_population_count3A_3912 : vector<16xi32>
      %add3A_3914 = arith.constant 6144 : i32
      %add3A_3915 = arith.addi %add3A_3914, %add3A_3847 : i32
      %get3A_3916 = arith.index_cast %add3A_3915 : i32 to index
      %get3A_3917 = tpu.vector_load %arg8[%get3A_3916] {strides = array<i32>} : memref<8192xi32, #tpu.memory_space<vmem>>, vector<16xi32>,
      %broadcast_in_dim3A_3918 = arith.constant 24 : i32
      %broadcast_in_dim3A_3919 = vector.broadcast %broadcast_in_dim3A_3918 : i32 to vector<16xi32>
      %shift_right_logical3A_3920 = arith.shrui %get3A_3917, %broadcast_in_dim3A_3919 : vector<16xi32>
      %eq3A_3921 = arith.cmpi eq, %shift_right_logical3A_3920, %add3A_979 : vector<16xi32>
      %jit3A_3922 = arith.constant 1 : i32
      %jit3A_3923 = arith.constant 0 : i32
      %broadcast_in_dim3A_3924 = vector.broadcast %jit3A_3922 : i32 to vector<16xi32>
      %broadcast_in_dim3A_3925 = vector.broadcast %jit3A_3923 : i32 to vector<16xi32>
      %select_n3A_3926 = arith.select %eq3A_3921, %broadcast_in_dim3A_3924, %broadcast_in_dim3A_3925 : vector<16xi1>, vector<16xi32>
      %cumsum3A_3927 = arith.constant true
      %cumsum3A_3928 = vector.broadcast %cumsum3A_3927 : i1 to vector<16xi1>
      %cumsum3A_3929 = tpu.scan <sum>, %select_n3A_3926 masked %cumsum3A_3928 : vector<16xi32>, vector<16xi1> -> vector<16xi32>
      %sub3A_3930 = arith.subi %cumsum3A_3929, %select_n3A_3926 : vector<16xi32>
      %add3A_3931 = arith.constant 6144 : i32
      %add3A_3932 = vector.broadcast %add3A_3931 : i32 to vector<16xi32>
      %add3A_3933 = arith.addi %add3A_3932, %scan3A_3843 : vector<16xi32>
      %add3A_3934 = arith.addi %add3A_3933, %sub3A_3930 : vector<16xi32>
      tpu.vector_store_idx %arg9[%add3A_3934], %get3A_3917 masked %eq3A_3921 : memref<8192xi32, #tpu.memory_space<vmem>>[vector<16xi32>], vector<16xi32>, vector<16xi1>
      %all_reduce_population_count3A_3935 = tpu.all_reduce %eq3A_3921 {dim = 0 : i64, kind = #tpu.reduction_kind<sum>} : vector<16xi1> -> vector<16xi32>
      %add3A_3936 = arith.addi %scan3A_3843, %all_reduce_population_count3A_3935 : vector<16xi32>
      %mul3A_3937 = arith.constant 32 : i32
      %mul3A_3938 = arith.muli %scan3A_3839, %mul3A_3937 : i32
      %add3A_3939 = arith.constant 16 : i32
      %add3A_3940 = arith.addi %mul3A_3938, %add3A_3939 : i32
      %add3A_3941 = arith.constant 0 : i32
      %add3A_3942 = arith.addi %add3A_3941, %add3A_3940 : i32
      %get3A_3943 = arith.index_cast %add3A_3942 : i32 to index
      %get3A_3944 = tpu.vector_load %arg8[%get3A_3943] {strides = array<i32>} : memref<8192xi32, #tpu.memory_space<vmem>>, vector<16xi32>,
      %broadcast_in_dim3A_3945 = arith.constant 24 : i32
      %broadcast_in_dim3A_3946 = vector.broadcast %broadcast_in_dim3A_3945 : i32 to vector<16xi32>
      %shift_right_logical3A_3947 = arith.shrui %get3A_3944, %broadcast_in_dim3A_3946 : vector<16xi32>
      %eq3A_3948 = arith.cmpi eq, %shift_right_logical3A_3947, %add3A_290 : vector<16xi32>
      %jit3A_3949 = arith.constant 1 : i32
      %jit3A_3950 = arith.constant 0 : i32
      %broadcast_in_dim3A_3951 = vector.broadcast %jit3A_3949 : i32 to vector<16xi32>
      %broadcast_in_dim3A_3952 = vector.broadcast %jit3A_3950 : i32 to vector<16xi32>
      %select_n3A_3953 = arith.select %eq3A_3948, %broadcast_in_dim3A_3951, %broadcast_in_dim3A_3952 : vector<16xi1>, vector<16xi32>
      %cumsum3A_3954 = arith.constant true
      %cumsum3A_3955 = vector.broadcast %cumsum3A_3954 : i1 to vector<16xi1>
      %cumsum3A_3956 = tpu.scan <sum>, %select_n3A_3953 masked %cumsum3A_3955 : vector<16xi32>, vector<16xi1> -> vector<16xi32>
      %sub3A_3957 = arith.subi %cumsum3A_3956, %select_n3A_3953 : vector<16xi32>
      %add3A_3958 = arith.constant 0 : i32
      %add3A_3959 = vector.broadcast %add3A_3958 : i32 to vector<16xi32>
      %add3A_3960 = arith.addi %add3A_3959, %add3A_3867 : vector<16xi32>
      %add3A_3961 = arith.addi %add3A_3960, %sub3A_3957 : vector<16xi32>
      tpu.vector_store_idx %arg9[%add3A_3961], %get3A_3944 masked %eq3A_3948 : memref<8192xi32, #tpu.memory_space<vmem>>[vector<16xi32>], vector<16xi32>, vector<16xi1>
      %all_reduce_population_count3A_3962 = tpu.all_reduce %eq3A_3948 {dim = 0 : i64, kind = #tpu.reduction_kind<sum>} : vector<16xi1> -> vector<16xi32>
      %add3A_3963 = arith.addi %add3A_3867, %all_reduce_population_count3A_3962 : vector<16xi32>
      %add3A_3964 = arith.constant 2048 : i32
      %add3A_3965 = arith.addi %add3A_3964, %add3A_3940 : i32
      %get3A_3966 = arith.index_cast %add3A_3965 : i32 to index
      %get3A_3967 = tpu.vector_load %arg8[%get3A_3966] {strides = array<i32>} : memref<8192xi32, #tpu.memory_space<vmem>>, vector<16xi32>,
      %broadcast_in_dim3A_3968 = arith.constant 24 : i32
      %broadcast_in_dim3A_3969 = vector.broadcast %broadcast_in_dim3A_3968 : i32 to vector<16xi32>
      %shift_right_logical3A_3970 = arith.shrui %get3A_3967, %broadcast_in_dim3A_3969 : vector<16xi32>
      %eq3A_3971 = arith.cmpi eq, %shift_right_logical3A_3970, %add3A_519 : vector<16xi32>
      %jit3A_3972 = arith.constant 1 : i32
      %jit3A_3973 = arith.constant 0 : i32
      %broadcast_in_dim3A_3974 = vector.broadcast %jit3A_3972 : i32 to vector<16xi32>
      %broadcast_in_dim3A_3975 = vector.broadcast %jit3A_3973 : i32 to vector<16xi32>
      %select_n3A_3976 = arith.select %eq3A_3971, %broadcast_in_dim3A_3974, %broadcast_in_dim3A_3975 : vector<16xi1>, vector<16xi32>
      %cumsum3A_3977 = arith.constant true
      %cumsum3A_3978 = vector.broadcast %cumsum3A_3977 : i1 to vector<16xi1>
      %cumsum3A_3979 = tpu.scan <sum>, %select_n3A_3976 masked %cumsum3A_3978 : vector<16xi32>, vector<16xi1> -> vector<16xi32>
      %sub3A_3980 = arith.subi %cumsum3A_3979, %select_n3A_3976 : vector<16xi32>
      %add3A_3981 = arith.constant 2048 : i32
      %add3A_3982 = vector.broadcast %add3A_3981 : i32 to vector<16xi32>
      %add3A_3983 = arith.addi %add3A_3982, %add3A_3890 : vector<16xi32>
      %add3A_3984 = arith.addi %add3A_3983, %sub3A_3980 : vector<16xi32>
      tpu.vector_store_idx %arg9[%add3A_3984], %get3A_3967 masked %eq3A_3971 : memref<8192xi32, #tpu.memory_space<vmem>>[vector<16xi32>], vector<16xi32>, vector<16xi1>
      %all_reduce_population_count3A_3985 = tpu.all_reduce %eq3A_3971 {dim = 0 : i64, kind = #tpu.reduction_kind<sum>} : vector<16xi1> -> vector<16xi32>
      %add3A_3986 = arith.addi %add3A_3890, %all_reduce_population_count3A_3985 : vector<16xi32>
      %add3A_3987 = arith.constant 4096 : i32
      %add3A_3988 = arith.addi %add3A_3987, %add3A_3940 : i32
      %get3A_3989 = arith.index_cast %add3A_3988 : i32 to index
      %get3A_3990 = tpu.vector_load %arg8[%get3A_3989] {strides = array<i32>} : memref<8192xi32, #tpu.memory_space<vmem>>, vector<16xi32>,
      %broadcast_in_dim3A_3991 = arith.constant 24 : i32
      %broadcast_in_dim3A_3992 = vector.broadcast %broadcast_in_dim3A_3991 : i32 to vector<16xi32>
      %shift_right_logical3A_3993 = arith.shrui %get3A_3990, %broadcast_in_dim3A_3992 : vector<16xi32>
      %eq3A_3994 = arith.cmpi eq, %shift_right_logical3A_3993, %add3A_749 : vector<16xi32>
      %jit3A_3995 = arith.constant 1 : i32
      %jit3A_3996 = arith.constant 0 : i32
      %broadcast_in_dim3A_3997 = vector.broadcast %jit3A_3995 : i32 to vector<16xi32>
      %broadcast_in_dim3A_3998 = vector.broadcast %jit3A_3996 : i32 to vector<16xi32>
      %select_n3A_3999 = arith.select %eq3A_3994, %broadcast_in_dim3A_3997, %broadcast_in_dim3A_3998 : vector<16xi1>, vector<16xi32>
      %cumsum3A_4000 = arith.constant true
      %cumsum3A_4001 = vector.broadcast %cumsum3A_4000 : i1 to vector<16xi1>
      %cumsum3A_4002 = tpu.scan <sum>, %select_n3A_3999 masked %cumsum3A_4001 : vector<16xi32>, vector<16xi1> -> vector<16xi32>
      %sub3A_4003 = arith.subi %cumsum3A_4002, %select_n3A_3999 : vector<16xi32>
      %add3A_4004 = arith.constant 4096 : i32
      %add3A_4005 = vector.broadcast %add3A_4004 : i32 to vector<16xi32>
      %add3A_4006 = arith.addi %add3A_4005, %add3A_3913 : vector<16xi32>
      %add3A_4007 = arith.addi %add3A_4006, %sub3A_4003 : vector<16xi32>
      tpu.vector_store_idx %arg9[%add3A_4007], %get3A_3990 masked %eq3A_3994 : memref<8192xi32, #tpu.memory_space<vmem>>[vector<16xi32>], vector<16xi32>, vector<16xi1>
      %all_reduce_population_count3A_4008 = tpu.all_reduce %eq3A_3994 {dim = 0 : i64, kind = #tpu.reduction_kind<sum>} : vector<16xi1> -> vector<16xi32>
      %add3A_4009 = arith.addi %add3A_3913, %all_reduce_population_count3A_4008 : vector<16xi32>
      %add3A_4010 = arith.constant 6144 : i32
      %add3A_4011 = arith.addi %add3A_4010, %add3A_3940 : i32
      %get3A_4012 = arith.index_cast %add3A_4011 : i32 to index
      %get3A_4013 = tpu.vector_load %arg8[%get3A_4012] {strides = array<i32>} : memref<8192xi32, #tpu.memory_space<vmem>>, vector<16xi32>,
      %broadcast_in_dim3A_4014 = arith.constant 24 : i32
      %broadcast_in_dim3A_4015 = vector.broadcast %broadcast_in_dim3A_4014 : i32 to vector<16xi32>
      %shift_right_logical3A_4016 = arith.shrui %get3A_4013, %broadcast_in_dim3A_4015 : vector<16xi32>
      %eq3A_4017 = arith.cmpi eq, %shift_right_logical3A_4016, %add3A_979 : vector<16xi32>
      %jit3A_4018 = arith.constant 1 : i32
      %jit3A_4019 = arith.constant 0 : i32
      %broadcast_in_dim3A_4020 = vector.broadcast %jit3A_4018 : i32 to vector<16xi32>
      %broadcast_in_dim3A_4021 = vector.broadcast %jit3A_4019 : i32 to vector<16xi32>
      %select_n3A_4022 = arith.select %eq3A_4017, %broadcast_in_dim3A_4020, %broadcast_in_dim3A_4021 : vector<16xi1>, vector<16xi32>
      %cumsum3A_4023 = arith.constant true
      %cumsum3A_4024 = vector.broadcast %cumsum3A_4023 : i1 to vector<16xi1>
      %cumsum3A_4025 = tpu.scan <sum>, %select_n3A_4022 masked %cumsum3A_4024 : vector<16xi32>, vector<16xi1> -> vector<16xi32>
      %sub3A_4026 = arith.subi %cumsum3A_4025, %select_n3A_4022 : vector<16xi32>
      %add3A_4027 = arith.constant 6144 : i32
      %add3A_4028 = vector.broadcast %add3A_4027 : i32 to vector<16xi32>
      %add3A_4029 = arith.addi %add3A_4028, %add3A_3936 : vector<16xi32>
      %add3A_4030 = arith.addi %add3A_4029, %sub3A_4026 : vector<16xi32>
      tpu.vector_store_idx %arg9[%add3A_4030], %get3A_4013 masked %eq3A_4017 : memref<8192xi32, #tpu.memory_space<vmem>>[vector<16xi32>], vector<16xi32>, vector<16xi1>
      %all_reduce_population_count3A_4031 = tpu.all_reduce %eq3A_4017 {dim = 0 : i64, kind = #tpu.reduction_kind<sum>} : vector<16xi1> -> vector<16xi32>
      %add3A_4032 = arith.addi %add3A_3936, %all_reduce_population_count3A_4031 : vector<16xi32>
      scf.yield %add3A_3963, %add3A_3986, %add3A_4009, %add3A_4032 : vector<16xi32>, vector<16xi32>, vector<16xi32>, vector<16xi32>
    }
    %scan3A_992 = arith.constant 64 : i32
    %max3A = arith.maxsi %convert_element_type3A, %convert_element_type3A_526 : vector<16xi32>
    %max3A_993 = arith.maxsi %convert_element_type3A_756, %convert_element_type3A_986 : vector<16xi32>
    %max3A_994 = arith.maxsi %max3A, %max3A_993 : vector<16xi32>
    %add3A_995 = arith.constant 15 : i32
    %add3A_996 = vector.broadcast %add3A_995 : i32 to vector<16xi32>
    %add3A_997 = arith.addi %max3A_994, %add3A_996 : vector<16xi32>
    %broadcast_in_dim3A_998 = arith.constant 4 : i32
    %broadcast_in_dim3A_999 = vector.broadcast %broadcast_in_dim3A_998 : i32 to vector<16xi32>
    %shift_right_logical3A = arith.shrui %add3A_997, %broadcast_in_dim3A_999 : vector<16xi32>
    %reduce_max3A = arith.constant true
    %reduce_max3A_1000 = vector.broadcast %reduce_max3A : i1 to vector<16xi1>
    %reduce_max3A_1001 = arith.constant -2147483648 : i32
    %reduce_max3A_1002 = vector.broadcast %reduce_max3A_1001 : i32 to vector<16xi32>
    %reduce_max3A_1003 = arith.xori %shift_right_logical3A, %reduce_max3A_1002 : vector<16xi32>
    %reduce_max3A_1004 = tpu.scan <max>, %reduce_max3A_1003 masked %reduce_max3A_1000 : vector<16xi32>, vector<16xi1> -> vector<16xi32>
    %reduce_max3A_1005 = arith.xori %reduce_max3A_1004, %reduce_max3A_1002 : vector<16xi32>
    %reduce_max3A_1006 = vector.extract %reduce_max3A_1005[15] : i32 from vector<16xi32>
    %scan3A_1007 = arith.constant 0 : i32
    %scan3A_1008 = arith.constant 0 : i32
    %scan3A_1009 = arith.constant 16 : i32
    %scan3A_1010 = arith.addi %scan3A_1008, %scan3A_1009 : i32
    %scan3A_1011 = arith.constant 1 : i32
    scf.for %scan3A_3839 = %scan3A_1008 to %scan3A_1010 step %scan3A_1011  : i32 {
      %mul3A_3840 = arith.constant 4 : i32
      %mul3A_3841 = arith.muli %scan3A_3839, %mul3A_3840 : i32
      %add3A_3842 = arith.constant 0 : i32
      %add3A_3843 = arith.addi %mul3A_3841, %add3A_3842 : i32
      %mul3A_3844 = arith.constant 16 : i32
      %mul3A_3845 = arith.muli %add3A_3843, %mul3A_3844 : i32
      %swap3A_3846 = arith.index_cast %mul3A_3845 : i32 to index
      %swap3A_3847 = tpu.vector_load %arg10[%swap3A_3846] {strides = array<i32>} : memref<1024xf32, #tpu.memory_space<vmem>>, vector<16xf32>,
      tpu.vector_store %arg10[%swap3A_3846], %broadcast_in_dim3A_62 {strides = array<i32>} : memref<1024xf32, #tpu.memory_space<vmem>>, vector<16xf32>,
      %mul3A_3848 = arith.constant 4 : i32
      %mul3A_3849 = arith.muli %scan3A_3839, %mul3A_3848 : i32
      %add3A_3850 = arith.constant 1 : i32
      %add3A_3851 = arith.addi %mul3A_3849, %add3A_3850 : i32
      %mul3A_3852 = arith.constant 16 : i32
      %mul3A_3853 = arith.muli %add3A_3851, %mul3A_3852 : i32
      %swap3A_3854 = arith.index_cast %mul3A_3853 : i32 to index
      %swap3A_3855 = tpu.vector_load %arg10[%swap3A_3854] {strides = array<i32>} : memref<1024xf32, #tpu.memory_space<vmem>>, vector<16xf32>,
      tpu.vector_store %arg10[%swap3A_3854], %broadcast_in_dim3A_62 {strides = array<i32>} : memref<1024xf32, #tpu.memory_space<vmem>>, vector<16xf32>,
      %mul3A_3856 = arith.constant 4 : i32
      %mul3A_3857 = arith.muli %scan3A_3839, %mul3A_3856 : i32
      %add3A_3858 = arith.constant 2 : i32
      %add3A_3859 = arith.addi %mul3A_3857, %add3A_3858 : i32
      %mul3A_3860 = arith.constant 16 : i32
      %mul3A_3861 = arith.muli %add3A_3859, %mul3A_3860 : i32
      %swap3A_3862 = arith.index_cast %mul3A_3861 : i32 to index
      %swap3A_3863 = tpu.vector_load %arg10[%swap3A_3862] {strides = array<i32>} : memref<1024xf32, #tpu.memory_space<vmem>>, vector<16xf32>,
      tpu.vector_store %arg10[%swap3A_3862], %broadcast_in_dim3A_62 {strides = array<i32>} : memref<1024xf32, #tpu.memory_space<vmem>>, vector<16xf32>,
      %mul3A_3864 = arith.constant 4 : i32
      %mul3A_3865 = arith.muli %scan3A_3839, %mul3A_3864 : i32
      %add3A_3866 = arith.constant 3 : i32
      %add3A_3867 = arith.addi %mul3A_3865, %add3A_3866 : i32
      %mul3A_3868 = arith.constant 16 : i32
      %mul3A_3869 = arith.muli %add3A_3867, %mul3A_3868 : i32
      %swap3A_3870 = arith.index_cast %mul3A_3869 : i32 to index
      %swap3A_3871 = tpu.vector_load %arg10[%swap3A_3870] {strides = array<i32>} : memref<1024xf32, #tpu.memory_space<vmem>>, vector<16xf32>,
      tpu.vector_store %arg10[%swap3A_3870], %broadcast_in_dim3A_62 {strides = array<i32>} : memref<1024xf32, #tpu.memory_space<vmem>>, vector<16xf32>,
    }
    %scan3A_1012 = arith.constant 16 : i32
    %while3A = arith.constant 0 : i32
    %while3A_1013 = arith.constant 0 : i32
    %while3A_1014 = arith.subi %reduce_max3A_1006, %while3A_1013 : i32
    %while3A_1015 = arith.addi %while3A_1013, %while3A_1014 : i32
    %while3A_1016 = arith.constant 1 : i32
    %while3A_1017 = arith.divsi %while3A_1014, %while3A_1016 : i32
    %while3A_1018 = arith.muli %while3A_1017, %while3A_1016 : i32
    %while3A_1019 = arith.addi %while3A_1013, %while3A_1018 : i32
    %while3A_1020 = arith.constant 1 : i32
    scf.for %while3A_3839 = %while3A_1013 to %while3A_1019 step %while3A_1020  : i32 {
      %mul3A_3840 = arith.constant 16 : i32
      %mul3A_3841 = arith.muli %while3A_3839, %mul3A_3840 : i32
      %add3A_3842 = arith.constant 0 : i32
      %add3A_3843 = arith.addi %add3A_3842, %mul3A_3841 : i32
      %get3A = arith.index_cast %add3A_3843 : i32 to index
      %get3A_3844 = tpu.vector_load %arg9[%get3A] {strides = array<i32>} : memref<8192xi32, #tpu.memory_space<vmem>>, vector<16xi32>,
      %mul3A_3845 = arith.constant 16 : i32
      %mul3A_3846 = arith.muli %while3A_3839, %mul3A_3845 : i32
      %add3A_3847 = vector.broadcast %mul3A_3846 : i32 to vector<16xi32>
      %add3A_3848 = arith.addi %add3A_3847, %iota3A : vector<16xi32>
      %lt3A_3849 = arith.cmpi slt, %add3A_3848, %convert_element_type3A : vector<16xi32>
      %broadcast_in_dim3A_3850 = arith.constant 16 : i32
      %broadcast_in_dim3A_3851 = vector.broadcast %broadcast_in_dim3A_3850 : i32 to vector<16xi32>
      %shift_right_logical3A_3852 = arith.shrui %get3A_3844, %broadcast_in_dim3A_3851 : vector<16xi32>
      %and3A = arith.constant 255 : i32
      %and3A_3853 = vector.broadcast %and3A : i32 to vector<16xi32>
      %and3A_3854 = arith.andi %shift_right_logical3A_3852, %and3A_3853 : vector<16xi32>
      %add3A_3855 = arith.constant 0 : i32
      %add3A_3856 = vector.broadcast %add3A_3855 : i32 to vector<16xi32>
      %add3A_3857 = arith.addi %add3A_3856, %and3A_3854 : vector<16xi32>
      tpu.vector_store_idx %arg10[%add3A_3857], %broadcast_in_dim3A_60 masked %lt3A_3849 {add = true} : memref<1024xf32, #tpu.memory_space<vmem>>[vector<16xi32>], vector<16xf32>, vector<16xi1>
      %mul3A_3858 = arith.constant 16 : i32
      %mul3A_3859 = arith.muli %while3A_3839, %mul3A_3858 : i32
      %add3A_3860 = arith.constant 2048 : i32
      %add3A_3861 = arith.addi %add3A_3860, %mul3A_3859 : i32
      %get3A_3862 = arith.index_cast %add3A_3861 : i32 to index
      %get3A_3863 = tpu.vector_load %arg9[%get3A_3862] {strides = array<i32>} : memref<8192xi32, #tpu.memory_space<vmem>>, vector<16xi32>,
      %mul3A_3864 = arith.constant 16 : i32
      %mul3A_3865 = arith.muli %while3A_3839, %mul3A_3864 : i32
      %add3A_3866 = vector.broadcast %mul3A_3865 : i32 to vector<16xi32>
      %add3A_3867 = arith.addi %add3A_3866, %iota3A : vector<16xi32>
      %lt3A_3868 = arith.cmpi slt, %add3A_3867, %convert_element_type3A_526 : vector<16xi32>
      %broadcast_in_dim3A_3869 = arith.constant 16 : i32
      %broadcast_in_dim3A_3870 = vector.broadcast %broadcast_in_dim3A_3869 : i32 to vector<16xi32>
      %shift_right_logical3A_3871 = arith.shrui %get3A_3863, %broadcast_in_dim3A_3870 : vector<16xi32>
      %and3A_3872 = arith.constant 255 : i32
      %and3A_3873 = vector.broadcast %and3A_3872 : i32 to vector<16xi32>
      %and3A_3874 = arith.andi %shift_right_logical3A_3871, %and3A_3873 : vector<16xi32>
      %add3A_3875 = arith.constant 256 : i32
      %add3A_3876 = vector.broadcast %add3A_3875 : i32 to vector<16xi32>
      %add3A_3877 = arith.addi %add3A_3876, %and3A_3874 : vector<16xi32>
      tpu.vector_store_idx %arg10[%add3A_3877], %broadcast_in_dim3A_60 masked %lt3A_3868 {add = true} : memref<1024xf32, #tpu.memory_space<vmem>>[vector<16xi32>], vector<16xf32>, vector<16xi1>
      %mul3A_3878 = arith.constant 16 : i32
      %mul3A_3879 = arith.muli %while3A_3839, %mul3A_3878 : i32
      %add3A_3880 = arith.constant 4096 : i32
      %add3A_3881 = arith.addi %add3A_3880, %mul3A_3879 : i32
      %get3A_3882 = arith.index_cast %add3A_3881 : i32 to index
      %get3A_3883 = tpu.vector_load %arg9[%get3A_3882] {strides = array<i32>} : memref<8192xi32, #tpu.memory_space<vmem>>, vector<16xi32>,
      %mul3A_3884 = arith.constant 16 : i32
      %mul3A_3885 = arith.muli %while3A_3839, %mul3A_3884 : i32
      %add3A_3886 = vector.broadcast %mul3A_3885 : i32 to vector<16xi32>
      %add3A_3887 = arith.addi %add3A_3886, %iota3A : vector<16xi32>
      %lt3A_3888 = arith.cmpi slt, %add3A_3887, %convert_element_type3A_756 : vector<16xi32>
      %broadcast_in_dim3A_3889 = arith.constant 16 : i32
      %broadcast_in_dim3A_3890 = vector.broadcast %broadcast_in_dim3A_3889 : i32 to vector<16xi32>
      %shift_right_logical3A_3891 = arith.shrui %get3A_3883, %broadcast_in_dim3A_3890 : vector<16xi32>
      %and3A_3892 = arith.constant 255 : i32
      %and3A_3893 = vector.broadcast %and3A_3892 : i32 to vector<16xi32>
      %and3A_3894 = arith.andi %shift_right_logical3A_3891, %and3A_3893 : vector<16xi32>
      %add3A_3895 = arith.constant 512 : i32
      %add3A_3896 = vector.broadcast %add3A_3895 : i32 to vector<16xi32>
      %add3A_3897 = arith.addi %add3A_3896, %and3A_3894 : vector<16xi32>
      tpu.vector_store_idx %arg10[%add3A_3897], %broadcast_in_dim3A_60 masked %lt3A_3888 {add = true} : memref<1024xf32, #tpu.memory_space<vmem>>[vector<16xi32>], vector<16xf32>, vector<16xi1>
      %mul3A_3898 = arith.constant 16 : i32
      %mul3A_3899 = arith.muli %while3A_3839, %mul3A_3898 : i32
      %add3A_3900 = arith.constant 6144 : i32
      %add3A_3901 = arith.addi %add3A_3900, %mul3A_3899 : i32
      %get3A_3902 = arith.index_cast %add3A_3901 : i32 to index
      %get3A_3903 = tpu.vector_load %arg9[%get3A_3902] {strides = array<i32>} : memref<8192xi32, #tpu.memory_space<vmem>>, vector<16xi32>,
      %mul3A_3904 = arith.constant 16 : i32
      %mul3A_3905 = arith.muli %while3A_3839, %mul3A_3904 : i32
      %add3A_3906 = vector.broadcast %mul3A_3905 : i32 to vector<16xi32>
      %add3A_3907 = arith.addi %add3A_3906, %iota3A : vector<16xi32>
      %lt3A_3908 = arith.cmpi slt, %add3A_3907, %convert_element_type3A_986 : vector<16xi32>
      %broadcast_in_dim3A_3909 = arith.constant 16 : i32
      %broadcast_in_dim3A_3910 = vector.broadcast %broadcast_in_dim3A_3909 : i32 to vector<16xi32>
      %shift_right_logical3A_3911 = arith.shrui %get3A_3903, %broadcast_in_dim3A_3910 : vector<16xi32>
      %and3A_3912 = arith.constant 255 : i32
      %and3A_3913 = vector.broadcast %and3A_3912 : i32 to vector<16xi32>
      %and3A_3914 = arith.andi %shift_right_logical3A_3911, %and3A_3913 : vector<16xi32>
      %add3A_3915 = arith.constant 768 : i32
      %add3A_3916 = vector.broadcast %add3A_3915 : i32 to vector<16xi32>
      %add3A_3917 = arith.addi %add3A_3916, %and3A_3914 : vector<16xi32>
      tpu.vector_store_idx %arg10[%add3A_3917], %broadcast_in_dim3A_60 masked %lt3A_3908 {add = true} : memref<1024xf32, #tpu.memory_space<vmem>>[vector<16xi32>], vector<16xf32>, vector<16xi1>
    }
    %while3A_1021 = arith.constant 1 : i32
    scf.for %while3A_3839 = %while3A_1019 to %while3A_1015 step %while3A_1021  : i32 {
      %mul3A_3840 = arith.constant 16 : i32
      %mul3A_3841 = arith.muli %while3A_3839, %mul3A_3840 : i32
      %add3A_3842 = arith.constant 0 : i32
      %add3A_3843 = arith.addi %add3A_3842, %mul3A_3841 : i32
      %get3A = arith.index_cast %add3A_3843 : i32 to index
      %get3A_3844 = tpu.vector_load %arg9[%get3A] {strides = array<i32>} : memref<8192xi32, #tpu.memory_space<vmem>>, vector<16xi32>,
      %mul3A_3845 = arith.constant 16 : i32
      %mul3A_3846 = arith.muli %while3A_3839, %mul3A_3845 : i32
      %add3A_3847 = vector.broadcast %mul3A_3846 : i32 to vector<16xi32>
      %add3A_3848 = arith.addi %add3A_3847, %iota3A : vector<16xi32>
      %lt3A_3849 = arith.cmpi slt, %add3A_3848, %convert_element_type3A : vector<16xi32>
      %broadcast_in_dim3A_3850 = arith.constant 16 : i32
      %broadcast_in_dim3A_3851 = vector.broadcast %broadcast_in_dim3A_3850 : i32 to vector<16xi32>
      %shift_right_logical3A_3852 = arith.shrui %get3A_3844, %broadcast_in_dim3A_3851 : vector<16xi32>
      %and3A = arith.constant 255 : i32
      %and3A_3853 = vector.broadcast %and3A : i32 to vector<16xi32>
      %and3A_3854 = arith.andi %shift_right_logical3A_3852, %and3A_3853 : vector<16xi32>
      %add3A_3855 = arith.constant 0 : i32
      %add3A_3856 = vector.broadcast %add3A_3855 : i32 to vector<16xi32>
      %add3A_3857 = arith.addi %add3A_3856, %and3A_3854 : vector<16xi32>
      tpu.vector_store_idx %arg10[%add3A_3857], %broadcast_in_dim3A_60 masked %lt3A_3849 {add = true} : memref<1024xf32, #tpu.memory_space<vmem>>[vector<16xi32>], vector<16xf32>, vector<16xi1>
      %mul3A_3858 = arith.constant 16 : i32
      %mul3A_3859 = arith.muli %while3A_3839, %mul3A_3858 : i32
      %add3A_3860 = arith.constant 2048 : i32
      %add3A_3861 = arith.addi %add3A_3860, %mul3A_3859 : i32
      %get3A_3862 = arith.index_cast %add3A_3861 : i32 to index
      %get3A_3863 = tpu.vector_load %arg9[%get3A_3862] {strides = array<i32>} : memref<8192xi32, #tpu.memory_space<vmem>>, vector<16xi32>,
      %mul3A_3864 = arith.constant 16 : i32
      %mul3A_3865 = arith.muli %while3A_3839, %mul3A_3864 : i32
      %add3A_3866 = vector.broadcast %mul3A_3865 : i32 to vector<16xi32>
      %add3A_3867 = arith.addi %add3A_3866, %iota3A : vector<16xi32>
      %lt3A_3868 = arith.cmpi slt, %add3A_3867, %convert_element_type3A_526 : vector<16xi32>
      %broadcast_in_dim3A_3869 = arith.constant 16 : i32
      %broadcast_in_dim3A_3870 = vector.broadcast %broadcast_in_dim3A_3869 : i32 to vector<16xi32>
      %shift_right_logical3A_3871 = arith.shrui %get3A_3863, %broadcast_in_dim3A_3870 : vector<16xi32>
      %and3A_3872 = arith.constant 255 : i32
      %and3A_3873 = vector.broadcast %and3A_3872 : i32 to vector<16xi32>
      %and3A_3874 = arith.andi %shift_right_logical3A_3871, %and3A_3873 : vector<16xi32>
      %add3A_3875 = arith.constant 256 : i32
      %add3A_3876 = vector.broadcast %add3A_3875 : i32 to vector<16xi32>
      %add3A_3877 = arith.addi %add3A_3876, %and3A_3874 : vector<16xi32>
      tpu.vector_store_idx %arg10[%add3A_3877], %broadcast_in_dim3A_60 masked %lt3A_3868 {add = true} : memref<1024xf32, #tpu.memory_space<vmem>>[vector<16xi32>], vector<16xf32>, vector<16xi1>
      %mul3A_3878 = arith.constant 16 : i32
      %mul3A_3879 = arith.muli %while3A_3839, %mul3A_3878 : i32
      %add3A_3880 = arith.constant 4096 : i32
      %add3A_3881 = arith.addi %add3A_3880, %mul3A_3879 : i32
      %get3A_3882 = arith.index_cast %add3A_3881 : i32 to index
      %get3A_3883 = tpu.vector_load %arg9[%get3A_3882] {strides = array<i32>} : memref<8192xi32, #tpu.memory_space<vmem>>, vector<16xi32>,
      %mul3A_3884 = arith.constant 16 : i32
      %mul3A_3885 = arith.muli %while3A_3839, %mul3A_3884 : i32
      %add3A_3886 = vector.broadcast %mul3A_3885 : i32 to vector<16xi32>
      %add3A_3887 = arith.addi %add3A_3886, %iota3A : vector<16xi32>
      %lt3A_3888 = arith.cmpi slt, %add3A_3887, %convert_element_type3A_756 : vector<16xi32>
      %broadcast_in_dim3A_3889 = arith.constant 16 : i32
      %broadcast_in_dim3A_3890 = vector.broadcast %broadcast_in_dim3A_3889 : i32 to vector<16xi32>
      %shift_right_logical3A_3891 = arith.shrui %get3A_3883, %broadcast_in_dim3A_3890 : vector<16xi32>
      %and3A_3892 = arith.constant 255 : i32
      %and3A_3893 = vector.broadcast %and3A_3892 : i32 to vector<16xi32>
      %and3A_3894 = arith.andi %shift_right_logical3A_3891, %and3A_3893 : vector<16xi32>
      %add3A_3895 = arith.constant 512 : i32
      %add3A_3896 = vector.broadcast %add3A_3895 : i32 to vector<16xi32>
      %add3A_3897 = arith.addi %add3A_3896, %and3A_3894 : vector<16xi32>
      tpu.vector_store_idx %arg10[%add3A_3897], %broadcast_in_dim3A_60 masked %lt3A_3888 {add = true} : memref<1024xf32, #tpu.memory_space<vmem>>[vector<16xi32>], vector<16xf32>, vector<16xi1>
      %mul3A_3898 = arith.constant 16 : i32
      %mul3A_3899 = arith.muli %while3A_3839, %mul3A_3898 : i32
      %add3A_3900 = arith.constant 6144 : i32
      %add3A_3901 = arith.addi %add3A_3900, %mul3A_3899 : i32
      %get3A_3902 = arith.index_cast %add3A_3901 : i32 to index
      %get3A_3903 = tpu.vector_load %arg9[%get3A_3902] {strides = array<i32>} : memref<8192xi32, #tpu.memory_space<vmem>>, vector<16xi32>,
      %mul3A_3904 = arith.constant 16 : i32
      %mul3A_3905 = arith.muli %while3A_3839, %mul3A_3904 : i32
      %add3A_3906 = vector.broadcast %mul3A_3905 : i32 to vector<16xi32>
      %add3A_3907 = arith.addi %add3A_3906, %iota3A : vector<16xi32>
      %lt3A_3908 = arith.cmpi slt, %add3A_3907, %convert_element_type3A_986 : vector<16xi32>
      %broadcast_in_dim3A_3909 = arith.constant 16 : i32
      %broadcast_in_dim3A_3910 = vector.broadcast %broadcast_in_dim3A_3909 : i32 to vector<16xi32>
      %shift_right_logical3A_3911 = arith.shrui %get3A_3903, %broadcast_in_dim3A_3910 : vector<16xi32>
      %and3A_3912 = arith.constant 255 : i32
      %and3A_3913 = vector.broadcast %and3A_3912 : i32 to vector<16xi32>
      %and3A_3914 = arith.andi %shift_right_logical3A_3911, %and3A_3913 : vector<16xi32>
      %add3A_3915 = arith.constant 768 : i32
      %add3A_3916 = vector.broadcast %add3A_3915 : i32 to vector<16xi32>
      %add3A_3917 = arith.addi %add3A_3916, %and3A_3914 : vector<16xi32>
      tpu.vector_store_idx %arg10[%add3A_3917], %broadcast_in_dim3A_60 masked %lt3A_3908 {add = true} : memref<1024xf32, #tpu.memory_space<vmem>>[vector<16xi32>], vector<16xf32>, vector<16xi1>
    }
    %add3A_1022 = arith.constant 0 : i32
    %add3A_1023 = vector.broadcast %add3A_1022 : i32 to vector<16xi32>
    %add3A_1024 = arith.addi %add3A_1023, %mul3A_59 : vector<16xi32>
    %add3A_1025 = arith.constant 0 : i32
    %add3A_1026 = vector.broadcast %add3A_1025 : i32 to vector<16xi32>
    %add3A_1027 = arith.addi %add3A_1024, %add3A_1026 : vector<16xi32>
    %gather3A_1028 = tpu.vector_load_idx %arg10[%add3A_1027] : memref<1024xf32, #tpu.memory_space<vmem>>[vector<16xi32>], vector<16xf32>,
    %add3A_1029 = arith.addf %broadcast_in_dim3A_62, %gather3A_1028 : vector<16xf32>
    %add3A_1030 = arith.constant 0 : i32
    %add3A_1031 = vector.broadcast %add3A_1030 : i32 to vector<16xi32>
    %add3A_1032 = arith.addi %add3A_1031, %mul3A_59 : vector<16xi32>
    %add3A_1033 = arith.constant 1 : i32
    %add3A_1034 = vector.broadcast %add3A_1033 : i32 to vector<16xi32>
    %add3A_1035 = arith.addi %add3A_1032, %add3A_1034 : vector<16xi32>
    %gather3A_1036 = tpu.vector_load_idx %arg10[%add3A_1035] : memref<1024xf32, #tpu.memory_space<vmem>>[vector<16xi32>], vector<16xf32>,
    %add3A_1037 = arith.addf %add3A_1029, %gather3A_1036 : vector<16xf32>
    %add3A_1038 = arith.constant 0 : i32
    %add3A_1039 = vector.broadcast %add3A_1038 : i32 to vector<16xi32>
    %add3A_1040 = arith.addi %add3A_1039, %mul3A_59 : vector<16xi32>
    %add3A_1041 = arith.constant 2 : i32
    %add3A_1042 = vector.broadcast %add3A_1041 : i32 to vector<16xi32>
    %add3A_1043 = arith.addi %add3A_1040, %add3A_1042 : vector<16xi32>
    %gather3A_1044 = tpu.vector_load_idx %arg10[%add3A_1043] : memref<1024xf32, #tpu.memory_space<vmem>>[vector<16xi32>], vector<16xf32>,
    %add3A_1045 = arith.addf %add3A_1037, %gather3A_1044 : vector<16xf32>
    %add3A_1046 = arith.constant 0 : i32
    %add3A_1047 = vector.broadcast %add3A_1046 : i32 to vector<16xi32>
    %add3A_1048 = arith.addi %add3A_1047, %mul3A_59 : vector<16xi32>
    %add3A_1049 = arith.constant 3 : i32
    %add3A_1050 = vector.broadcast %add3A_1049 : i32 to vector<16xi32>
    %add3A_1051 = arith.addi %add3A_1048, %add3A_1050 : vector<16xi32>
    %gather3A_1052 = tpu.vector_load_idx %arg10[%add3A_1051] : memref<1024xf32, #tpu.memory_space<vmem>>[vector<16xi32>], vector<16xf32>,
    %add3A_1053 = arith.addf %add3A_1045, %gather3A_1052 : vector<16xf32>
    %add3A_1054 = arith.constant 0 : i32
    %add3A_1055 = vector.broadcast %add3A_1054 : i32 to vector<16xi32>
    %add3A_1056 = arith.addi %add3A_1055, %mul3A_59 : vector<16xi32>
    %add3A_1057 = arith.constant 4 : i32
    %add3A_1058 = vector.broadcast %add3A_1057 : i32 to vector<16xi32>
    %add3A_1059 = arith.addi %add3A_1056, %add3A_1058 : vector<16xi32>
    %gather3A_1060 = tpu.vector_load_idx %arg10[%add3A_1059] : memref<1024xf32, #tpu.memory_space<vmem>>[vector<16xi32>], vector<16xf32>,
    %add3A_1061 = arith.addf %add3A_1053, %gather3A_1060 : vector<16xf32>
    %add3A_1062 = arith.constant 0 : i32
    %add3A_1063 = vector.broadcast %add3A_1062 : i32 to vector<16xi32>
    %add3A_1064 = arith.addi %add3A_1063, %mul3A_59 : vector<16xi32>
    %add3A_1065 = arith.constant 5 : i32
    %add3A_1066 = vector.broadcast %add3A_1065 : i32 to vector<16xi32>
    %add3A_1067 = arith.addi %add3A_1064, %add3A_1066 : vector<16xi32>
    %gather3A_1068 = tpu.vector_load_idx %arg10[%add3A_1067] : memref<1024xf32, #tpu.memory_space<vmem>>[vector<16xi32>], vector<16xf32>,
    %add3A_1069 = arith.addf %add3A_1061, %gather3A_1068 : vector<16xf32>
    %add3A_1070 = arith.constant 0 : i32
    %add3A_1071 = vector.broadcast %add3A_1070 : i32 to vector<16xi32>
    %add3A_1072 = arith.addi %add3A_1071, %mul3A_59 : vector<16xi32>
    %add3A_1073 = arith.constant 6 : i32
    %add3A_1074 = vector.broadcast %add3A_1073 : i32 to vector<16xi32>
    %add3A_1075 = arith.addi %add3A_1072, %add3A_1074 : vector<16xi32>
    %gather3A_1076 = tpu.vector_load_idx %arg10[%add3A_1075] : memref<1024xf32, #tpu.memory_space<vmem>>[vector<16xi32>], vector<16xf32>,
    %add3A_1077 = arith.addf %add3A_1069, %gather3A_1076 : vector<16xf32>
    %add3A_1078 = arith.constant 0 : i32
    %add3A_1079 = vector.broadcast %add3A_1078 : i32 to vector<16xi32>
    %add3A_1080 = arith.addi %add3A_1079, %mul3A_59 : vector<16xi32>
    %add3A_1081 = arith.constant 7 : i32
    %add3A_1082 = vector.broadcast %add3A_1081 : i32 to vector<16xi32>
    %add3A_1083 = arith.addi %add3A_1080, %add3A_1082 : vector<16xi32>
    %gather3A_1084 = tpu.vector_load_idx %arg10[%add3A_1083] : memref<1024xf32, #tpu.memory_space<vmem>>[vector<16xi32>], vector<16xf32>,
    %add3A_1085 = arith.addf %add3A_1077, %gather3A_1084 : vector<16xf32>
    %add3A_1086 = arith.constant 0 : i32
    %add3A_1087 = vector.broadcast %add3A_1086 : i32 to vector<16xi32>
    %add3A_1088 = arith.addi %add3A_1087, %mul3A_59 : vector<16xi32>
    %add3A_1089 = arith.constant 8 : i32
    %add3A_1090 = vector.broadcast %add3A_1089 : i32 to vector<16xi32>
    %add3A_1091 = arith.addi %add3A_1088, %add3A_1090 : vector<16xi32>
    %gather3A_1092 = tpu.vector_load_idx %arg10[%add3A_1091] : memref<1024xf32, #tpu.memory_space<vmem>>[vector<16xi32>], vector<16xf32>,
    %add3A_1093 = arith.addf %add3A_1085, %gather3A_1092 : vector<16xf32>
    %add3A_1094 = arith.constant 0 : i32
    %add3A_1095 = vector.broadcast %add3A_1094 : i32 to vector<16xi32>
    %add3A_1096 = arith.addi %add3A_1095, %mul3A_59 : vector<16xi32>
    %add3A_1097 = arith.constant 9 : i32
    %add3A_1098 = vector.broadcast %add3A_1097 : i32 to vector<16xi32>
    %add3A_1099 = arith.addi %add3A_1096, %add3A_1098 : vector<16xi32>
    %gather3A_1100 = tpu.vector_load_idx %arg10[%add3A_1099] : memref<1024xf32, #tpu.memory_space<vmem>>[vector<16xi32>], vector<16xf32>,
    %add3A_1101 = arith.addf %add3A_1093, %gather3A_1100 : vector<16xf32>
    %add3A_1102 = arith.constant 0 : i32
    %add3A_1103 = vector.broadcast %add3A_1102 : i32 to vector<16xi32>
    %add3A_1104 = arith.addi %add3A_1103, %mul3A_59 : vector<16xi32>
    %add3A_1105 = arith.constant 10 : i32
    %add3A_1106 = vector.broadcast %add3A_1105 : i32 to vector<16xi32>
    %add3A_1107 = arith.addi %add3A_1104, %add3A_1106 : vector<16xi32>
    %gather3A_1108 = tpu.vector_load_idx %arg10[%add3A_1107] : memref<1024xf32, #tpu.memory_space<vmem>>[vector<16xi32>], vector<16xf32>,
    %add3A_1109 = arith.addf %add3A_1101, %gather3A_1108 : vector<16xf32>
    %add3A_1110 = arith.constant 0 : i32
    %add3A_1111 = vector.broadcast %add3A_1110 : i32 to vector<16xi32>
    %add3A_1112 = arith.addi %add3A_1111, %mul3A_59 : vector<16xi32>
    %add3A_1113 = arith.constant 11 : i32
    %add3A_1114 = vector.broadcast %add3A_1113 : i32 to vector<16xi32>
    %add3A_1115 = arith.addi %add3A_1112, %add3A_1114 : vector<16xi32>
    %gather3A_1116 = tpu.vector_load_idx %arg10[%add3A_1115] : memref<1024xf32, #tpu.memory_space<vmem>>[vector<16xi32>], vector<16xf32>,
    %add3A_1117 = arith.addf %add3A_1109, %gather3A_1116 : vector<16xf32>
    %add3A_1118 = arith.constant 0 : i32
    %add3A_1119 = vector.broadcast %add3A_1118 : i32 to vector<16xi32>
    %add3A_1120 = arith.addi %add3A_1119, %mul3A_59 : vector<16xi32>
    %add3A_1121 = arith.constant 12 : i32
    %add3A_1122 = vector.broadcast %add3A_1121 : i32 to vector<16xi32>
    %add3A_1123 = arith.addi %add3A_1120, %add3A_1122 : vector<16xi32>
    %gather3A_1124 = tpu.vector_load_idx %arg10[%add3A_1123] : memref<1024xf32, #tpu.memory_space<vmem>>[vector<16xi32>], vector<16xf32>,
    %add3A_1125 = arith.addf %add3A_1117, %gather3A_1124 : vector<16xf32>
    %add3A_1126 = arith.constant 0 : i32
    %add3A_1127 = vector.broadcast %add3A_1126 : i32 to vector<16xi32>
    %add3A_1128 = arith.addi %add3A_1127, %mul3A_59 : vector<16xi32>
    %add3A_1129 = arith.constant 13 : i32
    %add3A_1130 = vector.broadcast %add3A_1129 : i32 to vector<16xi32>
    %add3A_1131 = arith.addi %add3A_1128, %add3A_1130 : vector<16xi32>
    %gather3A_1132 = tpu.vector_load_idx %arg10[%add3A_1131] : memref<1024xf32, #tpu.memory_space<vmem>>[vector<16xi32>], vector<16xf32>,
    %add3A_1133 = arith.addf %add3A_1125, %gather3A_1132 : vector<16xf32>
    %add3A_1134 = arith.constant 0 : i32
    %add3A_1135 = vector.broadcast %add3A_1134 : i32 to vector<16xi32>
    %add3A_1136 = arith.addi %add3A_1135, %mul3A_59 : vector<16xi32>
    %add3A_1137 = arith.constant 14 : i32
    %add3A_1138 = vector.broadcast %add3A_1137 : i32 to vector<16xi32>
    %add3A_1139 = arith.addi %add3A_1136, %add3A_1138 : vector<16xi32>
    %gather3A_1140 = tpu.vector_load_idx %arg10[%add3A_1139] : memref<1024xf32, #tpu.memory_space<vmem>>[vector<16xi32>], vector<16xf32>,
    %add3A_1141 = arith.addf %add3A_1133, %gather3A_1140 : vector<16xf32>
    %add3A_1142 = arith.constant 0 : i32
    %add3A_1143 = vector.broadcast %add3A_1142 : i32 to vector<16xi32>
    %add3A_1144 = arith.addi %add3A_1143, %mul3A_59 : vector<16xi32>
    %add3A_1145 = arith.constant 15 : i32
    %add3A_1146 = vector.broadcast %add3A_1145 : i32 to vector<16xi32>
    %add3A_1147 = arith.addi %add3A_1144, %add3A_1146 : vector<16xi32>
    %gather3A_1148 = tpu.vector_load_idx %arg10[%add3A_1147] : memref<1024xf32, #tpu.memory_space<vmem>>[vector<16xi32>], vector<16xf32>,
    %add3A_1149 = arith.addf %add3A_1141, %gather3A_1148 : vector<16xf32>
    %rev3A_1150 = arith.constant 15 : i32
    %rev3A_1151 = vector.broadcast %rev3A_1150 : i32 to vector<16xi32>
    %rev3A_1152 = tpu.iota {dimensions = array<i32: 0>} : vector<16xi32>
    %rev3A_1153 = arith.subi %rev3A_1151, %rev3A_1152 : vector<16xi32>
    %rev3A_1154 = tpu.dynamic_gather %add3A_1149[%rev3A_1153] in [0] : vector<16xf32>, vector<16xi32> -> vector<16xf32>
    %cumsum3A_1155 = arith.constant true
    %cumsum3A_1156 = vector.broadcast %cumsum3A_1155 : i1 to vector<16xi1>
    %cumsum3A_1157 = tpu.scan <sum>, %rev3A_1154 masked %cumsum3A_1156 : vector<16xf32>, vector<16xi1> -> vector<16xf32>
    %rev3A_1158 = arith.constant 15 : i32
    %rev3A_1159 = vector.broadcast %rev3A_1158 : i32 to vector<16xi32>
    %rev3A_1160 = tpu.iota {dimensions = array<i32: 0>} : vector<16xi32>
    %rev3A_1161 = arith.subi %rev3A_1159, %rev3A_1160 : vector<16xi32>
    %rev3A_1162 = tpu.dynamic_gather %cumsum3A_1157[%rev3A_1161] in [0] : vector<16xf32>, vector<16xi32> -> vector<16xf32>
    %ge3A_1163 = arith.cmpf oge, %rev3A_1162, %sub3A_296 : vector<16xf32>
    %all_reduce_population_count3A_1164 = tpu.all_reduce %ge3A_1163 {dim = 0 : i64, kind = #tpu.reduction_kind<sum>} : vector<16xi1> -> vector<16xi32>
    %add3A_1165 = arith.addi %broadcast_in_dim3A_64, %all_reduce_population_count3A_1164 : vector<16xi32>
    %sub3A_1166 = arith.constant 1 : i32
    %sub3A_1167 = vector.broadcast %sub3A_1166 : i32 to vector<16xi32>
    %sub3A_1168 = arith.subi %add3A_1165, %sub3A_1167 : vector<16xi32>
    %lt3A_1169 = arith.constant 0 : i32
    %lt3A_1170 = vector.broadcast %lt3A_1169 : i32 to vector<16xi32>
    %lt3A_1171 = arith.cmpi slt, %sub3A_1168, %lt3A_1170 : vector<16xi32>
    %add3A_1172 = arith.constant 16 : i32
    %add3A_1173 = vector.broadcast %add3A_1172 : i32 to vector<16xi32>
    %add3A_1174 = arith.addi %sub3A_1168, %add3A_1173 : vector<16xi32>
    %select_n3A_1175 = arith.select %lt3A_1171, %add3A_1174, %sub3A_1168 : vector<16xi1>, vector<16xi32>
    %broadcast_in_dim3A_1176 = vector.shape_cast %select_n3A_1175 : vector<16xi32> to vector<16x1xi32>
    %gather3A_1177 = vector.shape_cast %broadcast_in_dim3A_1176 : vector<16x1xi32> to vector<16xi32>
    %gather3A_1178 = tpu.dynamic_gather %add3A_1149[%gather3A_1177] in [0] : vector<16xf32>, vector<16xi32> -> vector<16xf32>
    %lt3A_1179 = arith.constant 0 : i32
    %lt3A_1180 = vector.broadcast %lt3A_1179 : i32 to vector<16xi32>
    %lt3A_1181 = arith.cmpi slt, %sub3A_1168, %lt3A_1180 : vector<16xi32>
    %add3A_1182 = arith.constant 16 : i32
    %add3A_1183 = vector.broadcast %add3A_1182 : i32 to vector<16xi32>
    %add3A_1184 = arith.addi %sub3A_1168, %add3A_1183 : vector<16xi32>
    %select_n3A_1185 = arith.select %lt3A_1181, %add3A_1184, %sub3A_1168 : vector<16xi1>, vector<16xi32>
    %broadcast_in_dim3A_1186 = vector.shape_cast %select_n3A_1185 : vector<16xi32> to vector<16x1xi32>
    %gather3A_1187 = vector.shape_cast %broadcast_in_dim3A_1186 : vector<16x1xi32> to vector<16xi32>
    %gather3A_1188 = tpu.dynamic_gather %rev3A_1162[%gather3A_1187] in [0] : vector<16xf32>, vector<16xi32> -> vector<16xf32>
    %sub3A_1189 = arith.subf %gather3A_1188, %gather3A_1178 : vector<16xf32>
    %mul3A_1190 = arith.constant 16 : i32
    %mul3A_1191 = vector.broadcast %mul3A_1190 : i32 to vector<16xi32>
    %mul3A_1192 = arith.muli %sub3A_1168, %mul3A_1191 : vector<16xi32>
    %add3A_1193 = arith.constant 0 : i32
    %add3A_1194 = vector.broadcast %add3A_1193 : i32 to vector<16xi32>
    %add3A_1195 = arith.addi %add3A_1194, %mul3A_1192 : vector<16xi32>
    %add3A_1196 = arith.addi %add3A_1195, %iota3A : vector<16xi32>
    %gather3A_1197 = tpu.vector_load_idx %arg10[%add3A_1196] : memref<1024xf32, #tpu.memory_space<vmem>>[vector<16xi32>], vector<16xf32>,
    %rev3A_1198 = arith.constant 15 : i32
    %rev3A_1199 = vector.broadcast %rev3A_1198 : i32 to vector<16xi32>
    %rev3A_1200 = tpu.iota {dimensions = array<i32: 0>} : vector<16xi32>
    %rev3A_1201 = arith.subi %rev3A_1199, %rev3A_1200 : vector<16xi32>
    %rev3A_1202 = tpu.dynamic_gather %gather3A_1197[%rev3A_1201] in [0] : vector<16xf32>, vector<16xi32> -> vector<16xf32>
    %cumsum3A_1203 = arith.constant true
    %cumsum3A_1204 = vector.broadcast %cumsum3A_1203 : i1 to vector<16xi1>
    %cumsum3A_1205 = tpu.scan <sum>, %rev3A_1202 masked %cumsum3A_1204 : vector<16xf32>, vector<16xi1> -> vector<16xf32>
    %rev3A_1206 = arith.constant 15 : i32
    %rev3A_1207 = vector.broadcast %rev3A_1206 : i32 to vector<16xi32>
    %rev3A_1208 = tpu.iota {dimensions = array<i32: 0>} : vector<16xi32>
    %rev3A_1209 = arith.subi %rev3A_1207, %rev3A_1208 : vector<16xi32>
    %rev3A_1210 = tpu.dynamic_gather %cumsum3A_1205[%rev3A_1209] in [0] : vector<16xf32>, vector<16xi32> -> vector<16xf32>
    %add3A_1211 = arith.addf %sub3A_1189, %rev3A_1210 : vector<16xf32>
    %ge3A_1212 = arith.cmpf oge, %add3A_1211, %sub3A_296 : vector<16xf32>
    %all_reduce_population_count3A_1213 = tpu.all_reduce %ge3A_1212 {dim = 0 : i64, kind = #tpu.reduction_kind<sum>} : vector<16xi1> -> vector<16xi32>
    %add3A_1214 = arith.addi %broadcast_in_dim3A_64, %all_reduce_population_count3A_1213 : vector<16xi32>
    %sub3A_1215 = arith.constant 1 : i32
    %sub3A_1216 = vector.broadcast %sub3A_1215 : i32 to vector<16xi32>
    %sub3A_1217 = arith.subi %add3A_1214, %sub3A_1216 : vector<16xi32>
    %lt3A_1218 = arith.constant 0 : i32
    %lt3A_1219 = vector.broadcast %lt3A_1218 : i32 to vector<16xi32>
    %lt3A_1220 = arith.cmpi slt, %sub3A_1217, %lt3A_1219 : vector<16xi32>
    %add3A_1221 = arith.constant 16 : i32
    %add3A_1222 = vector.broadcast %add3A_1221 : i32 to vector<16xi32>
    %add3A_1223 = arith.addi %sub3A_1217, %add3A_1222 : vector<16xi32>
    %select_n3A_1224 = arith.select %lt3A_1220, %add3A_1223, %sub3A_1217 : vector<16xi1>, vector<16xi32>
    %broadcast_in_dim3A_1225 = vector.shape_cast %select_n3A_1224 : vector<16xi32> to vector<16x1xi32>
    %gather3A_1226 = vector.shape_cast %broadcast_in_dim3A_1225 : vector<16x1xi32> to vector<16xi32>
    %gather3A_1227 = tpu.dynamic_gather %rev3A_1210[%gather3A_1226] in [0] : vector<16xf32>, vector<16xi32> -> vector<16xf32>
    %lt3A_1228 = arith.constant 0 : i32
    %lt3A_1229 = vector.broadcast %lt3A_1228 : i32 to vector<16xi32>
    %lt3A_1230 = arith.cmpi slt, %sub3A_1217, %lt3A_1229 : vector<16xi32>
    %add3A_1231 = arith.constant 16 : i32
    %add3A_1232 = vector.broadcast %add3A_1231 : i32 to vector<16xi32>
    %add3A_1233 = arith.addi %sub3A_1217, %add3A_1232 : vector<16xi32>
    %select_n3A_1234 = arith.select %lt3A_1230, %add3A_1233, %sub3A_1217 : vector<16xi1>, vector<16xi32>
    %broadcast_in_dim3A_1235 = vector.shape_cast %select_n3A_1234 : vector<16xi32> to vector<16x1xi32>
    %gather3A_1236 = vector.shape_cast %broadcast_in_dim3A_1235 : vector<16x1xi32> to vector<16xi32>
    %gather3A_1237 = tpu.dynamic_gather %gather3A_1197[%gather3A_1236] in [0] : vector<16xf32>, vector<16xi32> -> vector<16xf32>
    %mul3A_1238 = arith.constant 16 : i32
    %mul3A_1239 = vector.broadcast %mul3A_1238 : i32 to vector<16xi32>
    %mul3A_1240 = arith.muli %sub3A_1168, %mul3A_1239 : vector<16xi32>
    %add3A_1241 = arith.addi %mul3A_1240, %sub3A_1217 : vector<16xi32>
    %add3A_1242 = arith.addf %sub3A_1189, %gather3A_1227 : vector<16xf32>
    %sub3A_1243 = arith.subf %add3A_1242, %gather3A_1237 : vector<16xf32>
    %sub3A_1244 = arith.subf %sub3A_296, %sub3A_1243 : vector<16xf32>
    %add3A_1245 = arith.constant 256 : i32
    %add3A_1246 = vector.broadcast %add3A_1245 : i32 to vector<16xi32>
    %add3A_1247 = arith.addi %add3A_1246, %mul3A_59 : vector<16xi32>
    %add3A_1248 = arith.constant 0 : i32
    %add3A_1249 = vector.broadcast %add3A_1248 : i32 to vector<16xi32>
    %add3A_1250 = arith.addi %add3A_1247, %add3A_1249 : vector<16xi32>
    %gather3A_1251 = tpu.vector_load_idx %arg10[%add3A_1250] : memref<1024xf32, #tpu.memory_space<vmem>>[vector<16xi32>], vector<16xf32>,
    %add3A_1252 = arith.addf %broadcast_in_dim3A_62, %gather3A_1251 : vector<16xf32>
    %add3A_1253 = arith.constant 256 : i32
    %add3A_1254 = vector.broadcast %add3A_1253 : i32 to vector<16xi32>
    %add3A_1255 = arith.addi %add3A_1254, %mul3A_59 : vector<16xi32>
    %add3A_1256 = arith.constant 1 : i32
    %add3A_1257 = vector.broadcast %add3A_1256 : i32 to vector<16xi32>
    %add3A_1258 = arith.addi %add3A_1255, %add3A_1257 : vector<16xi32>
    %gather3A_1259 = tpu.vector_load_idx %arg10[%add3A_1258] : memref<1024xf32, #tpu.memory_space<vmem>>[vector<16xi32>], vector<16xf32>,
    %add3A_1260 = arith.addf %add3A_1252, %gather3A_1259 : vector<16xf32>
    %add3A_1261 = arith.constant 256 : i32
    %add3A_1262 = vector.broadcast %add3A_1261 : i32 to vector<16xi32>
    %add3A_1263 = arith.addi %add3A_1262, %mul3A_59 : vector<16xi32>
    %add3A_1264 = arith.constant 2 : i32
    %add3A_1265 = vector.broadcast %add3A_1264 : i32 to vector<16xi32>
    %add3A_1266 = arith.addi %add3A_1263, %add3A_1265 : vector<16xi32>
    %gather3A_1267 = tpu.vector_load_idx %arg10[%add3A_1266] : memref<1024xf32, #tpu.memory_space<vmem>>[vector<16xi32>], vector<16xf32>,
    %add3A_1268 = arith.addf %add3A_1260, %gather3A_1267 : vector<16xf32>
    %add3A_1269 = arith.constant 256 : i32
    %add3A_1270 = vector.broadcast %add3A_1269 : i32 to vector<16xi32>
    %add3A_1271 = arith.addi %add3A_1270, %mul3A_59 : vector<16xi32>
    %add3A_1272 = arith.constant 3 : i32
    %add3A_1273 = vector.broadcast %add3A_1272 : i32 to vector<16xi32>
    %add3A_1274 = arith.addi %add3A_1271, %add3A_1273 : vector<16xi32>
    %gather3A_1275 = tpu.vector_load_idx %arg10[%add3A_1274] : memref<1024xf32, #tpu.memory_space<vmem>>[vector<16xi32>], vector<16xf32>,
    %add3A_1276 = arith.addf %add3A_1268, %gather3A_1275 : vector<16xf32>
    %add3A_1277 = arith.constant 256 : i32
    %add3A_1278 = vector.broadcast %add3A_1277 : i32 to vector<16xi32>
    %add3A_1279 = arith.addi %add3A_1278, %mul3A_59 : vector<16xi32>
    %add3A_1280 = arith.constant 4 : i32
    %add3A_1281 = vector.broadcast %add3A_1280 : i32 to vector<16xi32>
    %add3A_1282 = arith.addi %add3A_1279, %add3A_1281 : vector<16xi32>
    %gather3A_1283 = tpu.vector_load_idx %arg10[%add3A_1282] : memref<1024xf32, #tpu.memory_space<vmem>>[vector<16xi32>], vector<16xf32>,
    %add3A_1284 = arith.addf %add3A_1276, %gather3A_1283 : vector<16xf32>
    %add3A_1285 = arith.constant 256 : i32
    %add3A_1286 = vector.broadcast %add3A_1285 : i32 to vector<16xi32>
    %add3A_1287 = arith.addi %add3A_1286, %mul3A_59 : vector<16xi32>
    %add3A_1288 = arith.constant 5 : i32
    %add3A_1289 = vector.broadcast %add3A_1288 : i32 to vector<16xi32>
    %add3A_1290 = arith.addi %add3A_1287, %add3A_1289 : vector<16xi32>
    %gather3A_1291 = tpu.vector_load_idx %arg10[%add3A_1290] : memref<1024xf32, #tpu.memory_space<vmem>>[vector<16xi32>], vector<16xf32>,
    %add3A_1292 = arith.addf %add3A_1284, %gather3A_1291 : vector<16xf32>
    %add3A_1293 = arith.constant 256 : i32
    %add3A_1294 = vector.broadcast %add3A_1293 : i32 to vector<16xi32>
    %add3A_1295 = arith.addi %add3A_1294, %mul3A_59 : vector<16xi32>
    %add3A_1296 = arith.constant 6 : i32
    %add3A_1297 = vector.broadcast %add3A_1296 : i32 to vector<16xi32>
    %add3A_1298 = arith.addi %add3A_1295, %add3A_1297 : vector<16xi32>
    %gather3A_1299 = tpu.vector_load_idx %arg10[%add3A_1298] : memref<1024xf32, #tpu.memory_space<vmem>>[vector<16xi32>], vector<16xf32>,
    %add3A_1300 = arith.addf %add3A_1292, %gather3A_1299 : vector<16xf32>
    %add3A_1301 = arith.constant 256 : i32
    %add3A_1302 = vector.broadcast %add3A_1301 : i32 to vector<16xi32>
    %add3A_1303 = arith.addi %add3A_1302, %mul3A_59 : vector<16xi32>
    %add3A_1304 = arith.constant 7 : i32
    %add3A_1305 = vector.broadcast %add3A_1304 : i32 to vector<16xi32>
    %add3A_1306 = arith.addi %add3A_1303, %add3A_1305 : vector<16xi32>
    %gather3A_1307 = tpu.vector_load_idx %arg10[%add3A_1306] : memref<1024xf32, #tpu.memory_space<vmem>>[vector<16xi32>], vector<16xf32>,
    %add3A_1308 = arith.addf %add3A_1300, %gather3A_1307 : vector<16xf32>
    %add3A_1309 = arith.constant 256 : i32
    %add3A_1310 = vector.broadcast %add3A_1309 : i32 to vector<16xi32>
    %add3A_1311 = arith.addi %add3A_1310, %mul3A_59 : vector<16xi32>
    %add3A_1312 = arith.constant 8 : i32
    %add3A_1313 = vector.broadcast %add3A_1312 : i32 to vector<16xi32>
    %add3A_1314 = arith.addi %add3A_1311, %add3A_1313 : vector<16xi32>
    %gather3A_1315 = tpu.vector_load_idx %arg10[%add3A_1314] : memref<1024xf32, #tpu.memory_space<vmem>>[vector<16xi32>], vector<16xf32>,
    %add3A_1316 = arith.addf %add3A_1308, %gather3A_1315 : vector<16xf32>
    %add3A_1317 = arith.constant 256 : i32
    %add3A_1318 = vector.broadcast %add3A_1317 : i32 to vector<16xi32>
    %add3A_1319 = arith.addi %add3A_1318, %mul3A_59 : vector<16xi32>
    %add3A_1320 = arith.constant 9 : i32
    %add3A_1321 = vector.broadcast %add3A_1320 : i32 to vector<16xi32>
    %add3A_1322 = arith.addi %add3A_1319, %add3A_1321 : vector<16xi32>
    %gather3A_1323 = tpu.vector_load_idx %arg10[%add3A_1322] : memref<1024xf32, #tpu.memory_space<vmem>>[vector<16xi32>], vector<16xf32>,
    %add3A_1324 = arith.addf %add3A_1316, %gather3A_1323 : vector<16xf32>
    %add3A_1325 = arith.constant 256 : i32
    %add3A_1326 = vector.broadcast %add3A_1325 : i32 to vector<16xi32>
    %add3A_1327 = arith.addi %add3A_1326, %mul3A_59 : vector<16xi32>
    %add3A_1328 = arith.constant 10 : i32
    %add3A_1329 = vector.broadcast %add3A_1328 : i32 to vector<16xi32>
    %add3A_1330 = arith.addi %add3A_1327, %add3A_1329 : vector<16xi32>
    %gather3A_1331 = tpu.vector_load_idx %arg10[%add3A_1330] : memref<1024xf32, #tpu.memory_space<vmem>>[vector<16xi32>], vector<16xf32>,
    %add3A_1332 = arith.addf %add3A_1324, %gather3A_1331 : vector<16xf32>
    %add3A_1333 = arith.constant 256 : i32
    %add3A_1334 = vector.broadcast %add3A_1333 : i32 to vector<16xi32>
    %add3A_1335 = arith.addi %add3A_1334, %mul3A_59 : vector<16xi32>
    %add3A_1336 = arith.constant 11 : i32
    %add3A_1337 = vector.broadcast %add3A_1336 : i32 to vector<16xi32>
    %add3A_1338 = arith.addi %add3A_1335, %add3A_1337 : vector<16xi32>
    %gather3A_1339 = tpu.vector_load_idx %arg10[%add3A_1338] : memref<1024xf32, #tpu.memory_space<vmem>>[vector<16xi32>], vector<16xf32>,
    %add3A_1340 = arith.addf %add3A_1332, %gather3A_1339 : vector<16xf32>
    %add3A_1341 = arith.constant 256 : i32
    %add3A_1342 = vector.broadcast %add3A_1341 : i32 to vector<16xi32>
    %add3A_1343 = arith.addi %add3A_1342, %mul3A_59 : vector<16xi32>
    %add3A_1344 = arith.constant 12 : i32
    %add3A_1345 = vector.broadcast %add3A_1344 : i32 to vector<16xi32>
    %add3A_1346 = arith.addi %add3A_1343, %add3A_1345 : vector<16xi32>
    %gather3A_1347 = tpu.vector_load_idx %arg10[%add3A_1346] : memref<1024xf32, #tpu.memory_space<vmem>>[vector<16xi32>], vector<16xf32>,
    %add3A_1348 = arith.addf %add3A_1340, %gather3A_1347 : vector<16xf32>
    %add3A_1349 = arith.constant 256 : i32
    %add3A_1350 = vector.broadcast %add3A_1349 : i32 to vector<16xi32>
    %add3A_1351 = arith.addi %add3A_1350, %mul3A_59 : vector<16xi32>
    %add3A_1352 = arith.constant 13 : i32
    %add3A_1353 = vector.broadcast %add3A_1352 : i32 to vector<16xi32>
    %add3A_1354 = arith.addi %add3A_1351, %add3A_1353 : vector<16xi32>
    %gather3A_1355 = tpu.vector_load_idx %arg10[%add3A_1354] : memref<1024xf32, #tpu.memory_space<vmem>>[vector<16xi32>], vector<16xf32>,
    %add3A_1356 = arith.addf %add3A_1348, %gather3A_1355 : vector<16xf32>
    %add3A_1357 = arith.constant 256 : i32
    %add3A_1358 = vector.broadcast %add3A_1357 : i32 to vector<16xi32>
    %add3A_1359 = arith.addi %add3A_1358, %mul3A_59 : vector<16xi32>
    %add3A_1360 = arith.constant 14 : i32
    %add3A_1361 = vector.broadcast %add3A_1360 : i32 to vector<16xi32>
    %add3A_1362 = arith.addi %add3A_1359, %add3A_1361 : vector<16xi32>
    %gather3A_1363 = tpu.vector_load_idx %arg10[%add3A_1362] : memref<1024xf32, #tpu.memory_space<vmem>>[vector<16xi32>], vector<16xf32>,
    %add3A_1364 = arith.addf %add3A_1356, %gather3A_1363 : vector<16xf32>
    %add3A_1365 = arith.constant 256 : i32
    %add3A_1366 = vector.broadcast %add3A_1365 : i32 to vector<16xi32>
    %add3A_1367 = arith.addi %add3A_1366, %mul3A_59 : vector<16xi32>
    %add3A_1368 = arith.constant 15 : i32
    %add3A_1369 = vector.broadcast %add3A_1368 : i32 to vector<16xi32>
    %add3A_1370 = arith.addi %add3A_1367, %add3A_1369 : vector<16xi32>
    %gather3A_1371 = tpu.vector_load_idx %arg10[%add3A_1370] : memref<1024xf32, #tpu.memory_space<vmem>>[vector<16xi32>], vector<16xf32>,
    %add3A_1372 = arith.addf %add3A_1364, %gather3A_1371 : vector<16xf32>
    %rev3A_1373 = arith.constant 15 : i32
    %rev3A_1374 = vector.broadcast %rev3A_1373 : i32 to vector<16xi32>
    %rev3A_1375 = tpu.iota {dimensions = array<i32: 0>} : vector<16xi32>
    %rev3A_1376 = arith.subi %rev3A_1374, %rev3A_1375 : vector<16xi32>
    %rev3A_1377 = tpu.dynamic_gather %add3A_1372[%rev3A_1376] in [0] : vector<16xf32>, vector<16xi32> -> vector<16xf32>
    %cumsum3A_1378 = arith.constant true
    %cumsum3A_1379 = vector.broadcast %cumsum3A_1378 : i1 to vector<16xi1>
    %cumsum3A_1380 = tpu.scan <sum>, %rev3A_1377 masked %cumsum3A_1379 : vector<16xf32>, vector<16xi1> -> vector<16xf32>
    %rev3A_1381 = arith.constant 15 : i32
    %rev3A_1382 = vector.broadcast %rev3A_1381 : i32 to vector<16xi32>
    %rev3A_1383 = tpu.iota {dimensions = array<i32: 0>} : vector<16xi32>
    %rev3A_1384 = arith.subi %rev3A_1382, %rev3A_1383 : vector<16xi32>
    %rev3A_1385 = tpu.dynamic_gather %cumsum3A_1380[%rev3A_1384] in [0] : vector<16xf32>, vector<16xi32> -> vector<16xf32>
    %ge3A_1386 = arith.cmpf oge, %rev3A_1385, %sub3A_525 : vector<16xf32>
    %all_reduce_population_count3A_1387 = tpu.all_reduce %ge3A_1386 {dim = 0 : i64, kind = #tpu.reduction_kind<sum>} : vector<16xi1> -> vector<16xi32>
    %add3A_1388 = arith.addi %broadcast_in_dim3A_64, %all_reduce_population_count3A_1387 : vector<16xi32>
    %sub3A_1389 = arith.constant 1 : i32
    %sub3A_1390 = vector.broadcast %sub3A_1389 : i32 to vector<16xi32>
    %sub3A_1391 = arith.subi %add3A_1388, %sub3A_1390 : vector<16xi32>
    %lt3A_1392 = arith.constant 0 : i32
    %lt3A_1393 = vector.broadcast %lt3A_1392 : i32 to vector<16xi32>
    %lt3A_1394 = arith.cmpi slt, %sub3A_1391, %lt3A_1393 : vector<16xi32>
    %add3A_1395 = arith.constant 16 : i32
    %add3A_1396 = vector.broadcast %add3A_1395 : i32 to vector<16xi32>
    %add3A_1397 = arith.addi %sub3A_1391, %add3A_1396 : vector<16xi32>
    %select_n3A_1398 = arith.select %lt3A_1394, %add3A_1397, %sub3A_1391 : vector<16xi1>, vector<16xi32>
    %broadcast_in_dim3A_1399 = vector.shape_cast %select_n3A_1398 : vector<16xi32> to vector<16x1xi32>
    %gather3A_1400 = vector.shape_cast %broadcast_in_dim3A_1399 : vector<16x1xi32> to vector<16xi32>
    %gather3A_1401 = tpu.dynamic_gather %add3A_1372[%gather3A_1400] in [0] : vector<16xf32>, vector<16xi32> -> vector<16xf32>
    %lt3A_1402 = arith.constant 0 : i32
    %lt3A_1403 = vector.broadcast %lt3A_1402 : i32 to vector<16xi32>
    %lt3A_1404 = arith.cmpi slt, %sub3A_1391, %lt3A_1403 : vector<16xi32>
    %add3A_1405 = arith.constant 16 : i32
    %add3A_1406 = vector.broadcast %add3A_1405 : i32 to vector<16xi32>
    %add3A_1407 = arith.addi %sub3A_1391, %add3A_1406 : vector<16xi32>
    %select_n3A_1408 = arith.select %lt3A_1404, %add3A_1407, %sub3A_1391 : vector<16xi1>, vector<16xi32>
    %broadcast_in_dim3A_1409 = vector.shape_cast %select_n3A_1408 : vector<16xi32> to vector<16x1xi32>
    %gather3A_1410 = vector.shape_cast %broadcast_in_dim3A_1409 : vector<16x1xi32> to vector<16xi32>
    %gather3A_1411 = tpu.dynamic_gather %rev3A_1385[%gather3A_1410] in [0] : vector<16xf32>, vector<16xi32> -> vector<16xf32>
    %sub3A_1412 = arith.subf %gather3A_1411, %gather3A_1401 : vector<16xf32>
    %mul3A_1413 = arith.constant 16 : i32
    %mul3A_1414 = vector.broadcast %mul3A_1413 : i32 to vector<16xi32>
    %mul3A_1415 = arith.muli %sub3A_1391, %mul3A_1414 : vector<16xi32>
    %add3A_1416 = arith.constant 256 : i32
    %add3A_1417 = vector.broadcast %add3A_1416 : i32 to vector<16xi32>
    %add3A_1418 = arith.addi %add3A_1417, %mul3A_1415 : vector<16xi32>
    %add3A_1419 = arith.addi %add3A_1418, %iota3A : vector<16xi32>
    %gather3A_1420 = tpu.vector_load_idx %arg10[%add3A_1419] : memref<1024xf32, #tpu.memory_space<vmem>>[vector<16xi32>], vector<16xf32>,
    %rev3A_1421 = arith.constant 15 : i32
    %rev3A_1422 = vector.broadcast %rev3A_1421 : i32 to vector<16xi32>
    %rev3A_1423 = tpu.iota {dimensions = array<i32: 0>} : vector<16xi32>
    %rev3A_1424 = arith.subi %rev3A_1422, %rev3A_1423 : vector<16xi32>
    %rev3A_1425 = tpu.dynamic_gather %gather3A_1420[%rev3A_1424] in [0] : vector<16xf32>, vector<16xi32> -> vector<16xf32>
    %cumsum3A_1426 = arith.constant true
    %cumsum3A_1427 = vector.broadcast %cumsum3A_1426 : i1 to vector<16xi1>
    %cumsum3A_1428 = tpu.scan <sum>, %rev3A_1425 masked %cumsum3A_1427 : vector<16xf32>, vector<16xi1> -> vector<16xf32>
    %rev3A_1429 = arith.constant 15 : i32
    %rev3A_1430 = vector.broadcast %rev3A_1429 : i32 to vector<16xi32>
    %rev3A_1431 = tpu.iota {dimensions = array<i32: 0>} : vector<16xi32>
    %rev3A_1432 = arith.subi %rev3A_1430, %rev3A_1431 : vector<16xi32>
    %rev3A_1433 = tpu.dynamic_gather %cumsum3A_1428[%rev3A_1432] in [0] : vector<16xf32>, vector<16xi32> -> vector<16xf32>
    %add3A_1434 = arith.addf %sub3A_1412, %rev3A_1433 : vector<16xf32>
    %ge3A_1435 = arith.cmpf oge, %add3A_1434, %sub3A_525 : vector<16xf32>
    %all_reduce_population_count3A_1436 = tpu.all_reduce %ge3A_1435 {dim = 0 : i64, kind = #tpu.reduction_kind<sum>} : vector<16xi1> -> vector<16xi32>
    %add3A_1437 = arith.addi %broadcast_in_dim3A_64, %all_reduce_population_count3A_1436 : vector<16xi32>
    %sub3A_1438 = arith.constant 1 : i32
    %sub3A_1439 = vector.broadcast %sub3A_1438 : i32 to vector<16xi32>
    %sub3A_1440 = arith.subi %add3A_1437, %sub3A_1439 : vector<16xi32>
    %lt3A_1441 = arith.constant 0 : i32
    %lt3A_1442 = vector.broadcast %lt3A_1441 : i32 to vector<16xi32>
    %lt3A_1443 = arith.cmpi slt, %sub3A_1440, %lt3A_1442 : vector<16xi32>
    %add3A_1444 = arith.constant 16 : i32
    %add3A_1445 = vector.broadcast %add3A_1444 : i32 to vector<16xi32>
    %add3A_1446 = arith.addi %sub3A_1440, %add3A_1445 : vector<16xi32>
    %select_n3A_1447 = arith.select %lt3A_1443, %add3A_1446, %sub3A_1440 : vector<16xi1>, vector<16xi32>
    %broadcast_in_dim3A_1448 = vector.shape_cast %select_n3A_1447 : vector<16xi32> to vector<16x1xi32>
    %gather3A_1449 = vector.shape_cast %broadcast_in_dim3A_1448 : vector<16x1xi32> to vector<16xi32>
    %gather3A_1450 = tpu.dynamic_gather %rev3A_1433[%gather3A_1449] in [0] : vector<16xf32>, vector<16xi32> -> vector<16xf32>
    %lt3A_1451 = arith.constant 0 : i32
    %lt3A_1452 = vector.broadcast %lt3A_1451 : i32 to vector<16xi32>
    %lt3A_1453 = arith.cmpi slt, %sub3A_1440, %lt3A_1452 : vector<16xi32>
    %add3A_1454 = arith.constant 16 : i32
    %add3A_1455 = vector.broadcast %add3A_1454 : i32 to vector<16xi32>
    %add3A_1456 = arith.addi %sub3A_1440, %add3A_1455 : vector<16xi32>
    %select_n3A_1457 = arith.select %lt3A_1453, %add3A_1456, %sub3A_1440 : vector<16xi1>, vector<16xi32>
    %broadcast_in_dim3A_1458 = vector.shape_cast %select_n3A_1457 : vector<16xi32> to vector<16x1xi32>
    %gather3A_1459 = vector.shape_cast %broadcast_in_dim3A_1458 : vector<16x1xi32> to vector<16xi32>
    %gather3A_1460 = tpu.dynamic_gather %gather3A_1420[%gather3A_1459] in [0] : vector<16xf32>, vector<16xi32> -> vector<16xf32>
    %mul3A_1461 = arith.constant 16 : i32
    %mul3A_1462 = vector.broadcast %mul3A_1461 : i32 to vector<16xi32>
    %mul3A_1463 = arith.muli %sub3A_1391, %mul3A_1462 : vector<16xi32>
    %add3A_1464 = arith.addi %mul3A_1463, %sub3A_1440 : vector<16xi32>
    %add3A_1465 = arith.addf %sub3A_1412, %gather3A_1450 : vector<16xf32>
    %sub3A_1466 = arith.subf %add3A_1465, %gather3A_1460 : vector<16xf32>
    %sub3A_1467 = arith.subf %sub3A_525, %sub3A_1466 : vector<16xf32>
    %add3A_1468 = arith.constant 512 : i32
    %add3A_1469 = vector.broadcast %add3A_1468 : i32 to vector<16xi32>
    %add3A_1470 = arith.addi %add3A_1469, %mul3A_59 : vector<16xi32>
    %add3A_1471 = arith.constant 0 : i32
    %add3A_1472 = vector.broadcast %add3A_1471 : i32 to vector<16xi32>
    %add3A_1473 = arith.addi %add3A_1470, %add3A_1472 : vector<16xi32>
    %gather3A_1474 = tpu.vector_load_idx %arg10[%add3A_1473] : memref<1024xf32, #tpu.memory_space<vmem>>[vector<16xi32>], vector<16xf32>,
    %add3A_1475 = arith.addf %broadcast_in_dim3A_62, %gather3A_1474 : vector<16xf32>
    %add3A_1476 = arith.constant 512 : i32
    %add3A_1477 = vector.broadcast %add3A_1476 : i32 to vector<16xi32>
    %add3A_1478 = arith.addi %add3A_1477, %mul3A_59 : vector<16xi32>
    %add3A_1479 = arith.constant 1 : i32
    %add3A_1480 = vector.broadcast %add3A_1479 : i32 to vector<16xi32>
    %add3A_1481 = arith.addi %add3A_1478, %add3A_1480 : vector<16xi32>
    %gather3A_1482 = tpu.vector_load_idx %arg10[%add3A_1481] : memref<1024xf32, #tpu.memory_space<vmem>>[vector<16xi32>], vector<16xf32>,
    %add3A_1483 = arith.addf %add3A_1475, %gather3A_1482 : vector<16xf32>
    %add3A_1484 = arith.constant 512 : i32
    %add3A_1485 = vector.broadcast %add3A_1484 : i32 to vector<16xi32>
    %add3A_1486 = arith.addi %add3A_1485, %mul3A_59 : vector<16xi32>
    %add3A_1487 = arith.constant 2 : i32
    %add3A_1488 = vector.broadcast %add3A_1487 : i32 to vector<16xi32>
    %add3A_1489 = arith.addi %add3A_1486, %add3A_1488 : vector<16xi32>
    %gather3A_1490 = tpu.vector_load_idx %arg10[%add3A_1489] : memref<1024xf32, #tpu.memory_space<vmem>>[vector<16xi32>], vector<16xf32>,
    %add3A_1491 = arith.addf %add3A_1483, %gather3A_1490 : vector<16xf32>
    %add3A_1492 = arith.constant 512 : i32
    %add3A_1493 = vector.broadcast %add3A_1492 : i32 to vector<16xi32>
    %add3A_1494 = arith.addi %add3A_1493, %mul3A_59 : vector<16xi32>
    %add3A_1495 = arith.constant 3 : i32
    %add3A_1496 = vector.broadcast %add3A_1495 : i32 to vector<16xi32>
    %add3A_1497 = arith.addi %add3A_1494, %add3A_1496 : vector<16xi32>
    %gather3A_1498 = tpu.vector_load_idx %arg10[%add3A_1497] : memref<1024xf32, #tpu.memory_space<vmem>>[vector<16xi32>], vector<16xf32>,
    %add3A_1499 = arith.addf %add3A_1491, %gather3A_1498 : vector<16xf32>
    %add3A_1500 = arith.constant 512 : i32
    %add3A_1501 = vector.broadcast %add3A_1500 : i32 to vector<16xi32>
    %add3A_1502 = arith.addi %add3A_1501, %mul3A_59 : vector<16xi32>
    %add3A_1503 = arith.constant 4 : i32
    %add3A_1504 = vector.broadcast %add3A_1503 : i32 to vector<16xi32>
    %add3A_1505 = arith.addi %add3A_1502, %add3A_1504 : vector<16xi32>
    %gather3A_1506 = tpu.vector_load_idx %arg10[%add3A_1505] : memref<1024xf32, #tpu.memory_space<vmem>>[vector<16xi32>], vector<16xf32>,
    %add3A_1507 = arith.addf %add3A_1499, %gather3A_1506 : vector<16xf32>
    %add3A_1508 = arith.constant 512 : i32
    %add3A_1509 = vector.broadcast %add3A_1508 : i32 to vector<16xi32>
    %add3A_1510 = arith.addi %add3A_1509, %mul3A_59 : vector<16xi32>
    %add3A_1511 = arith.constant 5 : i32
    %add3A_1512 = vector.broadcast %add3A_1511 : i32 to vector<16xi32>
    %add3A_1513 = arith.addi %add3A_1510, %add3A_1512 : vector<16xi32>
    %gather3A_1514 = tpu.vector_load_idx %arg10[%add3A_1513] : memref<1024xf32, #tpu.memory_space<vmem>>[vector<16xi32>], vector<16xf32>,
    %add3A_1515 = arith.addf %add3A_1507, %gather3A_1514 : vector<16xf32>
    %add3A_1516 = arith.constant 512 : i32
    %add3A_1517 = vector.broadcast %add3A_1516 : i32 to vector<16xi32>
    %add3A_1518 = arith.addi %add3A_1517, %mul3A_59 : vector<16xi32>
    %add3A_1519 = arith.constant 6 : i32
    %add3A_1520 = vector.broadcast %add3A_1519 : i32 to vector<16xi32>
    %add3A_1521 = arith.addi %add3A_1518, %add3A_1520 : vector<16xi32>
    %gather3A_1522 = tpu.vector_load_idx %arg10[%add3A_1521] : memref<1024xf32, #tpu.memory_space<vmem>>[vector<16xi32>], vector<16xf32>,
    %add3A_1523 = arith.addf %add3A_1515, %gather3A_1522 : vector<16xf32>
    %add3A_1524 = arith.constant 512 : i32
    %add3A_1525 = vector.broadcast %add3A_1524 : i32 to vector<16xi32>
    %add3A_1526 = arith.addi %add3A_1525, %mul3A_59 : vector<16xi32>
    %add3A_1527 = arith.constant 7 : i32
    %add3A_1528 = vector.broadcast %add3A_1527 : i32 to vector<16xi32>
    %add3A_1529 = arith.addi %add3A_1526, %add3A_1528 : vector<16xi32>
    %gather3A_1530 = tpu.vector_load_idx %arg10[%add3A_1529] : memref<1024xf32, #tpu.memory_space<vmem>>[vector<16xi32>], vector<16xf32>,
    %add3A_1531 = arith.addf %add3A_1523, %gather3A_1530 : vector<16xf32>
    %add3A_1532 = arith.constant 512 : i32
    %add3A_1533 = vector.broadcast %add3A_1532 : i32 to vector<16xi32>
    %add3A_1534 = arith.addi %add3A_1533, %mul3A_59 : vector<16xi32>
    %add3A_1535 = arith.constant 8 : i32
    %add3A_1536 = vector.broadcast %add3A_1535 : i32 to vector<16xi32>
    %add3A_1537 = arith.addi %add3A_1534, %add3A_1536 : vector<16xi32>
    %gather3A_1538 = tpu.vector_load_idx %arg10[%add3A_1537] : memref<1024xf32, #tpu.memory_space<vmem>>[vector<16xi32>], vector<16xf32>,
    %add3A_1539 = arith.addf %add3A_1531, %gather3A_1538 : vector<16xf32>
    %add3A_1540 = arith.constant 512 : i32
    %add3A_1541 = vector.broadcast %add3A_1540 : i32 to vector<16xi32>
    %add3A_1542 = arith.addi %add3A_1541, %mul3A_59 : vector<16xi32>
    %add3A_1543 = arith.constant 9 : i32
    %add3A_1544 = vector.broadcast %add3A_1543 : i32 to vector<16xi32>
    %add3A_1545 = arith.addi %add3A_1542, %add3A_1544 : vector<16xi32>
    %gather3A_1546 = tpu.vector_load_idx %arg10[%add3A_1545] : memref<1024xf32, #tpu.memory_space<vmem>>[vector<16xi32>], vector<16xf32>,
    %add3A_1547 = arith.addf %add3A_1539, %gather3A_1546 : vector<16xf32>
    %add3A_1548 = arith.constant 512 : i32
    %add3A_1549 = vector.broadcast %add3A_1548 : i32 to vector<16xi32>
    %add3A_1550 = arith.addi %add3A_1549, %mul3A_59 : vector<16xi32>
    %add3A_1551 = arith.constant 10 : i32
    %add3A_1552 = vector.broadcast %add3A_1551 : i32 to vector<16xi32>
    %add3A_1553 = arith.addi %add3A_1550, %add3A_1552 : vector<16xi32>
    %gather3A_1554 = tpu.vector_load_idx %arg10[%add3A_1553] : memref<1024xf32, #tpu.memory_space<vmem>>[vector<16xi32>], vector<16xf32>,
    %add3A_1555 = arith.addf %add3A_1547, %gather3A_1554 : vector<16xf32>
    %add3A_1556 = arith.constant 512 : i32
    %add3A_1557 = vector.broadcast %add3A_1556 : i32 to vector<16xi32>
    %add3A_1558 = arith.addi %add3A_1557, %mul3A_59 : vector<16xi32>
    %add3A_1559 = arith.constant 11 : i32
    %add3A_1560 = vector.broadcast %add3A_1559 : i32 to vector<16xi32>
    %add3A_1561 = arith.addi %add3A_1558, %add3A_1560 : vector<16xi32>
    %gather3A_1562 = tpu.vector_load_idx %arg10[%add3A_1561] : memref<1024xf32, #tpu.memory_space<vmem>>[vector<16xi32>], vector<16xf32>,
    %add3A_1563 = arith.addf %add3A_1555, %gather3A_1562 : vector<16xf32>
    %add3A_1564 = arith.constant 512 : i32
    %add3A_1565 = vector.broadcast %add3A_1564 : i32 to vector<16xi32>
    %add3A_1566 = arith.addi %add3A_1565, %mul3A_59 : vector<16xi32>
    %add3A_1567 = arith.constant 12 : i32
    %add3A_1568 = vector.broadcast %add3A_1567 : i32 to vector<16xi32>
    %add3A_1569 = arith.addi %add3A_1566, %add3A_1568 : vector<16xi32>
    %gather3A_1570 = tpu.vector_load_idx %arg10[%add3A_1569] : memref<1024xf32, #tpu.memory_space<vmem>>[vector<16xi32>], vector<16xf32>,
    %add3A_1571 = arith.addf %add3A_1563, %gather3A_1570 : vector<16xf32>
    %add3A_1572 = arith.constant 512 : i32
    %add3A_1573 = vector.broadcast %add3A_1572 : i32 to vector<16xi32>
    %add3A_1574 = arith.addi %add3A_1573, %mul3A_59 : vector<16xi32>
    %add3A_1575 = arith.constant 13 : i32
    %add3A_1576 = vector.broadcast %add3A_1575 : i32 to vector<16xi32>
    %add3A_1577 = arith.addi %add3A_1574, %add3A_1576 : vector<16xi32>
    %gather3A_1578 = tpu.vector_load_idx %arg10[%add3A_1577] : memref<1024xf32, #tpu.memory_space<vmem>>[vector<16xi32>], vector<16xf32>,
    %add3A_1579 = arith.addf %add3A_1571, %gather3A_1578 : vector<16xf32>
    %add3A_1580 = arith.constant 512 : i32
    %add3A_1581 = vector.broadcast %add3A_1580 : i32 to vector<16xi32>
    %add3A_1582 = arith.addi %add3A_1581, %mul3A_59 : vector<16xi32>
    %add3A_1583 = arith.constant 14 : i32
    %add3A_1584 = vector.broadcast %add3A_1583 : i32 to vector<16xi32>
    %add3A_1585 = arith.addi %add3A_1582, %add3A_1584 : vector<16xi32>
    %gather3A_1586 = tpu.vector_load_idx %arg10[%add3A_1585] : memref<1024xf32, #tpu.memory_space<vmem>>[vector<16xi32>], vector<16xf32>,
    %add3A_1587 = arith.addf %add3A_1579, %gather3A_1586 : vector<16xf32>
    %add3A_1588 = arith.constant 512 : i32
    %add3A_1589 = vector.broadcast %add3A_1588 : i32 to vector<16xi32>
    %add3A_1590 = arith.addi %add3A_1589, %mul3A_59 : vector<16xi32>
    %add3A_1591 = arith.constant 15 : i32
    %add3A_1592 = vector.broadcast %add3A_1591 : i32 to vector<16xi32>
    %add3A_1593 = arith.addi %add3A_1590, %add3A_1592 : vector<16xi32>
    %gather3A_1594 = tpu.vector_load_idx %arg10[%add3A_1593] : memref<1024xf32, #tpu.memory_space<vmem>>[vector<16xi32>], vector<16xf32>,
    %add3A_1595 = arith.addf %add3A_1587, %gather3A_1594 : vector<16xf32>
    %rev3A_1596 = arith.constant 15 : i32
    %rev3A_1597 = vector.broadcast %rev3A_1596 : i32 to vector<16xi32>
    %rev3A_1598 = tpu.iota {dimensions = array<i32: 0>} : vector<16xi32>
    %rev3A_1599 = arith.subi %rev3A_1597, %rev3A_1598 : vector<16xi32>
    %rev3A_1600 = tpu.dynamic_gather %add3A_1595[%rev3A_1599] in [0] : vector<16xf32>, vector<16xi32> -> vector<16xf32>
    %cumsum3A_1601 = arith.constant true
    %cumsum3A_1602 = vector.broadcast %cumsum3A_1601 : i1 to vector<16xi1>
    %cumsum3A_1603 = tpu.scan <sum>, %rev3A_1600 masked %cumsum3A_1602 : vector<16xf32>, vector<16xi1> -> vector<16xf32>
    %rev3A_1604 = arith.constant 15 : i32
    %rev3A_1605 = vector.broadcast %rev3A_1604 : i32 to vector<16xi32>
    %rev3A_1606 = tpu.iota {dimensions = array<i32: 0>} : vector<16xi32>
    %rev3A_1607 = arith.subi %rev3A_1605, %rev3A_1606 : vector<16xi32>
    %rev3A_1608 = tpu.dynamic_gather %cumsum3A_1603[%rev3A_1607] in [0] : vector<16xf32>, vector<16xi32> -> vector<16xf32>
    %ge3A_1609 = arith.cmpf oge, %rev3A_1608, %sub3A_755 : vector<16xf32>
    %all_reduce_population_count3A_1610 = tpu.all_reduce %ge3A_1609 {dim = 0 : i64, kind = #tpu.reduction_kind<sum>} : vector<16xi1> -> vector<16xi32>
    %add3A_1611 = arith.addi %broadcast_in_dim3A_64, %all_reduce_population_count3A_1610 : vector<16xi32>
    %sub3A_1612 = arith.constant 1 : i32
    %sub3A_1613 = vector.broadcast %sub3A_1612 : i32 to vector<16xi32>
    %sub3A_1614 = arith.subi %add3A_1611, %sub3A_1613 : vector<16xi32>
    %lt3A_1615 = arith.constant 0 : i32
    %lt3A_1616 = vector.broadcast %lt3A_1615 : i32 to vector<16xi32>
    %lt3A_1617 = arith.cmpi slt, %sub3A_1614, %lt3A_1616 : vector<16xi32>
    %add3A_1618 = arith.constant 16 : i32
    %add3A_1619 = vector.broadcast %add3A_1618 : i32 to vector<16xi32>
    %add3A_1620 = arith.addi %sub3A_1614, %add3A_1619 : vector<16xi32>
    %select_n3A_1621 = arith.select %lt3A_1617, %add3A_1620, %sub3A_1614 : vector<16xi1>, vector<16xi32>
    %broadcast_in_dim3A_1622 = vector.shape_cast %select_n3A_1621 : vector<16xi32> to vector<16x1xi32>
    %gather3A_1623 = vector.shape_cast %broadcast_in_dim3A_1622 : vector<16x1xi32> to vector<16xi32>
    %gather3A_1624 = tpu.dynamic_gather %add3A_1595[%gather3A_1623] in [0] : vector<16xf32>, vector<16xi32> -> vector<16xf32>
    %lt3A_1625 = arith.constant 0 : i32
    %lt3A_1626 = vector.broadcast %lt3A_1625 : i32 to vector<16xi32>
    %lt3A_1627 = arith.cmpi slt, %sub3A_1614, %lt3A_1626 : vector<16xi32>
    %add3A_1628 = arith.constant 16 : i32
    %add3A_1629 = vector.broadcast %add3A_1628 : i32 to vector<16xi32>
    %add3A_1630 = arith.addi %sub3A_1614, %add3A_1629 : vector<16xi32>
    %select_n3A_1631 = arith.select %lt3A_1627, %add3A_1630, %sub3A_1614 : vector<16xi1>, vector<16xi32>
    %broadcast_in_dim3A_1632 = vector.shape_cast %select_n3A_1631 : vector<16xi32> to vector<16x1xi32>
    %gather3A_1633 = vector.shape_cast %broadcast_in_dim3A_1632 : vector<16x1xi32> to vector<16xi32>
    %gather3A_1634 = tpu.dynamic_gather %rev3A_1608[%gather3A_1633] in [0] : vector<16xf32>, vector<16xi32> -> vector<16xf32>
    %sub3A_1635 = arith.subf %gather3A_1634, %gather3A_1624 : vector<16xf32>
    %mul3A_1636 = arith.constant 16 : i32
    %mul3A_1637 = vector.broadcast %mul3A_1636 : i32 to vector<16xi32>
    %mul3A_1638 = arith.muli %sub3A_1614, %mul3A_1637 : vector<16xi32>
    %add3A_1639 = arith.constant 512 : i32
    %add3A_1640 = vector.broadcast %add3A_1639 : i32 to vector<16xi32>
    %add3A_1641 = arith.addi %add3A_1640, %mul3A_1638 : vector<16xi32>
    %add3A_1642 = arith.addi %add3A_1641, %iota3A : vector<16xi32>
    %gather3A_1643 = tpu.vector_load_idx %arg10[%add3A_1642] : memref<1024xf32, #tpu.memory_space<vmem>>[vector<16xi32>], vector<16xf32>,
    %rev3A_1644 = arith.constant 15 : i32
    %rev3A_1645 = vector.broadcast %rev3A_1644 : i32 to vector<16xi32>
    %rev3A_1646 = tpu.iota {dimensions = array<i32: 0>} : vector<16xi32>
    %rev3A_1647 = arith.subi %rev3A_1645, %rev3A_1646 : vector<16xi32>
    %rev3A_1648 = tpu.dynamic_gather %gather3A_1643[%rev3A_1647] in [0] : vector<16xf32>, vector<16xi32> -> vector<16xf32>
    %cumsum3A_1649 = arith.constant true
    %cumsum3A_1650 = vector.broadcast %cumsum3A_1649 : i1 to vector<16xi1>
    %cumsum3A_1651 = tpu.scan <sum>, %rev3A_1648 masked %cumsum3A_1650 : vector<16xf32>, vector<16xi1> -> vector<16xf32>
    %rev3A_1652 = arith.constant 15 : i32
    %rev3A_1653 = vector.broadcast %rev3A_1652 : i32 to vector<16xi32>
    %rev3A_1654 = tpu.iota {dimensions = array<i32: 0>} : vector<16xi32>
    %rev3A_1655 = arith.subi %rev3A_1653, %rev3A_1654 : vector<16xi32>
    %rev3A_1656 = tpu.dynamic_gather %cumsum3A_1651[%rev3A_1655] in [0] : vector<16xf32>, vector<16xi32> -> vector<16xf32>
    %add3A_1657 = arith.addf %sub3A_1635, %rev3A_1656 : vector<16xf32>
    %ge3A_1658 = arith.cmpf oge, %add3A_1657, %sub3A_755 : vector<16xf32>
    %all_reduce_population_count3A_1659 = tpu.all_reduce %ge3A_1658 {dim = 0 : i64, kind = #tpu.reduction_kind<sum>} : vector<16xi1> -> vector<16xi32>
    %add3A_1660 = arith.addi %broadcast_in_dim3A_64, %all_reduce_population_count3A_1659 : vector<16xi32>
    %sub3A_1661 = arith.constant 1 : i32
    %sub3A_1662 = vector.broadcast %sub3A_1661 : i32 to vector<16xi32>
    %sub3A_1663 = arith.subi %add3A_1660, %sub3A_1662 : vector<16xi32>
    %lt3A_1664 = arith.constant 0 : i32
    %lt3A_1665 = vector.broadcast %lt3A_1664 : i32 to vector<16xi32>
    %lt3A_1666 = arith.cmpi slt, %sub3A_1663, %lt3A_1665 : vector<16xi32>
    %add3A_1667 = arith.constant 16 : i32
    %add3A_1668 = vector.broadcast %add3A_1667 : i32 to vector<16xi32>
    %add3A_1669 = arith.addi %sub3A_1663, %add3A_1668 : vector<16xi32>
    %select_n3A_1670 = arith.select %lt3A_1666, %add3A_1669, %sub3A_1663 : vector<16xi1>, vector<16xi32>
    %broadcast_in_dim3A_1671 = vector.shape_cast %select_n3A_1670 : vector<16xi32> to vector<16x1xi32>
    %gather3A_1672 = vector.shape_cast %broadcast_in_dim3A_1671 : vector<16x1xi32> to vector<16xi32>
    %gather3A_1673 = tpu.dynamic_gather %rev3A_1656[%gather3A_1672] in [0] : vector<16xf32>, vector<16xi32> -> vector<16xf32>
    %lt3A_1674 = arith.constant 0 : i32
    %lt3A_1675 = vector.broadcast %lt3A_1674 : i32 to vector<16xi32>
    %lt3A_1676 = arith.cmpi slt, %sub3A_1663, %lt3A_1675 : vector<16xi32>
    %add3A_1677 = arith.constant 16 : i32
    %add3A_1678 = vector.broadcast %add3A_1677 : i32 to vector<16xi32>
    %add3A_1679 = arith.addi %sub3A_1663, %add3A_1678 : vector<16xi32>
    %select_n3A_1680 = arith.select %lt3A_1676, %add3A_1679, %sub3A_1663 : vector<16xi1>, vector<16xi32>
    %broadcast_in_dim3A_1681 = vector.shape_cast %select_n3A_1680 : vector<16xi32> to vector<16x1xi32>
    %gather3A_1682 = vector.shape_cast %broadcast_in_dim3A_1681 : vector<16x1xi32> to vector<16xi32>
    %gather3A_1683 = tpu.dynamic_gather %gather3A_1643[%gather3A_1682] in [0] : vector<16xf32>, vector<16xi32> -> vector<16xf32>
    %mul3A_1684 = arith.constant 16 : i32
    %mul3A_1685 = vector.broadcast %mul3A_1684 : i32 to vector<16xi32>
    %mul3A_1686 = arith.muli %sub3A_1614, %mul3A_1685 : vector<16xi32>
    %add3A_1687 = arith.addi %mul3A_1686, %sub3A_1663 : vector<16xi32>
    %add3A_1688 = arith.addf %sub3A_1635, %gather3A_1673 : vector<16xf32>
    %sub3A_1689 = arith.subf %add3A_1688, %gather3A_1683 : vector<16xf32>
    %sub3A_1690 = arith.subf %sub3A_755, %sub3A_1689 : vector<16xf32>
    %add3A_1691 = arith.constant 768 : i32
    %add3A_1692 = vector.broadcast %add3A_1691 : i32 to vector<16xi32>
    %add3A_1693 = arith.addi %add3A_1692, %mul3A_59 : vector<16xi32>
    %add3A_1694 = arith.constant 0 : i32
    %add3A_1695 = vector.broadcast %add3A_1694 : i32 to vector<16xi32>
    %add3A_1696 = arith.addi %add3A_1693, %add3A_1695 : vector<16xi32>
    %gather3A_1697 = tpu.vector_load_idx %arg10[%add3A_1696] : memref<1024xf32, #tpu.memory_space<vmem>>[vector<16xi32>], vector<16xf32>,
    %add3A_1698 = arith.addf %broadcast_in_dim3A_62, %gather3A_1697 : vector<16xf32>
    %add3A_1699 = arith.constant 768 : i32
    %add3A_1700 = vector.broadcast %add3A_1699 : i32 to vector<16xi32>
    %add3A_1701 = arith.addi %add3A_1700, %mul3A_59 : vector<16xi32>
    %add3A_1702 = arith.constant 1 : i32
    %add3A_1703 = vector.broadcast %add3A_1702 : i32 to vector<16xi32>
    %add3A_1704 = arith.addi %add3A_1701, %add3A_1703 : vector<16xi32>
    %gather3A_1705 = tpu.vector_load_idx %arg10[%add3A_1704] : memref<1024xf32, #tpu.memory_space<vmem>>[vector<16xi32>], vector<16xf32>,
    %add3A_1706 = arith.addf %add3A_1698, %gather3A_1705 : vector<16xf32>
    %add3A_1707 = arith.constant 768 : i32
    %add3A_1708 = vector.broadcast %add3A_1707 : i32 to vector<16xi32>
    %add3A_1709 = arith.addi %add3A_1708, %mul3A_59 : vector<16xi32>
    %add3A_1710 = arith.constant 2 : i32
    %add3A_1711 = vector.broadcast %add3A_1710 : i32 to vector<16xi32>
    %add3A_1712 = arith.addi %add3A_1709, %add3A_1711 : vector<16xi32>
    %gather3A_1713 = tpu.vector_load_idx %arg10[%add3A_1712] : memref<1024xf32, #tpu.memory_space<vmem>>[vector<16xi32>], vector<16xf32>,
    %add3A_1714 = arith.addf %add3A_1706, %gather3A_1713 : vector<16xf32>
    %add3A_1715 = arith.constant 768 : i32
    %add3A_1716 = vector.broadcast %add3A_1715 : i32 to vector<16xi32>
    %add3A_1717 = arith.addi %add3A_1716, %mul3A_59 : vector<16xi32>
    %add3A_1718 = arith.constant 3 : i32
    %add3A_1719 = vector.broadcast %add3A_1718 : i32 to vector<16xi32>
    %add3A_1720 = arith.addi %add3A_1717, %add3A_1719 : vector<16xi32>
    %gather3A_1721 = tpu.vector_load_idx %arg10[%add3A_1720] : memref<1024xf32, #tpu.memory_space<vmem>>[vector<16xi32>], vector<16xf32>,
    %add3A_1722 = arith.addf %add3A_1714, %gather3A_1721 : vector<16xf32>
    %add3A_1723 = arith.constant 768 : i32
    %add3A_1724 = vector.broadcast %add3A_1723 : i32 to vector<16xi32>
    %add3A_1725 = arith.addi %add3A_1724, %mul3A_59 : vector<16xi32>
    %add3A_1726 = arith.constant 4 : i32
    %add3A_1727 = vector.broadcast %add3A_1726 : i32 to vector<16xi32>
    %add3A_1728 = arith.addi %add3A_1725, %add3A_1727 : vector<16xi32>
    %gather3A_1729 = tpu.vector_load_idx %arg10[%add3A_1728] : memref<1024xf32, #tpu.memory_space<vmem>>[vector<16xi32>], vector<16xf32>,
    %add3A_1730 = arith.addf %add3A_1722, %gather3A_1729 : vector<16xf32>
    %add3A_1731 = arith.constant 768 : i32
    %add3A_1732 = vector.broadcast %add3A_1731 : i32 to vector<16xi32>
    %add3A_1733 = arith.addi %add3A_1732, %mul3A_59 : vector<16xi32>
    %add3A_1734 = arith.constant 5 : i32
    %add3A_1735 = vector.broadcast %add3A_1734 : i32 to vector<16xi32>
    %add3A_1736 = arith.addi %add3A_1733, %add3A_1735 : vector<16xi32>
    %gather3A_1737 = tpu.vector_load_idx %arg10[%add3A_1736] : memref<1024xf32, #tpu.memory_space<vmem>>[vector<16xi32>], vector<16xf32>,
    %add3A_1738 = arith.addf %add3A_1730, %gather3A_1737 : vector<16xf32>
    %add3A_1739 = arith.constant 768 : i32
    %add3A_1740 = vector.broadcast %add3A_1739 : i32 to vector<16xi32>
    %add3A_1741 = arith.addi %add3A_1740, %mul3A_59 : vector<16xi32>
    %add3A_1742 = arith.constant 6 : i32
    %add3A_1743 = vector.broadcast %add3A_1742 : i32 to vector<16xi32>
    %add3A_1744 = arith.addi %add3A_1741, %add3A_1743 : vector<16xi32>
    %gather3A_1745 = tpu.vector_load_idx %arg10[%add3A_1744] : memref<1024xf32, #tpu.memory_space<vmem>>[vector<16xi32>], vector<16xf32>,
    %add3A_1746 = arith.addf %add3A_1738, %gather3A_1745 : vector<16xf32>
    %add3A_1747 = arith.constant 768 : i32
    %add3A_1748 = vector.broadcast %add3A_1747 : i32 to vector<16xi32>
    %add3A_1749 = arith.addi %add3A_1748, %mul3A_59 : vector<16xi32>
    %add3A_1750 = arith.constant 7 : i32
    %add3A_1751 = vector.broadcast %add3A_1750 : i32 to vector<16xi32>
    %add3A_1752 = arith.addi %add3A_1749, %add3A_1751 : vector<16xi32>
    %gather3A_1753 = tpu.vector_load_idx %arg10[%add3A_1752] : memref<1024xf32, #tpu.memory_space<vmem>>[vector<16xi32>], vector<16xf32>,
    %add3A_1754 = arith.addf %add3A_1746, %gather3A_1753 : vector<16xf32>
    %add3A_1755 = arith.constant 768 : i32
    %add3A_1756 = vector.broadcast %add3A_1755 : i32 to vector<16xi32>
    %add3A_1757 = arith.addi %add3A_1756, %mul3A_59 : vector<16xi32>
    %add3A_1758 = arith.constant 8 : i32
    %add3A_1759 = vector.broadcast %add3A_1758 : i32 to vector<16xi32>
    %add3A_1760 = arith.addi %add3A_1757, %add3A_1759 : vector<16xi32>
    %gather3A_1761 = tpu.vector_load_idx %arg10[%add3A_1760] : memref<1024xf32, #tpu.memory_space<vmem>>[vector<16xi32>], vector<16xf32>,
    %add3A_1762 = arith.addf %add3A_1754, %gather3A_1761 : vector<16xf32>
    %add3A_1763 = arith.constant 768 : i32
    %add3A_1764 = vector.broadcast %add3A_1763 : i32 to vector<16xi32>
    %add3A_1765 = arith.addi %add3A_1764, %mul3A_59 : vector<16xi32>
    %add3A_1766 = arith.constant 9 : i32
    %add3A_1767 = vector.broadcast %add3A_1766 : i32 to vector<16xi32>
    %add3A_1768 = arith.addi %add3A_1765, %add3A_1767 : vector<16xi32>
    %gather3A_1769 = tpu.vector_load_idx %arg10[%add3A_1768] : memref<1024xf32, #tpu.memory_space<vmem>>[vector<16xi32>], vector<16xf32>,
    %add3A_1770 = arith.addf %add3A_1762, %gather3A_1769 : vector<16xf32>
    %add3A_1771 = arith.constant 768 : i32
    %add3A_1772 = vector.broadcast %add3A_1771 : i32 to vector<16xi32>
    %add3A_1773 = arith.addi %add3A_1772, %mul3A_59 : vector<16xi32>
    %add3A_1774 = arith.constant 10 : i32
    %add3A_1775 = vector.broadcast %add3A_1774 : i32 to vector<16xi32>
    %add3A_1776 = arith.addi %add3A_1773, %add3A_1775 : vector<16xi32>
    %gather3A_1777 = tpu.vector_load_idx %arg10[%add3A_1776] : memref<1024xf32, #tpu.memory_space<vmem>>[vector<16xi32>], vector<16xf32>,
    %add3A_1778 = arith.addf %add3A_1770, %gather3A_1777 : vector<16xf32>
    %add3A_1779 = arith.constant 768 : i32
    %add3A_1780 = vector.broadcast %add3A_1779 : i32 to vector<16xi32>
    %add3A_1781 = arith.addi %add3A_1780, %mul3A_59 : vector<16xi32>
    %add3A_1782 = arith.constant 11 : i32
    %add3A_1783 = vector.broadcast %add3A_1782 : i32 to vector<16xi32>
    %add3A_1784 = arith.addi %add3A_1781, %add3A_1783 : vector<16xi32>
    %gather3A_1785 = tpu.vector_load_idx %arg10[%add3A_1784] : memref<1024xf32, #tpu.memory_space<vmem>>[vector<16xi32>], vector<16xf32>,
    %add3A_1786 = arith.addf %add3A_1778, %gather3A_1785 : vector<16xf32>
    %add3A_1787 = arith.constant 768 : i32
    %add3A_1788 = vector.broadcast %add3A_1787 : i32 to vector<16xi32>
    %add3A_1789 = arith.addi %add3A_1788, %mul3A_59 : vector<16xi32>
    %add3A_1790 = arith.constant 12 : i32
    %add3A_1791 = vector.broadcast %add3A_1790 : i32 to vector<16xi32>
    %add3A_1792 = arith.addi %add3A_1789, %add3A_1791 : vector<16xi32>
    %gather3A_1793 = tpu.vector_load_idx %arg10[%add3A_1792] : memref<1024xf32, #tpu.memory_space<vmem>>[vector<16xi32>], vector<16xf32>,
    %add3A_1794 = arith.addf %add3A_1786, %gather3A_1793 : vector<16xf32>
    %add3A_1795 = arith.constant 768 : i32
    %add3A_1796 = vector.broadcast %add3A_1795 : i32 to vector<16xi32>
    %add3A_1797 = arith.addi %add3A_1796, %mul3A_59 : vector<16xi32>
    %add3A_1798 = arith.constant 13 : i32
    %add3A_1799 = vector.broadcast %add3A_1798 : i32 to vector<16xi32>
    %add3A_1800 = arith.addi %add3A_1797, %add3A_1799 : vector<16xi32>
    %gather3A_1801 = tpu.vector_load_idx %arg10[%add3A_1800] : memref<1024xf32, #tpu.memory_space<vmem>>[vector<16xi32>], vector<16xf32>,
    %add3A_1802 = arith.addf %add3A_1794, %gather3A_1801 : vector<16xf32>
    %add3A_1803 = arith.constant 768 : i32
    %add3A_1804 = vector.broadcast %add3A_1803 : i32 to vector<16xi32>
    %add3A_1805 = arith.addi %add3A_1804, %mul3A_59 : vector<16xi32>
    %add3A_1806 = arith.constant 14 : i32
    %add3A_1807 = vector.broadcast %add3A_1806 : i32 to vector<16xi32>
    %add3A_1808 = arith.addi %add3A_1805, %add3A_1807 : vector<16xi32>
    %gather3A_1809 = tpu.vector_load_idx %arg10[%add3A_1808] : memref<1024xf32, #tpu.memory_space<vmem>>[vector<16xi32>], vector<16xf32>,
    %add3A_1810 = arith.addf %add3A_1802, %gather3A_1809 : vector<16xf32>
    %add3A_1811 = arith.constant 768 : i32
    %add3A_1812 = vector.broadcast %add3A_1811 : i32 to vector<16xi32>
    %add3A_1813 = arith.addi %add3A_1812, %mul3A_59 : vector<16xi32>
    %add3A_1814 = arith.constant 15 : i32
    %add3A_1815 = vector.broadcast %add3A_1814 : i32 to vector<16xi32>
    %add3A_1816 = arith.addi %add3A_1813, %add3A_1815 : vector<16xi32>
    %gather3A_1817 = tpu.vector_load_idx %arg10[%add3A_1816] : memref<1024xf32, #tpu.memory_space<vmem>>[vector<16xi32>], vector<16xf32>,
    %add3A_1818 = arith.addf %add3A_1810, %gather3A_1817 : vector<16xf32>
    %rev3A_1819 = arith.constant 15 : i32
    %rev3A_1820 = vector.broadcast %rev3A_1819 : i32 to vector<16xi32>
    %rev3A_1821 = tpu.iota {dimensions = array<i32: 0>} : vector<16xi32>
    %rev3A_1822 = arith.subi %rev3A_1820, %rev3A_1821 : vector<16xi32>
    %rev3A_1823 = tpu.dynamic_gather %add3A_1818[%rev3A_1822] in [0] : vector<16xf32>, vector<16xi32> -> vector<16xf32>
    %cumsum3A_1824 = arith.constant true
    %cumsum3A_1825 = vector.broadcast %cumsum3A_1824 : i1 to vector<16xi1>
    %cumsum3A_1826 = tpu.scan <sum>, %rev3A_1823 masked %cumsum3A_1825 : vector<16xf32>, vector<16xi1> -> vector<16xf32>
    %rev3A_1827 = arith.constant 15 : i32
    %rev3A_1828 = vector.broadcast %rev3A_1827 : i32 to vector<16xi32>
    %rev3A_1829 = tpu.iota {dimensions = array<i32: 0>} : vector<16xi32>
    %rev3A_1830 = arith.subi %rev3A_1828, %rev3A_1829 : vector<16xi32>
    %rev3A_1831 = tpu.dynamic_gather %cumsum3A_1826[%rev3A_1830] in [0] : vector<16xf32>, vector<16xi32> -> vector<16xf32>
    %ge3A_1832 = arith.cmpf oge, %rev3A_1831, %sub3A_985 : vector<16xf32>
    %all_reduce_population_count3A_1833 = tpu.all_reduce %ge3A_1832 {dim = 0 : i64, kind = #tpu.reduction_kind<sum>} : vector<16xi1> -> vector<16xi32>
    %add3A_1834 = arith.addi %broadcast_in_dim3A_64, %all_reduce_population_count3A_1833 : vector<16xi32>
    %sub3A_1835 = arith.constant 1 : i32
    %sub3A_1836 = vector.broadcast %sub3A_1835 : i32 to vector<16xi32>
    %sub3A_1837 = arith.subi %add3A_1834, %sub3A_1836 : vector<16xi32>
    %lt3A_1838 = arith.constant 0 : i32
    %lt3A_1839 = vector.broadcast %lt3A_1838 : i32 to vector<16xi32>
    %lt3A_1840 = arith.cmpi slt, %sub3A_1837, %lt3A_1839 : vector<16xi32>
    %add3A_1841 = arith.constant 16 : i32
    %add3A_1842 = vector.broadcast %add3A_1841 : i32 to vector<16xi32>
    %add3A_1843 = arith.addi %sub3A_1837, %add3A_1842 : vector<16xi32>
    %select_n3A_1844 = arith.select %lt3A_1840, %add3A_1843, %sub3A_1837 : vector<16xi1>, vector<16xi32>
    %broadcast_in_dim3A_1845 = vector.shape_cast %select_n3A_1844 : vector<16xi32> to vector<16x1xi32>
    %gather3A_1846 = vector.shape_cast %broadcast_in_dim3A_1845 : vector<16x1xi32> to vector<16xi32>
    %gather3A_1847 = tpu.dynamic_gather %add3A_1818[%gather3A_1846] in [0] : vector<16xf32>, vector<16xi32> -> vector<16xf32>
    %lt3A_1848 = arith.constant 0 : i32
    %lt3A_1849 = vector.broadcast %lt3A_1848 : i32 to vector<16xi32>
    %lt3A_1850 = arith.cmpi slt, %sub3A_1837, %lt3A_1849 : vector<16xi32>
    %add3A_1851 = arith.constant 16 : i32
    %add3A_1852 = vector.broadcast %add3A_1851 : i32 to vector<16xi32>
    %add3A_1853 = arith.addi %sub3A_1837, %add3A_1852 : vector<16xi32>
    %select_n3A_1854 = arith.select %lt3A_1850, %add3A_1853, %sub3A_1837 : vector<16xi1>, vector<16xi32>
    %broadcast_in_dim3A_1855 = vector.shape_cast %select_n3A_1854 : vector<16xi32> to vector<16x1xi32>
    %gather3A_1856 = vector.shape_cast %broadcast_in_dim3A_1855 : vector<16x1xi32> to vector<16xi32>
    %gather3A_1857 = tpu.dynamic_gather %rev3A_1831[%gather3A_1856] in [0] : vector<16xf32>, vector<16xi32> -> vector<16xf32>
    %sub3A_1858 = arith.subf %gather3A_1857, %gather3A_1847 : vector<16xf32>
    %mul3A_1859 = arith.constant 16 : i32
    %mul3A_1860 = vector.broadcast %mul3A_1859 : i32 to vector<16xi32>
    %mul3A_1861 = arith.muli %sub3A_1837, %mul3A_1860 : vector<16xi32>
    %add3A_1862 = arith.constant 768 : i32
    %add3A_1863 = vector.broadcast %add3A_1862 : i32 to vector<16xi32>
    %add3A_1864 = arith.addi %add3A_1863, %mul3A_1861 : vector<16xi32>
    %add3A_1865 = arith.addi %add3A_1864, %iota3A : vector<16xi32>
    %gather3A_1866 = tpu.vector_load_idx %arg10[%add3A_1865] : memref<1024xf32, #tpu.memory_space<vmem>>[vector<16xi32>], vector<16xf32>,
    %rev3A_1867 = arith.constant 15 : i32
    %rev3A_1868 = vector.broadcast %rev3A_1867 : i32 to vector<16xi32>
    %rev3A_1869 = tpu.iota {dimensions = array<i32: 0>} : vector<16xi32>
    %rev3A_1870 = arith.subi %rev3A_1868, %rev3A_1869 : vector<16xi32>
    %rev3A_1871 = tpu.dynamic_gather %gather3A_1866[%rev3A_1870] in [0] : vector<16xf32>, vector<16xi32> -> vector<16xf32>
    %cumsum3A_1872 = arith.constant true
    %cumsum3A_1873 = vector.broadcast %cumsum3A_1872 : i1 to vector<16xi1>
    %cumsum3A_1874 = tpu.scan <sum>, %rev3A_1871 masked %cumsum3A_1873 : vector<16xf32>, vector<16xi1> -> vector<16xf32>
    %rev3A_1875 = arith.constant 15 : i32
    %rev3A_1876 = vector.broadcast %rev3A_1875 : i32 to vector<16xi32>
    %rev3A_1877 = tpu.iota {dimensions = array<i32: 0>} : vector<16xi32>
    %rev3A_1878 = arith.subi %rev3A_1876, %rev3A_1877 : vector<16xi32>
    %rev3A_1879 = tpu.dynamic_gather %cumsum3A_1874[%rev3A_1878] in [0] : vector<16xf32>, vector<16xi32> -> vector<16xf32>
    %add3A_1880 = arith.addf %sub3A_1858, %rev3A_1879 : vector<16xf32>
    %ge3A_1881 = arith.cmpf oge, %add3A_1880, %sub3A_985 : vector<16xf32>
    %all_reduce_population_count3A_1882 = tpu.all_reduce %ge3A_1881 {dim = 0 : i64, kind = #tpu.reduction_kind<sum>} : vector<16xi1> -> vector<16xi32>
    %add3A_1883 = arith.addi %broadcast_in_dim3A_64, %all_reduce_population_count3A_1882 : vector<16xi32>
    %sub3A_1884 = arith.constant 1 : i32
    %sub3A_1885 = vector.broadcast %sub3A_1884 : i32 to vector<16xi32>
    %sub3A_1886 = arith.subi %add3A_1883, %sub3A_1885 : vector<16xi32>
    %lt3A_1887 = arith.constant 0 : i32
    %lt3A_1888 = vector.broadcast %lt3A_1887 : i32 to vector<16xi32>
    %lt3A_1889 = arith.cmpi slt, %sub3A_1886, %lt3A_1888 : vector<16xi32>
    %add3A_1890 = arith.constant 16 : i32
    %add3A_1891 = vector.broadcast %add3A_1890 : i32 to vector<16xi32>
    %add3A_1892 = arith.addi %sub3A_1886, %add3A_1891 : vector<16xi32>
    %select_n3A_1893 = arith.select %lt3A_1889, %add3A_1892, %sub3A_1886 : vector<16xi1>, vector<16xi32>
    %broadcast_in_dim3A_1894 = vector.shape_cast %select_n3A_1893 : vector<16xi32> to vector<16x1xi32>
    %gather3A_1895 = vector.shape_cast %broadcast_in_dim3A_1894 : vector<16x1xi32> to vector<16xi32>
    %gather3A_1896 = tpu.dynamic_gather %rev3A_1879[%gather3A_1895] in [0] : vector<16xf32>, vector<16xi32> -> vector<16xf32>
    %lt3A_1897 = arith.constant 0 : i32
    %lt3A_1898 = vector.broadcast %lt3A_1897 : i32 to vector<16xi32>
    %lt3A_1899 = arith.cmpi slt, %sub3A_1886, %lt3A_1898 : vector<16xi32>
    %add3A_1900 = arith.constant 16 : i32
    %add3A_1901 = vector.broadcast %add3A_1900 : i32 to vector<16xi32>
    %add3A_1902 = arith.addi %sub3A_1886, %add3A_1901 : vector<16xi32>
    %select_n3A_1903 = arith.select %lt3A_1899, %add3A_1902, %sub3A_1886 : vector<16xi1>, vector<16xi32>
    %broadcast_in_dim3A_1904 = vector.shape_cast %select_n3A_1903 : vector<16xi32> to vector<16x1xi32>
    %gather3A_1905 = vector.shape_cast %broadcast_in_dim3A_1904 : vector<16x1xi32> to vector<16xi32>
    %gather3A_1906 = tpu.dynamic_gather %gather3A_1866[%gather3A_1905] in [0] : vector<16xf32>, vector<16xi32> -> vector<16xf32>
    %mul3A_1907 = arith.constant 16 : i32
    %mul3A_1908 = vector.broadcast %mul3A_1907 : i32 to vector<16xi32>
    %mul3A_1909 = arith.muli %sub3A_1837, %mul3A_1908 : vector<16xi32>
    %add3A_1910 = arith.addi %mul3A_1909, %sub3A_1886 : vector<16xi32>
    %add3A_1911 = arith.addf %sub3A_1858, %gather3A_1896 : vector<16xf32>
    %sub3A_1912 = arith.subf %add3A_1911, %gather3A_1906 : vector<16xf32>
    %sub3A_1913 = arith.subf %sub3A_985, %sub3A_1912 : vector<16xf32>
    %scan3A_1914 = arith.constant 0 : i32
    %scan3A_1915 = arith.constant 0 : i32
    %scan3A_1916 = arith.constant 16 : i32
    %scan3A_1917 = arith.addi %scan3A_1915, %scan3A_1916 : i32
    %scan3A_1918 = arith.constant 1 : i32
    scf.for %scan3A_3839 = %scan3A_1915 to %scan3A_1917 step %scan3A_1918  : i32 {
      %mul3A_3840 = arith.constant 4 : i32
      %mul3A_3841 = arith.muli %scan3A_3839, %mul3A_3840 : i32
      %add3A_3842 = arith.constant 0 : i32
      %add3A_3843 = arith.addi %mul3A_3841, %add3A_3842 : i32
      %mul3A_3844 = arith.constant 16 : i32
      %mul3A_3845 = arith.muli %add3A_3843, %mul3A_3844 : i32
      %swap3A_3846 = arith.index_cast %mul3A_3845 : i32 to index
      %swap3A_3847 = tpu.vector_load %arg10[%swap3A_3846] {strides = array<i32>} : memref<1024xf32, #tpu.memory_space<vmem>>, vector<16xf32>,
      tpu.vector_store %arg10[%swap3A_3846], %broadcast_in_dim3A_62 {strides = array<i32>} : memref<1024xf32, #tpu.memory_space<vmem>>, vector<16xf32>,
      %mul3A_3848 = arith.constant 4 : i32
      %mul3A_3849 = arith.muli %scan3A_3839, %mul3A_3848 : i32
      %add3A_3850 = arith.constant 1 : i32
      %add3A_3851 = arith.addi %mul3A_3849, %add3A_3850 : i32
      %mul3A_3852 = arith.constant 16 : i32
      %mul3A_3853 = arith.muli %add3A_3851, %mul3A_3852 : i32
      %swap3A_3854 = arith.index_cast %mul3A_3853 : i32 to index
      %swap3A_3855 = tpu.vector_load %arg10[%swap3A_3854] {strides = array<i32>} : memref<1024xf32, #tpu.memory_space<vmem>>, vector<16xf32>,
      tpu.vector_store %arg10[%swap3A_3854], %broadcast_in_dim3A_62 {strides = array<i32>} : memref<1024xf32, #tpu.memory_space<vmem>>, vector<16xf32>,
      %mul3A_3856 = arith.constant 4 : i32
      %mul3A_3857 = arith.muli %scan3A_3839, %mul3A_3856 : i32
      %add3A_3858 = arith.constant 2 : i32
      %add3A_3859 = arith.addi %mul3A_3857, %add3A_3858 : i32
      %mul3A_3860 = arith.constant 16 : i32
      %mul3A_3861 = arith.muli %add3A_3859, %mul3A_3860 : i32
      %swap3A_3862 = arith.index_cast %mul3A_3861 : i32 to index
      %swap3A_3863 = tpu.vector_load %arg10[%swap3A_3862] {strides = array<i32>} : memref<1024xf32, #tpu.memory_space<vmem>>, vector<16xf32>,
      tpu.vector_store %arg10[%swap3A_3862], %broadcast_in_dim3A_62 {strides = array<i32>} : memref<1024xf32, #tpu.memory_space<vmem>>, vector<16xf32>,
      %mul3A_3864 = arith.constant 4 : i32
      %mul3A_3865 = arith.muli %scan3A_3839, %mul3A_3864 : i32
      %add3A_3866 = arith.constant 3 : i32
      %add3A_3867 = arith.addi %mul3A_3865, %add3A_3866 : i32
      %mul3A_3868 = arith.constant 16 : i32
      %mul3A_3869 = arith.muli %add3A_3867, %mul3A_3868 : i32
      %swap3A_3870 = arith.index_cast %mul3A_3869 : i32 to index
      %swap3A_3871 = tpu.vector_load %arg10[%swap3A_3870] {strides = array<i32>} : memref<1024xf32, #tpu.memory_space<vmem>>, vector<16xf32>,
      tpu.vector_store %arg10[%swap3A_3870], %broadcast_in_dim3A_62 {strides = array<i32>} : memref<1024xf32, #tpu.memory_space<vmem>>, vector<16xf32>,
    }
    %scan3A_1919 = arith.constant 16 : i32
    %while3A_1920 = arith.constant 0 : i32
    %while3A_1921 = arith.constant 0 : i32
    %while3A_1922 = arith.subi %reduce_max3A_1006, %while3A_1921 : i32
    %while3A_1923 = arith.addi %while3A_1921, %while3A_1922 : i32
    %while3A_1924 = arith.constant 1 : i32
    %while3A_1925 = arith.divsi %while3A_1922, %while3A_1924 : i32
    %while3A_1926 = arith.muli %while3A_1925, %while3A_1924 : i32
    %while3A_1927 = arith.addi %while3A_1921, %while3A_1926 : i32
    %while3A_1928 = arith.constant 1 : i32
    scf.for %while3A_3839 = %while3A_1921 to %while3A_1927 step %while3A_1928  : i32 {
      %mul3A_3840 = arith.constant 16 : i32
      %mul3A_3841 = arith.muli %while3A_3839, %mul3A_3840 : i32
      %add3A_3842 = arith.constant 0 : i32
      %add3A_3843 = arith.addi %add3A_3842, %mul3A_3841 : i32
      %get3A = arith.index_cast %add3A_3843 : i32 to index
      %get3A_3844 = tpu.vector_load %arg9[%get3A] {strides = array<i32>} : memref<8192xi32, #tpu.memory_space<vmem>>, vector<16xi32>,
      %mul3A_3845 = arith.constant 16 : i32
      %mul3A_3846 = arith.muli %while3A_3839, %mul3A_3845 : i32
      %add3A_3847 = vector.broadcast %mul3A_3846 : i32 to vector<16xi32>
      %add3A_3848 = arith.addi %add3A_3847, %iota3A : vector<16xi32>
      %lt3A_3849 = arith.cmpi slt, %add3A_3848, %convert_element_type3A : vector<16xi32>
      %broadcast_in_dim3A_3850 = arith.constant 16 : i32
      %broadcast_in_dim3A_3851 = vector.broadcast %broadcast_in_dim3A_3850 : i32 to vector<16xi32>
      %shift_right_logical3A_3852 = arith.shrui %get3A_3844, %broadcast_in_dim3A_3851 : vector<16xi32>
      %and3A = arith.constant 255 : i32
      %and3A_3853 = vector.broadcast %and3A : i32 to vector<16xi32>
      %and3A_3854 = arith.andi %shift_right_logical3A_3852, %and3A_3853 : vector<16xi32>
      %eq3A = arith.cmpi eq, %and3A_3854, %add3A_1241 : vector<16xi32>
      %and3A_3855 = arith.andi %lt3A_3849, %eq3A : vector<16xi1>
      %broadcast_in_dim3A_3856 = arith.constant 8 : i32
      %broadcast_in_dim3A_3857 = vector.broadcast %broadcast_in_dim3A_3856 : i32 to vector<16xi32>
      %shift_right_logical3A_3858 = arith.shrui %get3A_3844, %broadcast_in_dim3A_3857 : vector<16xi32>
      %and3A_3859 = arith.constant 255 : i32
      %and3A_3860 = vector.broadcast %and3A_3859 : i32 to vector<16xi32>
      %and3A_3861 = arith.andi %shift_right_logical3A_3858, %and3A_3860 : vector<16xi32>
      %add3A_3862 = arith.constant 0 : i32
      %add3A_3863 = vector.broadcast %add3A_3862 : i32 to vector<16xi32>
      %add3A_3864 = arith.addi %add3A_3863, %and3A_3861 : vector<16xi32>
      tpu.vector_store_idx %arg10[%add3A_3864], %broadcast_in_dim3A_60 masked %and3A_3855 {add = true} : memref<1024xf32, #tpu.memory_space<vmem>>[vector<16xi32>], vector<16xf32>, vector<16xi1>
      %mul3A_3865 = arith.constant 16 : i32
      %mul3A_3866 = arith.muli %while3A_3839, %mul3A_3865 : i32
      %add3A_3867 = arith.constant 2048 : i32
      %add3A_3868 = arith.addi %add3A_3867, %mul3A_3866 : i32
      %get3A_3869 = arith.index_cast %add3A_3868 : i32 to index
      %get3A_3870 = tpu.vector_load %arg9[%get3A_3869] {strides = array<i32>} : memref<8192xi32, #tpu.memory_space<vmem>>, vector<16xi32>,
      %mul3A_3871 = arith.constant 16 : i32
      %mul3A_3872 = arith.muli %while3A_3839, %mul3A_3871 : i32
      %add3A_3873 = vector.broadcast %mul3A_3872 : i32 to vector<16xi32>
      %add3A_3874 = arith.addi %add3A_3873, %iota3A : vector<16xi32>
      %lt3A_3875 = arith.cmpi slt, %add3A_3874, %convert_element_type3A_526 : vector<16xi32>
      %broadcast_in_dim3A_3876 = arith.constant 16 : i32
      %broadcast_in_dim3A_3877 = vector.broadcast %broadcast_in_dim3A_3876 : i32 to vector<16xi32>
      %shift_right_logical3A_3878 = arith.shrui %get3A_3870, %broadcast_in_dim3A_3877 : vector<16xi32>
      %and3A_3879 = arith.constant 255 : i32
      %and3A_3880 = vector.broadcast %and3A_3879 : i32 to vector<16xi32>
      %and3A_3881 = arith.andi %shift_right_logical3A_3878, %and3A_3880 : vector<16xi32>
      %eq3A_3882 = arith.cmpi eq, %and3A_3881, %add3A_1464 : vector<16xi32>
      %and3A_3883 = arith.andi %lt3A_3875, %eq3A_3882 : vector<16xi1>
      %broadcast_in_dim3A_3884 = arith.constant 8 : i32
      %broadcast_in_dim3A_3885 = vector.broadcast %broadcast_in_dim3A_3884 : i32 to vector<16xi32>
      %shift_right_logical3A_3886 = arith.shrui %get3A_3870, %broadcast_in_dim3A_3885 : vector<16xi32>
      %and3A_3887 = arith.constant 255 : i32
      %and3A_3888 = vector.broadcast %and3A_3887 : i32 to vector<16xi32>
      %and3A_3889 = arith.andi %shift_right_logical3A_3886, %and3A_3888 : vector<16xi32>
      %add3A_3890 = arith.constant 256 : i32
      %add3A_3891 = vector.broadcast %add3A_3890 : i32 to vector<16xi32>
      %add3A_3892 = arith.addi %add3A_3891, %and3A_3889 : vector<16xi32>
      tpu.vector_store_idx %arg10[%add3A_3892], %broadcast_in_dim3A_60 masked %and3A_3883 {add = true} : memref<1024xf32, #tpu.memory_space<vmem>>[vector<16xi32>], vector<16xf32>, vector<16xi1>
      %mul3A_3893 = arith.constant 16 : i32
      %mul3A_3894 = arith.muli %while3A_3839, %mul3A_3893 : i32
      %add3A_3895 = arith.constant 4096 : i32
      %add3A_3896 = arith.addi %add3A_3895, %mul3A_3894 : i32
      %get3A_3897 = arith.index_cast %add3A_3896 : i32 to index
      %get3A_3898 = tpu.vector_load %arg9[%get3A_3897] {strides = array<i32>} : memref<8192xi32, #tpu.memory_space<vmem>>, vector<16xi32>,
      %mul3A_3899 = arith.constant 16 : i32
      %mul3A_3900 = arith.muli %while3A_3839, %mul3A_3899 : i32
      %add3A_3901 = vector.broadcast %mul3A_3900 : i32 to vector<16xi32>
      %add3A_3902 = arith.addi %add3A_3901, %iota3A : vector<16xi32>
      %lt3A_3903 = arith.cmpi slt, %add3A_3902, %convert_element_type3A_756 : vector<16xi32>
      %broadcast_in_dim3A_3904 = arith.constant 16 : i32
      %broadcast_in_dim3A_3905 = vector.broadcast %broadcast_in_dim3A_3904 : i32 to vector<16xi32>
      %shift_right_logical3A_3906 = arith.shrui %get3A_3898, %broadcast_in_dim3A_3905 : vector<16xi32>
      %and3A_3907 = arith.constant 255 : i32
      %and3A_3908 = vector.broadcast %and3A_3907 : i32 to vector<16xi32>
      %and3A_3909 = arith.andi %shift_right_logical3A_3906, %and3A_3908 : vector<16xi32>
      %eq3A_3910 = arith.cmpi eq, %and3A_3909, %add3A_1687 : vector<16xi32>
      %and3A_3911 = arith.andi %lt3A_3903, %eq3A_3910 : vector<16xi1>
      %broadcast_in_dim3A_3912 = arith.constant 8 : i32
      %broadcast_in_dim3A_3913 = vector.broadcast %broadcast_in_dim3A_3912 : i32 to vector<16xi32>
      %shift_right_logical3A_3914 = arith.shrui %get3A_3898, %broadcast_in_dim3A_3913 : vector<16xi32>
      %and3A_3915 = arith.constant 255 : i32
      %and3A_3916 = vector.broadcast %and3A_3915 : i32 to vector<16xi32>
      %and3A_3917 = arith.andi %shift_right_logical3A_3914, %and3A_3916 : vector<16xi32>
      %add3A_3918 = arith.constant 512 : i32
      %add3A_3919 = vector.broadcast %add3A_3918 : i32 to vector<16xi32>
      %add3A_3920 = arith.addi %add3A_3919, %and3A_3917 : vector<16xi32>
      tpu.vector_store_idx %arg10[%add3A_3920], %broadcast_in_dim3A_60 masked %and3A_3911 {add = true} : memref<1024xf32, #tpu.memory_space<vmem>>[vector<16xi32>], vector<16xf32>, vector<16xi1>
      %mul3A_3921 = arith.constant 16 : i32
      %mul3A_3922 = arith.muli %while3A_3839, %mul3A_3921 : i32
      %add3A_3923 = arith.constant 6144 : i32
      %add3A_3924 = arith.addi %add3A_3923, %mul3A_3922 : i32
      %get3A_3925 = arith.index_cast %add3A_3924 : i32 to index
      %get3A_3926 = tpu.vector_load %arg9[%get3A_3925] {strides = array<i32>} : memref<8192xi32, #tpu.memory_space<vmem>>, vector<16xi32>,
      %mul3A_3927 = arith.constant 16 : i32
      %mul3A_3928 = arith.muli %while3A_3839, %mul3A_3927 : i32
      %add3A_3929 = vector.broadcast %mul3A_3928 : i32 to vector<16xi32>
      %add3A_3930 = arith.addi %add3A_3929, %iota3A : vector<16xi32>
      %lt3A_3931 = arith.cmpi slt, %add3A_3930, %convert_element_type3A_986 : vector<16xi32>
      %broadcast_in_dim3A_3932 = arith.constant 16 : i32
      %broadcast_in_dim3A_3933 = vector.broadcast %broadcast_in_dim3A_3932 : i32 to vector<16xi32>
      %shift_right_logical3A_3934 = arith.shrui %get3A_3926, %broadcast_in_dim3A_3933 : vector<16xi32>
      %and3A_3935 = arith.constant 255 : i32
      %and3A_3936 = vector.broadcast %and3A_3935 : i32 to vector<16xi32>
      %and3A_3937 = arith.andi %shift_right_logical3A_3934, %and3A_3936 : vector<16xi32>
      %eq3A_3938 = arith.cmpi eq, %and3A_3937, %add3A_1910 : vector<16xi32>
      %and3A_3939 = arith.andi %lt3A_3931, %eq3A_3938 : vector<16xi1>
      %broadcast_in_dim3A_3940 = arith.constant 8 : i32
      %broadcast_in_dim3A_3941 = vector.broadcast %broadcast_in_dim3A_3940 : i32 to vector<16xi32>
      %shift_right_logical3A_3942 = arith.shrui %get3A_3926, %broadcast_in_dim3A_3941 : vector<16xi32>
      %and3A_3943 = arith.constant 255 : i32
      %and3A_3944 = vector.broadcast %and3A_3943 : i32 to vector<16xi32>
      %and3A_3945 = arith.andi %shift_right_logical3A_3942, %and3A_3944 : vector<16xi32>
      %add3A_3946 = arith.constant 768 : i32
      %add3A_3947 = vector.broadcast %add3A_3946 : i32 to vector<16xi32>
      %add3A_3948 = arith.addi %add3A_3947, %and3A_3945 : vector<16xi32>
      tpu.vector_store_idx %arg10[%add3A_3948], %broadcast_in_dim3A_60 masked %and3A_3939 {add = true} : memref<1024xf32, #tpu.memory_space<vmem>>[vector<16xi32>], vector<16xf32>, vector<16xi1>
    }
    %while3A_1929 = arith.constant 1 : i32
    scf.for %while3A_3839 = %while3A_1927 to %while3A_1923 step %while3A_1929  : i32 {
      %mul3A_3840 = arith.constant 16 : i32
      %mul3A_3841 = arith.muli %while3A_3839, %mul3A_3840 : i32
      %add3A_3842 = arith.constant 0 : i32
      %add3A_3843 = arith.addi %add3A_3842, %mul3A_3841 : i32
      %get3A = arith.index_cast %add3A_3843 : i32 to index
      %get3A_3844 = tpu.vector_load %arg9[%get3A] {strides = array<i32>} : memref<8192xi32, #tpu.memory_space<vmem>>, vector<16xi32>,
      %mul3A_3845 = arith.constant 16 : i32
      %mul3A_3846 = arith.muli %while3A_3839, %mul3A_3845 : i32
      %add3A_3847 = vector.broadcast %mul3A_3846 : i32 to vector<16xi32>
      %add3A_3848 = arith.addi %add3A_3847, %iota3A : vector<16xi32>
      %lt3A_3849 = arith.cmpi slt, %add3A_3848, %convert_element_type3A : vector<16xi32>
      %broadcast_in_dim3A_3850 = arith.constant 16 : i32
      %broadcast_in_dim3A_3851 = vector.broadcast %broadcast_in_dim3A_3850 : i32 to vector<16xi32>
      %shift_right_logical3A_3852 = arith.shrui %get3A_3844, %broadcast_in_dim3A_3851 : vector<16xi32>
      %and3A = arith.constant 255 : i32
      %and3A_3853 = vector.broadcast %and3A : i32 to vector<16xi32>
      %and3A_3854 = arith.andi %shift_right_logical3A_3852, %and3A_3853 : vector<16xi32>
      %eq3A = arith.cmpi eq, %and3A_3854, %add3A_1241 : vector<16xi32>
      %and3A_3855 = arith.andi %lt3A_3849, %eq3A : vector<16xi1>
      %broadcast_in_dim3A_3856 = arith.constant 8 : i32
      %broadcast_in_dim3A_3857 = vector.broadcast %broadcast_in_dim3A_3856 : i32 to vector<16xi32>
      %shift_right_logical3A_3858 = arith.shrui %get3A_3844, %broadcast_in_dim3A_3857 : vector<16xi32>
      %and3A_3859 = arith.constant 255 : i32
      %and3A_3860 = vector.broadcast %and3A_3859 : i32 to vector<16xi32>
      %and3A_3861 = arith.andi %shift_right_logical3A_3858, %and3A_3860 : vector<16xi32>
      %add3A_3862 = arith.constant 0 : i32
      %add3A_3863 = vector.broadcast %add3A_3862 : i32 to vector<16xi32>
      %add3A_3864 = arith.addi %add3A_3863, %and3A_3861 : vector<16xi32>
      tpu.vector_store_idx %arg10[%add3A_3864], %broadcast_in_dim3A_60 masked %and3A_3855 {add = true} : memref<1024xf32, #tpu.memory_space<vmem>>[vector<16xi32>], vector<16xf32>, vector<16xi1>
      %mul3A_3865 = arith.constant 16 : i32
      %mul3A_3866 = arith.muli %while3A_3839, %mul3A_3865 : i32
      %add3A_3867 = arith.constant 2048 : i32
      %add3A_3868 = arith.addi %add3A_3867, %mul3A_3866 : i32
      %get3A_3869 = arith.index_cast %add3A_3868 : i32 to index
      %get3A_3870 = tpu.vector_load %arg9[%get3A_3869] {strides = array<i32>} : memref<8192xi32, #tpu.memory_space<vmem>>, vector<16xi32>,
      %mul3A_3871 = arith.constant 16 : i32
      %mul3A_3872 = arith.muli %while3A_3839, %mul3A_3871 : i32
      %add3A_3873 = vector.broadcast %mul3A_3872 : i32 to vector<16xi32>
      %add3A_3874 = arith.addi %add3A_3873, %iota3A : vector<16xi32>
      %lt3A_3875 = arith.cmpi slt, %add3A_3874, %convert_element_type3A_526 : vector<16xi32>
      %broadcast_in_dim3A_3876 = arith.constant 16 : i32
      %broadcast_in_dim3A_3877 = vector.broadcast %broadcast_in_dim3A_3876 : i32 to vector<16xi32>
      %shift_right_logical3A_3878 = arith.shrui %get3A_3870, %broadcast_in_dim3A_3877 : vector<16xi32>
      %and3A_3879 = arith.constant 255 : i32
      %and3A_3880 = vector.broadcast %and3A_3879 : i32 to vector<16xi32>
      %and3A_3881 = arith.andi %shift_right_logical3A_3878, %and3A_3880 : vector<16xi32>
      %eq3A_3882 = arith.cmpi eq, %and3A_3881, %add3A_1464 : vector<16xi32>
      %and3A_3883 = arith.andi %lt3A_3875, %eq3A_3882 : vector<16xi1>
      %broadcast_in_dim3A_3884 = arith.constant 8 : i32
      %broadcast_in_dim3A_3885 = vector.broadcast %broadcast_in_dim3A_3884 : i32 to vector<16xi32>
      %shift_right_logical3A_3886 = arith.shrui %get3A_3870, %broadcast_in_dim3A_3885 : vector<16xi32>
      %and3A_3887 = arith.constant 255 : i32
      %and3A_3888 = vector.broadcast %and3A_3887 : i32 to vector<16xi32>
      %and3A_3889 = arith.andi %shift_right_logical3A_3886, %and3A_3888 : vector<16xi32>
      %add3A_3890 = arith.constant 256 : i32
      %add3A_3891 = vector.broadcast %add3A_3890 : i32 to vector<16xi32>
      %add3A_3892 = arith.addi %add3A_3891, %and3A_3889 : vector<16xi32>
      tpu.vector_store_idx %arg10[%add3A_3892], %broadcast_in_dim3A_60 masked %and3A_3883 {add = true} : memref<1024xf32, #tpu.memory_space<vmem>>[vector<16xi32>], vector<16xf32>, vector<16xi1>
      %mul3A_3893 = arith.constant 16 : i32
      %mul3A_3894 = arith.muli %while3A_3839, %mul3A_3893 : i32
      %add3A_3895 = arith.constant 4096 : i32
      %add3A_3896 = arith.addi %add3A_3895, %mul3A_3894 : i32
      %get3A_3897 = arith.index_cast %add3A_3896 : i32 to index
      %get3A_3898 = tpu.vector_load %arg9[%get3A_3897] {strides = array<i32>} : memref<8192xi32, #tpu.memory_space<vmem>>, vector<16xi32>,
      %mul3A_3899 = arith.constant 16 : i32
      %mul3A_3900 = arith.muli %while3A_3839, %mul3A_3899 : i32
      %add3A_3901 = vector.broadcast %mul3A_3900 : i32 to vector<16xi32>
      %add3A_3902 = arith.addi %add3A_3901, %iota3A : vector<16xi32>
      %lt3A_3903 = arith.cmpi slt, %add3A_3902, %convert_element_type3A_756 : vector<16xi32>
      %broadcast_in_dim3A_3904 = arith.constant 16 : i32
      %broadcast_in_dim3A_3905 = vector.broadcast %broadcast_in_dim3A_3904 : i32 to vector<16xi32>
      %shift_right_logical3A_3906 = arith.shrui %get3A_3898, %broadcast_in_dim3A_3905 : vector<16xi32>
      %and3A_3907 = arith.constant 255 : i32
      %and3A_3908 = vector.broadcast %and3A_3907 : i32 to vector<16xi32>
      %and3A_3909 = arith.andi %shift_right_logical3A_3906, %and3A_3908 : vector<16xi32>
      %eq3A_3910 = arith.cmpi eq, %and3A_3909, %add3A_1687 : vector<16xi32>
      %and3A_3911 = arith.andi %lt3A_3903, %eq3A_3910 : vector<16xi1>
      %broadcast_in_dim3A_3912 = arith.constant 8 : i32
      %broadcast_in_dim3A_3913 = vector.broadcast %broadcast_in_dim3A_3912 : i32 to vector<16xi32>
      %shift_right_logical3A_3914 = arith.shrui %get3A_3898, %broadcast_in_dim3A_3913 : vector<16xi32>
      %and3A_3915 = arith.constant 255 : i32
      %and3A_3916 = vector.broadcast %and3A_3915 : i32 to vector<16xi32>
      %and3A_3917 = arith.andi %shift_right_logical3A_3914, %and3A_3916 : vector<16xi32>
      %add3A_3918 = arith.constant 512 : i32
      %add3A_3919 = vector.broadcast %add3A_3918 : i32 to vector<16xi32>
      %add3A_3920 = arith.addi %add3A_3919, %and3A_3917 : vector<16xi32>
      tpu.vector_store_idx %arg10[%add3A_3920], %broadcast_in_dim3A_60 masked %and3A_3911 {add = true} : memref<1024xf32, #tpu.memory_space<vmem>>[vector<16xi32>], vector<16xf32>, vector<16xi1>
      %mul3A_3921 = arith.constant 16 : i32
      %mul3A_3922 = arith.muli %while3A_3839, %mul3A_3921 : i32
      %add3A_3923 = arith.constant 6144 : i32
      %add3A_3924 = arith.addi %add3A_3923, %mul3A_3922 : i32
      %get3A_3925 = arith.index_cast %add3A_3924 : i32 to index
      %get3A_3926 = tpu.vector_load %arg9[%get3A_3925] {strides = array<i32>} : memref<8192xi32, #tpu.memory_space<vmem>>, vector<16xi32>,
      %mul3A_3927 = arith.constant 16 : i32
      %mul3A_3928 = arith.muli %while3A_3839, %mul3A_3927 : i32
      %add3A_3929 = vector.broadcast %mul3A_3928 : i32 to vector<16xi32>
      %add3A_3930 = arith.addi %add3A_3929, %iota3A : vector<16xi32>
      %lt3A_3931 = arith.cmpi slt, %add3A_3930, %convert_element_type3A_986 : vector<16xi32>
      %broadcast_in_dim3A_3932 = arith.constant 16 : i32
      %broadcast_in_dim3A_3933 = vector.broadcast %broadcast_in_dim3A_3932 : i32 to vector<16xi32>
      %shift_right_logical3A_3934 = arith.shrui %get3A_3926, %broadcast_in_dim3A_3933 : vector<16xi32>
      %and3A_3935 = arith.constant 255 : i32
      %and3A_3936 = vector.broadcast %and3A_3935 : i32 to vector<16xi32>
      %and3A_3937 = arith.andi %shift_right_logical3A_3934, %and3A_3936 : vector<16xi32>
      %eq3A_3938 = arith.cmpi eq, %and3A_3937, %add3A_1910 : vector<16xi32>
      %and3A_3939 = arith.andi %lt3A_3931, %eq3A_3938 : vector<16xi1>
      %broadcast_in_dim3A_3940 = arith.constant 8 : i32
      %broadcast_in_dim3A_3941 = vector.broadcast %broadcast_in_dim3A_3940 : i32 to vector<16xi32>
      %shift_right_logical3A_3942 = arith.shrui %get3A_3926, %broadcast_in_dim3A_3941 : vector<16xi32>
      %and3A_3943 = arith.constant 255 : i32
      %and3A_3944 = vector.broadcast %and3A_3943 : i32 to vector<16xi32>
      %and3A_3945 = arith.andi %shift_right_logical3A_3942, %and3A_3944 : vector<16xi32>
      %add3A_3946 = arith.constant 768 : i32
      %add3A_3947 = vector.broadcast %add3A_3946 : i32 to vector<16xi32>
      %add3A_3948 = arith.addi %add3A_3947, %and3A_3945 : vector<16xi32>
      tpu.vector_store_idx %arg10[%add3A_3948], %broadcast_in_dim3A_60 masked %and3A_3939 {add = true} : memref<1024xf32, #tpu.memory_space<vmem>>[vector<16xi32>], vector<16xf32>, vector<16xi1>
    }
    %add3A_1930 = arith.constant 0 : i32
    %add3A_1931 = vector.broadcast %add3A_1930 : i32 to vector<16xi32>
    %add3A_1932 = arith.addi %add3A_1931, %mul3A_59 : vector<16xi32>
    %add3A_1933 = arith.constant 0 : i32
    %add3A_1934 = vector.broadcast %add3A_1933 : i32 to vector<16xi32>
    %add3A_1935 = arith.addi %add3A_1932, %add3A_1934 : vector<16xi32>
    %gather3A_1936 = tpu.vector_load_idx %arg10[%add3A_1935] : memref<1024xf32, #tpu.memory_space<vmem>>[vector<16xi32>], vector<16xf32>,
    %add3A_1937 = arith.addf %broadcast_in_dim3A_62, %gather3A_1936 : vector<16xf32>
    %add3A_1938 = arith.constant 0 : i32
    %add3A_1939 = vector.broadcast %add3A_1938 : i32 to vector<16xi32>
    %add3A_1940 = arith.addi %add3A_1939, %mul3A_59 : vector<16xi32>
    %add3A_1941 = arith.constant 1 : i32
    %add3A_1942 = vector.broadcast %add3A_1941 : i32 to vector<16xi32>
    %add3A_1943 = arith.addi %add3A_1940, %add3A_1942 : vector<16xi32>
    %gather3A_1944 = tpu.vector_load_idx %arg10[%add3A_1943] : memref<1024xf32, #tpu.memory_space<vmem>>[vector<16xi32>], vector<16xf32>,
    %add3A_1945 = arith.addf %add3A_1937, %gather3A_1944 : vector<16xf32>
    %add3A_1946 = arith.constant 0 : i32
    %add3A_1947 = vector.broadcast %add3A_1946 : i32 to vector<16xi32>
    %add3A_1948 = arith.addi %add3A_1947, %mul3A_59 : vector<16xi32>
    %add3A_1949 = arith.constant 2 : i32
    %add3A_1950 = vector.broadcast %add3A_1949 : i32 to vector<16xi32>
    %add3A_1951 = arith.addi %add3A_1948, %add3A_1950 : vector<16xi32>
    %gather3A_1952 = tpu.vector_load_idx %arg10[%add3A_1951] : memref<1024xf32, #tpu.memory_space<vmem>>[vector<16xi32>], vector<16xf32>,
    %add3A_1953 = arith.addf %add3A_1945, %gather3A_1952 : vector<16xf32>
    %add3A_1954 = arith.constant 0 : i32
    %add3A_1955 = vector.broadcast %add3A_1954 : i32 to vector<16xi32>
    %add3A_1956 = arith.addi %add3A_1955, %mul3A_59 : vector<16xi32>
    %add3A_1957 = arith.constant 3 : i32
    %add3A_1958 = vector.broadcast %add3A_1957 : i32 to vector<16xi32>
    %add3A_1959 = arith.addi %add3A_1956, %add3A_1958 : vector<16xi32>
    %gather3A_1960 = tpu.vector_load_idx %arg10[%add3A_1959] : memref<1024xf32, #tpu.memory_space<vmem>>[vector<16xi32>], vector<16xf32>,
    %add3A_1961 = arith.addf %add3A_1953, %gather3A_1960 : vector<16xf32>
    %add3A_1962 = arith.constant 0 : i32
    %add3A_1963 = vector.broadcast %add3A_1962 : i32 to vector<16xi32>
    %add3A_1964 = arith.addi %add3A_1963, %mul3A_59 : vector<16xi32>
    %add3A_1965 = arith.constant 4 : i32
    %add3A_1966 = vector.broadcast %add3A_1965 : i32 to vector<16xi32>
    %add3A_1967 = arith.addi %add3A_1964, %add3A_1966 : vector<16xi32>
    %gather3A_1968 = tpu.vector_load_idx %arg10[%add3A_1967] : memref<1024xf32, #tpu.memory_space<vmem>>[vector<16xi32>], vector<16xf32>,
    %add3A_1969 = arith.addf %add3A_1961, %gather3A_1968 : vector<16xf32>
    %add3A_1970 = arith.constant 0 : i32
    %add3A_1971 = vector.broadcast %add3A_1970 : i32 to vector<16xi32>
    %add3A_1972 = arith.addi %add3A_1971, %mul3A_59 : vector<16xi32>
    %add3A_1973 = arith.constant 5 : i32
    %add3A_1974 = vector.broadcast %add3A_1973 : i32 to vector<16xi32>
    %add3A_1975 = arith.addi %add3A_1972, %add3A_1974 : vector<16xi32>
    %gather3A_1976 = tpu.vector_load_idx %arg10[%add3A_1975] : memref<1024xf32, #tpu.memory_space<vmem>>[vector<16xi32>], vector<16xf32>,
    %add3A_1977 = arith.addf %add3A_1969, %gather3A_1976 : vector<16xf32>
    %add3A_1978 = arith.constant 0 : i32
    %add3A_1979 = vector.broadcast %add3A_1978 : i32 to vector<16xi32>
    %add3A_1980 = arith.addi %add3A_1979, %mul3A_59 : vector<16xi32>
    %add3A_1981 = arith.constant 6 : i32
    %add3A_1982 = vector.broadcast %add3A_1981 : i32 to vector<16xi32>
    %add3A_1983 = arith.addi %add3A_1980, %add3A_1982 : vector<16xi32>
    %gather3A_1984 = tpu.vector_load_idx %arg10[%add3A_1983] : memref<1024xf32, #tpu.memory_space<vmem>>[vector<16xi32>], vector<16xf32>,
    %add3A_1985 = arith.addf %add3A_1977, %gather3A_1984 : vector<16xf32>
    %add3A_1986 = arith.constant 0 : i32
    %add3A_1987 = vector.broadcast %add3A_1986 : i32 to vector<16xi32>
    %add3A_1988 = arith.addi %add3A_1987, %mul3A_59 : vector<16xi32>
    %add3A_1989 = arith.constant 7 : i32
    %add3A_1990 = vector.broadcast %add3A_1989 : i32 to vector<16xi32>
    %add3A_1991 = arith.addi %add3A_1988, %add3A_1990 : vector<16xi32>
    %gather3A_1992 = tpu.vector_load_idx %arg10[%add3A_1991] : memref<1024xf32, #tpu.memory_space<vmem>>[vector<16xi32>], vector<16xf32>,
    %add3A_1993 = arith.addf %add3A_1985, %gather3A_1992 : vector<16xf32>
    %add3A_1994 = arith.constant 0 : i32
    %add3A_1995 = vector.broadcast %add3A_1994 : i32 to vector<16xi32>
    %add3A_1996 = arith.addi %add3A_1995, %mul3A_59 : vector<16xi32>
    %add3A_1997 = arith.constant 8 : i32
    %add3A_1998 = vector.broadcast %add3A_1997 : i32 to vector<16xi32>
    %add3A_1999 = arith.addi %add3A_1996, %add3A_1998 : vector<16xi32>
    %gather3A_2000 = tpu.vector_load_idx %arg10[%add3A_1999] : memref<1024xf32, #tpu.memory_space<vmem>>[vector<16xi32>], vector<16xf32>,
    %add3A_2001 = arith.addf %add3A_1993, %gather3A_2000 : vector<16xf32>
    %add3A_2002 = arith.constant 0 : i32
    %add3A_2003 = vector.broadcast %add3A_2002 : i32 to vector<16xi32>
    %add3A_2004 = arith.addi %add3A_2003, %mul3A_59 : vector<16xi32>
    %add3A_2005 = arith.constant 9 : i32
    %add3A_2006 = vector.broadcast %add3A_2005 : i32 to vector<16xi32>
    %add3A_2007 = arith.addi %add3A_2004, %add3A_2006 : vector<16xi32>
    %gather3A_2008 = tpu.vector_load_idx %arg10[%add3A_2007] : memref<1024xf32, #tpu.memory_space<vmem>>[vector<16xi32>], vector<16xf32>,
    %add3A_2009 = arith.addf %add3A_2001, %gather3A_2008 : vector<16xf32>
    %add3A_2010 = arith.constant 0 : i32
    %add3A_2011 = vector.broadcast %add3A_2010 : i32 to vector<16xi32>
    %add3A_2012 = arith.addi %add3A_2011, %mul3A_59 : vector<16xi32>
    %add3A_2013 = arith.constant 10 : i32
    %add3A_2014 = vector.broadcast %add3A_2013 : i32 to vector<16xi32>
    %add3A_2015 = arith.addi %add3A_2012, %add3A_2014 : vector<16xi32>
    %gather3A_2016 = tpu.vector_load_idx %arg10[%add3A_2015] : memref<1024xf32, #tpu.memory_space<vmem>>[vector<16xi32>], vector<16xf32>,
    %add3A_2017 = arith.addf %add3A_2009, %gather3A_2016 : vector<16xf32>
    %add3A_2018 = arith.constant 0 : i32
    %add3A_2019 = vector.broadcast %add3A_2018 : i32 to vector<16xi32>
    %add3A_2020 = arith.addi %add3A_2019, %mul3A_59 : vector<16xi32>
    %add3A_2021 = arith.constant 11 : i32
    %add3A_2022 = vector.broadcast %add3A_2021 : i32 to vector<16xi32>
    %add3A_2023 = arith.addi %add3A_2020, %add3A_2022 : vector<16xi32>
    %gather3A_2024 = tpu.vector_load_idx %arg10[%add3A_2023] : memref<1024xf32, #tpu.memory_space<vmem>>[vector<16xi32>], vector<16xf32>,
    %add3A_2025 = arith.addf %add3A_2017, %gather3A_2024 : vector<16xf32>
    %add3A_2026 = arith.constant 0 : i32
    %add3A_2027 = vector.broadcast %add3A_2026 : i32 to vector<16xi32>
    %add3A_2028 = arith.addi %add3A_2027, %mul3A_59 : vector<16xi32>
    %add3A_2029 = arith.constant 12 : i32
    %add3A_2030 = vector.broadcast %add3A_2029 : i32 to vector<16xi32>
    %add3A_2031 = arith.addi %add3A_2028, %add3A_2030 : vector<16xi32>
    %gather3A_2032 = tpu.vector_load_idx %arg10[%add3A_2031] : memref<1024xf32, #tpu.memory_space<vmem>>[vector<16xi32>], vector<16xf32>,
    %add3A_2033 = arith.addf %add3A_2025, %gather3A_2032 : vector<16xf32>
    %add3A_2034 = arith.constant 0 : i32
    %add3A_2035 = vector.broadcast %add3A_2034 : i32 to vector<16xi32>
    %add3A_2036 = arith.addi %add3A_2035, %mul3A_59 : vector<16xi32>
    %add3A_2037 = arith.constant 13 : i32
    %add3A_2038 = vector.broadcast %add3A_2037 : i32 to vector<16xi32>
    %add3A_2039 = arith.addi %add3A_2036, %add3A_2038 : vector<16xi32>
    %gather3A_2040 = tpu.vector_load_idx %arg10[%add3A_2039] : memref<1024xf32, #tpu.memory_space<vmem>>[vector<16xi32>], vector<16xf32>,
    %add3A_2041 = arith.addf %add3A_2033, %gather3A_2040 : vector<16xf32>
    %add3A_2042 = arith.constant 0 : i32
    %add3A_2043 = vector.broadcast %add3A_2042 : i32 to vector<16xi32>
    %add3A_2044 = arith.addi %add3A_2043, %mul3A_59 : vector<16xi32>
    %add3A_2045 = arith.constant 14 : i32
    %add3A_2046 = vector.broadcast %add3A_2045 : i32 to vector<16xi32>
    %add3A_2047 = arith.addi %add3A_2044, %add3A_2046 : vector<16xi32>
    %gather3A_2048 = tpu.vector_load_idx %arg10[%add3A_2047] : memref<1024xf32, #tpu.memory_space<vmem>>[vector<16xi32>], vector<16xf32>,
    %add3A_2049 = arith.addf %add3A_2041, %gather3A_2048 : vector<16xf32>
    %add3A_2050 = arith.constant 0 : i32
    %add3A_2051 = vector.broadcast %add3A_2050 : i32 to vector<16xi32>
    %add3A_2052 = arith.addi %add3A_2051, %mul3A_59 : vector<16xi32>
    %add3A_2053 = arith.constant 15 : i32
    %add3A_2054 = vector.broadcast %add3A_2053 : i32 to vector<16xi32>
    %add3A_2055 = arith.addi %add3A_2052, %add3A_2054 : vector<16xi32>
    %gather3A_2056 = tpu.vector_load_idx %arg10[%add3A_2055] : memref<1024xf32, #tpu.memory_space<vmem>>[vector<16xi32>], vector<16xf32>,
    %add3A_2057 = arith.addf %add3A_2049, %gather3A_2056 : vector<16xf32>
    %rev3A_2058 = arith.constant 15 : i32
    %rev3A_2059 = vector.broadcast %rev3A_2058 : i32 to vector<16xi32>
    %rev3A_2060 = tpu.iota {dimensions = array<i32: 0>} : vector<16xi32>
    %rev3A_2061 = arith.subi %rev3A_2059, %rev3A_2060 : vector<16xi32>
    %rev3A_2062 = tpu.dynamic_gather %add3A_2057[%rev3A_2061] in [0] : vector<16xf32>, vector<16xi32> -> vector<16xf32>
    %cumsum3A_2063 = arith.constant true
    %cumsum3A_2064 = vector.broadcast %cumsum3A_2063 : i1 to vector<16xi1>
    %cumsum3A_2065 = tpu.scan <sum>, %rev3A_2062 masked %cumsum3A_2064 : vector<16xf32>, vector<16xi1> -> vector<16xf32>
    %rev3A_2066 = arith.constant 15 : i32
    %rev3A_2067 = vector.broadcast %rev3A_2066 : i32 to vector<16xi32>
    %rev3A_2068 = tpu.iota {dimensions = array<i32: 0>} : vector<16xi32>
    %rev3A_2069 = arith.subi %rev3A_2067, %rev3A_2068 : vector<16xi32>
    %rev3A_2070 = tpu.dynamic_gather %cumsum3A_2065[%rev3A_2069] in [0] : vector<16xf32>, vector<16xi32> -> vector<16xf32>
    %ge3A_2071 = arith.cmpf oge, %rev3A_2070, %sub3A_1244 : vector<16xf32>
    %all_reduce_population_count3A_2072 = tpu.all_reduce %ge3A_2071 {dim = 0 : i64, kind = #tpu.reduction_kind<sum>} : vector<16xi1> -> vector<16xi32>
    %add3A_2073 = arith.addi %broadcast_in_dim3A_64, %all_reduce_population_count3A_2072 : vector<16xi32>
    %sub3A_2074 = arith.constant 1 : i32
    %sub3A_2075 = vector.broadcast %sub3A_2074 : i32 to vector<16xi32>
    %sub3A_2076 = arith.subi %add3A_2073, %sub3A_2075 : vector<16xi32>
    %lt3A_2077 = arith.constant 0 : i32
    %lt3A_2078 = vector.broadcast %lt3A_2077 : i32 to vector<16xi32>
    %lt3A_2079 = arith.cmpi slt, %sub3A_2076, %lt3A_2078 : vector<16xi32>
    %add3A_2080 = arith.constant 16 : i32
    %add3A_2081 = vector.broadcast %add3A_2080 : i32 to vector<16xi32>
    %add3A_2082 = arith.addi %sub3A_2076, %add3A_2081 : vector<16xi32>
    %select_n3A_2083 = arith.select %lt3A_2079, %add3A_2082, %sub3A_2076 : vector<16xi1>, vector<16xi32>
    %broadcast_in_dim3A_2084 = vector.shape_cast %select_n3A_2083 : vector<16xi32> to vector<16x1xi32>
    %gather3A_2085 = vector.shape_cast %broadcast_in_dim3A_2084 : vector<16x1xi32> to vector<16xi32>
    %gather3A_2086 = tpu.dynamic_gather %add3A_2057[%gather3A_2085] in [0] : vector<16xf32>, vector<16xi32> -> vector<16xf32>
    %lt3A_2087 = arith.constant 0 : i32
    %lt3A_2088 = vector.broadcast %lt3A_2087 : i32 to vector<16xi32>
    %lt3A_2089 = arith.cmpi slt, %sub3A_2076, %lt3A_2088 : vector<16xi32>
    %add3A_2090 = arith.constant 16 : i32
    %add3A_2091 = vector.broadcast %add3A_2090 : i32 to vector<16xi32>
    %add3A_2092 = arith.addi %sub3A_2076, %add3A_2091 : vector<16xi32>
    %select_n3A_2093 = arith.select %lt3A_2089, %add3A_2092, %sub3A_2076 : vector<16xi1>, vector<16xi32>
    %broadcast_in_dim3A_2094 = vector.shape_cast %select_n3A_2093 : vector<16xi32> to vector<16x1xi32>
    %gather3A_2095 = vector.shape_cast %broadcast_in_dim3A_2094 : vector<16x1xi32> to vector<16xi32>
    %gather3A_2096 = tpu.dynamic_gather %rev3A_2070[%gather3A_2095] in [0] : vector<16xf32>, vector<16xi32> -> vector<16xf32>
    %sub3A_2097 = arith.subf %gather3A_2096, %gather3A_2086 : vector<16xf32>
    %mul3A_2098 = arith.constant 16 : i32
    %mul3A_2099 = vector.broadcast %mul3A_2098 : i32 to vector<16xi32>
    %mul3A_2100 = arith.muli %sub3A_2076, %mul3A_2099 : vector<16xi32>
    %add3A_2101 = arith.constant 0 : i32
    %add3A_2102 = vector.broadcast %add3A_2101 : i32 to vector<16xi32>
    %add3A_2103 = arith.addi %add3A_2102, %mul3A_2100 : vector<16xi32>
    %add3A_2104 = arith.addi %add3A_2103, %iota3A : vector<16xi32>
    %gather3A_2105 = tpu.vector_load_idx %arg10[%add3A_2104] : memref<1024xf32, #tpu.memory_space<vmem>>[vector<16xi32>], vector<16xf32>,
    %rev3A_2106 = arith.constant 15 : i32
    %rev3A_2107 = vector.broadcast %rev3A_2106 : i32 to vector<16xi32>
    %rev3A_2108 = tpu.iota {dimensions = array<i32: 0>} : vector<16xi32>
    %rev3A_2109 = arith.subi %rev3A_2107, %rev3A_2108 : vector<16xi32>
    %rev3A_2110 = tpu.dynamic_gather %gather3A_2105[%rev3A_2109] in [0] : vector<16xf32>, vector<16xi32> -> vector<16xf32>
    %cumsum3A_2111 = arith.constant true
    %cumsum3A_2112 = vector.broadcast %cumsum3A_2111 : i1 to vector<16xi1>
    %cumsum3A_2113 = tpu.scan <sum>, %rev3A_2110 masked %cumsum3A_2112 : vector<16xf32>, vector<16xi1> -> vector<16xf32>
    %rev3A_2114 = arith.constant 15 : i32
    %rev3A_2115 = vector.broadcast %rev3A_2114 : i32 to vector<16xi32>
    %rev3A_2116 = tpu.iota {dimensions = array<i32: 0>} : vector<16xi32>
    %rev3A_2117 = arith.subi %rev3A_2115, %rev3A_2116 : vector<16xi32>
    %rev3A_2118 = tpu.dynamic_gather %cumsum3A_2113[%rev3A_2117] in [0] : vector<16xf32>, vector<16xi32> -> vector<16xf32>
    %add3A_2119 = arith.addf %sub3A_2097, %rev3A_2118 : vector<16xf32>
    %ge3A_2120 = arith.cmpf oge, %add3A_2119, %sub3A_1244 : vector<16xf32>
    %all_reduce_population_count3A_2121 = tpu.all_reduce %ge3A_2120 {dim = 0 : i64, kind = #tpu.reduction_kind<sum>} : vector<16xi1> -> vector<16xi32>
    %add3A_2122 = arith.addi %broadcast_in_dim3A_64, %all_reduce_population_count3A_2121 : vector<16xi32>
    %sub3A_2123 = arith.constant 1 : i32
    %sub3A_2124 = vector.broadcast %sub3A_2123 : i32 to vector<16xi32>
    %sub3A_2125 = arith.subi %add3A_2122, %sub3A_2124 : vector<16xi32>
    %lt3A_2126 = arith.constant 0 : i32
    %lt3A_2127 = vector.broadcast %lt3A_2126 : i32 to vector<16xi32>
    %lt3A_2128 = arith.cmpi slt, %sub3A_2125, %lt3A_2127 : vector<16xi32>
    %add3A_2129 = arith.constant 16 : i32
    %add3A_2130 = vector.broadcast %add3A_2129 : i32 to vector<16xi32>
    %add3A_2131 = arith.addi %sub3A_2125, %add3A_2130 : vector<16xi32>
    %select_n3A_2132 = arith.select %lt3A_2128, %add3A_2131, %sub3A_2125 : vector<16xi1>, vector<16xi32>
    %broadcast_in_dim3A_2133 = vector.shape_cast %select_n3A_2132 : vector<16xi32> to vector<16x1xi32>
    %gather3A_2134 = vector.shape_cast %broadcast_in_dim3A_2133 : vector<16x1xi32> to vector<16xi32>
    %gather3A_2135 = tpu.dynamic_gather %rev3A_2118[%gather3A_2134] in [0] : vector<16xf32>, vector<16xi32> -> vector<16xf32>
    %lt3A_2136 = arith.constant 0 : i32
    %lt3A_2137 = vector.broadcast %lt3A_2136 : i32 to vector<16xi32>
    %lt3A_2138 = arith.cmpi slt, %sub3A_2125, %lt3A_2137 : vector<16xi32>
    %add3A_2139 = arith.constant 16 : i32
    %add3A_2140 = vector.broadcast %add3A_2139 : i32 to vector<16xi32>
    %add3A_2141 = arith.addi %sub3A_2125, %add3A_2140 : vector<16xi32>
    %select_n3A_2142 = arith.select %lt3A_2138, %add3A_2141, %sub3A_2125 : vector<16xi1>, vector<16xi32>
    %broadcast_in_dim3A_2143 = vector.shape_cast %select_n3A_2142 : vector<16xi32> to vector<16x1xi32>
    %gather3A_2144 = vector.shape_cast %broadcast_in_dim3A_2143 : vector<16x1xi32> to vector<16xi32>
    %gather3A_2145 = tpu.dynamic_gather %gather3A_2105[%gather3A_2144] in [0] : vector<16xf32>, vector<16xi32> -> vector<16xf32>
    %mul3A_2146 = arith.constant 16 : i32
    %mul3A_2147 = vector.broadcast %mul3A_2146 : i32 to vector<16xi32>
    %mul3A_2148 = arith.muli %sub3A_2076, %mul3A_2147 : vector<16xi32>
    %add3A_2149 = arith.addi %mul3A_2148, %sub3A_2125 : vector<16xi32>
    %add3A_2150 = arith.addf %sub3A_2097, %gather3A_2135 : vector<16xf32>
    %sub3A_2151 = arith.subf %add3A_2150, %gather3A_2145 : vector<16xf32>
    %sub3A_2152 = arith.subf %sub3A_1244, %sub3A_2151 : vector<16xf32>
    %add3A_2153 = arith.constant 256 : i32
    %add3A_2154 = vector.broadcast %add3A_2153 : i32 to vector<16xi32>
    %add3A_2155 = arith.addi %add3A_2154, %mul3A_59 : vector<16xi32>
    %add3A_2156 = arith.constant 0 : i32
    %add3A_2157 = vector.broadcast %add3A_2156 : i32 to vector<16xi32>
    %add3A_2158 = arith.addi %add3A_2155, %add3A_2157 : vector<16xi32>
    %gather3A_2159 = tpu.vector_load_idx %arg10[%add3A_2158] : memref<1024xf32, #tpu.memory_space<vmem>>[vector<16xi32>], vector<16xf32>,
    %add3A_2160 = arith.addf %broadcast_in_dim3A_62, %gather3A_2159 : vector<16xf32>
    %add3A_2161 = arith.constant 256 : i32
    %add3A_2162 = vector.broadcast %add3A_2161 : i32 to vector<16xi32>
    %add3A_2163 = arith.addi %add3A_2162, %mul3A_59 : vector<16xi32>
    %add3A_2164 = arith.constant 1 : i32
    %add3A_2165 = vector.broadcast %add3A_2164 : i32 to vector<16xi32>
    %add3A_2166 = arith.addi %add3A_2163, %add3A_2165 : vector<16xi32>
    %gather3A_2167 = tpu.vector_load_idx %arg10[%add3A_2166] : memref<1024xf32, #tpu.memory_space<vmem>>[vector<16xi32>], vector<16xf32>,
    %add3A_2168 = arith.addf %add3A_2160, %gather3A_2167 : vector<16xf32>
    %add3A_2169 = arith.constant 256 : i32
    %add3A_2170 = vector.broadcast %add3A_2169 : i32 to vector<16xi32>
    %add3A_2171 = arith.addi %add3A_2170, %mul3A_59 : vector<16xi32>
    %add3A_2172 = arith.constant 2 : i32
    %add3A_2173 = vector.broadcast %add3A_2172 : i32 to vector<16xi32>
    %add3A_2174 = arith.addi %add3A_2171, %add3A_2173 : vector<16xi32>
    %gather3A_2175 = tpu.vector_load_idx %arg10[%add3A_2174] : memref<1024xf32, #tpu.memory_space<vmem>>[vector<16xi32>], vector<16xf32>,
    %add3A_2176 = arith.addf %add3A_2168, %gather3A_2175 : vector<16xf32>
    %add3A_2177 = arith.constant 256 : i32
    %add3A_2178 = vector.broadcast %add3A_2177 : i32 to vector<16xi32>
    %add3A_2179 = arith.addi %add3A_2178, %mul3A_59 : vector<16xi32>
    %add3A_2180 = arith.constant 3 : i32
    %add3A_2181 = vector.broadcast %add3A_2180 : i32 to vector<16xi32>
    %add3A_2182 = arith.addi %add3A_2179, %add3A_2181 : vector<16xi32>
    %gather3A_2183 = tpu.vector_load_idx %arg10[%add3A_2182] : memref<1024xf32, #tpu.memory_space<vmem>>[vector<16xi32>], vector<16xf32>,
    %add3A_2184 = arith.addf %add3A_2176, %gather3A_2183 : vector<16xf32>
    %add3A_2185 = arith.constant 256 : i32
    %add3A_2186 = vector.broadcast %add3A_2185 : i32 to vector<16xi32>
    %add3A_2187 = arith.addi %add3A_2186, %mul3A_59 : vector<16xi32>
    %add3A_2188 = arith.constant 4 : i32
    %add3A_2189 = vector.broadcast %add3A_2188 : i32 to vector<16xi32>
    %add3A_2190 = arith.addi %add3A_2187, %add3A_2189 : vector<16xi32>
    %gather3A_2191 = tpu.vector_load_idx %arg10[%add3A_2190] : memref<1024xf32, #tpu.memory_space<vmem>>[vector<16xi32>], vector<16xf32>,
    %add3A_2192 = arith.addf %add3A_2184, %gather3A_2191 : vector<16xf32>
    %add3A_2193 = arith.constant 256 : i32
    %add3A_2194 = vector.broadcast %add3A_2193 : i32 to vector<16xi32>
    %add3A_2195 = arith.addi %add3A_2194, %mul3A_59 : vector<16xi32>
    %add3A_2196 = arith.constant 5 : i32
    %add3A_2197 = vector.broadcast %add3A_2196 : i32 to vector<16xi32>
    %add3A_2198 = arith.addi %add3A_2195, %add3A_2197 : vector<16xi32>
    %gather3A_2199 = tpu.vector_load_idx %arg10[%add3A_2198] : memref<1024xf32, #tpu.memory_space<vmem>>[vector<16xi32>], vector<16xf32>,
    %add3A_2200 = arith.addf %add3A_2192, %gather3A_2199 : vector<16xf32>
    %add3A_2201 = arith.constant 256 : i32
    %add3A_2202 = vector.broadcast %add3A_2201 : i32 to vector<16xi32>
    %add3A_2203 = arith.addi %add3A_2202, %mul3A_59 : vector<16xi32>
    %add3A_2204 = arith.constant 6 : i32
    %add3A_2205 = vector.broadcast %add3A_2204 : i32 to vector<16xi32>
    %add3A_2206 = arith.addi %add3A_2203, %add3A_2205 : vector<16xi32>
    %gather3A_2207 = tpu.vector_load_idx %arg10[%add3A_2206] : memref<1024xf32, #tpu.memory_space<vmem>>[vector<16xi32>], vector<16xf32>,
    %add3A_2208 = arith.addf %add3A_2200, %gather3A_2207 : vector<16xf32>
    %add3A_2209 = arith.constant 256 : i32
    %add3A_2210 = vector.broadcast %add3A_2209 : i32 to vector<16xi32>
    %add3A_2211 = arith.addi %add3A_2210, %mul3A_59 : vector<16xi32>
    %add3A_2212 = arith.constant 7 : i32
    %add3A_2213 = vector.broadcast %add3A_2212 : i32 to vector<16xi32>
    %add3A_2214 = arith.addi %add3A_2211, %add3A_2213 : vector<16xi32>
    %gather3A_2215 = tpu.vector_load_idx %arg10[%add3A_2214] : memref<1024xf32, #tpu.memory_space<vmem>>[vector<16xi32>], vector<16xf32>,
    %add3A_2216 = arith.addf %add3A_2208, %gather3A_2215 : vector<16xf32>
    %add3A_2217 = arith.constant 256 : i32
    %add3A_2218 = vector.broadcast %add3A_2217 : i32 to vector<16xi32>
    %add3A_2219 = arith.addi %add3A_2218, %mul3A_59 : vector<16xi32>
    %add3A_2220 = arith.constant 8 : i32
    %add3A_2221 = vector.broadcast %add3A_2220 : i32 to vector<16xi32>
    %add3A_2222 = arith.addi %add3A_2219, %add3A_2221 : vector<16xi32>
    %gather3A_2223 = tpu.vector_load_idx %arg10[%add3A_2222] : memref<1024xf32, #tpu.memory_space<vmem>>[vector<16xi32>], vector<16xf32>,
    %add3A_2224 = arith.addf %add3A_2216, %gather3A_2223 : vector<16xf32>
    %add3A_2225 = arith.constant 256 : i32
    %add3A_2226 = vector.broadcast %add3A_2225 : i32 to vector<16xi32>
    %add3A_2227 = arith.addi %add3A_2226, %mul3A_59 : vector<16xi32>
    %add3A_2228 = arith.constant 9 : i32
    %add3A_2229 = vector.broadcast %add3A_2228 : i32 to vector<16xi32>
    %add3A_2230 = arith.addi %add3A_2227, %add3A_2229 : vector<16xi32>
    %gather3A_2231 = tpu.vector_load_idx %arg10[%add3A_2230] : memref<1024xf32, #tpu.memory_space<vmem>>[vector<16xi32>], vector<16xf32>,
    %add3A_2232 = arith.addf %add3A_2224, %gather3A_2231 : vector<16xf32>
    %add3A_2233 = arith.constant 256 : i32
    %add3A_2234 = vector.broadcast %add3A_2233 : i32 to vector<16xi32>
    %add3A_2235 = arith.addi %add3A_2234, %mul3A_59 : vector<16xi32>
    %add3A_2236 = arith.constant 10 : i32
    %add3A_2237 = vector.broadcast %add3A_2236 : i32 to vector<16xi32>
    %add3A_2238 = arith.addi %add3A_2235, %add3A_2237 : vector<16xi32>
    %gather3A_2239 = tpu.vector_load_idx %arg10[%add3A_2238] : memref<1024xf32, #tpu.memory_space<vmem>>[vector<16xi32>], vector<16xf32>,
    %add3A_2240 = arith.addf %add3A_2232, %gather3A_2239 : vector<16xf32>
    %add3A_2241 = arith.constant 256 : i32
    %add3A_2242 = vector.broadcast %add3A_2241 : i32 to vector<16xi32>
    %add3A_2243 = arith.addi %add3A_2242, %mul3A_59 : vector<16xi32>
    %add3A_2244 = arith.constant 11 : i32
    %add3A_2245 = vector.broadcast %add3A_2244 : i32 to vector<16xi32>
    %add3A_2246 = arith.addi %add3A_2243, %add3A_2245 : vector<16xi32>
    %gather3A_2247 = tpu.vector_load_idx %arg10[%add3A_2246] : memref<1024xf32, #tpu.memory_space<vmem>>[vector<16xi32>], vector<16xf32>,
    %add3A_2248 = arith.addf %add3A_2240, %gather3A_2247 : vector<16xf32>
    %add3A_2249 = arith.constant 256 : i32
    %add3A_2250 = vector.broadcast %add3A_2249 : i32 to vector<16xi32>
    %add3A_2251 = arith.addi %add3A_2250, %mul3A_59 : vector<16xi32>
    %add3A_2252 = arith.constant 12 : i32
    %add3A_2253 = vector.broadcast %add3A_2252 : i32 to vector<16xi32>
    %add3A_2254 = arith.addi %add3A_2251, %add3A_2253 : vector<16xi32>
    %gather3A_2255 = tpu.vector_load_idx %arg10[%add3A_2254] : memref<1024xf32, #tpu.memory_space<vmem>>[vector<16xi32>], vector<16xf32>,
    %add3A_2256 = arith.addf %add3A_2248, %gather3A_2255 : vector<16xf32>
    %add3A_2257 = arith.constant 256 : i32
    %add3A_2258 = vector.broadcast %add3A_2257 : i32 to vector<16xi32>
    %add3A_2259 = arith.addi %add3A_2258, %mul3A_59 : vector<16xi32>
    %add3A_2260 = arith.constant 13 : i32
    %add3A_2261 = vector.broadcast %add3A_2260 : i32 to vector<16xi32>
    %add3A_2262 = arith.addi %add3A_2259, %add3A_2261 : vector<16xi32>
    %gather3A_2263 = tpu.vector_load_idx %arg10[%add3A_2262] : memref<1024xf32, #tpu.memory_space<vmem>>[vector<16xi32>], vector<16xf32>,
    %add3A_2264 = arith.addf %add3A_2256, %gather3A_2263 : vector<16xf32>
    %add3A_2265 = arith.constant 256 : i32
    %add3A_2266 = vector.broadcast %add3A_2265 : i32 to vector<16xi32>
    %add3A_2267 = arith.addi %add3A_2266, %mul3A_59 : vector<16xi32>
    %add3A_2268 = arith.constant 14 : i32
    %add3A_2269 = vector.broadcast %add3A_2268 : i32 to vector<16xi32>
    %add3A_2270 = arith.addi %add3A_2267, %add3A_2269 : vector<16xi32>
    %gather3A_2271 = tpu.vector_load_idx %arg10[%add3A_2270] : memref<1024xf32, #tpu.memory_space<vmem>>[vector<16xi32>], vector<16xf32>,
    %add3A_2272 = arith.addf %add3A_2264, %gather3A_2271 : vector<16xf32>
    %add3A_2273 = arith.constant 256 : i32
    %add3A_2274 = vector.broadcast %add3A_2273 : i32 to vector<16xi32>
    %add3A_2275 = arith.addi %add3A_2274, %mul3A_59 : vector<16xi32>
    %add3A_2276 = arith.constant 15 : i32
    %add3A_2277 = vector.broadcast %add3A_2276 : i32 to vector<16xi32>
    %add3A_2278 = arith.addi %add3A_2275, %add3A_2277 : vector<16xi32>
    %gather3A_2279 = tpu.vector_load_idx %arg10[%add3A_2278] : memref<1024xf32, #tpu.memory_space<vmem>>[vector<16xi32>], vector<16xf32>,
    %add3A_2280 = arith.addf %add3A_2272, %gather3A_2279 : vector<16xf32>
    %rev3A_2281 = arith.constant 15 : i32
    %rev3A_2282 = vector.broadcast %rev3A_2281 : i32 to vector<16xi32>
    %rev3A_2283 = tpu.iota {dimensions = array<i32: 0>} : vector<16xi32>
    %rev3A_2284 = arith.subi %rev3A_2282, %rev3A_2283 : vector<16xi32>
    %rev3A_2285 = tpu.dynamic_gather %add3A_2280[%rev3A_2284] in [0] : vector<16xf32>, vector<16xi32> -> vector<16xf32>
    %cumsum3A_2286 = arith.constant true
    %cumsum3A_2287 = vector.broadcast %cumsum3A_2286 : i1 to vector<16xi1>
    %cumsum3A_2288 = tpu.scan <sum>, %rev3A_2285 masked %cumsum3A_2287 : vector<16xf32>, vector<16xi1> -> vector<16xf32>
    %rev3A_2289 = arith.constant 15 : i32
    %rev3A_2290 = vector.broadcast %rev3A_2289 : i32 to vector<16xi32>
    %rev3A_2291 = tpu.iota {dimensions = array<i32: 0>} : vector<16xi32>
    %rev3A_2292 = arith.subi %rev3A_2290, %rev3A_2291 : vector<16xi32>
    %rev3A_2293 = tpu.dynamic_gather %cumsum3A_2288[%rev3A_2292] in [0] : vector<16xf32>, vector<16xi32> -> vector<16xf32>
    %ge3A_2294 = arith.cmpf oge, %rev3A_2293, %sub3A_1467 : vector<16xf32>
    %all_reduce_population_count3A_2295 = tpu.all_reduce %ge3A_2294 {dim = 0 : i64, kind = #tpu.reduction_kind<sum>} : vector<16xi1> -> vector<16xi32>
    %add3A_2296 = arith.addi %broadcast_in_dim3A_64, %all_reduce_population_count3A_2295 : vector<16xi32>
    %sub3A_2297 = arith.constant 1 : i32
    %sub3A_2298 = vector.broadcast %sub3A_2297 : i32 to vector<16xi32>
    %sub3A_2299 = arith.subi %add3A_2296, %sub3A_2298 : vector<16xi32>
    %lt3A_2300 = arith.constant 0 : i32
    %lt3A_2301 = vector.broadcast %lt3A_2300 : i32 to vector<16xi32>
    %lt3A_2302 = arith.cmpi slt, %sub3A_2299, %lt3A_2301 : vector<16xi32>
    %add3A_2303 = arith.constant 16 : i32
    %add3A_2304 = vector.broadcast %add3A_2303 : i32 to vector<16xi32>
    %add3A_2305 = arith.addi %sub3A_2299, %add3A_2304 : vector<16xi32>
    %select_n3A_2306 = arith.select %lt3A_2302, %add3A_2305, %sub3A_2299 : vector<16xi1>, vector<16xi32>
    %broadcast_in_dim3A_2307 = vector.shape_cast %select_n3A_2306 : vector<16xi32> to vector<16x1xi32>
    %gather3A_2308 = vector.shape_cast %broadcast_in_dim3A_2307 : vector<16x1xi32> to vector<16xi32>
    %gather3A_2309 = tpu.dynamic_gather %add3A_2280[%gather3A_2308] in [0] : vector<16xf32>, vector<16xi32> -> vector<16xf32>
    %lt3A_2310 = arith.constant 0 : i32
    %lt3A_2311 = vector.broadcast %lt3A_2310 : i32 to vector<16xi32>
    %lt3A_2312 = arith.cmpi slt, %sub3A_2299, %lt3A_2311 : vector<16xi32>
    %add3A_2313 = arith.constant 16 : i32
    %add3A_2314 = vector.broadcast %add3A_2313 : i32 to vector<16xi32>
    %add3A_2315 = arith.addi %sub3A_2299, %add3A_2314 : vector<16xi32>
    %select_n3A_2316 = arith.select %lt3A_2312, %add3A_2315, %sub3A_2299 : vector<16xi1>, vector<16xi32>
    %broadcast_in_dim3A_2317 = vector.shape_cast %select_n3A_2316 : vector<16xi32> to vector<16x1xi32>
    %gather3A_2318 = vector.shape_cast %broadcast_in_dim3A_2317 : vector<16x1xi32> to vector<16xi32>
    %gather3A_2319 = tpu.dynamic_gather %rev3A_2293[%gather3A_2318] in [0] : vector<16xf32>, vector<16xi32> -> vector<16xf32>
    %sub3A_2320 = arith.subf %gather3A_2319, %gather3A_2309 : vector<16xf32>
    %mul3A_2321 = arith.constant 16 : i32
    %mul3A_2322 = vector.broadcast %mul3A_2321 : i32 to vector<16xi32>
    %mul3A_2323 = arith.muli %sub3A_2299, %mul3A_2322 : vector<16xi32>
    %add3A_2324 = arith.constant 256 : i32
    %add3A_2325 = vector.broadcast %add3A_2324 : i32 to vector<16xi32>
    %add3A_2326 = arith.addi %add3A_2325, %mul3A_2323 : vector<16xi32>
    %add3A_2327 = arith.addi %add3A_2326, %iota3A : vector<16xi32>
    %gather3A_2328 = tpu.vector_load_idx %arg10[%add3A_2327] : memref<1024xf32, #tpu.memory_space<vmem>>[vector<16xi32>], vector<16xf32>,
    %rev3A_2329 = arith.constant 15 : i32
    %rev3A_2330 = vector.broadcast %rev3A_2329 : i32 to vector<16xi32>
    %rev3A_2331 = tpu.iota {dimensions = array<i32: 0>} : vector<16xi32>
    %rev3A_2332 = arith.subi %rev3A_2330, %rev3A_2331 : vector<16xi32>
    %rev3A_2333 = tpu.dynamic_gather %gather3A_2328[%rev3A_2332] in [0] : vector<16xf32>, vector<16xi32> -> vector<16xf32>
    %cumsum3A_2334 = arith.constant true
    %cumsum3A_2335 = vector.broadcast %cumsum3A_2334 : i1 to vector<16xi1>
    %cumsum3A_2336 = tpu.scan <sum>, %rev3A_2333 masked %cumsum3A_2335 : vector<16xf32>, vector<16xi1> -> vector<16xf32>
    %rev3A_2337 = arith.constant 15 : i32
    %rev3A_2338 = vector.broadcast %rev3A_2337 : i32 to vector<16xi32>
    %rev3A_2339 = tpu.iota {dimensions = array<i32: 0>} : vector<16xi32>
    %rev3A_2340 = arith.subi %rev3A_2338, %rev3A_2339 : vector<16xi32>
    %rev3A_2341 = tpu.dynamic_gather %cumsum3A_2336[%rev3A_2340] in [0] : vector<16xf32>, vector<16xi32> -> vector<16xf32>
    %add3A_2342 = arith.addf %sub3A_2320, %rev3A_2341 : vector<16xf32>
    %ge3A_2343 = arith.cmpf oge, %add3A_2342, %sub3A_1467 : vector<16xf32>
    %all_reduce_population_count3A_2344 = tpu.all_reduce %ge3A_2343 {dim = 0 : i64, kind = #tpu.reduction_kind<sum>} : vector<16xi1> -> vector<16xi32>
    %add3A_2345 = arith.addi %broadcast_in_dim3A_64, %all_reduce_population_count3A_2344 : vector<16xi32>
    %sub3A_2346 = arith.constant 1 : i32
    %sub3A_2347 = vector.broadcast %sub3A_2346 : i32 to vector<16xi32>
    %sub3A_2348 = arith.subi %add3A_2345, %sub3A_2347 : vector<16xi32>
    %lt3A_2349 = arith.constant 0 : i32
    %lt3A_2350 = vector.broadcast %lt3A_2349 : i32 to vector<16xi32>
    %lt3A_2351 = arith.cmpi slt, %sub3A_2348, %lt3A_2350 : vector<16xi32>
    %add3A_2352 = arith.constant 16 : i32
    %add3A_2353 = vector.broadcast %add3A_2352 : i32 to vector<16xi32>
    %add3A_2354 = arith.addi %sub3A_2348, %add3A_2353 : vector<16xi32>
    %select_n3A_2355 = arith.select %lt3A_2351, %add3A_2354, %sub3A_2348 : vector<16xi1>, vector<16xi32>
    %broadcast_in_dim3A_2356 = vector.shape_cast %select_n3A_2355 : vector<16xi32> to vector<16x1xi32>
    %gather3A_2357 = vector.shape_cast %broadcast_in_dim3A_2356 : vector<16x1xi32> to vector<16xi32>
    %gather3A_2358 = tpu.dynamic_gather %rev3A_2341[%gather3A_2357] in [0] : vector<16xf32>, vector<16xi32> -> vector<16xf32>
    %lt3A_2359 = arith.constant 0 : i32
    %lt3A_2360 = vector.broadcast %lt3A_2359 : i32 to vector<16xi32>
    %lt3A_2361 = arith.cmpi slt, %sub3A_2348, %lt3A_2360 : vector<16xi32>
    %add3A_2362 = arith.constant 16 : i32
    %add3A_2363 = vector.broadcast %add3A_2362 : i32 to vector<16xi32>
    %add3A_2364 = arith.addi %sub3A_2348, %add3A_2363 : vector<16xi32>
    %select_n3A_2365 = arith.select %lt3A_2361, %add3A_2364, %sub3A_2348 : vector<16xi1>, vector<16xi32>
    %broadcast_in_dim3A_2366 = vector.shape_cast %select_n3A_2365 : vector<16xi32> to vector<16x1xi32>
    %gather3A_2367 = vector.shape_cast %broadcast_in_dim3A_2366 : vector<16x1xi32> to vector<16xi32>
    %gather3A_2368 = tpu.dynamic_gather %gather3A_2328[%gather3A_2367] in [0] : vector<16xf32>, vector<16xi32> -> vector<16xf32>
    %mul3A_2369 = arith.constant 16 : i32
    %mul3A_2370 = vector.broadcast %mul3A_2369 : i32 to vector<16xi32>
    %mul3A_2371 = arith.muli %sub3A_2299, %mul3A_2370 : vector<16xi32>
    %add3A_2372 = arith.addi %mul3A_2371, %sub3A_2348 : vector<16xi32>
    %add3A_2373 = arith.addf %sub3A_2320, %gather3A_2358 : vector<16xf32>
    %sub3A_2374 = arith.subf %add3A_2373, %gather3A_2368 : vector<16xf32>
    %sub3A_2375 = arith.subf %sub3A_1467, %sub3A_2374 : vector<16xf32>
    %add3A_2376 = arith.constant 512 : i32
    %add3A_2377 = vector.broadcast %add3A_2376 : i32 to vector<16xi32>
    %add3A_2378 = arith.addi %add3A_2377, %mul3A_59 : vector<16xi32>
    %add3A_2379 = arith.constant 0 : i32
    %add3A_2380 = vector.broadcast %add3A_2379 : i32 to vector<16xi32>
    %add3A_2381 = arith.addi %add3A_2378, %add3A_2380 : vector<16xi32>
    %gather3A_2382 = tpu.vector_load_idx %arg10[%add3A_2381] : memref<1024xf32, #tpu.memory_space<vmem>>[vector<16xi32>], vector<16xf32>,
    %add3A_2383 = arith.addf %broadcast_in_dim3A_62, %gather3A_2382 : vector<16xf32>
    %add3A_2384 = arith.constant 512 : i32
    %add3A_2385 = vector.broadcast %add3A_2384 : i32 to vector<16xi32>
    %add3A_2386 = arith.addi %add3A_2385, %mul3A_59 : vector<16xi32>
    %add3A_2387 = arith.constant 1 : i32
    %add3A_2388 = vector.broadcast %add3A_2387 : i32 to vector<16xi32>
    %add3A_2389 = arith.addi %add3A_2386, %add3A_2388 : vector<16xi32>
    %gather3A_2390 = tpu.vector_load_idx %arg10[%add3A_2389] : memref<1024xf32, #tpu.memory_space<vmem>>[vector<16xi32>], vector<16xf32>,
    %add3A_2391 = arith.addf %add3A_2383, %gather3A_2390 : vector<16xf32>
    %add3A_2392 = arith.constant 512 : i32
    %add3A_2393 = vector.broadcast %add3A_2392 : i32 to vector<16xi32>
    %add3A_2394 = arith.addi %add3A_2393, %mul3A_59 : vector<16xi32>
    %add3A_2395 = arith.constant 2 : i32
    %add3A_2396 = vector.broadcast %add3A_2395 : i32 to vector<16xi32>
    %add3A_2397 = arith.addi %add3A_2394, %add3A_2396 : vector<16xi32>
    %gather3A_2398 = tpu.vector_load_idx %arg10[%add3A_2397] : memref<1024xf32, #tpu.memory_space<vmem>>[vector<16xi32>], vector<16xf32>,
    %add3A_2399 = arith.addf %add3A_2391, %gather3A_2398 : vector<16xf32>
    %add3A_2400 = arith.constant 512 : i32
    %add3A_2401 = vector.broadcast %add3A_2400 : i32 to vector<16xi32>
    %add3A_2402 = arith.addi %add3A_2401, %mul3A_59 : vector<16xi32>
    %add3A_2403 = arith.constant 3 : i32
    %add3A_2404 = vector.broadcast %add3A_2403 : i32 to vector<16xi32>
    %add3A_2405 = arith.addi %add3A_2402, %add3A_2404 : vector<16xi32>
    %gather3A_2406 = tpu.vector_load_idx %arg10[%add3A_2405] : memref<1024xf32, #tpu.memory_space<vmem>>[vector<16xi32>], vector<16xf32>,
    %add3A_2407 = arith.addf %add3A_2399, %gather3A_2406 : vector<16xf32>
    %add3A_2408 = arith.constant 512 : i32
    %add3A_2409 = vector.broadcast %add3A_2408 : i32 to vector<16xi32>
    %add3A_2410 = arith.addi %add3A_2409, %mul3A_59 : vector<16xi32>
    %add3A_2411 = arith.constant 4 : i32
    %add3A_2412 = vector.broadcast %add3A_2411 : i32 to vector<16xi32>
    %add3A_2413 = arith.addi %add3A_2410, %add3A_2412 : vector<16xi32>
    %gather3A_2414 = tpu.vector_load_idx %arg10[%add3A_2413] : memref<1024xf32, #tpu.memory_space<vmem>>[vector<16xi32>], vector<16xf32>,
    %add3A_2415 = arith.addf %add3A_2407, %gather3A_2414 : vector<16xf32>
    %add3A_2416 = arith.constant 512 : i32
    %add3A_2417 = vector.broadcast %add3A_2416 : i32 to vector<16xi32>
    %add3A_2418 = arith.addi %add3A_2417, %mul3A_59 : vector<16xi32>
    %add3A_2419 = arith.constant 5 : i32
    %add3A_2420 = vector.broadcast %add3A_2419 : i32 to vector<16xi32>
    %add3A_2421 = arith.addi %add3A_2418, %add3A_2420 : vector<16xi32>
    %gather3A_2422 = tpu.vector_load_idx %arg10[%add3A_2421] : memref<1024xf32, #tpu.memory_space<vmem>>[vector<16xi32>], vector<16xf32>,
    %add3A_2423 = arith.addf %add3A_2415, %gather3A_2422 : vector<16xf32>
    %add3A_2424 = arith.constant 512 : i32
    %add3A_2425 = vector.broadcast %add3A_2424 : i32 to vector<16xi32>
    %add3A_2426 = arith.addi %add3A_2425, %mul3A_59 : vector<16xi32>
    %add3A_2427 = arith.constant 6 : i32
    %add3A_2428 = vector.broadcast %add3A_2427 : i32 to vector<16xi32>
    %add3A_2429 = arith.addi %add3A_2426, %add3A_2428 : vector<16xi32>
    %gather3A_2430 = tpu.vector_load_idx %arg10[%add3A_2429] : memref<1024xf32, #tpu.memory_space<vmem>>[vector<16xi32>], vector<16xf32>,
    %add3A_2431 = arith.addf %add3A_2423, %gather3A_2430 : vector<16xf32>
    %add3A_2432 = arith.constant 512 : i32
    %add3A_2433 = vector.broadcast %add3A_2432 : i32 to vector<16xi32>
    %add3A_2434 = arith.addi %add3A_2433, %mul3A_59 : vector<16xi32>
    %add3A_2435 = arith.constant 7 : i32
    %add3A_2436 = vector.broadcast %add3A_2435 : i32 to vector<16xi32>
    %add3A_2437 = arith.addi %add3A_2434, %add3A_2436 : vector<16xi32>
    %gather3A_2438 = tpu.vector_load_idx %arg10[%add3A_2437] : memref<1024xf32, #tpu.memory_space<vmem>>[vector<16xi32>], vector<16xf32>,
    %add3A_2439 = arith.addf %add3A_2431, %gather3A_2438 : vector<16xf32>
    %add3A_2440 = arith.constant 512 : i32
    %add3A_2441 = vector.broadcast %add3A_2440 : i32 to vector<16xi32>
    %add3A_2442 = arith.addi %add3A_2441, %mul3A_59 : vector<16xi32>
    %add3A_2443 = arith.constant 8 : i32
    %add3A_2444 = vector.broadcast %add3A_2443 : i32 to vector<16xi32>
    %add3A_2445 = arith.addi %add3A_2442, %add3A_2444 : vector<16xi32>
    %gather3A_2446 = tpu.vector_load_idx %arg10[%add3A_2445] : memref<1024xf32, #tpu.memory_space<vmem>>[vector<16xi32>], vector<16xf32>,
    %add3A_2447 = arith.addf %add3A_2439, %gather3A_2446 : vector<16xf32>
    %add3A_2448 = arith.constant 512 : i32
    %add3A_2449 = vector.broadcast %add3A_2448 : i32 to vector<16xi32>
    %add3A_2450 = arith.addi %add3A_2449, %mul3A_59 : vector<16xi32>
    %add3A_2451 = arith.constant 9 : i32
    %add3A_2452 = vector.broadcast %add3A_2451 : i32 to vector<16xi32>
    %add3A_2453 = arith.addi %add3A_2450, %add3A_2452 : vector<16xi32>
    %gather3A_2454 = tpu.vector_load_idx %arg10[%add3A_2453] : memref<1024xf32, #tpu.memory_space<vmem>>[vector<16xi32>], vector<16xf32>,
    %add3A_2455 = arith.addf %add3A_2447, %gather3A_2454 : vector<16xf32>
    %add3A_2456 = arith.constant 512 : i32
    %add3A_2457 = vector.broadcast %add3A_2456 : i32 to vector<16xi32>
    %add3A_2458 = arith.addi %add3A_2457, %mul3A_59 : vector<16xi32>
    %add3A_2459 = arith.constant 10 : i32
    %add3A_2460 = vector.broadcast %add3A_2459 : i32 to vector<16xi32>
    %add3A_2461 = arith.addi %add3A_2458, %add3A_2460 : vector<16xi32>
    %gather3A_2462 = tpu.vector_load_idx %arg10[%add3A_2461] : memref<1024xf32, #tpu.memory_space<vmem>>[vector<16xi32>], vector<16xf32>,
    %add3A_2463 = arith.addf %add3A_2455, %gather3A_2462 : vector<16xf32>
    %add3A_2464 = arith.constant 512 : i32
    %add3A_2465 = vector.broadcast %add3A_2464 : i32 to vector<16xi32>
    %add3A_2466 = arith.addi %add3A_2465, %mul3A_59 : vector<16xi32>
    %add3A_2467 = arith.constant 11 : i32
    %add3A_2468 = vector.broadcast %add3A_2467 : i32 to vector<16xi32>
    %add3A_2469 = arith.addi %add3A_2466, %add3A_2468 : vector<16xi32>
    %gather3A_2470 = tpu.vector_load_idx %arg10[%add3A_2469] : memref<1024xf32, #tpu.memory_space<vmem>>[vector<16xi32>], vector<16xf32>,
    %add3A_2471 = arith.addf %add3A_2463, %gather3A_2470 : vector<16xf32>
    %add3A_2472 = arith.constant 512 : i32
    %add3A_2473 = vector.broadcast %add3A_2472 : i32 to vector<16xi32>
    %add3A_2474 = arith.addi %add3A_2473, %mul3A_59 : vector<16xi32>
    %add3A_2475 = arith.constant 12 : i32
    %add3A_2476 = vector.broadcast %add3A_2475 : i32 to vector<16xi32>
    %add3A_2477 = arith.addi %add3A_2474, %add3A_2476 : vector<16xi32>
    %gather3A_2478 = tpu.vector_load_idx %arg10[%add3A_2477] : memref<1024xf32, #tpu.memory_space<vmem>>[vector<16xi32>], vector<16xf32>,
    %add3A_2479 = arith.addf %add3A_2471, %gather3A_2478 : vector<16xf32>
    %add3A_2480 = arith.constant 512 : i32
    %add3A_2481 = vector.broadcast %add3A_2480 : i32 to vector<16xi32>
    %add3A_2482 = arith.addi %add3A_2481, %mul3A_59 : vector<16xi32>
    %add3A_2483 = arith.constant 13 : i32
    %add3A_2484 = vector.broadcast %add3A_2483 : i32 to vector<16xi32>
    %add3A_2485 = arith.addi %add3A_2482, %add3A_2484 : vector<16xi32>
    %gather3A_2486 = tpu.vector_load_idx %arg10[%add3A_2485] : memref<1024xf32, #tpu.memory_space<vmem>>[vector<16xi32>], vector<16xf32>,
    %add3A_2487 = arith.addf %add3A_2479, %gather3A_2486 : vector<16xf32>
    %add3A_2488 = arith.constant 512 : i32
    %add3A_2489 = vector.broadcast %add3A_2488 : i32 to vector<16xi32>
    %add3A_2490 = arith.addi %add3A_2489, %mul3A_59 : vector<16xi32>
    %add3A_2491 = arith.constant 14 : i32
    %add3A_2492 = vector.broadcast %add3A_2491 : i32 to vector<16xi32>
    %add3A_2493 = arith.addi %add3A_2490, %add3A_2492 : vector<16xi32>
    %gather3A_2494 = tpu.vector_load_idx %arg10[%add3A_2493] : memref<1024xf32, #tpu.memory_space<vmem>>[vector<16xi32>], vector<16xf32>,
    %add3A_2495 = arith.addf %add3A_2487, %gather3A_2494 : vector<16xf32>
    %add3A_2496 = arith.constant 512 : i32
    %add3A_2497 = vector.broadcast %add3A_2496 : i32 to vector<16xi32>
    %add3A_2498 = arith.addi %add3A_2497, %mul3A_59 : vector<16xi32>
    %add3A_2499 = arith.constant 15 : i32
    %add3A_2500 = vector.broadcast %add3A_2499 : i32 to vector<16xi32>
    %add3A_2501 = arith.addi %add3A_2498, %add3A_2500 : vector<16xi32>
    %gather3A_2502 = tpu.vector_load_idx %arg10[%add3A_2501] : memref<1024xf32, #tpu.memory_space<vmem>>[vector<16xi32>], vector<16xf32>,
    %add3A_2503 = arith.addf %add3A_2495, %gather3A_2502 : vector<16xf32>
    %rev3A_2504 = arith.constant 15 : i32
    %rev3A_2505 = vector.broadcast %rev3A_2504 : i32 to vector<16xi32>
    %rev3A_2506 = tpu.iota {dimensions = array<i32: 0>} : vector<16xi32>
    %rev3A_2507 = arith.subi %rev3A_2505, %rev3A_2506 : vector<16xi32>
    %rev3A_2508 = tpu.dynamic_gather %add3A_2503[%rev3A_2507] in [0] : vector<16xf32>, vector<16xi32> -> vector<16xf32>
    %cumsum3A_2509 = arith.constant true
    %cumsum3A_2510 = vector.broadcast %cumsum3A_2509 : i1 to vector<16xi1>
    %cumsum3A_2511 = tpu.scan <sum>, %rev3A_2508 masked %cumsum3A_2510 : vector<16xf32>, vector<16xi1> -> vector<16xf32>
    %rev3A_2512 = arith.constant 15 : i32
    %rev3A_2513 = vector.broadcast %rev3A_2512 : i32 to vector<16xi32>
    %rev3A_2514 = tpu.iota {dimensions = array<i32: 0>} : vector<16xi32>
    %rev3A_2515 = arith.subi %rev3A_2513, %rev3A_2514 : vector<16xi32>
    %rev3A_2516 = tpu.dynamic_gather %cumsum3A_2511[%rev3A_2515] in [0] : vector<16xf32>, vector<16xi32> -> vector<16xf32>
    %ge3A_2517 = arith.cmpf oge, %rev3A_2516, %sub3A_1690 : vector<16xf32>
    %all_reduce_population_count3A_2518 = tpu.all_reduce %ge3A_2517 {dim = 0 : i64, kind = #tpu.reduction_kind<sum>} : vector<16xi1> -> vector<16xi32>
    %add3A_2519 = arith.addi %broadcast_in_dim3A_64, %all_reduce_population_count3A_2518 : vector<16xi32>
    %sub3A_2520 = arith.constant 1 : i32
    %sub3A_2521 = vector.broadcast %sub3A_2520 : i32 to vector<16xi32>
    %sub3A_2522 = arith.subi %add3A_2519, %sub3A_2521 : vector<16xi32>
    %lt3A_2523 = arith.constant 0 : i32
    %lt3A_2524 = vector.broadcast %lt3A_2523 : i32 to vector<16xi32>
    %lt3A_2525 = arith.cmpi slt, %sub3A_2522, %lt3A_2524 : vector<16xi32>
    %add3A_2526 = arith.constant 16 : i32
    %add3A_2527 = vector.broadcast %add3A_2526 : i32 to vector<16xi32>
    %add3A_2528 = arith.addi %sub3A_2522, %add3A_2527 : vector<16xi32>
    %select_n3A_2529 = arith.select %lt3A_2525, %add3A_2528, %sub3A_2522 : vector<16xi1>, vector<16xi32>
    %broadcast_in_dim3A_2530 = vector.shape_cast %select_n3A_2529 : vector<16xi32> to vector<16x1xi32>
    %gather3A_2531 = vector.shape_cast %broadcast_in_dim3A_2530 : vector<16x1xi32> to vector<16xi32>
    %gather3A_2532 = tpu.dynamic_gather %add3A_2503[%gather3A_2531] in [0] : vector<16xf32>, vector<16xi32> -> vector<16xf32>
    %lt3A_2533 = arith.constant 0 : i32
    %lt3A_2534 = vector.broadcast %lt3A_2533 : i32 to vector<16xi32>
    %lt3A_2535 = arith.cmpi slt, %sub3A_2522, %lt3A_2534 : vector<16xi32>
    %add3A_2536 = arith.constant 16 : i32
    %add3A_2537 = vector.broadcast %add3A_2536 : i32 to vector<16xi32>
    %add3A_2538 = arith.addi %sub3A_2522, %add3A_2537 : vector<16xi32>
    %select_n3A_2539 = arith.select %lt3A_2535, %add3A_2538, %sub3A_2522 : vector<16xi1>, vector<16xi32>
    %broadcast_in_dim3A_2540 = vector.shape_cast %select_n3A_2539 : vector<16xi32> to vector<16x1xi32>
    %gather3A_2541 = vector.shape_cast %broadcast_in_dim3A_2540 : vector<16x1xi32> to vector<16xi32>
    %gather3A_2542 = tpu.dynamic_gather %rev3A_2516[%gather3A_2541] in [0] : vector<16xf32>, vector<16xi32> -> vector<16xf32>
    %sub3A_2543 = arith.subf %gather3A_2542, %gather3A_2532 : vector<16xf32>
    %mul3A_2544 = arith.constant 16 : i32
    %mul3A_2545 = vector.broadcast %mul3A_2544 : i32 to vector<16xi32>
    %mul3A_2546 = arith.muli %sub3A_2522, %mul3A_2545 : vector<16xi32>
    %add3A_2547 = arith.constant 512 : i32
    %add3A_2548 = vector.broadcast %add3A_2547 : i32 to vector<16xi32>
    %add3A_2549 = arith.addi %add3A_2548, %mul3A_2546 : vector<16xi32>
    %add3A_2550 = arith.addi %add3A_2549, %iota3A : vector<16xi32>
    %gather3A_2551 = tpu.vector_load_idx %arg10[%add3A_2550] : memref<1024xf32, #tpu.memory_space<vmem>>[vector<16xi32>], vector<16xf32>,
    %rev3A_2552 = arith.constant 15 : i32
    %rev3A_2553 = vector.broadcast %rev3A_2552 : i32 to vector<16xi32>
    %rev3A_2554 = tpu.iota {dimensions = array<i32: 0>} : vector<16xi32>
    %rev3A_2555 = arith.subi %rev3A_2553, %rev3A_2554 : vector<16xi32>
    %rev3A_2556 = tpu.dynamic_gather %gather3A_2551[%rev3A_2555] in [0] : vector<16xf32>, vector<16xi32> -> vector<16xf32>
    %cumsum3A_2557 = arith.constant true
    %cumsum3A_2558 = vector.broadcast %cumsum3A_2557 : i1 to vector<16xi1>
    %cumsum3A_2559 = tpu.scan <sum>, %rev3A_2556 masked %cumsum3A_2558 : vector<16xf32>, vector<16xi1> -> vector<16xf32>
    %rev3A_2560 = arith.constant 15 : i32
    %rev3A_2561 = vector.broadcast %rev3A_2560 : i32 to vector<16xi32>
    %rev3A_2562 = tpu.iota {dimensions = array<i32: 0>} : vector<16xi32>
    %rev3A_2563 = arith.subi %rev3A_2561, %rev3A_2562 : vector<16xi32>
    %rev3A_2564 = tpu.dynamic_gather %cumsum3A_2559[%rev3A_2563] in [0] : vector<16xf32>, vector<16xi32> -> vector<16xf32>
    %add3A_2565 = arith.addf %sub3A_2543, %rev3A_2564 : vector<16xf32>
    %ge3A_2566 = arith.cmpf oge, %add3A_2565, %sub3A_1690 : vector<16xf32>
    %all_reduce_population_count3A_2567 = tpu.all_reduce %ge3A_2566 {dim = 0 : i64, kind = #tpu.reduction_kind<sum>} : vector<16xi1> -> vector<16xi32>
    %add3A_2568 = arith.addi %broadcast_in_dim3A_64, %all_reduce_population_count3A_2567 : vector<16xi32>
    %sub3A_2569 = arith.constant 1 : i32
    %sub3A_2570 = vector.broadcast %sub3A_2569 : i32 to vector<16xi32>
    %sub3A_2571 = arith.subi %add3A_2568, %sub3A_2570 : vector<16xi32>
    %lt3A_2572 = arith.constant 0 : i32
    %lt3A_2573 = vector.broadcast %lt3A_2572 : i32 to vector<16xi32>
    %lt3A_2574 = arith.cmpi slt, %sub3A_2571, %lt3A_2573 : vector<16xi32>
    %add3A_2575 = arith.constant 16 : i32
    %add3A_2576 = vector.broadcast %add3A_2575 : i32 to vector<16xi32>
    %add3A_2577 = arith.addi %sub3A_2571, %add3A_2576 : vector<16xi32>
    %select_n3A_2578 = arith.select %lt3A_2574, %add3A_2577, %sub3A_2571 : vector<16xi1>, vector<16xi32>
    %broadcast_in_dim3A_2579 = vector.shape_cast %select_n3A_2578 : vector<16xi32> to vector<16x1xi32>
    %gather3A_2580 = vector.shape_cast %broadcast_in_dim3A_2579 : vector<16x1xi32> to vector<16xi32>
    %gather3A_2581 = tpu.dynamic_gather %rev3A_2564[%gather3A_2580] in [0] : vector<16xf32>, vector<16xi32> -> vector<16xf32>
    %lt3A_2582 = arith.constant 0 : i32
    %lt3A_2583 = vector.broadcast %lt3A_2582 : i32 to vector<16xi32>
    %lt3A_2584 = arith.cmpi slt, %sub3A_2571, %lt3A_2583 : vector<16xi32>
    %add3A_2585 = arith.constant 16 : i32
    %add3A_2586 = vector.broadcast %add3A_2585 : i32 to vector<16xi32>
    %add3A_2587 = arith.addi %sub3A_2571, %add3A_2586 : vector<16xi32>
    %select_n3A_2588 = arith.select %lt3A_2584, %add3A_2587, %sub3A_2571 : vector<16xi1>, vector<16xi32>
    %broadcast_in_dim3A_2589 = vector.shape_cast %select_n3A_2588 : vector<16xi32> to vector<16x1xi32>
    %gather3A_2590 = vector.shape_cast %broadcast_in_dim3A_2589 : vector<16x1xi32> to vector<16xi32>
    %gather3A_2591 = tpu.dynamic_gather %gather3A_2551[%gather3A_2590] in [0] : vector<16xf32>, vector<16xi32> -> vector<16xf32>
    %mul3A_2592 = arith.constant 16 : i32
    %mul3A_2593 = vector.broadcast %mul3A_2592 : i32 to vector<16xi32>
    %mul3A_2594 = arith.muli %sub3A_2522, %mul3A_2593 : vector<16xi32>
    %add3A_2595 = arith.addi %mul3A_2594, %sub3A_2571 : vector<16xi32>
    %add3A_2596 = arith.addf %sub3A_2543, %gather3A_2581 : vector<16xf32>
    %sub3A_2597 = arith.subf %add3A_2596, %gather3A_2591 : vector<16xf32>
    %sub3A_2598 = arith.subf %sub3A_1690, %sub3A_2597 : vector<16xf32>
    %add3A_2599 = arith.constant 768 : i32
    %add3A_2600 = vector.broadcast %add3A_2599 : i32 to vector<16xi32>
    %add3A_2601 = arith.addi %add3A_2600, %mul3A_59 : vector<16xi32>
    %add3A_2602 = arith.constant 0 : i32
    %add3A_2603 = vector.broadcast %add3A_2602 : i32 to vector<16xi32>
    %add3A_2604 = arith.addi %add3A_2601, %add3A_2603 : vector<16xi32>
    %gather3A_2605 = tpu.vector_load_idx %arg10[%add3A_2604] : memref<1024xf32, #tpu.memory_space<vmem>>[vector<16xi32>], vector<16xf32>,
    %add3A_2606 = arith.addf %broadcast_in_dim3A_62, %gather3A_2605 : vector<16xf32>
    %add3A_2607 = arith.constant 768 : i32
    %add3A_2608 = vector.broadcast %add3A_2607 : i32 to vector<16xi32>
    %add3A_2609 = arith.addi %add3A_2608, %mul3A_59 : vector<16xi32>
    %add3A_2610 = arith.constant 1 : i32
    %add3A_2611 = vector.broadcast %add3A_2610 : i32 to vector<16xi32>
    %add3A_2612 = arith.addi %add3A_2609, %add3A_2611 : vector<16xi32>
    %gather3A_2613 = tpu.vector_load_idx %arg10[%add3A_2612] : memref<1024xf32, #tpu.memory_space<vmem>>[vector<16xi32>], vector<16xf32>,
    %add3A_2614 = arith.addf %add3A_2606, %gather3A_2613 : vector<16xf32>
    %add3A_2615 = arith.constant 768 : i32
    %add3A_2616 = vector.broadcast %add3A_2615 : i32 to vector<16xi32>
    %add3A_2617 = arith.addi %add3A_2616, %mul3A_59 : vector<16xi32>
    %add3A_2618 = arith.constant 2 : i32
    %add3A_2619 = vector.broadcast %add3A_2618 : i32 to vector<16xi32>
    %add3A_2620 = arith.addi %add3A_2617, %add3A_2619 : vector<16xi32>
    %gather3A_2621 = tpu.vector_load_idx %arg10[%add3A_2620] : memref<1024xf32, #tpu.memory_space<vmem>>[vector<16xi32>], vector<16xf32>,
    %add3A_2622 = arith.addf %add3A_2614, %gather3A_2621 : vector<16xf32>
    %add3A_2623 = arith.constant 768 : i32
    %add3A_2624 = vector.broadcast %add3A_2623 : i32 to vector<16xi32>
    %add3A_2625 = arith.addi %add3A_2624, %mul3A_59 : vector<16xi32>
    %add3A_2626 = arith.constant 3 : i32
    %add3A_2627 = vector.broadcast %add3A_2626 : i32 to vector<16xi32>
    %add3A_2628 = arith.addi %add3A_2625, %add3A_2627 : vector<16xi32>
    %gather3A_2629 = tpu.vector_load_idx %arg10[%add3A_2628] : memref<1024xf32, #tpu.memory_space<vmem>>[vector<16xi32>], vector<16xf32>,
    %add3A_2630 = arith.addf %add3A_2622, %gather3A_2629 : vector<16xf32>
    %add3A_2631 = arith.constant 768 : i32
    %add3A_2632 = vector.broadcast %add3A_2631 : i32 to vector<16xi32>
    %add3A_2633 = arith.addi %add3A_2632, %mul3A_59 : vector<16xi32>
    %add3A_2634 = arith.constant 4 : i32
    %add3A_2635 = vector.broadcast %add3A_2634 : i32 to vector<16xi32>
    %add3A_2636 = arith.addi %add3A_2633, %add3A_2635 : vector<16xi32>
    %gather3A_2637 = tpu.vector_load_idx %arg10[%add3A_2636] : memref<1024xf32, #tpu.memory_space<vmem>>[vector<16xi32>], vector<16xf32>,
    %add3A_2638 = arith.addf %add3A_2630, %gather3A_2637 : vector<16xf32>
    %add3A_2639 = arith.constant 768 : i32
    %add3A_2640 = vector.broadcast %add3A_2639 : i32 to vector<16xi32>
    %add3A_2641 = arith.addi %add3A_2640, %mul3A_59 : vector<16xi32>
    %add3A_2642 = arith.constant 5 : i32
    %add3A_2643 = vector.broadcast %add3A_2642 : i32 to vector<16xi32>
    %add3A_2644 = arith.addi %add3A_2641, %add3A_2643 : vector<16xi32>
    %gather3A_2645 = tpu.vector_load_idx %arg10[%add3A_2644] : memref<1024xf32, #tpu.memory_space<vmem>>[vector<16xi32>], vector<16xf32>,
    %add3A_2646 = arith.addf %add3A_2638, %gather3A_2645 : vector<16xf32>
    %add3A_2647 = arith.constant 768 : i32
    %add3A_2648 = vector.broadcast %add3A_2647 : i32 to vector<16xi32>
    %add3A_2649 = arith.addi %add3A_2648, %mul3A_59 : vector<16xi32>
    %add3A_2650 = arith.constant 6 : i32
    %add3A_2651 = vector.broadcast %add3A_2650 : i32 to vector<16xi32>
    %add3A_2652 = arith.addi %add3A_2649, %add3A_2651 : vector<16xi32>
    %gather3A_2653 = tpu.vector_load_idx %arg10[%add3A_2652] : memref<1024xf32, #tpu.memory_space<vmem>>[vector<16xi32>], vector<16xf32>,
    %add3A_2654 = arith.addf %add3A_2646, %gather3A_2653 : vector<16xf32>
    %add3A_2655 = arith.constant 768 : i32
    %add3A_2656 = vector.broadcast %add3A_2655 : i32 to vector<16xi32>
    %add3A_2657 = arith.addi %add3A_2656, %mul3A_59 : vector<16xi32>
    %add3A_2658 = arith.constant 7 : i32
    %add3A_2659 = vector.broadcast %add3A_2658 : i32 to vector<16xi32>
    %add3A_2660 = arith.addi %add3A_2657, %add3A_2659 : vector<16xi32>
    %gather3A_2661 = tpu.vector_load_idx %arg10[%add3A_2660] : memref<1024xf32, #tpu.memory_space<vmem>>[vector<16xi32>], vector<16xf32>,
    %add3A_2662 = arith.addf %add3A_2654, %gather3A_2661 : vector<16xf32>
    %add3A_2663 = arith.constant 768 : i32
    %add3A_2664 = vector.broadcast %add3A_2663 : i32 to vector<16xi32>
    %add3A_2665 = arith.addi %add3A_2664, %mul3A_59 : vector<16xi32>
    %add3A_2666 = arith.constant 8 : i32
    %add3A_2667 = vector.broadcast %add3A_2666 : i32 to vector<16xi32>
    %add3A_2668 = arith.addi %add3A_2665, %add3A_2667 : vector<16xi32>
    %gather3A_2669 = tpu.vector_load_idx %arg10[%add3A_2668] : memref<1024xf32, #tpu.memory_space<vmem>>[vector<16xi32>], vector<16xf32>,
    %add3A_2670 = arith.addf %add3A_2662, %gather3A_2669 : vector<16xf32>
    %add3A_2671 = arith.constant 768 : i32
    %add3A_2672 = vector.broadcast %add3A_2671 : i32 to vector<16xi32>
    %add3A_2673 = arith.addi %add3A_2672, %mul3A_59 : vector<16xi32>
    %add3A_2674 = arith.constant 9 : i32
    %add3A_2675 = vector.broadcast %add3A_2674 : i32 to vector<16xi32>
    %add3A_2676 = arith.addi %add3A_2673, %add3A_2675 : vector<16xi32>
    %gather3A_2677 = tpu.vector_load_idx %arg10[%add3A_2676] : memref<1024xf32, #tpu.memory_space<vmem>>[vector<16xi32>], vector<16xf32>,
    %add3A_2678 = arith.addf %add3A_2670, %gather3A_2677 : vector<16xf32>
    %add3A_2679 = arith.constant 768 : i32
    %add3A_2680 = vector.broadcast %add3A_2679 : i32 to vector<16xi32>
    %add3A_2681 = arith.addi %add3A_2680, %mul3A_59 : vector<16xi32>
    %add3A_2682 = arith.constant 10 : i32
    %add3A_2683 = vector.broadcast %add3A_2682 : i32 to vector<16xi32>
    %add3A_2684 = arith.addi %add3A_2681, %add3A_2683 : vector<16xi32>
    %gather3A_2685 = tpu.vector_load_idx %arg10[%add3A_2684] : memref<1024xf32, #tpu.memory_space<vmem>>[vector<16xi32>], vector<16xf32>,
    %add3A_2686 = arith.addf %add3A_2678, %gather3A_2685 : vector<16xf32>
    %add3A_2687 = arith.constant 768 : i32
    %add3A_2688 = vector.broadcast %add3A_2687 : i32 to vector<16xi32>
    %add3A_2689 = arith.addi %add3A_2688, %mul3A_59 : vector<16xi32>
    %add3A_2690 = arith.constant 11 : i32
    %add3A_2691 = vector.broadcast %add3A_2690 : i32 to vector<16xi32>
    %add3A_2692 = arith.addi %add3A_2689, %add3A_2691 : vector<16xi32>
    %gather3A_2693 = tpu.vector_load_idx %arg10[%add3A_2692] : memref<1024xf32, #tpu.memory_space<vmem>>[vector<16xi32>], vector<16xf32>,
    %add3A_2694 = arith.addf %add3A_2686, %gather3A_2693 : vector<16xf32>
    %add3A_2695 = arith.constant 768 : i32
    %add3A_2696 = vector.broadcast %add3A_2695 : i32 to vector<16xi32>
    %add3A_2697 = arith.addi %add3A_2696, %mul3A_59 : vector<16xi32>
    %add3A_2698 = arith.constant 12 : i32
    %add3A_2699 = vector.broadcast %add3A_2698 : i32 to vector<16xi32>
    %add3A_2700 = arith.addi %add3A_2697, %add3A_2699 : vector<16xi32>
    %gather3A_2701 = tpu.vector_load_idx %arg10[%add3A_2700] : memref<1024xf32, #tpu.memory_space<vmem>>[vector<16xi32>], vector<16xf32>,
    %add3A_2702 = arith.addf %add3A_2694, %gather3A_2701 : vector<16xf32>
    %add3A_2703 = arith.constant 768 : i32
    %add3A_2704 = vector.broadcast %add3A_2703 : i32 to vector<16xi32>
    %add3A_2705 = arith.addi %add3A_2704, %mul3A_59 : vector<16xi32>
    %add3A_2706 = arith.constant 13 : i32
    %add3A_2707 = vector.broadcast %add3A_2706 : i32 to vector<16xi32>
    %add3A_2708 = arith.addi %add3A_2705, %add3A_2707 : vector<16xi32>
    %gather3A_2709 = tpu.vector_load_idx %arg10[%add3A_2708] : memref<1024xf32, #tpu.memory_space<vmem>>[vector<16xi32>], vector<16xf32>,
    %add3A_2710 = arith.addf %add3A_2702, %gather3A_2709 : vector<16xf32>
    %add3A_2711 = arith.constant 768 : i32
    %add3A_2712 = vector.broadcast %add3A_2711 : i32 to vector<16xi32>
    %add3A_2713 = arith.addi %add3A_2712, %mul3A_59 : vector<16xi32>
    %add3A_2714 = arith.constant 14 : i32
    %add3A_2715 = vector.broadcast %add3A_2714 : i32 to vector<16xi32>
    %add3A_2716 = arith.addi %add3A_2713, %add3A_2715 : vector<16xi32>
    %gather3A_2717 = tpu.vector_load_idx %arg10[%add3A_2716] : memref<1024xf32, #tpu.memory_space<vmem>>[vector<16xi32>], vector<16xf32>,
    %add3A_2718 = arith.addf %add3A_2710, %gather3A_2717 : vector<16xf32>
    %add3A_2719 = arith.constant 768 : i32
    %add3A_2720 = vector.broadcast %add3A_2719 : i32 to vector<16xi32>
    %add3A_2721 = arith.addi %add3A_2720, %mul3A_59 : vector<16xi32>
    %add3A_2722 = arith.constant 15 : i32
    %add3A_2723 = vector.broadcast %add3A_2722 : i32 to vector<16xi32>
    %add3A_2724 = arith.addi %add3A_2721, %add3A_2723 : vector<16xi32>
    %gather3A_2725 = tpu.vector_load_idx %arg10[%add3A_2724] : memref<1024xf32, #tpu.memory_space<vmem>>[vector<16xi32>], vector<16xf32>,
    %add3A_2726 = arith.addf %add3A_2718, %gather3A_2725 : vector<16xf32>
    %rev3A_2727 = arith.constant 15 : i32
    %rev3A_2728 = vector.broadcast %rev3A_2727 : i32 to vector<16xi32>
    %rev3A_2729 = tpu.iota {dimensions = array<i32: 0>} : vector<16xi32>
    %rev3A_2730 = arith.subi %rev3A_2728, %rev3A_2729 : vector<16xi32>
    %rev3A_2731 = tpu.dynamic_gather %add3A_2726[%rev3A_2730] in [0] : vector<16xf32>, vector<16xi32> -> vector<16xf32>
    %cumsum3A_2732 = arith.constant true
    %cumsum3A_2733 = vector.broadcast %cumsum3A_2732 : i1 to vector<16xi1>
    %cumsum3A_2734 = tpu.scan <sum>, %rev3A_2731 masked %cumsum3A_2733 : vector<16xf32>, vector<16xi1> -> vector<16xf32>
    %rev3A_2735 = arith.constant 15 : i32
    %rev3A_2736 = vector.broadcast %rev3A_2735 : i32 to vector<16xi32>
    %rev3A_2737 = tpu.iota {dimensions = array<i32: 0>} : vector<16xi32>
    %rev3A_2738 = arith.subi %rev3A_2736, %rev3A_2737 : vector<16xi32>
    %rev3A_2739 = tpu.dynamic_gather %cumsum3A_2734[%rev3A_2738] in [0] : vector<16xf32>, vector<16xi32> -> vector<16xf32>
    %ge3A_2740 = arith.cmpf oge, %rev3A_2739, %sub3A_1913 : vector<16xf32>
    %all_reduce_population_count3A_2741 = tpu.all_reduce %ge3A_2740 {dim = 0 : i64, kind = #tpu.reduction_kind<sum>} : vector<16xi1> -> vector<16xi32>
    %add3A_2742 = arith.addi %broadcast_in_dim3A_64, %all_reduce_population_count3A_2741 : vector<16xi32>
    %sub3A_2743 = arith.constant 1 : i32
    %sub3A_2744 = vector.broadcast %sub3A_2743 : i32 to vector<16xi32>
    %sub3A_2745 = arith.subi %add3A_2742, %sub3A_2744 : vector<16xi32>
    %lt3A_2746 = arith.constant 0 : i32
    %lt3A_2747 = vector.broadcast %lt3A_2746 : i32 to vector<16xi32>
    %lt3A_2748 = arith.cmpi slt, %sub3A_2745, %lt3A_2747 : vector<16xi32>
    %add3A_2749 = arith.constant 16 : i32
    %add3A_2750 = vector.broadcast %add3A_2749 : i32 to vector<16xi32>
    %add3A_2751 = arith.addi %sub3A_2745, %add3A_2750 : vector<16xi32>
    %select_n3A_2752 = arith.select %lt3A_2748, %add3A_2751, %sub3A_2745 : vector<16xi1>, vector<16xi32>
    %broadcast_in_dim3A_2753 = vector.shape_cast %select_n3A_2752 : vector<16xi32> to vector<16x1xi32>
    %gather3A_2754 = vector.shape_cast %broadcast_in_dim3A_2753 : vector<16x1xi32> to vector<16xi32>
    %gather3A_2755 = tpu.dynamic_gather %add3A_2726[%gather3A_2754] in [0] : vector<16xf32>, vector<16xi32> -> vector<16xf32>
    %lt3A_2756 = arith.constant 0 : i32
    %lt3A_2757 = vector.broadcast %lt3A_2756 : i32 to vector<16xi32>
    %lt3A_2758 = arith.cmpi slt, %sub3A_2745, %lt3A_2757 : vector<16xi32>
    %add3A_2759 = arith.constant 16 : i32
    %add3A_2760 = vector.broadcast %add3A_2759 : i32 to vector<16xi32>
    %add3A_2761 = arith.addi %sub3A_2745, %add3A_2760 : vector<16xi32>
    %select_n3A_2762 = arith.select %lt3A_2758, %add3A_2761, %sub3A_2745 : vector<16xi1>, vector<16xi32>
    %broadcast_in_dim3A_2763 = vector.shape_cast %select_n3A_2762 : vector<16xi32> to vector<16x1xi32>
    %gather3A_2764 = vector.shape_cast %broadcast_in_dim3A_2763 : vector<16x1xi32> to vector<16xi32>
    %gather3A_2765 = tpu.dynamic_gather %rev3A_2739[%gather3A_2764] in [0] : vector<16xf32>, vector<16xi32> -> vector<16xf32>
    %sub3A_2766 = arith.subf %gather3A_2765, %gather3A_2755 : vector<16xf32>
    %mul3A_2767 = arith.constant 16 : i32
    %mul3A_2768 = vector.broadcast %mul3A_2767 : i32 to vector<16xi32>
    %mul3A_2769 = arith.muli %sub3A_2745, %mul3A_2768 : vector<16xi32>
    %add3A_2770 = arith.constant 768 : i32
    %add3A_2771 = vector.broadcast %add3A_2770 : i32 to vector<16xi32>
    %add3A_2772 = arith.addi %add3A_2771, %mul3A_2769 : vector<16xi32>
    %add3A_2773 = arith.addi %add3A_2772, %iota3A : vector<16xi32>
    %gather3A_2774 = tpu.vector_load_idx %arg10[%add3A_2773] : memref<1024xf32, #tpu.memory_space<vmem>>[vector<16xi32>], vector<16xf32>,
    %rev3A_2775 = arith.constant 15 : i32
    %rev3A_2776 = vector.broadcast %rev3A_2775 : i32 to vector<16xi32>
    %rev3A_2777 = tpu.iota {dimensions = array<i32: 0>} : vector<16xi32>
    %rev3A_2778 = arith.subi %rev3A_2776, %rev3A_2777 : vector<16xi32>
    %rev3A_2779 = tpu.dynamic_gather %gather3A_2774[%rev3A_2778] in [0] : vector<16xf32>, vector<16xi32> -> vector<16xf32>
    %cumsum3A_2780 = arith.constant true
    %cumsum3A_2781 = vector.broadcast %cumsum3A_2780 : i1 to vector<16xi1>
    %cumsum3A_2782 = tpu.scan <sum>, %rev3A_2779 masked %cumsum3A_2781 : vector<16xf32>, vector<16xi1> -> vector<16xf32>
    %rev3A_2783 = arith.constant 15 : i32
    %rev3A_2784 = vector.broadcast %rev3A_2783 : i32 to vector<16xi32>
    %rev3A_2785 = tpu.iota {dimensions = array<i32: 0>} : vector<16xi32>
    %rev3A_2786 = arith.subi %rev3A_2784, %rev3A_2785 : vector<16xi32>
    %rev3A_2787 = tpu.dynamic_gather %cumsum3A_2782[%rev3A_2786] in [0] : vector<16xf32>, vector<16xi32> -> vector<16xf32>
    %add3A_2788 = arith.addf %sub3A_2766, %rev3A_2787 : vector<16xf32>
    %ge3A_2789 = arith.cmpf oge, %add3A_2788, %sub3A_1913 : vector<16xf32>
    %all_reduce_population_count3A_2790 = tpu.all_reduce %ge3A_2789 {dim = 0 : i64, kind = #tpu.reduction_kind<sum>} : vector<16xi1> -> vector<16xi32>
    %add3A_2791 = arith.addi %broadcast_in_dim3A_64, %all_reduce_population_count3A_2790 : vector<16xi32>
    %sub3A_2792 = arith.constant 1 : i32
    %sub3A_2793 = vector.broadcast %sub3A_2792 : i32 to vector<16xi32>
    %sub3A_2794 = arith.subi %add3A_2791, %sub3A_2793 : vector<16xi32>
    %lt3A_2795 = arith.constant 0 : i32
    %lt3A_2796 = vector.broadcast %lt3A_2795 : i32 to vector<16xi32>
    %lt3A_2797 = arith.cmpi slt, %sub3A_2794, %lt3A_2796 : vector<16xi32>
    %add3A_2798 = arith.constant 16 : i32
    %add3A_2799 = vector.broadcast %add3A_2798 : i32 to vector<16xi32>
    %add3A_2800 = arith.addi %sub3A_2794, %add3A_2799 : vector<16xi32>
    %select_n3A_2801 = arith.select %lt3A_2797, %add3A_2800, %sub3A_2794 : vector<16xi1>, vector<16xi32>
    %broadcast_in_dim3A_2802 = vector.shape_cast %select_n3A_2801 : vector<16xi32> to vector<16x1xi32>
    %gather3A_2803 = vector.shape_cast %broadcast_in_dim3A_2802 : vector<16x1xi32> to vector<16xi32>
    %gather3A_2804 = tpu.dynamic_gather %rev3A_2787[%gather3A_2803] in [0] : vector<16xf32>, vector<16xi32> -> vector<16xf32>
    %lt3A_2805 = arith.constant 0 : i32
    %lt3A_2806 = vector.broadcast %lt3A_2805 : i32 to vector<16xi32>
    %lt3A_2807 = arith.cmpi slt, %sub3A_2794, %lt3A_2806 : vector<16xi32>
    %add3A_2808 = arith.constant 16 : i32
    %add3A_2809 = vector.broadcast %add3A_2808 : i32 to vector<16xi32>
    %add3A_2810 = arith.addi %sub3A_2794, %add3A_2809 : vector<16xi32>
    %select_n3A_2811 = arith.select %lt3A_2807, %add3A_2810, %sub3A_2794 : vector<16xi1>, vector<16xi32>
    %broadcast_in_dim3A_2812 = vector.shape_cast %select_n3A_2811 : vector<16xi32> to vector<16x1xi32>
    %gather3A_2813 = vector.shape_cast %broadcast_in_dim3A_2812 : vector<16x1xi32> to vector<16xi32>
    %gather3A_2814 = tpu.dynamic_gather %gather3A_2774[%gather3A_2813] in [0] : vector<16xf32>, vector<16xi32> -> vector<16xf32>
    %mul3A_2815 = arith.constant 16 : i32
    %mul3A_2816 = vector.broadcast %mul3A_2815 : i32 to vector<16xi32>
    %mul3A_2817 = arith.muli %sub3A_2745, %mul3A_2816 : vector<16xi32>
    %add3A_2818 = arith.addi %mul3A_2817, %sub3A_2794 : vector<16xi32>
    %add3A_2819 = arith.addf %sub3A_2766, %gather3A_2804 : vector<16xf32>
    %sub3A_2820 = arith.subf %add3A_2819, %gather3A_2814 : vector<16xf32>
    %sub3A_2821 = arith.subf %sub3A_1913, %sub3A_2820 : vector<16xf32>
    %scan3A_2822 = arith.constant 0 : i32
    %scan3A_2823 = arith.constant 0 : i32
    %scan3A_2824 = arith.constant 16 : i32
    %scan3A_2825 = arith.addi %scan3A_2823, %scan3A_2824 : i32
    %scan3A_2826 = arith.constant 1 : i32
    scf.for %scan3A_3839 = %scan3A_2823 to %scan3A_2825 step %scan3A_2826  : i32 {
      %mul3A_3840 = arith.constant 4 : i32
      %mul3A_3841 = arith.muli %scan3A_3839, %mul3A_3840 : i32
      %add3A_3842 = arith.constant 0 : i32
      %add3A_3843 = arith.addi %mul3A_3841, %add3A_3842 : i32
      %mul3A_3844 = arith.constant 16 : i32
      %mul3A_3845 = arith.muli %add3A_3843, %mul3A_3844 : i32
      %swap3A_3846 = arith.index_cast %mul3A_3845 : i32 to index
      %swap3A_3847 = tpu.vector_load %arg10[%swap3A_3846] {strides = array<i32>} : memref<1024xf32, #tpu.memory_space<vmem>>, vector<16xf32>,
      tpu.vector_store %arg10[%swap3A_3846], %broadcast_in_dim3A_62 {strides = array<i32>} : memref<1024xf32, #tpu.memory_space<vmem>>, vector<16xf32>,
      %mul3A_3848 = arith.constant 4 : i32
      %mul3A_3849 = arith.muli %scan3A_3839, %mul3A_3848 : i32
      %add3A_3850 = arith.constant 1 : i32
      %add3A_3851 = arith.addi %mul3A_3849, %add3A_3850 : i32
      %mul3A_3852 = arith.constant 16 : i32
      %mul3A_3853 = arith.muli %add3A_3851, %mul3A_3852 : i32
      %swap3A_3854 = arith.index_cast %mul3A_3853 : i32 to index
      %swap3A_3855 = tpu.vector_load %arg10[%swap3A_3854] {strides = array<i32>} : memref<1024xf32, #tpu.memory_space<vmem>>, vector<16xf32>,
      tpu.vector_store %arg10[%swap3A_3854], %broadcast_in_dim3A_62 {strides = array<i32>} : memref<1024xf32, #tpu.memory_space<vmem>>, vector<16xf32>,
      %mul3A_3856 = arith.constant 4 : i32
      %mul3A_3857 = arith.muli %scan3A_3839, %mul3A_3856 : i32
      %add3A_3858 = arith.constant 2 : i32
      %add3A_3859 = arith.addi %mul3A_3857, %add3A_3858 : i32
      %mul3A_3860 = arith.constant 16 : i32
      %mul3A_3861 = arith.muli %add3A_3859, %mul3A_3860 : i32
      %swap3A_3862 = arith.index_cast %mul3A_3861 : i32 to index
      %swap3A_3863 = tpu.vector_load %arg10[%swap3A_3862] {strides = array<i32>} : memref<1024xf32, #tpu.memory_space<vmem>>, vector<16xf32>,
      tpu.vector_store %arg10[%swap3A_3862], %broadcast_in_dim3A_62 {strides = array<i32>} : memref<1024xf32, #tpu.memory_space<vmem>>, vector<16xf32>,
      %mul3A_3864 = arith.constant 4 : i32
      %mul3A_3865 = arith.muli %scan3A_3839, %mul3A_3864 : i32
      %add3A_3866 = arith.constant 3 : i32
      %add3A_3867 = arith.addi %mul3A_3865, %add3A_3866 : i32
      %mul3A_3868 = arith.constant 16 : i32
      %mul3A_3869 = arith.muli %add3A_3867, %mul3A_3868 : i32
      %swap3A_3870 = arith.index_cast %mul3A_3869 : i32 to index
      %swap3A_3871 = tpu.vector_load %arg10[%swap3A_3870] {strides = array<i32>} : memref<1024xf32, #tpu.memory_space<vmem>>, vector<16xf32>,
      tpu.vector_store %arg10[%swap3A_3870], %broadcast_in_dim3A_62 {strides = array<i32>} : memref<1024xf32, #tpu.memory_space<vmem>>, vector<16xf32>,
    }
    %scan3A_2827 = arith.constant 16 : i32
    %while3A_2828 = arith.constant 0 : i32
    %while3A_2829 = arith.constant 0 : i32
    %while3A_2830 = arith.subi %reduce_max3A_1006, %while3A_2829 : i32
    %while3A_2831 = arith.addi %while3A_2829, %while3A_2830 : i32
    %while3A_2832 = arith.constant 1 : i32
    %while3A_2833 = arith.divsi %while3A_2830, %while3A_2832 : i32
    %while3A_2834 = arith.muli %while3A_2833, %while3A_2832 : i32
    %while3A_2835 = arith.addi %while3A_2829, %while3A_2834 : i32
    %while3A_2836 = arith.constant 1 : i32
    scf.for %while3A_3839 = %while3A_2829 to %while3A_2835 step %while3A_2836  : i32 {
      %mul3A_3840 = arith.constant 16 : i32
      %mul3A_3841 = arith.muli %while3A_3839, %mul3A_3840 : i32
      %add3A_3842 = arith.constant 0 : i32
      %add3A_3843 = arith.addi %add3A_3842, %mul3A_3841 : i32
      %get3A = arith.index_cast %add3A_3843 : i32 to index
      %get3A_3844 = tpu.vector_load %arg9[%get3A] {strides = array<i32>} : memref<8192xi32, #tpu.memory_space<vmem>>, vector<16xi32>,
      %mul3A_3845 = arith.constant 16 : i32
      %mul3A_3846 = arith.muli %while3A_3839, %mul3A_3845 : i32
      %add3A_3847 = vector.broadcast %mul3A_3846 : i32 to vector<16xi32>
      %add3A_3848 = arith.addi %add3A_3847, %iota3A : vector<16xi32>
      %lt3A_3849 = arith.cmpi slt, %add3A_3848, %convert_element_type3A : vector<16xi32>
      %broadcast_in_dim3A_3850 = arith.constant 16 : i32
      %broadcast_in_dim3A_3851 = vector.broadcast %broadcast_in_dim3A_3850 : i32 to vector<16xi32>
      %shift_right_logical3A_3852 = arith.shrui %get3A_3844, %broadcast_in_dim3A_3851 : vector<16xi32>
      %and3A = arith.constant 255 : i32
      %and3A_3853 = vector.broadcast %and3A : i32 to vector<16xi32>
      %and3A_3854 = arith.andi %shift_right_logical3A_3852, %and3A_3853 : vector<16xi32>
      %eq3A = arith.cmpi eq, %and3A_3854, %add3A_1241 : vector<16xi32>
      %and3A_3855 = arith.andi %lt3A_3849, %eq3A : vector<16xi1>
      %broadcast_in_dim3A_3856 = arith.constant 8 : i32
      %broadcast_in_dim3A_3857 = vector.broadcast %broadcast_in_dim3A_3856 : i32 to vector<16xi32>
      %shift_right_logical3A_3858 = arith.shrui %get3A_3844, %broadcast_in_dim3A_3857 : vector<16xi32>
      %and3A_3859 = arith.constant 255 : i32
      %and3A_3860 = vector.broadcast %and3A_3859 : i32 to vector<16xi32>
      %and3A_3861 = arith.andi %shift_right_logical3A_3858, %and3A_3860 : vector<16xi32>
      %eq3A_3862 = arith.cmpi eq, %and3A_3861, %add3A_2149 : vector<16xi32>
      %and3A_3863 = arith.andi %and3A_3855, %eq3A_3862 : vector<16xi1>
      %broadcast_in_dim3A_3864 = arith.constant 0 : i32
      %broadcast_in_dim3A_3865 = vector.broadcast %broadcast_in_dim3A_3864 : i32 to vector<16xi32>
      %shift_right_logical3A_3866 = arith.shrui %get3A_3844, %broadcast_in_dim3A_3865 : vector<16xi32>
      %and3A_3867 = arith.constant 255 : i32
      %and3A_3868 = vector.broadcast %and3A_3867 : i32 to vector<16xi32>
      %and3A_3869 = arith.andi %shift_right_logical3A_3866, %and3A_3868 : vector<16xi32>
      %add3A_3870 = arith.constant 0 : i32
      %add3A_3871 = vector.broadcast %add3A_3870 : i32 to vector<16xi32>
      %add3A_3872 = arith.addi %add3A_3871, %and3A_3869 : vector<16xi32>
      tpu.vector_store_idx %arg10[%add3A_3872], %broadcast_in_dim3A_60 masked %and3A_3863 {add = true} : memref<1024xf32, #tpu.memory_space<vmem>>[vector<16xi32>], vector<16xf32>, vector<16xi1>
      %mul3A_3873 = arith.constant 16 : i32
      %mul3A_3874 = arith.muli %while3A_3839, %mul3A_3873 : i32
      %add3A_3875 = arith.constant 2048 : i32
      %add3A_3876 = arith.addi %add3A_3875, %mul3A_3874 : i32
      %get3A_3877 = arith.index_cast %add3A_3876 : i32 to index
      %get3A_3878 = tpu.vector_load %arg9[%get3A_3877] {strides = array<i32>} : memref<8192xi32, #tpu.memory_space<vmem>>, vector<16xi32>,
      %mul3A_3879 = arith.constant 16 : i32
      %mul3A_3880 = arith.muli %while3A_3839, %mul3A_3879 : i32
      %add3A_3881 = vector.broadcast %mul3A_3880 : i32 to vector<16xi32>
      %add3A_3882 = arith.addi %add3A_3881, %iota3A : vector<16xi32>
      %lt3A_3883 = arith.cmpi slt, %add3A_3882, %convert_element_type3A_526 : vector<16xi32>
      %broadcast_in_dim3A_3884 = arith.constant 16 : i32
      %broadcast_in_dim3A_3885 = vector.broadcast %broadcast_in_dim3A_3884 : i32 to vector<16xi32>
      %shift_right_logical3A_3886 = arith.shrui %get3A_3878, %broadcast_in_dim3A_3885 : vector<16xi32>
      %and3A_3887 = arith.constant 255 : i32
      %and3A_3888 = vector.broadcast %and3A_3887 : i32 to vector<16xi32>
      %and3A_3889 = arith.andi %shift_right_logical3A_3886, %and3A_3888 : vector<16xi32>
      %eq3A_3890 = arith.cmpi eq, %and3A_3889, %add3A_1464 : vector<16xi32>
      %and3A_3891 = arith.andi %lt3A_3883, %eq3A_3890 : vector<16xi1>
      %broadcast_in_dim3A_3892 = arith.constant 8 : i32
      %broadcast_in_dim3A_3893 = vector.broadcast %broadcast_in_dim3A_3892 : i32 to vector<16xi32>
      %shift_right_logical3A_3894 = arith.shrui %get3A_3878, %broadcast_in_dim3A_3893 : vector<16xi32>
      %and3A_3895 = arith.constant 255 : i32
      %and3A_3896 = vector.broadcast %and3A_3895 : i32 to vector<16xi32>
      %and3A_3897 = arith.andi %shift_right_logical3A_3894, %and3A_3896 : vector<16xi32>
      %eq3A_3898 = arith.cmpi eq, %and3A_3897, %add3A_2372 : vector<16xi32>
      %and3A_3899 = arith.andi %and3A_3891, %eq3A_3898 : vector<16xi1>
      %broadcast_in_dim3A_3900 = arith.constant 0 : i32
      %broadcast_in_dim3A_3901 = vector.broadcast %broadcast_in_dim3A_3900 : i32 to vector<16xi32>
      %shift_right_logical3A_3902 = arith.shrui %get3A_3878, %broadcast_in_dim3A_3901 : vector<16xi32>
      %and3A_3903 = arith.constant 255 : i32
      %and3A_3904 = vector.broadcast %and3A_3903 : i32 to vector<16xi32>
      %and3A_3905 = arith.andi %shift_right_logical3A_3902, %and3A_3904 : vector<16xi32>
      %add3A_3906 = arith.constant 256 : i32
      %add3A_3907 = vector.broadcast %add3A_3906 : i32 to vector<16xi32>
      %add3A_3908 = arith.addi %add3A_3907, %and3A_3905 : vector<16xi32>
      tpu.vector_store_idx %arg10[%add3A_3908], %broadcast_in_dim3A_60 masked %and3A_3899 {add = true} : memref<1024xf32, #tpu.memory_space<vmem>>[vector<16xi32>], vector<16xf32>, vector<16xi1>
      %mul3A_3909 = arith.constant 16 : i32
      %mul3A_3910 = arith.muli %while3A_3839, %mul3A_3909 : i32
      %add3A_3911 = arith.constant 4096 : i32
      %add3A_3912 = arith.addi %add3A_3911, %mul3A_3910 : i32
      %get3A_3913 = arith.index_cast %add3A_3912 : i32 to index
      %get3A_3914 = tpu.vector_load %arg9[%get3A_3913] {strides = array<i32>} : memref<8192xi32, #tpu.memory_space<vmem>>, vector<16xi32>,
      %mul3A_3915 = arith.constant 16 : i32
      %mul3A_3916 = arith.muli %while3A_3839, %mul3A_3915 : i32
      %add3A_3917 = vector.broadcast %mul3A_3916 : i32 to vector<16xi32>
      %add3A_3918 = arith.addi %add3A_3917, %iota3A : vector<16xi32>
      %lt3A_3919 = arith.cmpi slt, %add3A_3918, %convert_element_type3A_756 : vector<16xi32>
      %broadcast_in_dim3A_3920 = arith.constant 16 : i32
      %broadcast_in_dim3A_3921 = vector.broadcast %broadcast_in_dim3A_3920 : i32 to vector<16xi32>
      %shift_right_logical3A_3922 = arith.shrui %get3A_3914, %broadcast_in_dim3A_3921 : vector<16xi32>
      %and3A_3923 = arith.constant 255 : i32
      %and3A_3924 = vector.broadcast %and3A_3923 : i32 to vector<16xi32>
      %and3A_3925 = arith.andi %shift_right_logical3A_3922, %and3A_3924 : vector<16xi32>
      %eq3A_3926 = arith.cmpi eq, %and3A_3925, %add3A_1687 : vector<16xi32>
      %and3A_3927 = arith.andi %lt3A_3919, %eq3A_3926 : vector<16xi1>
      %broadcast_in_dim3A_3928 = arith.constant 8 : i32
      %broadcast_in_dim3A_3929 = vector.broadcast %broadcast_in_dim3A_3928 : i32 to vector<16xi32>
      %shift_right_logical3A_3930 = arith.shrui %get3A_3914, %broadcast_in_dim3A_3929 : vector<16xi32>
      %and3A_3931 = arith.constant 255 : i32
      %and3A_3932 = vector.broadcast %and3A_3931 : i32 to vector<16xi32>
      %and3A_3933 = arith.andi %shift_right_logical3A_3930, %and3A_3932 : vector<16xi32>
      %eq3A_3934 = arith.cmpi eq, %and3A_3933, %add3A_2595 : vector<16xi32>
      %and3A_3935 = arith.andi %and3A_3927, %eq3A_3934 : vector<16xi1>
      %broadcast_in_dim3A_3936 = arith.constant 0 : i32
      %broadcast_in_dim3A_3937 = vector.broadcast %broadcast_in_dim3A_3936 : i32 to vector<16xi32>
      %shift_right_logical3A_3938 = arith.shrui %get3A_3914, %broadcast_in_dim3A_3937 : vector<16xi32>
      %and3A_3939 = arith.constant 255 : i32
      %and3A_3940 = vector.broadcast %and3A_3939 : i32 to vector<16xi32>
      %and3A_3941 = arith.andi %shift_right_logical3A_3938, %and3A_3940 : vector<16xi32>
      %add3A_3942 = arith.constant 512 : i32
      %add3A_3943 = vector.broadcast %add3A_3942 : i32 to vector<16xi32>
      %add3A_3944 = arith.addi %add3A_3943, %and3A_3941 : vector<16xi32>
      tpu.vector_store_idx %arg10[%add3A_3944], %broadcast_in_dim3A_60 masked %and3A_3935 {add = true} : memref<1024xf32, #tpu.memory_space<vmem>>[vector<16xi32>], vector<16xf32>, vector<16xi1>
      %mul3A_3945 = arith.constant 16 : i32
      %mul3A_3946 = arith.muli %while3A_3839, %mul3A_3945 : i32
      %add3A_3947 = arith.constant 6144 : i32
      %add3A_3948 = arith.addi %add3A_3947, %mul3A_3946 : i32
      %get3A_3949 = arith.index_cast %add3A_3948 : i32 to index
      %get3A_3950 = tpu.vector_load %arg9[%get3A_3949] {strides = array<i32>} : memref<8192xi32, #tpu.memory_space<vmem>>, vector<16xi32>,
      %mul3A_3951 = arith.constant 16 : i32
      %mul3A_3952 = arith.muli %while3A_3839, %mul3A_3951 : i32
      %add3A_3953 = vector.broadcast %mul3A_3952 : i32 to vector<16xi32>
      %add3A_3954 = arith.addi %add3A_3953, %iota3A : vector<16xi32>
      %lt3A_3955 = arith.cmpi slt, %add3A_3954, %convert_element_type3A_986 : vector<16xi32>
      %broadcast_in_dim3A_3956 = arith.constant 16 : i32
      %broadcast_in_dim3A_3957 = vector.broadcast %broadcast_in_dim3A_3956 : i32 to vector<16xi32>
      %shift_right_logical3A_3958 = arith.shrui %get3A_3950, %broadcast_in_dim3A_3957 : vector<16xi32>
      %and3A_3959 = arith.constant 255 : i32
      %and3A_3960 = vector.broadcast %and3A_3959 : i32 to vector<16xi32>
      %and3A_3961 = arith.andi %shift_right_logical3A_3958, %and3A_3960 : vector<16xi32>
      %eq3A_3962 = arith.cmpi eq, %and3A_3961, %add3A_1910 : vector<16xi32>
      %and3A_3963 = arith.andi %lt3A_3955, %eq3A_3962 : vector<16xi1>
      %broadcast_in_dim3A_3964 = arith.constant 8 : i32
      %broadcast_in_dim3A_3965 = vector.broadcast %broadcast_in_dim3A_3964 : i32 to vector<16xi32>
      %shift_right_logical3A_3966 = arith.shrui %get3A_3950, %broadcast_in_dim3A_3965 : vector<16xi32>
      %and3A_3967 = arith.constant 255 : i32
      %and3A_3968 = vector.broadcast %and3A_3967 : i32 to vector<16xi32>
      %and3A_3969 = arith.andi %shift_right_logical3A_3966, %and3A_3968 : vector<16xi32>
      %eq3A_3970 = arith.cmpi eq, %and3A_3969, %add3A_2818 : vector<16xi32>
      %and3A_3971 = arith.andi %and3A_3963, %eq3A_3970 : vector<16xi1>
      %broadcast_in_dim3A_3972 = arith.constant 0 : i32
      %broadcast_in_dim3A_3973 = vector.broadcast %broadcast_in_dim3A_3972 : i32 to vector<16xi32>
      %shift_right_logical3A_3974 = arith.shrui %get3A_3950, %broadcast_in_dim3A_3973 : vector<16xi32>
      %and3A_3975 = arith.constant 255 : i32
      %and3A_3976 = vector.broadcast %and3A_3975 : i32 to vector<16xi32>
      %and3A_3977 = arith.andi %shift_right_logical3A_3974, %and3A_3976 : vector<16xi32>
      %add3A_3978 = arith.constant 768 : i32
      %add3A_3979 = vector.broadcast %add3A_3978 : i32 to vector<16xi32>
      %add3A_3980 = arith.addi %add3A_3979, %and3A_3977 : vector<16xi32>
      tpu.vector_store_idx %arg10[%add3A_3980], %broadcast_in_dim3A_60 masked %and3A_3971 {add = true} : memref<1024xf32, #tpu.memory_space<vmem>>[vector<16xi32>], vector<16xf32>, vector<16xi1>
    }
    %while3A_2837 = arith.constant 1 : i32
    scf.for %while3A_3839 = %while3A_2835 to %while3A_2831 step %while3A_2837  : i32 {
      %mul3A_3840 = arith.constant 16 : i32
      %mul3A_3841 = arith.muli %while3A_3839, %mul3A_3840 : i32
      %add3A_3842 = arith.constant 0 : i32
      %add3A_3843 = arith.addi %add3A_3842, %mul3A_3841 : i32
      %get3A = arith.index_cast %add3A_3843 : i32 to index
      %get3A_3844 = tpu.vector_load %arg9[%get3A] {strides = array<i32>} : memref<8192xi32, #tpu.memory_space<vmem>>, vector<16xi32>,
      %mul3A_3845 = arith.constant 16 : i32
      %mul3A_3846 = arith.muli %while3A_3839, %mul3A_3845 : i32
      %add3A_3847 = vector.broadcast %mul3A_3846 : i32 to vector<16xi32>
      %add3A_3848 = arith.addi %add3A_3847, %iota3A : vector<16xi32>
      %lt3A_3849 = arith.cmpi slt, %add3A_3848, %convert_element_type3A : vector<16xi32>
      %broadcast_in_dim3A_3850 = arith.constant 16 : i32
      %broadcast_in_dim3A_3851 = vector.broadcast %broadcast_in_dim3A_3850 : i32 to vector<16xi32>
      %shift_right_logical3A_3852 = arith.shrui %get3A_3844, %broadcast_in_dim3A_3851 : vector<16xi32>
      %and3A = arith.constant 255 : i32
      %and3A_3853 = vector.broadcast %and3A : i32 to vector<16xi32>
      %and3A_3854 = arith.andi %shift_right_logical3A_3852, %and3A_3853 : vector<16xi32>
      %eq3A = arith.cmpi eq, %and3A_3854, %add3A_1241 : vector<16xi32>
      %and3A_3855 = arith.andi %lt3A_3849, %eq3A : vector<16xi1>
      %broadcast_in_dim3A_3856 = arith.constant 8 : i32
      %broadcast_in_dim3A_3857 = vector.broadcast %broadcast_in_dim3A_3856 : i32 to vector<16xi32>
      %shift_right_logical3A_3858 = arith.shrui %get3A_3844, %broadcast_in_dim3A_3857 : vector<16xi32>
      %and3A_3859 = arith.constant 255 : i32
      %and3A_3860 = vector.broadcast %and3A_3859 : i32 to vector<16xi32>
      %and3A_3861 = arith.andi %shift_right_logical3A_3858, %and3A_3860 : vector<16xi32>
      %eq3A_3862 = arith.cmpi eq, %and3A_3861, %add3A_2149 : vector<16xi32>
      %and3A_3863 = arith.andi %and3A_3855, %eq3A_3862 : vector<16xi1>
      %broadcast_in_dim3A_3864 = arith.constant 0 : i32
      %broadcast_in_dim3A_3865 = vector.broadcast %broadcast_in_dim3A_3864 : i32 to vector<16xi32>
      %shift_right_logical3A_3866 = arith.shrui %get3A_3844, %broadcast_in_dim3A_3865 : vector<16xi32>
      %and3A_3867 = arith.constant 255 : i32
      %and3A_3868 = vector.broadcast %and3A_3867 : i32 to vector<16xi32>
      %and3A_3869 = arith.andi %shift_right_logical3A_3866, %and3A_3868 : vector<16xi32>
      %add3A_3870 = arith.constant 0 : i32
      %add3A_3871 = vector.broadcast %add3A_3870 : i32 to vector<16xi32>
      %add3A_3872 = arith.addi %add3A_3871, %and3A_3869 : vector<16xi32>
      tpu.vector_store_idx %arg10[%add3A_3872], %broadcast_in_dim3A_60 masked %and3A_3863 {add = true} : memref<1024xf32, #tpu.memory_space<vmem>>[vector<16xi32>], vector<16xf32>, vector<16xi1>
      %mul3A_3873 = arith.constant 16 : i32
      %mul3A_3874 = arith.muli %while3A_3839, %mul3A_3873 : i32
      %add3A_3875 = arith.constant 2048 : i32
      %add3A_3876 = arith.addi %add3A_3875, %mul3A_3874 : i32
      %get3A_3877 = arith.index_cast %add3A_3876 : i32 to index
      %get3A_3878 = tpu.vector_load %arg9[%get3A_3877] {strides = array<i32>} : memref<8192xi32, #tpu.memory_space<vmem>>, vector<16xi32>,
      %mul3A_3879 = arith.constant 16 : i32
      %mul3A_3880 = arith.muli %while3A_3839, %mul3A_3879 : i32
      %add3A_3881 = vector.broadcast %mul3A_3880 : i32 to vector<16xi32>
      %add3A_3882 = arith.addi %add3A_3881, %iota3A : vector<16xi32>
      %lt3A_3883 = arith.cmpi slt, %add3A_3882, %convert_element_type3A_526 : vector<16xi32>
      %broadcast_in_dim3A_3884 = arith.constant 16 : i32
      %broadcast_in_dim3A_3885 = vector.broadcast %broadcast_in_dim3A_3884 : i32 to vector<16xi32>
      %shift_right_logical3A_3886 = arith.shrui %get3A_3878, %broadcast_in_dim3A_3885 : vector<16xi32>
      %and3A_3887 = arith.constant 255 : i32
      %and3A_3888 = vector.broadcast %and3A_3887 : i32 to vector<16xi32>
      %and3A_3889 = arith.andi %shift_right_logical3A_3886, %and3A_3888 : vector<16xi32>
      %eq3A_3890 = arith.cmpi eq, %and3A_3889, %add3A_1464 : vector<16xi32>
      %and3A_3891 = arith.andi %lt3A_3883, %eq3A_3890 : vector<16xi1>
      %broadcast_in_dim3A_3892 = arith.constant 8 : i32
      %broadcast_in_dim3A_3893 = vector.broadcast %broadcast_in_dim3A_3892 : i32 to vector<16xi32>
      %shift_right_logical3A_3894 = arith.shrui %get3A_3878, %broadcast_in_dim3A_3893 : vector<16xi32>
      %and3A_3895 = arith.constant 255 : i32
      %and3A_3896 = vector.broadcast %and3A_3895 : i32 to vector<16xi32>
      %and3A_3897 = arith.andi %shift_right_logical3A_3894, %and3A_3896 : vector<16xi32>
      %eq3A_3898 = arith.cmpi eq, %and3A_3897, %add3A_2372 : vector<16xi32>
      %and3A_3899 = arith.andi %and3A_3891, %eq3A_3898 : vector<16xi1>
      %broadcast_in_dim3A_3900 = arith.constant 0 : i32
      %broadcast_in_dim3A_3901 = vector.broadcast %broadcast_in_dim3A_3900 : i32 to vector<16xi32>
      %shift_right_logical3A_3902 = arith.shrui %get3A_3878, %broadcast_in_dim3A_3901 : vector<16xi32>
      %and3A_3903 = arith.constant 255 : i32
      %and3A_3904 = vector.broadcast %and3A_3903 : i32 to vector<16xi32>
      %and3A_3905 = arith.andi %shift_right_logical3A_3902, %and3A_3904 : vector<16xi32>
      %add3A_3906 = arith.constant 256 : i32
      %add3A_3907 = vector.broadcast %add3A_3906 : i32 to vector<16xi32>
      %add3A_3908 = arith.addi %add3A_3907, %and3A_3905 : vector<16xi32>
      tpu.vector_store_idx %arg10[%add3A_3908], %broadcast_in_dim3A_60 masked %and3A_3899 {add = true} : memref<1024xf32, #tpu.memory_space<vmem>>[vector<16xi32>], vector<16xf32>, vector<16xi1>
      %mul3A_3909 = arith.constant 16 : i32
      %mul3A_3910 = arith.muli %while3A_3839, %mul3A_3909 : i32
      %add3A_3911 = arith.constant 4096 : i32
      %add3A_3912 = arith.addi %add3A_3911, %mul3A_3910 : i32
      %get3A_3913 = arith.index_cast %add3A_3912 : i32 to index
      %get3A_3914 = tpu.vector_load %arg9[%get3A_3913] {strides = array<i32>} : memref<8192xi32, #tpu.memory_space<vmem>>, vector<16xi32>,
      %mul3A_3915 = arith.constant 16 : i32
      %mul3A_3916 = arith.muli %while3A_3839, %mul3A_3915 : i32
      %add3A_3917 = vector.broadcast %mul3A_3916 : i32 to vector<16xi32>
      %add3A_3918 = arith.addi %add3A_3917, %iota3A : vector<16xi32>
      %lt3A_3919 = arith.cmpi slt, %add3A_3918, %convert_element_type3A_756 : vector<16xi32>
      %broadcast_in_dim3A_3920 = arith.constant 16 : i32
      %broadcast_in_dim3A_3921 = vector.broadcast %broadcast_in_dim3A_3920 : i32 to vector<16xi32>
      %shift_right_logical3A_3922 = arith.shrui %get3A_3914, %broadcast_in_dim3A_3921 : vector<16xi32>
      %and3A_3923 = arith.constant 255 : i32
      %and3A_3924 = vector.broadcast %and3A_3923 : i32 to vector<16xi32>
      %and3A_3925 = arith.andi %shift_right_logical3A_3922, %and3A_3924 : vector<16xi32>
      %eq3A_3926 = arith.cmpi eq, %and3A_3925, %add3A_1687 : vector<16xi32>
      %and3A_3927 = arith.andi %lt3A_3919, %eq3A_3926 : vector<16xi1>
      %broadcast_in_dim3A_3928 = arith.constant 8 : i32
      %broadcast_in_dim3A_3929 = vector.broadcast %broadcast_in_dim3A_3928 : i32 to vector<16xi32>
      %shift_right_logical3A_3930 = arith.shrui %get3A_3914, %broadcast_in_dim3A_3929 : vector<16xi32>
      %and3A_3931 = arith.constant 255 : i32
      %and3A_3932 = vector.broadcast %and3A_3931 : i32 to vector<16xi32>
      %and3A_3933 = arith.andi %shift_right_logical3A_3930, %and3A_3932 : vector<16xi32>
      %eq3A_3934 = arith.cmpi eq, %and3A_3933, %add3A_2595 : vector<16xi32>
      %and3A_3935 = arith.andi %and3A_3927, %eq3A_3934 : vector<16xi1>
      %broadcast_in_dim3A_3936 = arith.constant 0 : i32
      %broadcast_in_dim3A_3937 = vector.broadcast %broadcast_in_dim3A_3936 : i32 to vector<16xi32>
      %shift_right_logical3A_3938 = arith.shrui %get3A_3914, %broadcast_in_dim3A_3937 : vector<16xi32>
      %and3A_3939 = arith.constant 255 : i32
      %and3A_3940 = vector.broadcast %and3A_3939 : i32 to vector<16xi32>
      %and3A_3941 = arith.andi %shift_right_logical3A_3938, %and3A_3940 : vector<16xi32>
      %add3A_3942 = arith.constant 512 : i32
      %add3A_3943 = vector.broadcast %add3A_3942 : i32 to vector<16xi32>
      %add3A_3944 = arith.addi %add3A_3943, %and3A_3941 : vector<16xi32>
      tpu.vector_store_idx %arg10[%add3A_3944], %broadcast_in_dim3A_60 masked %and3A_3935 {add = true} : memref<1024xf32, #tpu.memory_space<vmem>>[vector<16xi32>], vector<16xf32>, vector<16xi1>
      %mul3A_3945 = arith.constant 16 : i32
      %mul3A_3946 = arith.muli %while3A_3839, %mul3A_3945 : i32
      %add3A_3947 = arith.constant 6144 : i32
      %add3A_3948 = arith.addi %add3A_3947, %mul3A_3946 : i32
      %get3A_3949 = arith.index_cast %add3A_3948 : i32 to index
      %get3A_3950 = tpu.vector_load %arg9[%get3A_3949] {strides = array<i32>} : memref<8192xi32, #tpu.memory_space<vmem>>, vector<16xi32>,
      %mul3A_3951 = arith.constant 16 : i32
      %mul3A_3952 = arith.muli %while3A_3839, %mul3A_3951 : i32
      %add3A_3953 = vector.broadcast %mul3A_3952 : i32 to vector<16xi32>
      %add3A_3954 = arith.addi %add3A_3953, %iota3A : vector<16xi32>
      %lt3A_3955 = arith.cmpi slt, %add3A_3954, %convert_element_type3A_986 : vector<16xi32>
      %broadcast_in_dim3A_3956 = arith.constant 16 : i32
      %broadcast_in_dim3A_3957 = vector.broadcast %broadcast_in_dim3A_3956 : i32 to vector<16xi32>
      %shift_right_logical3A_3958 = arith.shrui %get3A_3950, %broadcast_in_dim3A_3957 : vector<16xi32>
      %and3A_3959 = arith.constant 255 : i32
      %and3A_3960 = vector.broadcast %and3A_3959 : i32 to vector<16xi32>
      %and3A_3961 = arith.andi %shift_right_logical3A_3958, %and3A_3960 : vector<16xi32>
      %eq3A_3962 = arith.cmpi eq, %and3A_3961, %add3A_1910 : vector<16xi32>
      %and3A_3963 = arith.andi %lt3A_3955, %eq3A_3962 : vector<16xi1>
      %broadcast_in_dim3A_3964 = arith.constant 8 : i32
      %broadcast_in_dim3A_3965 = vector.broadcast %broadcast_in_dim3A_3964 : i32 to vector<16xi32>
      %shift_right_logical3A_3966 = arith.shrui %get3A_3950, %broadcast_in_dim3A_3965 : vector<16xi32>
      %and3A_3967 = arith.constant 255 : i32
      %and3A_3968 = vector.broadcast %and3A_3967 : i32 to vector<16xi32>
      %and3A_3969 = arith.andi %shift_right_logical3A_3966, %and3A_3968 : vector<16xi32>
      %eq3A_3970 = arith.cmpi eq, %and3A_3969, %add3A_2818 : vector<16xi32>
      %and3A_3971 = arith.andi %and3A_3963, %eq3A_3970 : vector<16xi1>
      %broadcast_in_dim3A_3972 = arith.constant 0 : i32
      %broadcast_in_dim3A_3973 = vector.broadcast %broadcast_in_dim3A_3972 : i32 to vector<16xi32>
      %shift_right_logical3A_3974 = arith.shrui %get3A_3950, %broadcast_in_dim3A_3973 : vector<16xi32>
      %and3A_3975 = arith.constant 255 : i32
      %and3A_3976 = vector.broadcast %and3A_3975 : i32 to vector<16xi32>
      %and3A_3977 = arith.andi %shift_right_logical3A_3974, %and3A_3976 : vector<16xi32>
      %add3A_3978 = arith.constant 768 : i32
      %add3A_3979 = vector.broadcast %add3A_3978 : i32 to vector<16xi32>
      %add3A_3980 = arith.addi %add3A_3979, %and3A_3977 : vector<16xi32>
      tpu.vector_store_idx %arg10[%add3A_3980], %broadcast_in_dim3A_60 masked %and3A_3971 {add = true} : memref<1024xf32, #tpu.memory_space<vmem>>[vector<16xi32>], vector<16xf32>, vector<16xi1>
    }
    %add3A_2838 = arith.constant 0 : i32
    %add3A_2839 = vector.broadcast %add3A_2838 : i32 to vector<16xi32>
    %add3A_2840 = arith.addi %add3A_2839, %mul3A_59 : vector<16xi32>
    %add3A_2841 = arith.constant 0 : i32
    %add3A_2842 = vector.broadcast %add3A_2841 : i32 to vector<16xi32>
    %add3A_2843 = arith.addi %add3A_2840, %add3A_2842 : vector<16xi32>
    %gather3A_2844 = tpu.vector_load_idx %arg10[%add3A_2843] : memref<1024xf32, #tpu.memory_space<vmem>>[vector<16xi32>], vector<16xf32>,
    %add3A_2845 = arith.addf %broadcast_in_dim3A_62, %gather3A_2844 : vector<16xf32>
    %add3A_2846 = arith.constant 0 : i32
    %add3A_2847 = vector.broadcast %add3A_2846 : i32 to vector<16xi32>
    %add3A_2848 = arith.addi %add3A_2847, %mul3A_59 : vector<16xi32>
    %add3A_2849 = arith.constant 1 : i32
    %add3A_2850 = vector.broadcast %add3A_2849 : i32 to vector<16xi32>
    %add3A_2851 = arith.addi %add3A_2848, %add3A_2850 : vector<16xi32>
    %gather3A_2852 = tpu.vector_load_idx %arg10[%add3A_2851] : memref<1024xf32, #tpu.memory_space<vmem>>[vector<16xi32>], vector<16xf32>,
    %add3A_2853 = arith.addf %add3A_2845, %gather3A_2852 : vector<16xf32>
    %add3A_2854 = arith.constant 0 : i32
    %add3A_2855 = vector.broadcast %add3A_2854 : i32 to vector<16xi32>
    %add3A_2856 = arith.addi %add3A_2855, %mul3A_59 : vector<16xi32>
    %add3A_2857 = arith.constant 2 : i32
    %add3A_2858 = vector.broadcast %add3A_2857 : i32 to vector<16xi32>
    %add3A_2859 = arith.addi %add3A_2856, %add3A_2858 : vector<16xi32>
    %gather3A_2860 = tpu.vector_load_idx %arg10[%add3A_2859] : memref<1024xf32, #tpu.memory_space<vmem>>[vector<16xi32>], vector<16xf32>,
    %add3A_2861 = arith.addf %add3A_2853, %gather3A_2860 : vector<16xf32>
    %add3A_2862 = arith.constant 0 : i32
    %add3A_2863 = vector.broadcast %add3A_2862 : i32 to vector<16xi32>
    %add3A_2864 = arith.addi %add3A_2863, %mul3A_59 : vector<16xi32>
    %add3A_2865 = arith.constant 3 : i32
    %add3A_2866 = vector.broadcast %add3A_2865 : i32 to vector<16xi32>
    %add3A_2867 = arith.addi %add3A_2864, %add3A_2866 : vector<16xi32>
    %gather3A_2868 = tpu.vector_load_idx %arg10[%add3A_2867] : memref<1024xf32, #tpu.memory_space<vmem>>[vector<16xi32>], vector<16xf32>,
    %add3A_2869 = arith.addf %add3A_2861, %gather3A_2868 : vector<16xf32>
    %add3A_2870 = arith.constant 0 : i32
    %add3A_2871 = vector.broadcast %add3A_2870 : i32 to vector<16xi32>
    %add3A_2872 = arith.addi %add3A_2871, %mul3A_59 : vector<16xi32>
    %add3A_2873 = arith.constant 4 : i32
    %add3A_2874 = vector.broadcast %add3A_2873 : i32 to vector<16xi32>
    %add3A_2875 = arith.addi %add3A_2872, %add3A_2874 : vector<16xi32>
    %gather3A_2876 = tpu.vector_load_idx %arg10[%add3A_2875] : memref<1024xf32, #tpu.memory_space<vmem>>[vector<16xi32>], vector<16xf32>,
    %add3A_2877 = arith.addf %add3A_2869, %gather3A_2876 : vector<16xf32>
    %add3A_2878 = arith.constant 0 : i32
    %add3A_2879 = vector.broadcast %add3A_2878 : i32 to vector<16xi32>
    %add3A_2880 = arith.addi %add3A_2879, %mul3A_59 : vector<16xi32>
    %add3A_2881 = arith.constant 5 : i32
    %add3A_2882 = vector.broadcast %add3A_2881 : i32 to vector<16xi32>
    %add3A_2883 = arith.addi %add3A_2880, %add3A_2882 : vector<16xi32>
    %gather3A_2884 = tpu.vector_load_idx %arg10[%add3A_2883] : memref<1024xf32, #tpu.memory_space<vmem>>[vector<16xi32>], vector<16xf32>,
    %add3A_2885 = arith.addf %add3A_2877, %gather3A_2884 : vector<16xf32>
    %add3A_2886 = arith.constant 0 : i32
    %add3A_2887 = vector.broadcast %add3A_2886 : i32 to vector<16xi32>
    %add3A_2888 = arith.addi %add3A_2887, %mul3A_59 : vector<16xi32>
    %add3A_2889 = arith.constant 6 : i32
    %add3A_2890 = vector.broadcast %add3A_2889 : i32 to vector<16xi32>
    %add3A_2891 = arith.addi %add3A_2888, %add3A_2890 : vector<16xi32>
    %gather3A_2892 = tpu.vector_load_idx %arg10[%add3A_2891] : memref<1024xf32, #tpu.memory_space<vmem>>[vector<16xi32>], vector<16xf32>,
    %add3A_2893 = arith.addf %add3A_2885, %gather3A_2892 : vector<16xf32>
    %add3A_2894 = arith.constant 0 : i32
    %add3A_2895 = vector.broadcast %add3A_2894 : i32 to vector<16xi32>
    %add3A_2896 = arith.addi %add3A_2895, %mul3A_59 : vector<16xi32>
    %add3A_2897 = arith.constant 7 : i32
    %add3A_2898 = vector.broadcast %add3A_2897 : i32 to vector<16xi32>
    %add3A_2899 = arith.addi %add3A_2896, %add3A_2898 : vector<16xi32>
    %gather3A_2900 = tpu.vector_load_idx %arg10[%add3A_2899] : memref<1024xf32, #tpu.memory_space<vmem>>[vector<16xi32>], vector<16xf32>,
    %add3A_2901 = arith.addf %add3A_2893, %gather3A_2900 : vector<16xf32>
    %add3A_2902 = arith.constant 0 : i32
    %add3A_2903 = vector.broadcast %add3A_2902 : i32 to vector<16xi32>
    %add3A_2904 = arith.addi %add3A_2903, %mul3A_59 : vector<16xi32>
    %add3A_2905 = arith.constant 8 : i32
    %add3A_2906 = vector.broadcast %add3A_2905 : i32 to vector<16xi32>
    %add3A_2907 = arith.addi %add3A_2904, %add3A_2906 : vector<16xi32>
    %gather3A_2908 = tpu.vector_load_idx %arg10[%add3A_2907] : memref<1024xf32, #tpu.memory_space<vmem>>[vector<16xi32>], vector<16xf32>,
    %add3A_2909 = arith.addf %add3A_2901, %gather3A_2908 : vector<16xf32>
    %add3A_2910 = arith.constant 0 : i32
    %add3A_2911 = vector.broadcast %add3A_2910 : i32 to vector<16xi32>
    %add3A_2912 = arith.addi %add3A_2911, %mul3A_59 : vector<16xi32>
    %add3A_2913 = arith.constant 9 : i32
    %add3A_2914 = vector.broadcast %add3A_2913 : i32 to vector<16xi32>
    %add3A_2915 = arith.addi %add3A_2912, %add3A_2914 : vector<16xi32>
    %gather3A_2916 = tpu.vector_load_idx %arg10[%add3A_2915] : memref<1024xf32, #tpu.memory_space<vmem>>[vector<16xi32>], vector<16xf32>,
    %add3A_2917 = arith.addf %add3A_2909, %gather3A_2916 : vector<16xf32>
    %add3A_2918 = arith.constant 0 : i32
    %add3A_2919 = vector.broadcast %add3A_2918 : i32 to vector<16xi32>
    %add3A_2920 = arith.addi %add3A_2919, %mul3A_59 : vector<16xi32>
    %add3A_2921 = arith.constant 10 : i32
    %add3A_2922 = vector.broadcast %add3A_2921 : i32 to vector<16xi32>
    %add3A_2923 = arith.addi %add3A_2920, %add3A_2922 : vector<16xi32>
    %gather3A_2924 = tpu.vector_load_idx %arg10[%add3A_2923] : memref<1024xf32, #tpu.memory_space<vmem>>[vector<16xi32>], vector<16xf32>,
    %add3A_2925 = arith.addf %add3A_2917, %gather3A_2924 : vector<16xf32>
    %add3A_2926 = arith.constant 0 : i32
    %add3A_2927 = vector.broadcast %add3A_2926 : i32 to vector<16xi32>
    %add3A_2928 = arith.addi %add3A_2927, %mul3A_59 : vector<16xi32>
    %add3A_2929 = arith.constant 11 : i32
    %add3A_2930 = vector.broadcast %add3A_2929 : i32 to vector<16xi32>
    %add3A_2931 = arith.addi %add3A_2928, %add3A_2930 : vector<16xi32>
    %gather3A_2932 = tpu.vector_load_idx %arg10[%add3A_2931] : memref<1024xf32, #tpu.memory_space<vmem>>[vector<16xi32>], vector<16xf32>,
    %add3A_2933 = arith.addf %add3A_2925, %gather3A_2932 : vector<16xf32>
    %add3A_2934 = arith.constant 0 : i32
    %add3A_2935 = vector.broadcast %add3A_2934 : i32 to vector<16xi32>
    %add3A_2936 = arith.addi %add3A_2935, %mul3A_59 : vector<16xi32>
    %add3A_2937 = arith.constant 12 : i32
    %add3A_2938 = vector.broadcast %add3A_2937 : i32 to vector<16xi32>
    %add3A_2939 = arith.addi %add3A_2936, %add3A_2938 : vector<16xi32>
    %gather3A_2940 = tpu.vector_load_idx %arg10[%add3A_2939] : memref<1024xf32, #tpu.memory_space<vmem>>[vector<16xi32>], vector<16xf32>,
    %add3A_2941 = arith.addf %add3A_2933, %gather3A_2940 : vector<16xf32>
    %add3A_2942 = arith.constant 0 : i32
    %add3A_2943 = vector.broadcast %add3A_2942 : i32 to vector<16xi32>
    %add3A_2944 = arith.addi %add3A_2943, %mul3A_59 : vector<16xi32>
    %add3A_2945 = arith.constant 13 : i32
    %add3A_2946 = vector.broadcast %add3A_2945 : i32 to vector<16xi32>
    %add3A_2947 = arith.addi %add3A_2944, %add3A_2946 : vector<16xi32>
    %gather3A_2948 = tpu.vector_load_idx %arg10[%add3A_2947] : memref<1024xf32, #tpu.memory_space<vmem>>[vector<16xi32>], vector<16xf32>,
    %add3A_2949 = arith.addf %add3A_2941, %gather3A_2948 : vector<16xf32>
    %add3A_2950 = arith.constant 0 : i32
    %add3A_2951 = vector.broadcast %add3A_2950 : i32 to vector<16xi32>
    %add3A_2952 = arith.addi %add3A_2951, %mul3A_59 : vector<16xi32>
    %add3A_2953 = arith.constant 14 : i32
    %add3A_2954 = vector.broadcast %add3A_2953 : i32 to vector<16xi32>
    %add3A_2955 = arith.addi %add3A_2952, %add3A_2954 : vector<16xi32>
    %gather3A_2956 = tpu.vector_load_idx %arg10[%add3A_2955] : memref<1024xf32, #tpu.memory_space<vmem>>[vector<16xi32>], vector<16xf32>,
    %add3A_2957 = arith.addf %add3A_2949, %gather3A_2956 : vector<16xf32>
    %add3A_2958 = arith.constant 0 : i32
    %add3A_2959 = vector.broadcast %add3A_2958 : i32 to vector<16xi32>
    %add3A_2960 = arith.addi %add3A_2959, %mul3A_59 : vector<16xi32>
    %add3A_2961 = arith.constant 15 : i32
    %add3A_2962 = vector.broadcast %add3A_2961 : i32 to vector<16xi32>
    %add3A_2963 = arith.addi %add3A_2960, %add3A_2962 : vector<16xi32>
    %gather3A_2964 = tpu.vector_load_idx %arg10[%add3A_2963] : memref<1024xf32, #tpu.memory_space<vmem>>[vector<16xi32>], vector<16xf32>,
    %add3A_2965 = arith.addf %add3A_2957, %gather3A_2964 : vector<16xf32>
    %rev3A_2966 = arith.constant 15 : i32
    %rev3A_2967 = vector.broadcast %rev3A_2966 : i32 to vector<16xi32>
    %rev3A_2968 = tpu.iota {dimensions = array<i32: 0>} : vector<16xi32>
    %rev3A_2969 = arith.subi %rev3A_2967, %rev3A_2968 : vector<16xi32>
    %rev3A_2970 = tpu.dynamic_gather %add3A_2965[%rev3A_2969] in [0] : vector<16xf32>, vector<16xi32> -> vector<16xf32>
    %cumsum3A_2971 = arith.constant true
    %cumsum3A_2972 = vector.broadcast %cumsum3A_2971 : i1 to vector<16xi1>
    %cumsum3A_2973 = tpu.scan <sum>, %rev3A_2970 masked %cumsum3A_2972 : vector<16xf32>, vector<16xi1> -> vector<16xf32>
    %rev3A_2974 = arith.constant 15 : i32
    %rev3A_2975 = vector.broadcast %rev3A_2974 : i32 to vector<16xi32>
    %rev3A_2976 = tpu.iota {dimensions = array<i32: 0>} : vector<16xi32>
    %rev3A_2977 = arith.subi %rev3A_2975, %rev3A_2976 : vector<16xi32>
    %rev3A_2978 = tpu.dynamic_gather %cumsum3A_2973[%rev3A_2977] in [0] : vector<16xf32>, vector<16xi32> -> vector<16xf32>
    %ge3A_2979 = arith.cmpf oge, %rev3A_2978, %sub3A_2152 : vector<16xf32>
    %all_reduce_population_count3A_2980 = tpu.all_reduce %ge3A_2979 {dim = 0 : i64, kind = #tpu.reduction_kind<sum>} : vector<16xi1> -> vector<16xi32>
    %add3A_2981 = arith.addi %broadcast_in_dim3A_64, %all_reduce_population_count3A_2980 : vector<16xi32>
    %sub3A_2982 = arith.constant 1 : i32
    %sub3A_2983 = vector.broadcast %sub3A_2982 : i32 to vector<16xi32>
    %sub3A_2984 = arith.subi %add3A_2981, %sub3A_2983 : vector<16xi32>
    %lt3A_2985 = arith.constant 0 : i32
    %lt3A_2986 = vector.broadcast %lt3A_2985 : i32 to vector<16xi32>
    %lt3A_2987 = arith.cmpi slt, %sub3A_2984, %lt3A_2986 : vector<16xi32>
    %add3A_2988 = arith.constant 16 : i32
    %add3A_2989 = vector.broadcast %add3A_2988 : i32 to vector<16xi32>
    %add3A_2990 = arith.addi %sub3A_2984, %add3A_2989 : vector<16xi32>
    %select_n3A_2991 = arith.select %lt3A_2987, %add3A_2990, %sub3A_2984 : vector<16xi1>, vector<16xi32>
    %broadcast_in_dim3A_2992 = vector.shape_cast %select_n3A_2991 : vector<16xi32> to vector<16x1xi32>
    %gather3A_2993 = vector.shape_cast %broadcast_in_dim3A_2992 : vector<16x1xi32> to vector<16xi32>
    %gather3A_2994 = tpu.dynamic_gather %add3A_2965[%gather3A_2993] in [0] : vector<16xf32>, vector<16xi32> -> vector<16xf32>
    %lt3A_2995 = arith.constant 0 : i32
    %lt3A_2996 = vector.broadcast %lt3A_2995 : i32 to vector<16xi32>
    %lt3A_2997 = arith.cmpi slt, %sub3A_2984, %lt3A_2996 : vector<16xi32>
    %add3A_2998 = arith.constant 16 : i32
    %add3A_2999 = vector.broadcast %add3A_2998 : i32 to vector<16xi32>
    %add3A_3000 = arith.addi %sub3A_2984, %add3A_2999 : vector<16xi32>
    %select_n3A_3001 = arith.select %lt3A_2997, %add3A_3000, %sub3A_2984 : vector<16xi1>, vector<16xi32>
    %broadcast_in_dim3A_3002 = vector.shape_cast %select_n3A_3001 : vector<16xi32> to vector<16x1xi32>
    %gather3A_3003 = vector.shape_cast %broadcast_in_dim3A_3002 : vector<16x1xi32> to vector<16xi32>
    %gather3A_3004 = tpu.dynamic_gather %rev3A_2978[%gather3A_3003] in [0] : vector<16xf32>, vector<16xi32> -> vector<16xf32>
    %sub3A_3005 = arith.subf %gather3A_3004, %gather3A_2994 : vector<16xf32>
    %mul3A_3006 = arith.constant 16 : i32
    %mul3A_3007 = vector.broadcast %mul3A_3006 : i32 to vector<16xi32>
    %mul3A_3008 = arith.muli %sub3A_2984, %mul3A_3007 : vector<16xi32>
    %add3A_3009 = arith.constant 0 : i32
    %add3A_3010 = vector.broadcast %add3A_3009 : i32 to vector<16xi32>
    %add3A_3011 = arith.addi %add3A_3010, %mul3A_3008 : vector<16xi32>
    %add3A_3012 = arith.addi %add3A_3011, %iota3A : vector<16xi32>
    %gather3A_3013 = tpu.vector_load_idx %arg10[%add3A_3012] : memref<1024xf32, #tpu.memory_space<vmem>>[vector<16xi32>], vector<16xf32>,
    %rev3A_3014 = arith.constant 15 : i32
    %rev3A_3015 = vector.broadcast %rev3A_3014 : i32 to vector<16xi32>
    %rev3A_3016 = tpu.iota {dimensions = array<i32: 0>} : vector<16xi32>
    %rev3A_3017 = arith.subi %rev3A_3015, %rev3A_3016 : vector<16xi32>
    %rev3A_3018 = tpu.dynamic_gather %gather3A_3013[%rev3A_3017] in [0] : vector<16xf32>, vector<16xi32> -> vector<16xf32>
    %cumsum3A_3019 = arith.constant true
    %cumsum3A_3020 = vector.broadcast %cumsum3A_3019 : i1 to vector<16xi1>
    %cumsum3A_3021 = tpu.scan <sum>, %rev3A_3018 masked %cumsum3A_3020 : vector<16xf32>, vector<16xi1> -> vector<16xf32>
    %rev3A_3022 = arith.constant 15 : i32
    %rev3A_3023 = vector.broadcast %rev3A_3022 : i32 to vector<16xi32>
    %rev3A_3024 = tpu.iota {dimensions = array<i32: 0>} : vector<16xi32>
    %rev3A_3025 = arith.subi %rev3A_3023, %rev3A_3024 : vector<16xi32>
    %rev3A_3026 = tpu.dynamic_gather %cumsum3A_3021[%rev3A_3025] in [0] : vector<16xf32>, vector<16xi32> -> vector<16xf32>
    %add3A_3027 = arith.addf %sub3A_3005, %rev3A_3026 : vector<16xf32>
    %ge3A_3028 = arith.cmpf oge, %add3A_3027, %sub3A_2152 : vector<16xf32>
    %all_reduce_population_count3A_3029 = tpu.all_reduce %ge3A_3028 {dim = 0 : i64, kind = #tpu.reduction_kind<sum>} : vector<16xi1> -> vector<16xi32>
    %add3A_3030 = arith.addi %broadcast_in_dim3A_64, %all_reduce_population_count3A_3029 : vector<16xi32>
    %sub3A_3031 = arith.constant 1 : i32
    %sub3A_3032 = vector.broadcast %sub3A_3031 : i32 to vector<16xi32>
    %sub3A_3033 = arith.subi %add3A_3030, %sub3A_3032 : vector<16xi32>
    %lt3A_3034 = arith.constant 0 : i32
    %lt3A_3035 = vector.broadcast %lt3A_3034 : i32 to vector<16xi32>
    %lt3A_3036 = arith.cmpi slt, %sub3A_3033, %lt3A_3035 : vector<16xi32>
    %add3A_3037 = arith.constant 16 : i32
    %add3A_3038 = vector.broadcast %add3A_3037 : i32 to vector<16xi32>
    %add3A_3039 = arith.addi %sub3A_3033, %add3A_3038 : vector<16xi32>
    %select_n3A_3040 = arith.select %lt3A_3036, %add3A_3039, %sub3A_3033 : vector<16xi1>, vector<16xi32>
    %broadcast_in_dim3A_3041 = vector.shape_cast %select_n3A_3040 : vector<16xi32> to vector<16x1xi32>
    %gather3A_3042 = vector.shape_cast %broadcast_in_dim3A_3041 : vector<16x1xi32> to vector<16xi32>
    %gather3A_3043 = tpu.dynamic_gather %rev3A_3026[%gather3A_3042] in [0] : vector<16xf32>, vector<16xi32> -> vector<16xf32>
    %lt3A_3044 = arith.constant 0 : i32
    %lt3A_3045 = vector.broadcast %lt3A_3044 : i32 to vector<16xi32>
    %lt3A_3046 = arith.cmpi slt, %sub3A_3033, %lt3A_3045 : vector<16xi32>
    %add3A_3047 = arith.constant 16 : i32
    %add3A_3048 = vector.broadcast %add3A_3047 : i32 to vector<16xi32>
    %add3A_3049 = arith.addi %sub3A_3033, %add3A_3048 : vector<16xi32>
    %select_n3A_3050 = arith.select %lt3A_3046, %add3A_3049, %sub3A_3033 : vector<16xi1>, vector<16xi32>
    %broadcast_in_dim3A_3051 = vector.shape_cast %select_n3A_3050 : vector<16xi32> to vector<16x1xi32>
    %gather3A_3052 = vector.shape_cast %broadcast_in_dim3A_3051 : vector<16x1xi32> to vector<16xi32>
    %gather3A_3053 = tpu.dynamic_gather %gather3A_3013[%gather3A_3052] in [0] : vector<16xf32>, vector<16xi32> -> vector<16xf32>
    %mul3A_3054 = arith.constant 16 : i32
    %mul3A_3055 = vector.broadcast %mul3A_3054 : i32 to vector<16xi32>
    %mul3A_3056 = arith.muli %sub3A_2984, %mul3A_3055 : vector<16xi32>
    %add3A_3057 = arith.addi %mul3A_3056, %sub3A_3033 : vector<16xi32>
    %add3A_3058 = arith.addf %sub3A_3005, %gather3A_3043 : vector<16xf32>
    %sub3A_3059 = arith.subf %add3A_3058, %gather3A_3053 : vector<16xf32>
    %sub3A_3060 = arith.subf %sub3A_2152, %sub3A_3059 : vector<16xf32>
    %add3A_3061 = arith.constant 256 : i32
    %add3A_3062 = vector.broadcast %add3A_3061 : i32 to vector<16xi32>
    %add3A_3063 = arith.addi %add3A_3062, %mul3A_59 : vector<16xi32>
    %add3A_3064 = arith.constant 0 : i32
    %add3A_3065 = vector.broadcast %add3A_3064 : i32 to vector<16xi32>
    %add3A_3066 = arith.addi %add3A_3063, %add3A_3065 : vector<16xi32>
    %gather3A_3067 = tpu.vector_load_idx %arg10[%add3A_3066] : memref<1024xf32, #tpu.memory_space<vmem>>[vector<16xi32>], vector<16xf32>,
    %add3A_3068 = arith.addf %broadcast_in_dim3A_62, %gather3A_3067 : vector<16xf32>
    %add3A_3069 = arith.constant 256 : i32
    %add3A_3070 = vector.broadcast %add3A_3069 : i32 to vector<16xi32>
    %add3A_3071 = arith.addi %add3A_3070, %mul3A_59 : vector<16xi32>
    %add3A_3072 = arith.constant 1 : i32
    %add3A_3073 = vector.broadcast %add3A_3072 : i32 to vector<16xi32>
    %add3A_3074 = arith.addi %add3A_3071, %add3A_3073 : vector<16xi32>
    %gather3A_3075 = tpu.vector_load_idx %arg10[%add3A_3074] : memref<1024xf32, #tpu.memory_space<vmem>>[vector<16xi32>], vector<16xf32>,
    %add3A_3076 = arith.addf %add3A_3068, %gather3A_3075 : vector<16xf32>
    %add3A_3077 = arith.constant 256 : i32
    %add3A_3078 = vector.broadcast %add3A_3077 : i32 to vector<16xi32>
    %add3A_3079 = arith.addi %add3A_3078, %mul3A_59 : vector<16xi32>
    %add3A_3080 = arith.constant 2 : i32
    %add3A_3081 = vector.broadcast %add3A_3080 : i32 to vector<16xi32>
    %add3A_3082 = arith.addi %add3A_3079, %add3A_3081 : vector<16xi32>
    %gather3A_3083 = tpu.vector_load_idx %arg10[%add3A_3082] : memref<1024xf32, #tpu.memory_space<vmem>>[vector<16xi32>], vector<16xf32>,
    %add3A_3084 = arith.addf %add3A_3076, %gather3A_3083 : vector<16xf32>
    %add3A_3085 = arith.constant 256 : i32
    %add3A_3086 = vector.broadcast %add3A_3085 : i32 to vector<16xi32>
    %add3A_3087 = arith.addi %add3A_3086, %mul3A_59 : vector<16xi32>
    %add3A_3088 = arith.constant 3 : i32
    %add3A_3089 = vector.broadcast %add3A_3088 : i32 to vector<16xi32>
    %add3A_3090 = arith.addi %add3A_3087, %add3A_3089 : vector<16xi32>
    %gather3A_3091 = tpu.vector_load_idx %arg10[%add3A_3090] : memref<1024xf32, #tpu.memory_space<vmem>>[vector<16xi32>], vector<16xf32>,
    %add3A_3092 = arith.addf %add3A_3084, %gather3A_3091 : vector<16xf32>
    %add3A_3093 = arith.constant 256 : i32
    %add3A_3094 = vector.broadcast %add3A_3093 : i32 to vector<16xi32>
    %add3A_3095 = arith.addi %add3A_3094, %mul3A_59 : vector<16xi32>
    %add3A_3096 = arith.constant 4 : i32
    %add3A_3097 = vector.broadcast %add3A_3096 : i32 to vector<16xi32>
    %add3A_3098 = arith.addi %add3A_3095, %add3A_3097 : vector<16xi32>
    %gather3A_3099 = tpu.vector_load_idx %arg10[%add3A_3098] : memref<1024xf32, #tpu.memory_space<vmem>>[vector<16xi32>], vector<16xf32>,
    %add3A_3100 = arith.addf %add3A_3092, %gather3A_3099 : vector<16xf32>
    %add3A_3101 = arith.constant 256 : i32
    %add3A_3102 = vector.broadcast %add3A_3101 : i32 to vector<16xi32>
    %add3A_3103 = arith.addi %add3A_3102, %mul3A_59 : vector<16xi32>
    %add3A_3104 = arith.constant 5 : i32
    %add3A_3105 = vector.broadcast %add3A_3104 : i32 to vector<16xi32>
    %add3A_3106 = arith.addi %add3A_3103, %add3A_3105 : vector<16xi32>
    %gather3A_3107 = tpu.vector_load_idx %arg10[%add3A_3106] : memref<1024xf32, #tpu.memory_space<vmem>>[vector<16xi32>], vector<16xf32>,
    %add3A_3108 = arith.addf %add3A_3100, %gather3A_3107 : vector<16xf32>
    %add3A_3109 = arith.constant 256 : i32
    %add3A_3110 = vector.broadcast %add3A_3109 : i32 to vector<16xi32>
    %add3A_3111 = arith.addi %add3A_3110, %mul3A_59 : vector<16xi32>
    %add3A_3112 = arith.constant 6 : i32
    %add3A_3113 = vector.broadcast %add3A_3112 : i32 to vector<16xi32>
    %add3A_3114 = arith.addi %add3A_3111, %add3A_3113 : vector<16xi32>
    %gather3A_3115 = tpu.vector_load_idx %arg10[%add3A_3114] : memref<1024xf32, #tpu.memory_space<vmem>>[vector<16xi32>], vector<16xf32>,
    %add3A_3116 = arith.addf %add3A_3108, %gather3A_3115 : vector<16xf32>
    %add3A_3117 = arith.constant 256 : i32
    %add3A_3118 = vector.broadcast %add3A_3117 : i32 to vector<16xi32>
    %add3A_3119 = arith.addi %add3A_3118, %mul3A_59 : vector<16xi32>
    %add3A_3120 = arith.constant 7 : i32
    %add3A_3121 = vector.broadcast %add3A_3120 : i32 to vector<16xi32>
    %add3A_3122 = arith.addi %add3A_3119, %add3A_3121 : vector<16xi32>
    %gather3A_3123 = tpu.vector_load_idx %arg10[%add3A_3122] : memref<1024xf32, #tpu.memory_space<vmem>>[vector<16xi32>], vector<16xf32>,
    %add3A_3124 = arith.addf %add3A_3116, %gather3A_3123 : vector<16xf32>
    %add3A_3125 = arith.constant 256 : i32
    %add3A_3126 = vector.broadcast %add3A_3125 : i32 to vector<16xi32>
    %add3A_3127 = arith.addi %add3A_3126, %mul3A_59 : vector<16xi32>
    %add3A_3128 = arith.constant 8 : i32
    %add3A_3129 = vector.broadcast %add3A_3128 : i32 to vector<16xi32>
    %add3A_3130 = arith.addi %add3A_3127, %add3A_3129 : vector<16xi32>
    %gather3A_3131 = tpu.vector_load_idx %arg10[%add3A_3130] : memref<1024xf32, #tpu.memory_space<vmem>>[vector<16xi32>], vector<16xf32>,
    %add3A_3132 = arith.addf %add3A_3124, %gather3A_3131 : vector<16xf32>
    %add3A_3133 = arith.constant 256 : i32
    %add3A_3134 = vector.broadcast %add3A_3133 : i32 to vector<16xi32>
    %add3A_3135 = arith.addi %add3A_3134, %mul3A_59 : vector<16xi32>
    %add3A_3136 = arith.constant 9 : i32
    %add3A_3137 = vector.broadcast %add3A_3136 : i32 to vector<16xi32>
    %add3A_3138 = arith.addi %add3A_3135, %add3A_3137 : vector<16xi32>
    %gather3A_3139 = tpu.vector_load_idx %arg10[%add3A_3138] : memref<1024xf32, #tpu.memory_space<vmem>>[vector<16xi32>], vector<16xf32>,
    %add3A_3140 = arith.addf %add3A_3132, %gather3A_3139 : vector<16xf32>
    %add3A_3141 = arith.constant 256 : i32
    %add3A_3142 = vector.broadcast %add3A_3141 : i32 to vector<16xi32>
    %add3A_3143 = arith.addi %add3A_3142, %mul3A_59 : vector<16xi32>
    %add3A_3144 = arith.constant 10 : i32
    %add3A_3145 = vector.broadcast %add3A_3144 : i32 to vector<16xi32>
    %add3A_3146 = arith.addi %add3A_3143, %add3A_3145 : vector<16xi32>
    %gather3A_3147 = tpu.vector_load_idx %arg10[%add3A_3146] : memref<1024xf32, #tpu.memory_space<vmem>>[vector<16xi32>], vector<16xf32>,
    %add3A_3148 = arith.addf %add3A_3140, %gather3A_3147 : vector<16xf32>
    %add3A_3149 = arith.constant 256 : i32
    %add3A_3150 = vector.broadcast %add3A_3149 : i32 to vector<16xi32>
    %add3A_3151 = arith.addi %add3A_3150, %mul3A_59 : vector<16xi32>
    %add3A_3152 = arith.constant 11 : i32
    %add3A_3153 = vector.broadcast %add3A_3152 : i32 to vector<16xi32>
    %add3A_3154 = arith.addi %add3A_3151, %add3A_3153 : vector<16xi32>
    %gather3A_3155 = tpu.vector_load_idx %arg10[%add3A_3154] : memref<1024xf32, #tpu.memory_space<vmem>>[vector<16xi32>], vector<16xf32>,
    %add3A_3156 = arith.addf %add3A_3148, %gather3A_3155 : vector<16xf32>
    %add3A_3157 = arith.constant 256 : i32
    %add3A_3158 = vector.broadcast %add3A_3157 : i32 to vector<16xi32>
    %add3A_3159 = arith.addi %add3A_3158, %mul3A_59 : vector<16xi32>
    %add3A_3160 = arith.constant 12 : i32
    %add3A_3161 = vector.broadcast %add3A_3160 : i32 to vector<16xi32>
    %add3A_3162 = arith.addi %add3A_3159, %add3A_3161 : vector<16xi32>
    %gather3A_3163 = tpu.vector_load_idx %arg10[%add3A_3162] : memref<1024xf32, #tpu.memory_space<vmem>>[vector<16xi32>], vector<16xf32>,
    %add3A_3164 = arith.addf %add3A_3156, %gather3A_3163 : vector<16xf32>
    %add3A_3165 = arith.constant 256 : i32
    %add3A_3166 = vector.broadcast %add3A_3165 : i32 to vector<16xi32>
    %add3A_3167 = arith.addi %add3A_3166, %mul3A_59 : vector<16xi32>
    %add3A_3168 = arith.constant 13 : i32
    %add3A_3169 = vector.broadcast %add3A_3168 : i32 to vector<16xi32>
    %add3A_3170 = arith.addi %add3A_3167, %add3A_3169 : vector<16xi32>
    %gather3A_3171 = tpu.vector_load_idx %arg10[%add3A_3170] : memref<1024xf32, #tpu.memory_space<vmem>>[vector<16xi32>], vector<16xf32>,
    %add3A_3172 = arith.addf %add3A_3164, %gather3A_3171 : vector<16xf32>
    %add3A_3173 = arith.constant 256 : i32
    %add3A_3174 = vector.broadcast %add3A_3173 : i32 to vector<16xi32>
    %add3A_3175 = arith.addi %add3A_3174, %mul3A_59 : vector<16xi32>
    %add3A_3176 = arith.constant 14 : i32
    %add3A_3177 = vector.broadcast %add3A_3176 : i32 to vector<16xi32>
    %add3A_3178 = arith.addi %add3A_3175, %add3A_3177 : vector<16xi32>
    %gather3A_3179 = tpu.vector_load_idx %arg10[%add3A_3178] : memref<1024xf32, #tpu.memory_space<vmem>>[vector<16xi32>], vector<16xf32>,
    %add3A_3180 = arith.addf %add3A_3172, %gather3A_3179 : vector<16xf32>
    %add3A_3181 = arith.constant 256 : i32
    %add3A_3182 = vector.broadcast %add3A_3181 : i32 to vector<16xi32>
    %add3A_3183 = arith.addi %add3A_3182, %mul3A_59 : vector<16xi32>
    %add3A_3184 = arith.constant 15 : i32
    %add3A_3185 = vector.broadcast %add3A_3184 : i32 to vector<16xi32>
    %add3A_3186 = arith.addi %add3A_3183, %add3A_3185 : vector<16xi32>
    %gather3A_3187 = tpu.vector_load_idx %arg10[%add3A_3186] : memref<1024xf32, #tpu.memory_space<vmem>>[vector<16xi32>], vector<16xf32>,
    %add3A_3188 = arith.addf %add3A_3180, %gather3A_3187 : vector<16xf32>
    %rev3A_3189 = arith.constant 15 : i32
    %rev3A_3190 = vector.broadcast %rev3A_3189 : i32 to vector<16xi32>
    %rev3A_3191 = tpu.iota {dimensions = array<i32: 0>} : vector<16xi32>
    %rev3A_3192 = arith.subi %rev3A_3190, %rev3A_3191 : vector<16xi32>
    %rev3A_3193 = tpu.dynamic_gather %add3A_3188[%rev3A_3192] in [0] : vector<16xf32>, vector<16xi32> -> vector<16xf32>
    %cumsum3A_3194 = arith.constant true
    %cumsum3A_3195 = vector.broadcast %cumsum3A_3194 : i1 to vector<16xi1>
    %cumsum3A_3196 = tpu.scan <sum>, %rev3A_3193 masked %cumsum3A_3195 : vector<16xf32>, vector<16xi1> -> vector<16xf32>
    %rev3A_3197 = arith.constant 15 : i32
    %rev3A_3198 = vector.broadcast %rev3A_3197 : i32 to vector<16xi32>
    %rev3A_3199 = tpu.iota {dimensions = array<i32: 0>} : vector<16xi32>
    %rev3A_3200 = arith.subi %rev3A_3198, %rev3A_3199 : vector<16xi32>
    %rev3A_3201 = tpu.dynamic_gather %cumsum3A_3196[%rev3A_3200] in [0] : vector<16xf32>, vector<16xi32> -> vector<16xf32>
    %ge3A_3202 = arith.cmpf oge, %rev3A_3201, %sub3A_2375 : vector<16xf32>
    %all_reduce_population_count3A_3203 = tpu.all_reduce %ge3A_3202 {dim = 0 : i64, kind = #tpu.reduction_kind<sum>} : vector<16xi1> -> vector<16xi32>
    %add3A_3204 = arith.addi %broadcast_in_dim3A_64, %all_reduce_population_count3A_3203 : vector<16xi32>
    %sub3A_3205 = arith.constant 1 : i32
    %sub3A_3206 = vector.broadcast %sub3A_3205 : i32 to vector<16xi32>
    %sub3A_3207 = arith.subi %add3A_3204, %sub3A_3206 : vector<16xi32>
    %lt3A_3208 = arith.constant 0 : i32
    %lt3A_3209 = vector.broadcast %lt3A_3208 : i32 to vector<16xi32>
    %lt3A_3210 = arith.cmpi slt, %sub3A_3207, %lt3A_3209 : vector<16xi32>
    %add3A_3211 = arith.constant 16 : i32
    %add3A_3212 = vector.broadcast %add3A_3211 : i32 to vector<16xi32>
    %add3A_3213 = arith.addi %sub3A_3207, %add3A_3212 : vector<16xi32>
    %select_n3A_3214 = arith.select %lt3A_3210, %add3A_3213, %sub3A_3207 : vector<16xi1>, vector<16xi32>
    %broadcast_in_dim3A_3215 = vector.shape_cast %select_n3A_3214 : vector<16xi32> to vector<16x1xi32>
    %gather3A_3216 = vector.shape_cast %broadcast_in_dim3A_3215 : vector<16x1xi32> to vector<16xi32>
    %gather3A_3217 = tpu.dynamic_gather %add3A_3188[%gather3A_3216] in [0] : vector<16xf32>, vector<16xi32> -> vector<16xf32>
    %lt3A_3218 = arith.constant 0 : i32
    %lt3A_3219 = vector.broadcast %lt3A_3218 : i32 to vector<16xi32>
    %lt3A_3220 = arith.cmpi slt, %sub3A_3207, %lt3A_3219 : vector<16xi32>
    %add3A_3221 = arith.constant 16 : i32
    %add3A_3222 = vector.broadcast %add3A_3221 : i32 to vector<16xi32>
    %add3A_3223 = arith.addi %sub3A_3207, %add3A_3222 : vector<16xi32>
    %select_n3A_3224 = arith.select %lt3A_3220, %add3A_3223, %sub3A_3207 : vector<16xi1>, vector<16xi32>
    %broadcast_in_dim3A_3225 = vector.shape_cast %select_n3A_3224 : vector<16xi32> to vector<16x1xi32>
    %gather3A_3226 = vector.shape_cast %broadcast_in_dim3A_3225 : vector<16x1xi32> to vector<16xi32>
    %gather3A_3227 = tpu.dynamic_gather %rev3A_3201[%gather3A_3226] in [0] : vector<16xf32>, vector<16xi32> -> vector<16xf32>
    %sub3A_3228 = arith.subf %gather3A_3227, %gather3A_3217 : vector<16xf32>
    %mul3A_3229 = arith.constant 16 : i32
    %mul3A_3230 = vector.broadcast %mul3A_3229 : i32 to vector<16xi32>
    %mul3A_3231 = arith.muli %sub3A_3207, %mul3A_3230 : vector<16xi32>
    %add3A_3232 = arith.constant 256 : i32
    %add3A_3233 = vector.broadcast %add3A_3232 : i32 to vector<16xi32>
    %add3A_3234 = arith.addi %add3A_3233, %mul3A_3231 : vector<16xi32>
    %add3A_3235 = arith.addi %add3A_3234, %iota3A : vector<16xi32>
    %gather3A_3236 = tpu.vector_load_idx %arg10[%add3A_3235] : memref<1024xf32, #tpu.memory_space<vmem>>[vector<16xi32>], vector<16xf32>,
    %rev3A_3237 = arith.constant 15 : i32
    %rev3A_3238 = vector.broadcast %rev3A_3237 : i32 to vector<16xi32>
    %rev3A_3239 = tpu.iota {dimensions = array<i32: 0>} : vector<16xi32>
    %rev3A_3240 = arith.subi %rev3A_3238, %rev3A_3239 : vector<16xi32>
    %rev3A_3241 = tpu.dynamic_gather %gather3A_3236[%rev3A_3240] in [0] : vector<16xf32>, vector<16xi32> -> vector<16xf32>
    %cumsum3A_3242 = arith.constant true
    %cumsum3A_3243 = vector.broadcast %cumsum3A_3242 : i1 to vector<16xi1>
    %cumsum3A_3244 = tpu.scan <sum>, %rev3A_3241 masked %cumsum3A_3243 : vector<16xf32>, vector<16xi1> -> vector<16xf32>
    %rev3A_3245 = arith.constant 15 : i32
    %rev3A_3246 = vector.broadcast %rev3A_3245 : i32 to vector<16xi32>
    %rev3A_3247 = tpu.iota {dimensions = array<i32: 0>} : vector<16xi32>
    %rev3A_3248 = arith.subi %rev3A_3246, %rev3A_3247 : vector<16xi32>
    %rev3A_3249 = tpu.dynamic_gather %cumsum3A_3244[%rev3A_3248] in [0] : vector<16xf32>, vector<16xi32> -> vector<16xf32>
    %add3A_3250 = arith.addf %sub3A_3228, %rev3A_3249 : vector<16xf32>
    %ge3A_3251 = arith.cmpf oge, %add3A_3250, %sub3A_2375 : vector<16xf32>
    %all_reduce_population_count3A_3252 = tpu.all_reduce %ge3A_3251 {dim = 0 : i64, kind = #tpu.reduction_kind<sum>} : vector<16xi1> -> vector<16xi32>
    %add3A_3253 = arith.addi %broadcast_in_dim3A_64, %all_reduce_population_count3A_3252 : vector<16xi32>
    %sub3A_3254 = arith.constant 1 : i32
    %sub3A_3255 = vector.broadcast %sub3A_3254 : i32 to vector<16xi32>
    %sub3A_3256 = arith.subi %add3A_3253, %sub3A_3255 : vector<16xi32>
    %lt3A_3257 = arith.constant 0 : i32
    %lt3A_3258 = vector.broadcast %lt3A_3257 : i32 to vector<16xi32>
    %lt3A_3259 = arith.cmpi slt, %sub3A_3256, %lt3A_3258 : vector<16xi32>
    %add3A_3260 = arith.constant 16 : i32
    %add3A_3261 = vector.broadcast %add3A_3260 : i32 to vector<16xi32>
    %add3A_3262 = arith.addi %sub3A_3256, %add3A_3261 : vector<16xi32>
    %select_n3A_3263 = arith.select %lt3A_3259, %add3A_3262, %sub3A_3256 : vector<16xi1>, vector<16xi32>
    %broadcast_in_dim3A_3264 = vector.shape_cast %select_n3A_3263 : vector<16xi32> to vector<16x1xi32>
    %gather3A_3265 = vector.shape_cast %broadcast_in_dim3A_3264 : vector<16x1xi32> to vector<16xi32>
    %gather3A_3266 = tpu.dynamic_gather %rev3A_3249[%gather3A_3265] in [0] : vector<16xf32>, vector<16xi32> -> vector<16xf32>
    %lt3A_3267 = arith.constant 0 : i32
    %lt3A_3268 = vector.broadcast %lt3A_3267 : i32 to vector<16xi32>
    %lt3A_3269 = arith.cmpi slt, %sub3A_3256, %lt3A_3268 : vector<16xi32>
    %add3A_3270 = arith.constant 16 : i32
    %add3A_3271 = vector.broadcast %add3A_3270 : i32 to vector<16xi32>
    %add3A_3272 = arith.addi %sub3A_3256, %add3A_3271 : vector<16xi32>
    %select_n3A_3273 = arith.select %lt3A_3269, %add3A_3272, %sub3A_3256 : vector<16xi1>, vector<16xi32>
    %broadcast_in_dim3A_3274 = vector.shape_cast %select_n3A_3273 : vector<16xi32> to vector<16x1xi32>
    %gather3A_3275 = vector.shape_cast %broadcast_in_dim3A_3274 : vector<16x1xi32> to vector<16xi32>
    %gather3A_3276 = tpu.dynamic_gather %gather3A_3236[%gather3A_3275] in [0] : vector<16xf32>, vector<16xi32> -> vector<16xf32>
    %mul3A_3277 = arith.constant 16 : i32
    %mul3A_3278 = vector.broadcast %mul3A_3277 : i32 to vector<16xi32>
    %mul3A_3279 = arith.muli %sub3A_3207, %mul3A_3278 : vector<16xi32>
    %add3A_3280 = arith.addi %mul3A_3279, %sub3A_3256 : vector<16xi32>
    %add3A_3281 = arith.addf %sub3A_3228, %gather3A_3266 : vector<16xf32>
    %sub3A_3282 = arith.subf %add3A_3281, %gather3A_3276 : vector<16xf32>
    %sub3A_3283 = arith.subf %sub3A_2375, %sub3A_3282 : vector<16xf32>
    %add3A_3284 = arith.constant 512 : i32
    %add3A_3285 = vector.broadcast %add3A_3284 : i32 to vector<16xi32>
    %add3A_3286 = arith.addi %add3A_3285, %mul3A_59 : vector<16xi32>
    %add3A_3287 = arith.constant 0 : i32
    %add3A_3288 = vector.broadcast %add3A_3287 : i32 to vector<16xi32>
    %add3A_3289 = arith.addi %add3A_3286, %add3A_3288 : vector<16xi32>
    %gather3A_3290 = tpu.vector_load_idx %arg10[%add3A_3289] : memref<1024xf32, #tpu.memory_space<vmem>>[vector<16xi32>], vector<16xf32>,
    %add3A_3291 = arith.addf %broadcast_in_dim3A_62, %gather3A_3290 : vector<16xf32>
    %add3A_3292 = arith.constant 512 : i32
    %add3A_3293 = vector.broadcast %add3A_3292 : i32 to vector<16xi32>
    %add3A_3294 = arith.addi %add3A_3293, %mul3A_59 : vector<16xi32>
    %add3A_3295 = arith.constant 1 : i32
    %add3A_3296 = vector.broadcast %add3A_3295 : i32 to vector<16xi32>
    %add3A_3297 = arith.addi %add3A_3294, %add3A_3296 : vector<16xi32>
    %gather3A_3298 = tpu.vector_load_idx %arg10[%add3A_3297] : memref<1024xf32, #tpu.memory_space<vmem>>[vector<16xi32>], vector<16xf32>,
    %add3A_3299 = arith.addf %add3A_3291, %gather3A_3298 : vector<16xf32>
    %add3A_3300 = arith.constant 512 : i32
    %add3A_3301 = vector.broadcast %add3A_3300 : i32 to vector<16xi32>
    %add3A_3302 = arith.addi %add3A_3301, %mul3A_59 : vector<16xi32>
    %add3A_3303 = arith.constant 2 : i32
    %add3A_3304 = vector.broadcast %add3A_3303 : i32 to vector<16xi32>
    %add3A_3305 = arith.addi %add3A_3302, %add3A_3304 : vector<16xi32>
    %gather3A_3306 = tpu.vector_load_idx %arg10[%add3A_3305] : memref<1024xf32, #tpu.memory_space<vmem>>[vector<16xi32>], vector<16xf32>,
    %add3A_3307 = arith.addf %add3A_3299, %gather3A_3306 : vector<16xf32>
    %add3A_3308 = arith.constant 512 : i32
    %add3A_3309 = vector.broadcast %add3A_3308 : i32 to vector<16xi32>
    %add3A_3310 = arith.addi %add3A_3309, %mul3A_59 : vector<16xi32>
    %add3A_3311 = arith.constant 3 : i32
    %add3A_3312 = vector.broadcast %add3A_3311 : i32 to vector<16xi32>
    %add3A_3313 = arith.addi %add3A_3310, %add3A_3312 : vector<16xi32>
    %gather3A_3314 = tpu.vector_load_idx %arg10[%add3A_3313] : memref<1024xf32, #tpu.memory_space<vmem>>[vector<16xi32>], vector<16xf32>,
    %add3A_3315 = arith.addf %add3A_3307, %gather3A_3314 : vector<16xf32>
    %add3A_3316 = arith.constant 512 : i32
    %add3A_3317 = vector.broadcast %add3A_3316 : i32 to vector<16xi32>
    %add3A_3318 = arith.addi %add3A_3317, %mul3A_59 : vector<16xi32>
    %add3A_3319 = arith.constant 4 : i32
    %add3A_3320 = vector.broadcast %add3A_3319 : i32 to vector<16xi32>
    %add3A_3321 = arith.addi %add3A_3318, %add3A_3320 : vector<16xi32>
    %gather3A_3322 = tpu.vector_load_idx %arg10[%add3A_3321] : memref<1024xf32, #tpu.memory_space<vmem>>[vector<16xi32>], vector<16xf32>,
    %add3A_3323 = arith.addf %add3A_3315, %gather3A_3322 : vector<16xf32>
    %add3A_3324 = arith.constant 512 : i32
    %add3A_3325 = vector.broadcast %add3A_3324 : i32 to vector<16xi32>
    %add3A_3326 = arith.addi %add3A_3325, %mul3A_59 : vector<16xi32>
    %add3A_3327 = arith.constant 5 : i32
    %add3A_3328 = vector.broadcast %add3A_3327 : i32 to vector<16xi32>
    %add3A_3329 = arith.addi %add3A_3326, %add3A_3328 : vector<16xi32>
    %gather3A_3330 = tpu.vector_load_idx %arg10[%add3A_3329] : memref<1024xf32, #tpu.memory_space<vmem>>[vector<16xi32>], vector<16xf32>,
    %add3A_3331 = arith.addf %add3A_3323, %gather3A_3330 : vector<16xf32>
    %add3A_3332 = arith.constant 512 : i32
    %add3A_3333 = vector.broadcast %add3A_3332 : i32 to vector<16xi32>
    %add3A_3334 = arith.addi %add3A_3333, %mul3A_59 : vector<16xi32>
    %add3A_3335 = arith.constant 6 : i32
    %add3A_3336 = vector.broadcast %add3A_3335 : i32 to vector<16xi32>
    %add3A_3337 = arith.addi %add3A_3334, %add3A_3336 : vector<16xi32>
    %gather3A_3338 = tpu.vector_load_idx %arg10[%add3A_3337] : memref<1024xf32, #tpu.memory_space<vmem>>[vector<16xi32>], vector<16xf32>,
    %add3A_3339 = arith.addf %add3A_3331, %gather3A_3338 : vector<16xf32>
    %add3A_3340 = arith.constant 512 : i32
    %add3A_3341 = vector.broadcast %add3A_3340 : i32 to vector<16xi32>
    %add3A_3342 = arith.addi %add3A_3341, %mul3A_59 : vector<16xi32>
    %add3A_3343 = arith.constant 7 : i32
    %add3A_3344 = vector.broadcast %add3A_3343 : i32 to vector<16xi32>
    %add3A_3345 = arith.addi %add3A_3342, %add3A_3344 : vector<16xi32>
    %gather3A_3346 = tpu.vector_load_idx %arg10[%add3A_3345] : memref<1024xf32, #tpu.memory_space<vmem>>[vector<16xi32>], vector<16xf32>,
    %add3A_3347 = arith.addf %add3A_3339, %gather3A_3346 : vector<16xf32>
    %add3A_3348 = arith.constant 512 : i32
    %add3A_3349 = vector.broadcast %add3A_3348 : i32 to vector<16xi32>
    %add3A_3350 = arith.addi %add3A_3349, %mul3A_59 : vector<16xi32>
    %add3A_3351 = arith.constant 8 : i32
    %add3A_3352 = vector.broadcast %add3A_3351 : i32 to vector<16xi32>
    %add3A_3353 = arith.addi %add3A_3350, %add3A_3352 : vector<16xi32>
    %gather3A_3354 = tpu.vector_load_idx %arg10[%add3A_3353] : memref<1024xf32, #tpu.memory_space<vmem>>[vector<16xi32>], vector<16xf32>,
    %add3A_3355 = arith.addf %add3A_3347, %gather3A_3354 : vector<16xf32>
    %add3A_3356 = arith.constant 512 : i32
    %add3A_3357 = vector.broadcast %add3A_3356 : i32 to vector<16xi32>
    %add3A_3358 = arith.addi %add3A_3357, %mul3A_59 : vector<16xi32>
    %add3A_3359 = arith.constant 9 : i32
    %add3A_3360 = vector.broadcast %add3A_3359 : i32 to vector<16xi32>
    %add3A_3361 = arith.addi %add3A_3358, %add3A_3360 : vector<16xi32>
    %gather3A_3362 = tpu.vector_load_idx %arg10[%add3A_3361] : memref<1024xf32, #tpu.memory_space<vmem>>[vector<16xi32>], vector<16xf32>,
    %add3A_3363 = arith.addf %add3A_3355, %gather3A_3362 : vector<16xf32>
    %add3A_3364 = arith.constant 512 : i32
    %add3A_3365 = vector.broadcast %add3A_3364 : i32 to vector<16xi32>
    %add3A_3366 = arith.addi %add3A_3365, %mul3A_59 : vector<16xi32>
    %add3A_3367 = arith.constant 10 : i32
    %add3A_3368 = vector.broadcast %add3A_3367 : i32 to vector<16xi32>
    %add3A_3369 = arith.addi %add3A_3366, %add3A_3368 : vector<16xi32>
    %gather3A_3370 = tpu.vector_load_idx %arg10[%add3A_3369] : memref<1024xf32, #tpu.memory_space<vmem>>[vector<16xi32>], vector<16xf32>,
    %add3A_3371 = arith.addf %add3A_3363, %gather3A_3370 : vector<16xf32>
    %add3A_3372 = arith.constant 512 : i32
    %add3A_3373 = vector.broadcast %add3A_3372 : i32 to vector<16xi32>
    %add3A_3374 = arith.addi %add3A_3373, %mul3A_59 : vector<16xi32>
    %add3A_3375 = arith.constant 11 : i32
    %add3A_3376 = vector.broadcast %add3A_3375 : i32 to vector<16xi32>
    %add3A_3377 = arith.addi %add3A_3374, %add3A_3376 : vector<16xi32>
    %gather3A_3378 = tpu.vector_load_idx %arg10[%add3A_3377] : memref<1024xf32, #tpu.memory_space<vmem>>[vector<16xi32>], vector<16xf32>,
    %add3A_3379 = arith.addf %add3A_3371, %gather3A_3378 : vector<16xf32>
    %add3A_3380 = arith.constant 512 : i32
    %add3A_3381 = vector.broadcast %add3A_3380 : i32 to vector<16xi32>
    %add3A_3382 = arith.addi %add3A_3381, %mul3A_59 : vector<16xi32>
    %add3A_3383 = arith.constant 12 : i32
    %add3A_3384 = vector.broadcast %add3A_3383 : i32 to vector<16xi32>
    %add3A_3385 = arith.addi %add3A_3382, %add3A_3384 : vector<16xi32>
    %gather3A_3386 = tpu.vector_load_idx %arg10[%add3A_3385] : memref<1024xf32, #tpu.memory_space<vmem>>[vector<16xi32>], vector<16xf32>,
    %add3A_3387 = arith.addf %add3A_3379, %gather3A_3386 : vector<16xf32>
    %add3A_3388 = arith.constant 512 : i32
    %add3A_3389 = vector.broadcast %add3A_3388 : i32 to vector<16xi32>
    %add3A_3390 = arith.addi %add3A_3389, %mul3A_59 : vector<16xi32>
    %add3A_3391 = arith.constant 13 : i32
    %add3A_3392 = vector.broadcast %add3A_3391 : i32 to vector<16xi32>
    %add3A_3393 = arith.addi %add3A_3390, %add3A_3392 : vector<16xi32>
    %gather3A_3394 = tpu.vector_load_idx %arg10[%add3A_3393] : memref<1024xf32, #tpu.memory_space<vmem>>[vector<16xi32>], vector<16xf32>,
    %add3A_3395 = arith.addf %add3A_3387, %gather3A_3394 : vector<16xf32>
    %add3A_3396 = arith.constant 512 : i32
    %add3A_3397 = vector.broadcast %add3A_3396 : i32 to vector<16xi32>
    %add3A_3398 = arith.addi %add3A_3397, %mul3A_59 : vector<16xi32>
    %add3A_3399 = arith.constant 14 : i32
    %add3A_3400 = vector.broadcast %add3A_3399 : i32 to vector<16xi32>
    %add3A_3401 = arith.addi %add3A_3398, %add3A_3400 : vector<16xi32>
    %gather3A_3402 = tpu.vector_load_idx %arg10[%add3A_3401] : memref<1024xf32, #tpu.memory_space<vmem>>[vector<16xi32>], vector<16xf32>,
    %add3A_3403 = arith.addf %add3A_3395, %gather3A_3402 : vector<16xf32>
    %add3A_3404 = arith.constant 512 : i32
    %add3A_3405 = vector.broadcast %add3A_3404 : i32 to vector<16xi32>
    %add3A_3406 = arith.addi %add3A_3405, %mul3A_59 : vector<16xi32>
    %add3A_3407 = arith.constant 15 : i32
    %add3A_3408 = vector.broadcast %add3A_3407 : i32 to vector<16xi32>
    %add3A_3409 = arith.addi %add3A_3406, %add3A_3408 : vector<16xi32>
    %gather3A_3410 = tpu.vector_load_idx %arg10[%add3A_3409] : memref<1024xf32, #tpu.memory_space<vmem>>[vector<16xi32>], vector<16xf32>,
    %add3A_3411 = arith.addf %add3A_3403, %gather3A_3410 : vector<16xf32>
    %rev3A_3412 = arith.constant 15 : i32
    %rev3A_3413 = vector.broadcast %rev3A_3412 : i32 to vector<16xi32>
    %rev3A_3414 = tpu.iota {dimensions = array<i32: 0>} : vector<16xi32>
    %rev3A_3415 = arith.subi %rev3A_3413, %rev3A_3414 : vector<16xi32>
    %rev3A_3416 = tpu.dynamic_gather %add3A_3411[%rev3A_3415] in [0] : vector<16xf32>, vector<16xi32> -> vector<16xf32>
    %cumsum3A_3417 = arith.constant true
    %cumsum3A_3418 = vector.broadcast %cumsum3A_3417 : i1 to vector<16xi1>
    %cumsum3A_3419 = tpu.scan <sum>, %rev3A_3416 masked %cumsum3A_3418 : vector<16xf32>, vector<16xi1> -> vector<16xf32>
    %rev3A_3420 = arith.constant 15 : i32
    %rev3A_3421 = vector.broadcast %rev3A_3420 : i32 to vector<16xi32>
    %rev3A_3422 = tpu.iota {dimensions = array<i32: 0>} : vector<16xi32>
    %rev3A_3423 = arith.subi %rev3A_3421, %rev3A_3422 : vector<16xi32>
    %rev3A_3424 = tpu.dynamic_gather %cumsum3A_3419[%rev3A_3423] in [0] : vector<16xf32>, vector<16xi32> -> vector<16xf32>
    %ge3A_3425 = arith.cmpf oge, %rev3A_3424, %sub3A_2598 : vector<16xf32>
    %all_reduce_population_count3A_3426 = tpu.all_reduce %ge3A_3425 {dim = 0 : i64, kind = #tpu.reduction_kind<sum>} : vector<16xi1> -> vector<16xi32>
    %add3A_3427 = arith.addi %broadcast_in_dim3A_64, %all_reduce_population_count3A_3426 : vector<16xi32>
    %sub3A_3428 = arith.constant 1 : i32
    %sub3A_3429 = vector.broadcast %sub3A_3428 : i32 to vector<16xi32>
    %sub3A_3430 = arith.subi %add3A_3427, %sub3A_3429 : vector<16xi32>
    %lt3A_3431 = arith.constant 0 : i32
    %lt3A_3432 = vector.broadcast %lt3A_3431 : i32 to vector<16xi32>
    %lt3A_3433 = arith.cmpi slt, %sub3A_3430, %lt3A_3432 : vector<16xi32>
    %add3A_3434 = arith.constant 16 : i32
    %add3A_3435 = vector.broadcast %add3A_3434 : i32 to vector<16xi32>
    %add3A_3436 = arith.addi %sub3A_3430, %add3A_3435 : vector<16xi32>
    %select_n3A_3437 = arith.select %lt3A_3433, %add3A_3436, %sub3A_3430 : vector<16xi1>, vector<16xi32>
    %broadcast_in_dim3A_3438 = vector.shape_cast %select_n3A_3437 : vector<16xi32> to vector<16x1xi32>
    %gather3A_3439 = vector.shape_cast %broadcast_in_dim3A_3438 : vector<16x1xi32> to vector<16xi32>
    %gather3A_3440 = tpu.dynamic_gather %add3A_3411[%gather3A_3439] in [0] : vector<16xf32>, vector<16xi32> -> vector<16xf32>
    %lt3A_3441 = arith.constant 0 : i32
    %lt3A_3442 = vector.broadcast %lt3A_3441 : i32 to vector<16xi32>
    %lt3A_3443 = arith.cmpi slt, %sub3A_3430, %lt3A_3442 : vector<16xi32>
    %add3A_3444 = arith.constant 16 : i32
    %add3A_3445 = vector.broadcast %add3A_3444 : i32 to vector<16xi32>
    %add3A_3446 = arith.addi %sub3A_3430, %add3A_3445 : vector<16xi32>
    %select_n3A_3447 = arith.select %lt3A_3443, %add3A_3446, %sub3A_3430 : vector<16xi1>, vector<16xi32>
    %broadcast_in_dim3A_3448 = vector.shape_cast %select_n3A_3447 : vector<16xi32> to vector<16x1xi32>
    %gather3A_3449 = vector.shape_cast %broadcast_in_dim3A_3448 : vector<16x1xi32> to vector<16xi32>
    %gather3A_3450 = tpu.dynamic_gather %rev3A_3424[%gather3A_3449] in [0] : vector<16xf32>, vector<16xi32> -> vector<16xf32>
    %sub3A_3451 = arith.subf %gather3A_3450, %gather3A_3440 : vector<16xf32>
    %mul3A_3452 = arith.constant 16 : i32
    %mul3A_3453 = vector.broadcast %mul3A_3452 : i32 to vector<16xi32>
    %mul3A_3454 = arith.muli %sub3A_3430, %mul3A_3453 : vector<16xi32>
    %add3A_3455 = arith.constant 512 : i32
    %add3A_3456 = vector.broadcast %add3A_3455 : i32 to vector<16xi32>
    %add3A_3457 = arith.addi %add3A_3456, %mul3A_3454 : vector<16xi32>
    %add3A_3458 = arith.addi %add3A_3457, %iota3A : vector<16xi32>
    %gather3A_3459 = tpu.vector_load_idx %arg10[%add3A_3458] : memref<1024xf32, #tpu.memory_space<vmem>>[vector<16xi32>], vector<16xf32>,
    %rev3A_3460 = arith.constant 15 : i32
    %rev3A_3461 = vector.broadcast %rev3A_3460 : i32 to vector<16xi32>
    %rev3A_3462 = tpu.iota {dimensions = array<i32: 0>} : vector<16xi32>
    %rev3A_3463 = arith.subi %rev3A_3461, %rev3A_3462 : vector<16xi32>
    %rev3A_3464 = tpu.dynamic_gather %gather3A_3459[%rev3A_3463] in [0] : vector<16xf32>, vector<16xi32> -> vector<16xf32>
    %cumsum3A_3465 = arith.constant true
    %cumsum3A_3466 = vector.broadcast %cumsum3A_3465 : i1 to vector<16xi1>
    %cumsum3A_3467 = tpu.scan <sum>, %rev3A_3464 masked %cumsum3A_3466 : vector<16xf32>, vector<16xi1> -> vector<16xf32>
    %rev3A_3468 = arith.constant 15 : i32
    %rev3A_3469 = vector.broadcast %rev3A_3468 : i32 to vector<16xi32>
    %rev3A_3470 = tpu.iota {dimensions = array<i32: 0>} : vector<16xi32>
    %rev3A_3471 = arith.subi %rev3A_3469, %rev3A_3470 : vector<16xi32>
    %rev3A_3472 = tpu.dynamic_gather %cumsum3A_3467[%rev3A_3471] in [0] : vector<16xf32>, vector<16xi32> -> vector<16xf32>
    %add3A_3473 = arith.addf %sub3A_3451, %rev3A_3472 : vector<16xf32>
    %ge3A_3474 = arith.cmpf oge, %add3A_3473, %sub3A_2598 : vector<16xf32>
    %all_reduce_population_count3A_3475 = tpu.all_reduce %ge3A_3474 {dim = 0 : i64, kind = #tpu.reduction_kind<sum>} : vector<16xi1> -> vector<16xi32>
    %add3A_3476 = arith.addi %broadcast_in_dim3A_64, %all_reduce_population_count3A_3475 : vector<16xi32>
    %sub3A_3477 = arith.constant 1 : i32
    %sub3A_3478 = vector.broadcast %sub3A_3477 : i32 to vector<16xi32>
    %sub3A_3479 = arith.subi %add3A_3476, %sub3A_3478 : vector<16xi32>
    %lt3A_3480 = arith.constant 0 : i32
    %lt3A_3481 = vector.broadcast %lt3A_3480 : i32 to vector<16xi32>
    %lt3A_3482 = arith.cmpi slt, %sub3A_3479, %lt3A_3481 : vector<16xi32>
    %add3A_3483 = arith.constant 16 : i32
    %add3A_3484 = vector.broadcast %add3A_3483 : i32 to vector<16xi32>
    %add3A_3485 = arith.addi %sub3A_3479, %add3A_3484 : vector<16xi32>
    %select_n3A_3486 = arith.select %lt3A_3482, %add3A_3485, %sub3A_3479 : vector<16xi1>, vector<16xi32>
    %broadcast_in_dim3A_3487 = vector.shape_cast %select_n3A_3486 : vector<16xi32> to vector<16x1xi32>
    %gather3A_3488 = vector.shape_cast %broadcast_in_dim3A_3487 : vector<16x1xi32> to vector<16xi32>
    %gather3A_3489 = tpu.dynamic_gather %rev3A_3472[%gather3A_3488] in [0] : vector<16xf32>, vector<16xi32> -> vector<16xf32>
    %lt3A_3490 = arith.constant 0 : i32
    %lt3A_3491 = vector.broadcast %lt3A_3490 : i32 to vector<16xi32>
    %lt3A_3492 = arith.cmpi slt, %sub3A_3479, %lt3A_3491 : vector<16xi32>
    %add3A_3493 = arith.constant 16 : i32
    %add3A_3494 = vector.broadcast %add3A_3493 : i32 to vector<16xi32>
    %add3A_3495 = arith.addi %sub3A_3479, %add3A_3494 : vector<16xi32>
    %select_n3A_3496 = arith.select %lt3A_3492, %add3A_3495, %sub3A_3479 : vector<16xi1>, vector<16xi32>
    %broadcast_in_dim3A_3497 = vector.shape_cast %select_n3A_3496 : vector<16xi32> to vector<16x1xi32>
    %gather3A_3498 = vector.shape_cast %broadcast_in_dim3A_3497 : vector<16x1xi32> to vector<16xi32>
    %gather3A_3499 = tpu.dynamic_gather %gather3A_3459[%gather3A_3498] in [0] : vector<16xf32>, vector<16xi32> -> vector<16xf32>
    %mul3A_3500 = arith.constant 16 : i32
    %mul3A_3501 = vector.broadcast %mul3A_3500 : i32 to vector<16xi32>
    %mul3A_3502 = arith.muli %sub3A_3430, %mul3A_3501 : vector<16xi32>
    %add3A_3503 = arith.addi %mul3A_3502, %sub3A_3479 : vector<16xi32>
    %add3A_3504 = arith.addf %sub3A_3451, %gather3A_3489 : vector<16xf32>
    %sub3A_3505 = arith.subf %add3A_3504, %gather3A_3499 : vector<16xf32>
    %sub3A_3506 = arith.subf %sub3A_2598, %sub3A_3505 : vector<16xf32>
    %add3A_3507 = arith.constant 768 : i32
    %add3A_3508 = vector.broadcast %add3A_3507 : i32 to vector<16xi32>
    %add3A_3509 = arith.addi %add3A_3508, %mul3A_59 : vector<16xi32>
    %add3A_3510 = arith.constant 0 : i32
    %add3A_3511 = vector.broadcast %add3A_3510 : i32 to vector<16xi32>
    %add3A_3512 = arith.addi %add3A_3509, %add3A_3511 : vector<16xi32>
    %gather3A_3513 = tpu.vector_load_idx %arg10[%add3A_3512] : memref<1024xf32, #tpu.memory_space<vmem>>[vector<16xi32>], vector<16xf32>,
    %add3A_3514 = arith.addf %broadcast_in_dim3A_62, %gather3A_3513 : vector<16xf32>
    %add3A_3515 = arith.constant 768 : i32
    %add3A_3516 = vector.broadcast %add3A_3515 : i32 to vector<16xi32>
    %add3A_3517 = arith.addi %add3A_3516, %mul3A_59 : vector<16xi32>
    %add3A_3518 = arith.constant 1 : i32
    %add3A_3519 = vector.broadcast %add3A_3518 : i32 to vector<16xi32>
    %add3A_3520 = arith.addi %add3A_3517, %add3A_3519 : vector<16xi32>
    %gather3A_3521 = tpu.vector_load_idx %arg10[%add3A_3520] : memref<1024xf32, #tpu.memory_space<vmem>>[vector<16xi32>], vector<16xf32>,
    %add3A_3522 = arith.addf %add3A_3514, %gather3A_3521 : vector<16xf32>
    %add3A_3523 = arith.constant 768 : i32
    %add3A_3524 = vector.broadcast %add3A_3523 : i32 to vector<16xi32>
    %add3A_3525 = arith.addi %add3A_3524, %mul3A_59 : vector<16xi32>
    %add3A_3526 = arith.constant 2 : i32
    %add3A_3527 = vector.broadcast %add3A_3526 : i32 to vector<16xi32>
    %add3A_3528 = arith.addi %add3A_3525, %add3A_3527 : vector<16xi32>
    %gather3A_3529 = tpu.vector_load_idx %arg10[%add3A_3528] : memref<1024xf32, #tpu.memory_space<vmem>>[vector<16xi32>], vector<16xf32>,
    %add3A_3530 = arith.addf %add3A_3522, %gather3A_3529 : vector<16xf32>
    %add3A_3531 = arith.constant 768 : i32
    %add3A_3532 = vector.broadcast %add3A_3531 : i32 to vector<16xi32>
    %add3A_3533 = arith.addi %add3A_3532, %mul3A_59 : vector<16xi32>
    %add3A_3534 = arith.constant 3 : i32
    %add3A_3535 = vector.broadcast %add3A_3534 : i32 to vector<16xi32>
    %add3A_3536 = arith.addi %add3A_3533, %add3A_3535 : vector<16xi32>
    %gather3A_3537 = tpu.vector_load_idx %arg10[%add3A_3536] : memref<1024xf32, #tpu.memory_space<vmem>>[vector<16xi32>], vector<16xf32>,
    %add3A_3538 = arith.addf %add3A_3530, %gather3A_3537 : vector<16xf32>
    %add3A_3539 = arith.constant 768 : i32
    %add3A_3540 = vector.broadcast %add3A_3539 : i32 to vector<16xi32>
    %add3A_3541 = arith.addi %add3A_3540, %mul3A_59 : vector<16xi32>
    %add3A_3542 = arith.constant 4 : i32
    %add3A_3543 = vector.broadcast %add3A_3542 : i32 to vector<16xi32>
    %add3A_3544 = arith.addi %add3A_3541, %add3A_3543 : vector<16xi32>
    %gather3A_3545 = tpu.vector_load_idx %arg10[%add3A_3544] : memref<1024xf32, #tpu.memory_space<vmem>>[vector<16xi32>], vector<16xf32>,
    %add3A_3546 = arith.addf %add3A_3538, %gather3A_3545 : vector<16xf32>
    %add3A_3547 = arith.constant 768 : i32
    %add3A_3548 = vector.broadcast %add3A_3547 : i32 to vector<16xi32>
    %add3A_3549 = arith.addi %add3A_3548, %mul3A_59 : vector<16xi32>
    %add3A_3550 = arith.constant 5 : i32
    %add3A_3551 = vector.broadcast %add3A_3550 : i32 to vector<16xi32>
    %add3A_3552 = arith.addi %add3A_3549, %add3A_3551 : vector<16xi32>
    %gather3A_3553 = tpu.vector_load_idx %arg10[%add3A_3552] : memref<1024xf32, #tpu.memory_space<vmem>>[vector<16xi32>], vector<16xf32>,
    %add3A_3554 = arith.addf %add3A_3546, %gather3A_3553 : vector<16xf32>
    %add3A_3555 = arith.constant 768 : i32
    %add3A_3556 = vector.broadcast %add3A_3555 : i32 to vector<16xi32>
    %add3A_3557 = arith.addi %add3A_3556, %mul3A_59 : vector<16xi32>
    %add3A_3558 = arith.constant 6 : i32
    %add3A_3559 = vector.broadcast %add3A_3558 : i32 to vector<16xi32>
    %add3A_3560 = arith.addi %add3A_3557, %add3A_3559 : vector<16xi32>
    %gather3A_3561 = tpu.vector_load_idx %arg10[%add3A_3560] : memref<1024xf32, #tpu.memory_space<vmem>>[vector<16xi32>], vector<16xf32>,
    %add3A_3562 = arith.addf %add3A_3554, %gather3A_3561 : vector<16xf32>
    %add3A_3563 = arith.constant 768 : i32
    %add3A_3564 = vector.broadcast %add3A_3563 : i32 to vector<16xi32>
    %add3A_3565 = arith.addi %add3A_3564, %mul3A_59 : vector<16xi32>
    %add3A_3566 = arith.constant 7 : i32
    %add3A_3567 = vector.broadcast %add3A_3566 : i32 to vector<16xi32>
    %add3A_3568 = arith.addi %add3A_3565, %add3A_3567 : vector<16xi32>
    %gather3A_3569 = tpu.vector_load_idx %arg10[%add3A_3568] : memref<1024xf32, #tpu.memory_space<vmem>>[vector<16xi32>], vector<16xf32>,
    %add3A_3570 = arith.addf %add3A_3562, %gather3A_3569 : vector<16xf32>
    %add3A_3571 = arith.constant 768 : i32
    %add3A_3572 = vector.broadcast %add3A_3571 : i32 to vector<16xi32>
    %add3A_3573 = arith.addi %add3A_3572, %mul3A_59 : vector<16xi32>
    %add3A_3574 = arith.constant 8 : i32
    %add3A_3575 = vector.broadcast %add3A_3574 : i32 to vector<16xi32>
    %add3A_3576 = arith.addi %add3A_3573, %add3A_3575 : vector<16xi32>
    %gather3A_3577 = tpu.vector_load_idx %arg10[%add3A_3576] : memref<1024xf32, #tpu.memory_space<vmem>>[vector<16xi32>], vector<16xf32>,
    %add3A_3578 = arith.addf %add3A_3570, %gather3A_3577 : vector<16xf32>
    %add3A_3579 = arith.constant 768 : i32
    %add3A_3580 = vector.broadcast %add3A_3579 : i32 to vector<16xi32>
    %add3A_3581 = arith.addi %add3A_3580, %mul3A_59 : vector<16xi32>
    %add3A_3582 = arith.constant 9 : i32
    %add3A_3583 = vector.broadcast %add3A_3582 : i32 to vector<16xi32>
    %add3A_3584 = arith.addi %add3A_3581, %add3A_3583 : vector<16xi32>
    %gather3A_3585 = tpu.vector_load_idx %arg10[%add3A_3584] : memref<1024xf32, #tpu.memory_space<vmem>>[vector<16xi32>], vector<16xf32>,
    %add3A_3586 = arith.addf %add3A_3578, %gather3A_3585 : vector<16xf32>
    %add3A_3587 = arith.constant 768 : i32
    %add3A_3588 = vector.broadcast %add3A_3587 : i32 to vector<16xi32>
    %add3A_3589 = arith.addi %add3A_3588, %mul3A_59 : vector<16xi32>
    %add3A_3590 = arith.constant 10 : i32
    %add3A_3591 = vector.broadcast %add3A_3590 : i32 to vector<16xi32>
    %add3A_3592 = arith.addi %add3A_3589, %add3A_3591 : vector<16xi32>
    %gather3A_3593 = tpu.vector_load_idx %arg10[%add3A_3592] : memref<1024xf32, #tpu.memory_space<vmem>>[vector<16xi32>], vector<16xf32>,
    %add3A_3594 = arith.addf %add3A_3586, %gather3A_3593 : vector<16xf32>
    %add3A_3595 = arith.constant 768 : i32
    %add3A_3596 = vector.broadcast %add3A_3595 : i32 to vector<16xi32>
    %add3A_3597 = arith.addi %add3A_3596, %mul3A_59 : vector<16xi32>
    %add3A_3598 = arith.constant 11 : i32
    %add3A_3599 = vector.broadcast %add3A_3598 : i32 to vector<16xi32>
    %add3A_3600 = arith.addi %add3A_3597, %add3A_3599 : vector<16xi32>
    %gather3A_3601 = tpu.vector_load_idx %arg10[%add3A_3600] : memref<1024xf32, #tpu.memory_space<vmem>>[vector<16xi32>], vector<16xf32>,
    %add3A_3602 = arith.addf %add3A_3594, %gather3A_3601 : vector<16xf32>
    %add3A_3603 = arith.constant 768 : i32
    %add3A_3604 = vector.broadcast %add3A_3603 : i32 to vector<16xi32>
    %add3A_3605 = arith.addi %add3A_3604, %mul3A_59 : vector<16xi32>
    %add3A_3606 = arith.constant 12 : i32
    %add3A_3607 = vector.broadcast %add3A_3606 : i32 to vector<16xi32>
    %add3A_3608 = arith.addi %add3A_3605, %add3A_3607 : vector<16xi32>
    %gather3A_3609 = tpu.vector_load_idx %arg10[%add3A_3608] : memref<1024xf32, #tpu.memory_space<vmem>>[vector<16xi32>], vector<16xf32>,
    %add3A_3610 = arith.addf %add3A_3602, %gather3A_3609 : vector<16xf32>
    %add3A_3611 = arith.constant 768 : i32
    %add3A_3612 = vector.broadcast %add3A_3611 : i32 to vector<16xi32>
    %add3A_3613 = arith.addi %add3A_3612, %mul3A_59 : vector<16xi32>
    %add3A_3614 = arith.constant 13 : i32
    %add3A_3615 = vector.broadcast %add3A_3614 : i32 to vector<16xi32>
    %add3A_3616 = arith.addi %add3A_3613, %add3A_3615 : vector<16xi32>
    %gather3A_3617 = tpu.vector_load_idx %arg10[%add3A_3616] : memref<1024xf32, #tpu.memory_space<vmem>>[vector<16xi32>], vector<16xf32>,
    %add3A_3618 = arith.addf %add3A_3610, %gather3A_3617 : vector<16xf32>
    %add3A_3619 = arith.constant 768 : i32
    %add3A_3620 = vector.broadcast %add3A_3619 : i32 to vector<16xi32>
    %add3A_3621 = arith.addi %add3A_3620, %mul3A_59 : vector<16xi32>
    %add3A_3622 = arith.constant 14 : i32
    %add3A_3623 = vector.broadcast %add3A_3622 : i32 to vector<16xi32>
    %add3A_3624 = arith.addi %add3A_3621, %add3A_3623 : vector<16xi32>
    %gather3A_3625 = tpu.vector_load_idx %arg10[%add3A_3624] : memref<1024xf32, #tpu.memory_space<vmem>>[vector<16xi32>], vector<16xf32>,
    %add3A_3626 = arith.addf %add3A_3618, %gather3A_3625 : vector<16xf32>
    %add3A_3627 = arith.constant 768 : i32
    %add3A_3628 = vector.broadcast %add3A_3627 : i32 to vector<16xi32>
    %add3A_3629 = arith.addi %add3A_3628, %mul3A_59 : vector<16xi32>
    %add3A_3630 = arith.constant 15 : i32
    %add3A_3631 = vector.broadcast %add3A_3630 : i32 to vector<16xi32>
    %add3A_3632 = arith.addi %add3A_3629, %add3A_3631 : vector<16xi32>
    %gather3A_3633 = tpu.vector_load_idx %arg10[%add3A_3632] : memref<1024xf32, #tpu.memory_space<vmem>>[vector<16xi32>], vector<16xf32>,
    %add3A_3634 = arith.addf %add3A_3626, %gather3A_3633 : vector<16xf32>
    %rev3A_3635 = arith.constant 15 : i32
    %rev3A_3636 = vector.broadcast %rev3A_3635 : i32 to vector<16xi32>
    %rev3A_3637 = tpu.iota {dimensions = array<i32: 0>} : vector<16xi32>
    %rev3A_3638 = arith.subi %rev3A_3636, %rev3A_3637 : vector<16xi32>
    %rev3A_3639 = tpu.dynamic_gather %add3A_3634[%rev3A_3638] in [0] : vector<16xf32>, vector<16xi32> -> vector<16xf32>
    %cumsum3A_3640 = arith.constant true
    %cumsum3A_3641 = vector.broadcast %cumsum3A_3640 : i1 to vector<16xi1>
    %cumsum3A_3642 = tpu.scan <sum>, %rev3A_3639 masked %cumsum3A_3641 : vector<16xf32>, vector<16xi1> -> vector<16xf32>
    %rev3A_3643 = arith.constant 15 : i32
    %rev3A_3644 = vector.broadcast %rev3A_3643 : i32 to vector<16xi32>
    %rev3A_3645 = tpu.iota {dimensions = array<i32: 0>} : vector<16xi32>
    %rev3A_3646 = arith.subi %rev3A_3644, %rev3A_3645 : vector<16xi32>
    %rev3A_3647 = tpu.dynamic_gather %cumsum3A_3642[%rev3A_3646] in [0] : vector<16xf32>, vector<16xi32> -> vector<16xf32>
    %ge3A_3648 = arith.cmpf oge, %rev3A_3647, %sub3A_2821 : vector<16xf32>
    %all_reduce_population_count3A_3649 = tpu.all_reduce %ge3A_3648 {dim = 0 : i64, kind = #tpu.reduction_kind<sum>} : vector<16xi1> -> vector<16xi32>
    %add3A_3650 = arith.addi %broadcast_in_dim3A_64, %all_reduce_population_count3A_3649 : vector<16xi32>
    %sub3A_3651 = arith.constant 1 : i32
    %sub3A_3652 = vector.broadcast %sub3A_3651 : i32 to vector<16xi32>
    %sub3A_3653 = arith.subi %add3A_3650, %sub3A_3652 : vector<16xi32>
    %lt3A_3654 = arith.constant 0 : i32
    %lt3A_3655 = vector.broadcast %lt3A_3654 : i32 to vector<16xi32>
    %lt3A_3656 = arith.cmpi slt, %sub3A_3653, %lt3A_3655 : vector<16xi32>
    %add3A_3657 = arith.constant 16 : i32
    %add3A_3658 = vector.broadcast %add3A_3657 : i32 to vector<16xi32>
    %add3A_3659 = arith.addi %sub3A_3653, %add3A_3658 : vector<16xi32>
    %select_n3A_3660 = arith.select %lt3A_3656, %add3A_3659, %sub3A_3653 : vector<16xi1>, vector<16xi32>
    %broadcast_in_dim3A_3661 = vector.shape_cast %select_n3A_3660 : vector<16xi32> to vector<16x1xi32>
    %gather3A_3662 = vector.shape_cast %broadcast_in_dim3A_3661 : vector<16x1xi32> to vector<16xi32>
    %gather3A_3663 = tpu.dynamic_gather %add3A_3634[%gather3A_3662] in [0] : vector<16xf32>, vector<16xi32> -> vector<16xf32>
    %lt3A_3664 = arith.constant 0 : i32
    %lt3A_3665 = vector.broadcast %lt3A_3664 : i32 to vector<16xi32>
    %lt3A_3666 = arith.cmpi slt, %sub3A_3653, %lt3A_3665 : vector<16xi32>
    %add3A_3667 = arith.constant 16 : i32
    %add3A_3668 = vector.broadcast %add3A_3667 : i32 to vector<16xi32>
    %add3A_3669 = arith.addi %sub3A_3653, %add3A_3668 : vector<16xi32>
    %select_n3A_3670 = arith.select %lt3A_3666, %add3A_3669, %sub3A_3653 : vector<16xi1>, vector<16xi32>
    %broadcast_in_dim3A_3671 = vector.shape_cast %select_n3A_3670 : vector<16xi32> to vector<16x1xi32>
    %gather3A_3672 = vector.shape_cast %broadcast_in_dim3A_3671 : vector<16x1xi32> to vector<16xi32>
    %gather3A_3673 = tpu.dynamic_gather %rev3A_3647[%gather3A_3672] in [0] : vector<16xf32>, vector<16xi32> -> vector<16xf32>
    %sub3A_3674 = arith.subf %gather3A_3673, %gather3A_3663 : vector<16xf32>
    %mul3A_3675 = arith.constant 16 : i32
    %mul3A_3676 = vector.broadcast %mul3A_3675 : i32 to vector<16xi32>
    %mul3A_3677 = arith.muli %sub3A_3653, %mul3A_3676 : vector<16xi32>
    %add3A_3678 = arith.constant 768 : i32
    %add3A_3679 = vector.broadcast %add3A_3678 : i32 to vector<16xi32>
    %add3A_3680 = arith.addi %add3A_3679, %mul3A_3677 : vector<16xi32>
    %add3A_3681 = arith.addi %add3A_3680, %iota3A : vector<16xi32>
    %gather3A_3682 = tpu.vector_load_idx %arg10[%add3A_3681] : memref<1024xf32, #tpu.memory_space<vmem>>[vector<16xi32>], vector<16xf32>,
    %rev3A_3683 = arith.constant 15 : i32
    %rev3A_3684 = vector.broadcast %rev3A_3683 : i32 to vector<16xi32>
    %rev3A_3685 = tpu.iota {dimensions = array<i32: 0>} : vector<16xi32>
    %rev3A_3686 = arith.subi %rev3A_3684, %rev3A_3685 : vector<16xi32>
    %rev3A_3687 = tpu.dynamic_gather %gather3A_3682[%rev3A_3686] in [0] : vector<16xf32>, vector<16xi32> -> vector<16xf32>
    %cumsum3A_3688 = arith.constant true
    %cumsum3A_3689 = vector.broadcast %cumsum3A_3688 : i1 to vector<16xi1>
    %cumsum3A_3690 = tpu.scan <sum>, %rev3A_3687 masked %cumsum3A_3689 : vector<16xf32>, vector<16xi1> -> vector<16xf32>
    %rev3A_3691 = arith.constant 15 : i32
    %rev3A_3692 = vector.broadcast %rev3A_3691 : i32 to vector<16xi32>
    %rev3A_3693 = tpu.iota {dimensions = array<i32: 0>} : vector<16xi32>
    %rev3A_3694 = arith.subi %rev3A_3692, %rev3A_3693 : vector<16xi32>
    %rev3A_3695 = tpu.dynamic_gather %cumsum3A_3690[%rev3A_3694] in [0] : vector<16xf32>, vector<16xi32> -> vector<16xf32>
    %add3A_3696 = arith.addf %sub3A_3674, %rev3A_3695 : vector<16xf32>
    %ge3A_3697 = arith.cmpf oge, %add3A_3696, %sub3A_2821 : vector<16xf32>
    %all_reduce_population_count3A_3698 = tpu.all_reduce %ge3A_3697 {dim = 0 : i64, kind = #tpu.reduction_kind<sum>} : vector<16xi1> -> vector<16xi32>
    %add3A_3699 = arith.addi %broadcast_in_dim3A_64, %all_reduce_population_count3A_3698 : vector<16xi32>
    %sub3A_3700 = arith.constant 1 : i32
    %sub3A_3701 = vector.broadcast %sub3A_3700 : i32 to vector<16xi32>
    %sub3A_3702 = arith.subi %add3A_3699, %sub3A_3701 : vector<16xi32>
    %lt3A_3703 = arith.constant 0 : i32
    %lt3A_3704 = vector.broadcast %lt3A_3703 : i32 to vector<16xi32>
    %lt3A_3705 = arith.cmpi slt, %sub3A_3702, %lt3A_3704 : vector<16xi32>
    %add3A_3706 = arith.constant 16 : i32
    %add3A_3707 = vector.broadcast %add3A_3706 : i32 to vector<16xi32>
    %add3A_3708 = arith.addi %sub3A_3702, %add3A_3707 : vector<16xi32>
    %select_n3A_3709 = arith.select %lt3A_3705, %add3A_3708, %sub3A_3702 : vector<16xi1>, vector<16xi32>
    %broadcast_in_dim3A_3710 = vector.shape_cast %select_n3A_3709 : vector<16xi32> to vector<16x1xi32>
    %gather3A_3711 = vector.shape_cast %broadcast_in_dim3A_3710 : vector<16x1xi32> to vector<16xi32>
    %gather3A_3712 = tpu.dynamic_gather %rev3A_3695[%gather3A_3711] in [0] : vector<16xf32>, vector<16xi32> -> vector<16xf32>
    %lt3A_3713 = arith.constant 0 : i32
    %lt3A_3714 = vector.broadcast %lt3A_3713 : i32 to vector<16xi32>
    %lt3A_3715 = arith.cmpi slt, %sub3A_3702, %lt3A_3714 : vector<16xi32>
    %add3A_3716 = arith.constant 16 : i32
    %add3A_3717 = vector.broadcast %add3A_3716 : i32 to vector<16xi32>
    %add3A_3718 = arith.addi %sub3A_3702, %add3A_3717 : vector<16xi32>
    %select_n3A_3719 = arith.select %lt3A_3715, %add3A_3718, %sub3A_3702 : vector<16xi1>, vector<16xi32>
    %broadcast_in_dim3A_3720 = vector.shape_cast %select_n3A_3719 : vector<16xi32> to vector<16x1xi32>
    %gather3A_3721 = vector.shape_cast %broadcast_in_dim3A_3720 : vector<16x1xi32> to vector<16xi32>
    %gather3A_3722 = tpu.dynamic_gather %gather3A_3682[%gather3A_3721] in [0] : vector<16xf32>, vector<16xi32> -> vector<16xf32>
    %mul3A_3723 = arith.constant 16 : i32
    %mul3A_3724 = vector.broadcast %mul3A_3723 : i32 to vector<16xi32>
    %mul3A_3725 = arith.muli %sub3A_3653, %mul3A_3724 : vector<16xi32>
    %add3A_3726 = arith.addi %mul3A_3725, %sub3A_3702 : vector<16xi32>
    %add3A_3727 = arith.addf %sub3A_3674, %gather3A_3712 : vector<16xf32>
    %sub3A_3728 = arith.subf %add3A_3727, %gather3A_3722 : vector<16xf32>
    %sub3A_3729 = arith.subf %sub3A_2821, %sub3A_3728 : vector<16xf32>
    %shift_left3A = arith.constant 24 : i32
    %shift_left3A_3730 = vector.broadcast %shift_left3A : i32 to vector<16xi32>
    %shift_left3A_3731 = arith.shli %add3A_290, %shift_left3A_3730 : vector<16xi32>
    %shift_left3A_3732 = arith.constant 16 : i32
    %shift_left3A_3733 = vector.broadcast %shift_left3A_3732 : i32 to vector<16xi32>
    %shift_left3A_3734 = arith.shli %add3A_1241, %shift_left3A_3733 : vector<16xi32>
    %or3A = arith.ori %shift_left3A_3731, %shift_left3A_3734 : vector<16xi32>
    %shift_left3A_3735 = arith.constant 8 : i32
    %shift_left3A_3736 = vector.broadcast %shift_left3A_3735 : i32 to vector<16xi32>
    %shift_left3A_3737 = arith.shli %add3A_2149, %shift_left3A_3736 : vector<16xi32>
    %or3A_3738 = arith.ori %or3A, %shift_left3A_3737 : vector<16xi32>
    %or3A_3739 = arith.ori %or3A_3738, %add3A_3057 : vector<16xi32>
    %swap3A = arith.constant 0 : index
    %swap3A_3740 = tpu.vector_load %arg11[%swap3A] {strides = array<i32>} : memref<16xi32, #tpu.memory_space<vmem>>, vector<16xi32>,
    tpu.vector_store %arg11[%swap3A], %or3A_3739 {strides = array<i32>} : memref<16xi32, #tpu.memory_space<vmem>>, vector<16xi32>,
    %add3A_3741 = arith.constant 0 : i32
    %add3A_3742 = arith.addi %mul3A_2, %add3A_3741 : i32
    %dma_start3A_3743 = arith.constant 0 : i32
    %dma_start3A_3744 = tpu.memref_slice %arg3[%add3A_3742, %dma_start3A_3743] : memref<128x16xi32, #tpu.memory_space<hbm>> -> memref<1x16xi32, #tpu.memory_space<hbm>>
    %dma_start3A_3745 = tpu.memref_squeeze %dma_start3A_3744 : memref<1x16xi32, #tpu.memory_space<hbm>> -> memref<16xi32, #tpu.memory_space<hbm>>
    %dma_start3A_3746 = arith.constant 0 : i32
    %dma_start3A_3747 = tpu.memref_slice %arg3[%add3A_3742, %dma_start3A_3746] : memref<128x16xi32, #tpu.memory_space<hbm>> -> memref<1x16xi32, #tpu.memory_space<hbm>>
    %dma_start3A_3748 = tpu.memref_squeeze %dma_start3A_3747 : memref<1x16xi32, #tpu.memory_space<hbm>> -> memref<16xi32, #tpu.memory_space<hbm>>
    tpu.enqueue_dma source(%arg11 : memref<16xi32, #tpu.memory_space<vmem>>) target(%dma_start3A_3748 : memref<16xi32, #tpu.memory_space<hbm>>) target_semaphore(%arg16 : memref<!tpu.dma_semaphore, #tpu.memory_space<semaphore_mem>>)
    %shift_left3A_3749 = arith.constant 24 : i32
    %shift_left3A_3750 = vector.broadcast %shift_left3A_3749 : i32 to vector<16xi32>
    %shift_left3A_3751 = arith.shli %add3A_519, %shift_left3A_3750 : vector<16xi32>
    %shift_left3A_3752 = arith.constant 16 : i32
    %shift_left3A_3753 = vector.broadcast %shift_left3A_3752 : i32 to vector<16xi32>
    %shift_left3A_3754 = arith.shli %add3A_1464, %shift_left3A_3753 : vector<16xi32>
    %or3A_3755 = arith.ori %shift_left3A_3751, %shift_left3A_3754 : vector<16xi32>
    %shift_left3A_3756 = arith.constant 8 : i32
    %shift_left3A_3757 = vector.broadcast %shift_left3A_3756 : i32 to vector<16xi32>
    %shift_left3A_3758 = arith.shli %add3A_2372, %shift_left3A_3757 : vector<16xi32>
    %or3A_3759 = arith.ori %or3A_3755, %shift_left3A_3758 : vector<16xi32>
    %or3A_3760 = arith.ori %or3A_3759, %add3A_3280 : vector<16xi32>
    %swap3A_3761 = arith.constant 0 : index
    %swap3A_3762 = tpu.vector_load %arg12[%swap3A_3761] {strides = array<i32>} : memref<16xi32, #tpu.memory_space<vmem>>, vector<16xi32>,
    tpu.vector_store %arg12[%swap3A_3761], %or3A_3760 {strides = array<i32>} : memref<16xi32, #tpu.memory_space<vmem>>, vector<16xi32>,
    %add3A_3763 = arith.constant 1 : i32
    %add3A_3764 = arith.addi %mul3A_2, %add3A_3763 : i32
    %dma_start3A_3765 = arith.constant 0 : i32
    %dma_start3A_3766 = tpu.memref_slice %arg3[%add3A_3764, %dma_start3A_3765] : memref<128x16xi32, #tpu.memory_space<hbm>> -> memref<1x16xi32, #tpu.memory_space<hbm>>
    %dma_start3A_3767 = tpu.memref_squeeze %dma_start3A_3766 : memref<1x16xi32, #tpu.memory_space<hbm>> -> memref<16xi32, #tpu.memory_space<hbm>>
    %dma_start3A_3768 = arith.constant 0 : i32
    %dma_start3A_3769 = tpu.memref_slice %arg3[%add3A_3764, %dma_start3A_3768] : memref<128x16xi32, #tpu.memory_space<hbm>> -> memref<1x16xi32, #tpu.memory_space<hbm>>
    %dma_start3A_3770 = tpu.memref_squeeze %dma_start3A_3769 : memref<1x16xi32, #tpu.memory_space<hbm>> -> memref<16xi32, #tpu.memory_space<hbm>>
    tpu.enqueue_dma source(%arg12 : memref<16xi32, #tpu.memory_space<vmem>>) target(%dma_start3A_3770 : memref<16xi32, #tpu.memory_space<hbm>>) target_semaphore(%arg16 : memref<!tpu.dma_semaphore, #tpu.memory_space<semaphore_mem>>)
    %shift_left3A_3771 = arith.constant 24 : i32
    %shift_left3A_3772 = vector.broadcast %shift_left3A_3771 : i32 to vector<16xi32>
    %shift_left3A_3773 = arith.shli %add3A_749, %shift_left3A_3772 : vector<16xi32>
    %shift_left3A_3774 = arith.constant 16 : i32
    %shift_left3A_3775 = vector.broadcast %shift_left3A_3774 : i32 to vector<16xi32>
    %shift_left3A_3776 = arith.shli %add3A_1687, %shift_left3A_3775 : vector<16xi32>
    %or3A_3777 = arith.ori %shift_left3A_3773, %shift_left3A_3776 : vector<16xi32>
    %shift_left3A_3778 = arith.constant 8 : i32
    %shift_left3A_3779 = vector.broadcast %shift_left3A_3778 : i32 to vector<16xi32>
    %shift_left3A_3780 = arith.shli %add3A_2595, %shift_left3A_3779 : vector<16xi32>
    %or3A_3781 = arith.ori %or3A_3777, %shift_left3A_3780 : vector<16xi32>
    %or3A_3782 = arith.ori %or3A_3781, %add3A_3503 : vector<16xi32>
    %swap3A_3783 = arith.constant 0 : index
    %swap3A_3784 = tpu.vector_load %arg13[%swap3A_3783] {strides = array<i32>} : memref<16xi32, #tpu.memory_space<vmem>>, vector<16xi32>,
    tpu.vector_store %arg13[%swap3A_3783], %or3A_3782 {strides = array<i32>} : memref<16xi32, #tpu.memory_space<vmem>>, vector<16xi32>,
    %add3A_3785 = arith.constant 2 : i32
    %add3A_3786 = arith.addi %mul3A_2, %add3A_3785 : i32
    %dma_start3A_3787 = arith.constant 0 : i32
    %dma_start3A_3788 = tpu.memref_slice %arg3[%add3A_3786, %dma_start3A_3787] : memref<128x16xi32, #tpu.memory_space<hbm>> -> memref<1x16xi32, #tpu.memory_space<hbm>>
    %dma_start3A_3789 = tpu.memref_squeeze %dma_start3A_3788 : memref<1x16xi32, #tpu.memory_space<hbm>> -> memref<16xi32, #tpu.memory_space<hbm>>
    %dma_start3A_3790 = arith.constant 0 : i32
    %dma_start3A_3791 = tpu.memref_slice %arg3[%add3A_3786, %dma_start3A_3790] : memref<128x16xi32, #tpu.memory_space<hbm>> -> memref<1x16xi32, #tpu.memory_space<hbm>>
    %dma_start3A_3792 = tpu.memref_squeeze %dma_start3A_3791 : memref<1x16xi32, #tpu.memory_space<hbm>> -> memref<16xi32, #tpu.memory_space<hbm>>
    tpu.enqueue_dma source(%arg13 : memref<16xi32, #tpu.memory_space<vmem>>) target(%dma_start3A_3792 : memref<16xi32, #tpu.memory_space<hbm>>) target_semaphore(%arg16 : memref<!tpu.dma_semaphore, #tpu.memory_space<semaphore_mem>>)
    %shift_left3A_3793 = arith.constant 24 : i32
    %shift_left3A_3794 = vector.broadcast %shift_left3A_3793 : i32 to vector<16xi32>
    %shift_left3A_3795 = arith.shli %add3A_979, %shift_left3A_3794 : vector<16xi32>
    %shift_left3A_3796 = arith.constant 16 : i32
    %shift_left3A_3797 = vector.broadcast %shift_left3A_3796 : i32 to vector<16xi32>
    %shift_left3A_3798 = arith.shli %add3A_1910, %shift_left3A_3797 : vector<16xi32>
    %or3A_3799 = arith.ori %shift_left3A_3795, %shift_left3A_3798 : vector<16xi32>
    %shift_left3A_3800 = arith.constant 8 : i32
    %shift_left3A_3801 = vector.broadcast %shift_left3A_3800 : i32 to vector<16xi32>
    %shift_left3A_3802 = arith.shli %add3A_2818, %shift_left3A_3801 : vector<16xi32>
    %or3A_3803 = arith.ori %or3A_3799, %shift_left3A_3802 : vector<16xi32>
    %or3A_3804 = arith.ori %or3A_3803, %add3A_3726 : vector<16xi32>
    %swap3A_3805 = arith.constant 0 : index
    %swap3A_3806 = tpu.vector_load %arg14[%swap3A_3805] {strides = array<i32>} : memref<16xi32, #tpu.memory_space<vmem>>, vector<16xi32>,
    tpu.vector_store %arg14[%swap3A_3805], %or3A_3804 {strides = array<i32>} : memref<16xi32, #tpu.memory_space<vmem>>, vector<16xi32>,
    %add3A_3807 = arith.constant 3 : i32
    %add3A_3808 = arith.addi %mul3A_2, %add3A_3807 : i32
    %dma_start3A_3809 = arith.constant 0 : i32
    %dma_start3A_3810 = tpu.memref_slice %arg3[%add3A_3808, %dma_start3A_3809] : memref<128x16xi32, #tpu.memory_space<hbm>> -> memref<1x16xi32, #tpu.memory_space<hbm>>
    %dma_start3A_3811 = tpu.memref_squeeze %dma_start3A_3810 : memref<1x16xi32, #tpu.memory_space<hbm>> -> memref<16xi32, #tpu.memory_space<hbm>>
    %dma_start3A_3812 = arith.constant 0 : i32
    %dma_start3A_3813 = tpu.memref_slice %arg3[%add3A_3808, %dma_start3A_3812] : memref<128x16xi32, #tpu.memory_space<hbm>> -> memref<1x16xi32, #tpu.memory_space<hbm>>
    %dma_start3A_3814 = tpu.memref_squeeze %dma_start3A_3813 : memref<1x16xi32, #tpu.memory_space<hbm>> -> memref<16xi32, #tpu.memory_space<hbm>>
    tpu.enqueue_dma source(%arg14 : memref<16xi32, #tpu.memory_space<vmem>>) target(%dma_start3A_3814 : memref<16xi32, #tpu.memory_space<hbm>>) target_semaphore(%arg16 : memref<!tpu.dma_semaphore, #tpu.memory_space<semaphore_mem>>)
    %dma_wait3A_3815 = arith.constant 0 : i32
    %dma_wait3A_3816 = tpu.memref_slice %arg3[%add3A_3742, %dma_wait3A_3815] : memref<128x16xi32, #tpu.memory_space<hbm>> -> memref<1x16xi32, #tpu.memory_space<hbm>>
    %dma_wait3A_3817 = tpu.memref_squeeze %dma_wait3A_3816 : memref<1x16xi32, #tpu.memory_space<hbm>> -> memref<16xi32, #tpu.memory_space<hbm>>
    %dma_wait3A_3818 = arith.constant 0 : i32
    %dma_wait3A_3819 = tpu.memref_slice %arg3[%add3A_3742, %dma_wait3A_3818] : memref<128x16xi32, #tpu.memory_space<hbm>> -> memref<1x16xi32, #tpu.memory_space<hbm>>
    %dma_wait3A_3820 = tpu.memref_squeeze %dma_wait3A_3819 : memref<1x16xi32, #tpu.memory_space<hbm>> -> memref<16xi32, #tpu.memory_space<hbm>>
    tpu.wait_dma2 semaphore(%arg16 : memref<!tpu.dma_semaphore, #tpu.memory_space<semaphore_mem>>) src(%arg11 : memref<16xi32, #tpu.memory_space<vmem>>) dst(%dma_wait3A_3820 : memref<16xi32, #tpu.memory_space<hbm>>)
    %dma_wait3A_3821 = arith.constant 0 : i32
    %dma_wait3A_3822 = tpu.memref_slice %arg3[%add3A_3764, %dma_wait3A_3821] : memref<128x16xi32, #tpu.memory_space<hbm>> -> memref<1x16xi32, #tpu.memory_space<hbm>>
    %dma_wait3A_3823 = tpu.memref_squeeze %dma_wait3A_3822 : memref<1x16xi32, #tpu.memory_space<hbm>> -> memref<16xi32, #tpu.memory_space<hbm>>
    %dma_wait3A_3824 = arith.constant 0 : i32
    %dma_wait3A_3825 = tpu.memref_slice %arg3[%add3A_3764, %dma_wait3A_3824] : memref<128x16xi32, #tpu.memory_space<hbm>> -> memref<1x16xi32, #tpu.memory_space<hbm>>
    %dma_wait3A_3826 = tpu.memref_squeeze %dma_wait3A_3825 : memref<1x16xi32, #tpu.memory_space<hbm>> -> memref<16xi32, #tpu.memory_space<hbm>>
    tpu.wait_dma2 semaphore(%arg16 : memref<!tpu.dma_semaphore, #tpu.memory_space<semaphore_mem>>) src(%arg12 : memref<16xi32, #tpu.memory_space<vmem>>) dst(%dma_wait3A_3826 : memref<16xi32, #tpu.memory_space<hbm>>)
    %dma_wait3A_3827 = arith.constant 0 : i32
    %dma_wait3A_3828 = tpu.memref_slice %arg3[%add3A_3786, %dma_wait3A_3827] : memref<128x16xi32, #tpu.memory_space<hbm>> -> memref<1x16xi32, #tpu.memory_space<hbm>>
    %dma_wait3A_3829 = tpu.memref_squeeze %dma_wait3A_3828 : memref<1x16xi32, #tpu.memory_space<hbm>> -> memref<16xi32, #tpu.memory_space<hbm>>
    %dma_wait3A_3830 = arith.constant 0 : i32
    %dma_wait3A_3831 = tpu.memref_slice %arg3[%add3A_3786, %dma_wait3A_3830] : memref<128x16xi32, #tpu.memory_space<hbm>> -> memref<1x16xi32, #tpu.memory_space<hbm>>
    %dma_wait3A_3832 = tpu.memref_squeeze %dma_wait3A_3831 : memref<1x16xi32, #tpu.memory_space<hbm>> -> memref<16xi32, #tpu.memory_space<hbm>>
    tpu.wait_dma2 semaphore(%arg16 : memref<!tpu.dma_semaphore, #tpu.memory_space<semaphore_mem>>) src(%arg13 : memref<16xi32, #tpu.memory_space<vmem>>) dst(%dma_wait3A_3832 : memref<16xi32, #tpu.memory_space<hbm>>)
    %dma_wait3A_3833 = arith.constant 0 : i32
    %dma_wait3A_3834 = tpu.memref_slice %arg3[%add3A_3808, %dma_wait3A_3833] : memref<128x16xi32, #tpu.memory_space<hbm>> -> memref<1x16xi32, #tpu.memory_space<hbm>>
    %dma_wait3A_3835 = tpu.memref_squeeze %dma_wait3A_3834 : memref<1x16xi32, #tpu.memory_space<hbm>> -> memref<16xi32, #tpu.memory_space<hbm>>
    %dma_wait3A_3836 = arith.constant 0 : i32
    %dma_wait3A_3837 = tpu.memref_slice %arg3[%add3A_3808, %dma_wait3A_3836] : memref<128x16xi32, #tpu.memory_space<hbm>> -> memref<1x16xi32, #tpu.memory_space<hbm>>
    %dma_wait3A_3838 = tpu.memref_squeeze %dma_wait3A_3837 : memref<1x16xi32, #tpu.memory_space<hbm>> -> memref<16xi32, #tpu.memory_space<hbm>>
    tpu.wait_dma2 semaphore(%arg16 : memref<!tpu.dma_semaphore, #tpu.memory_space<semaphore_mem>>) src(%arg14 : memref<16xi32, #tpu.memory_space<vmem>>) dst(%dma_wait3A_3838 : memref<16xi32, #tpu.memory_space<hbm>>)
    return
  }
}

module attributes {stable_mosaic.version = 14 : i64} {
  func.func @_tc_finish(%arg0: memref<128x2048xf32, #tpu.memory_space<vmem>>, %arg1: memref<128x1xi32, #tpu.memory_space<vmem>>, %arg2: memref<128x16xi32, #tpu.memory_space<vmem>>, %arg3: memref<128x1xf32, #tpu.memory_space<vmem>>, %arg4: memref<128x1xf32, #tpu.memory_space<vmem>>, %arg5: memref<128x1xi32, #tpu.memory_space<vmem>>, %arg6: memref<1x1xf32, #tpu.memory_space<vmem>>) attributes {dimension_semantics = [], scalar_prefetch = 0 : i64, scratch_operands = 0 : i64, tpu.core_type = #tpu.core_type<tc>} {
    %get3A = arith.constant 0 : index
    %get3A_0 = arith.constant 0 : index
    %get3A_1 = vector.load %arg0[%get3A, %get3A_0] : memref<128x2048xf32, #tpu.memory_space<vmem>>, vector<128x2048xf32>
    %get3A_2 = arith.constant 0 : index
    %get3A_3 = arith.constant 0 : index
    %get3A_4 = vector.load %arg1[%get3A_2, %get3A_3] : memref<128x1xi32, #tpu.memory_space<vmem>>, vector<128x1xi32>
    %get3A_5 = arith.constant 0 : index
    %get3A_6 = arith.constant 0 : index
    %get3A_7 = vector.load %arg2[%get3A_5, %get3A_6] : memref<128x16xi32, #tpu.memory_space<vmem>>, vector<128x16xi32>
    %slice3A = vector.extract_strided_slice %get3A_7 {offsets = [0, 0], sizes = [128, 1], strides = [1, 1]} : vector<128x16xi32> to vector<128x1xi32>
    %bitcast_convert_type3A = tpu.bitcast %slice3A : vector<128x1xi32> -> vector<128x1xi32>
    %get3A_8 = arith.constant 0 : index
    %get3A_9 = arith.constant 0 : index
    %get3A_10 = vector.load %arg3[%get3A_8, %get3A_9] : memref<128x1xf32, #tpu.memory_space<vmem>>, vector<128x1xf32>
    %get3A_11 = arith.constant 0 : index
    %get3A_12 = arith.constant 0 : index
    %get3A_13 = vector.load %arg4[%get3A_11, %get3A_12] : memref<128x1xf32, #tpu.memory_space<vmem>>, vector<128x1xf32>
    %get3A_14 = arith.constant 0 : index
    %get3A_15 = arith.constant 0 : index
    %get3A_16 = vector.load %arg5[%get3A_14, %get3A_15] : memref<128x1xi32, #tpu.memory_space<vmem>>, vector<128x1xi32>
    %bitcast_convert_type3A_17 = tpu.bitcast %get3A_16 : vector<128x1xi32> -> vector<128x1xi32>
    %bitcast_convert_type3A_18 = tpu.bitcast %get3A_1 : vector<128x2048xf32> -> vector<128x2048xi32>
    %ge3A = arith.constant -2147483648 : i32
    %ge3A_19 = vector.broadcast %ge3A : i32 to vector<128x2048xi32>
    %ge3A_20 = arith.cmpi uge, %bitcast_convert_type3A_18, %ge3A_19 : vector<128x2048xi32>
    %not3A = arith.constant dense<-1> : vector<128x2048xi32>
    %not3A_21 = arith.xori %bitcast_convert_type3A_18, %not3A : vector<128x2048xi32>
    %or3A = arith.constant -2147483648 : i32
    %or3A_22 = vector.broadcast %or3A : i32 to vector<128x2048xi32>
    %or3A_23 = arith.ori %bitcast_convert_type3A_18, %or3A_22 : vector<128x2048xi32>
    %select_n3A = arith.select %ge3A_20, %not3A_21, %or3A_23 : vector<128x2048xi1>, vector<128x2048xi32>
    %ge3A_24 = arith.constant -2147483648 : i32
    %ge3A_25 = vector.broadcast %ge3A_24 : i32 to vector<128x1xi32>
    %ge3A_26 = arith.cmpi uge, %bitcast_convert_type3A, %ge3A_25 : vector<128x1xi32>
    %xor3A = arith.constant -2147483648 : i32
    %xor3A_27 = vector.broadcast %xor3A : i32 to vector<128x1xi32>
    %xor3A_28 = arith.xori %bitcast_convert_type3A, %xor3A_27 : vector<128x1xi32>
    %not3A_29 = arith.constant dense<-1> : vector<128x1xi32>
    %not3A_30 = arith.xori %bitcast_convert_type3A, %not3A_29 : vector<128x1xi32>
    %select_n3A_31 = arith.select %ge3A_26, %xor3A_28, %not3A_30 : vector<128x1xi1>, vector<128x1xi32>
    %bitcast_convert_type3A_32 = tpu.bitcast %select_n3A_31 : vector<128x1xi32> -> vector<128x1xf32>
    %gt3A = vector.broadcast %bitcast_convert_type3A : vector<128x1xi32> to vector<128x2048xi32>
    %gt3A_33 = arith.cmpi ugt, %select_n3A, %gt3A : vector<128x2048xi32>
    %convert_element_type3A = arith.extui %gt3A_33 : vector<128x2048xi1> to vector<128x2048xi32>
    %reduce_sum3A = arith.constant dense<0> : vector<128xi32>
    %reduce_sum3A_34 = vector.multi_reduction <add>, %convert_element_type3A, %reduce_sum3A [1] : vector<128x2048xi32> to vector<128xi32>
    %broadcast_in_dim3A = vector.shape_cast %reduce_sum3A_34 : vector<128xi32> to vector<128x1xi32>
    %sub3A = vector.broadcast %get3A_10 : vector<128x1xf32> to vector<128x2048xf32>
    %sub3A_35 = arith.subf %get3A_1, %sub3A : vector<128x2048xf32>
    %exp3A = math.exp %sub3A_35 : vector<128x2048xf32>
    %jit3A = arith.constant 0.000000e+00 : f32
    %broadcast_in_dim3A_36 = vector.broadcast %jit3A : f32 to vector<128x2048xf32>
    %select_n3A_37 = arith.select %gt3A_33, %exp3A, %broadcast_in_dim3A_36 : vector<128x2048xi1>, vector<128x2048xf32>
    %reduce_sum3A_38 = arith.constant dense<0.000000e+00> : vector<128xf32>
    %reduce_sum3A_39 = vector.multi_reduction <add>, %select_n3A_37, %reduce_sum3A_38 [1] : vector<128x2048xf32> to vector<128xf32>
    %broadcast_in_dim3A_40 = vector.shape_cast %reduce_sum3A_39 : vector<128xf32> to vector<128x1xf32>
    %sub3A_41 = arith.constant 256 : i32
    %sub3A_42 = vector.broadcast %sub3A_41 : i32 to vector<128x1xi32>
    %sub3A_43 = arith.subi %sub3A_42, %broadcast_in_dim3A : vector<128x1xi32>
    %convert_element_type3A_44 = arith.sitofp %sub3A_43 : vector<128x1xi32> to vector<128x1xf32>
    %sub3A_45 = arith.subf %bitcast_convert_type3A_32, %get3A_10 : vector<128x1xf32>
    %exp3A_46 = math.exp %sub3A_45 : vector<128x1xf32>
    %mul3A = arith.mulf %convert_element_type3A_44, %exp3A_46 : vector<128x1xf32>
    %add3A = arith.addf %broadcast_in_dim3A_40, %mul3A : vector<128x1xf32>
    %iota3A = tpu.iota {dimensions = array<i32: 1>} : vector<128x2048xi32>
    %lt3A = vector.broadcast %get3A_4 : vector<128x1xi32> to vector<128x2048xi32>
    %lt3A_47 = arith.cmpi slt, %iota3A, %lt3A : vector<128x2048xi32>
    %eq3A = vector.broadcast %bitcast_convert_type3A : vector<128x1xi32> to vector<128x2048xi32>
    %eq3A_48 = arith.cmpi eq, %select_n3A, %eq3A : vector<128x2048xi32>
    %and3A = arith.andi %lt3A_47, %eq3A_48 : vector<128x2048xi1>
    %convert_element_type3A_49 = arith.extui %and3A : vector<128x2048xi1> to vector<128x2048xi32>
    %reduce_sum3A_50 = arith.constant dense<0> : vector<128xi32>
    %reduce_sum3A_51 = vector.multi_reduction <add>, %convert_element_type3A_49, %reduce_sum3A_50 [1] : vector<128x2048xi32> to vector<128xi32>
    %broadcast_in_dim3A_52 = vector.shape_cast %reduce_sum3A_51 : vector<128xi32> to vector<128x1xi32>
    %gt3A_53 = arith.cmpi ugt, %bitcast_convert_type3A_17, %bitcast_convert_type3A : vector<128x1xi32>
    %eq3A_54 = arith.cmpi eq, %bitcast_convert_type3A_17, %bitcast_convert_type3A : vector<128x1xi32>
    %add3A_55 = arith.addi %broadcast_in_dim3A, %broadcast_in_dim3A_52 : vector<128x1xi32>
    %lt3A_56 = arith.constant 256 : i32
    %lt3A_57 = vector.broadcast %lt3A_56 : i32 to vector<128x1xi32>
    %lt3A_58 = arith.cmpi slt, %add3A_55, %lt3A_57 : vector<128x1xi32>
    %and3A_59 = arith.andi %eq3A_54, %lt3A_58 : vector<128x1xi1>
    %or3A_60 = arith.ori %gt3A_53, %and3A_59 : vector<128x1xi1>
    %convert_element_type3A_61 = arith.extui %or3A_60 : vector<128x1xi1> to vector<128x1xi32>
    %convert_element_type3A_62 = arith.sitofp %convert_element_type3A_61 : vector<128x1xi32> to vector<128x1xf32>
    %sub3A_63 = arith.subf %get3A_13, %get3A_10 : vector<128x1xf32>
    %log3A = math.log %add3A : vector<128x1xf32>
    %sub3A_64 = arith.subf %sub3A_63, %log3A : vector<128x1xf32>
    %mul3A_65 = arith.mulf %convert_element_type3A_62, %sub3A_64 : vector<128x1xf32>
    %reduce_sum3A_66 = vector.shape_cast %mul3A_65 : vector<128x1xf32> to vector<1x128x1xf32>
    %reduce_sum3A_67 = arith.constant dense<0.000000e+00> : vector<1xf32>
    %reduce_sum3A_68 = vector.multi_reduction <add>, %reduce_sum3A_66, %reduce_sum3A_67 [1, 2] : vector<1x128x1xf32> to vector<1xf32>
    %reduce_sum3A_69 = vector.shape_cast %reduce_sum3A_68 : vector<1xf32> to vector<1x1x1xf32>
    %reduce_sum3A_70 = vector.extract %reduce_sum3A_69[0, 0, 0] : f32 from vector<1x1x1xf32>
    %reduce_sum3A_71 = vector.shape_cast %convert_element_type3A_62 : vector<128x1xf32> to vector<1x128x1xf32>
    %reduce_sum3A_72 = arith.constant dense<0.000000e+00> : vector<1xf32>
    %reduce_sum3A_73 = vector.multi_reduction <add>, %reduce_sum3A_71, %reduce_sum3A_72 [1, 2] : vector<1x128x1xf32> to vector<1xf32>
    %reduce_sum3A_74 = vector.shape_cast %reduce_sum3A_73 : vector<1xf32> to vector<1x1x1xf32>
    %reduce_sum3A_75 = vector.extract %reduce_sum3A_74[0, 0, 0] : f32 from vector<1x1x1xf32>
    %div3A = arith.divf %reduce_sum3A_70, %reduce_sum3A_75 : f32
    %neg3A = arith.constant 0.000000e+00 : f32
    %neg3A_76 = arith.subf %neg3A, %div3A : f32
    %broadcast_in_dim3A_77 = vector.broadcast %neg3A_76 : f32 to vector<1x1xf32>
    %swap3A = arith.constant 0 : index
    %swap3A_78 = arith.constant 0 : index
    %swap3A_79 = vector.load %arg6[%swap3A, %swap3A_78] : memref<1x1xf32, #tpu.memory_space<vmem>>, vector<1x1xf32>
    tpu.vector_store %arg6[%swap3A, %swap3A_78], %broadcast_in_dim3A_77 {strides = array<i32>} : memref<1x1xf32, #tpu.memory_space<vmem>>, vector<1x1xf32>,
    return
  }
}

module attributes {stable_mosaic.version = 14 : i64} {
  func.func @_tc_pre(%arg0: memref<128x2048xf32, #tpu.memory_space<vmem>>, %arg1: memref<128x1xi32, #tpu.memory_space<vmem>>, %arg2: memref<128x1xf32, #tpu.memory_space<vmem>>, %arg3: memref<128x1xf32, #tpu.memory_space<vmem>>, %arg4: memref<128x1xi32, #tpu.memory_space<vmem>>) attributes {dimension_semantics = [], scalar_prefetch = 0 : i64, scratch_operands = 0 : i64, tpu.core_type = #tpu.core_type<tc>} {
    %get3A = arith.constant 0 : index
    %get3A_0 = arith.constant 0 : index
    %get3A_1 = vector.load %arg0[%get3A, %get3A_0] : memref<128x2048xf32, #tpu.memory_space<vmem>>, vector<128x2048xf32>
    %get3A_2 = arith.constant 0 : index
    %get3A_3 = arith.constant 0 : index
    %get3A_4 = vector.load %arg1[%get3A_2, %get3A_3] : memref<128x1xi32, #tpu.memory_space<vmem>>, vector<128x1xi32>
    %reduce_max3A = arith.constant dense<0xFF800000> : vector<128xf32>
    %reduce_max3A_5 = vector.multi_reduction <maximumf>, %get3A_1, %reduce_max3A [1] : vector<128x2048xf32> to vector<128xf32>
    %broadcast_in_dim3A = vector.shape_cast %reduce_max3A_5 : vector<128xf32> to vector<128x1xf32>
    %swap3A = arith.constant 0 : index
    %swap3A_6 = arith.constant 0 : index
    %swap3A_7 = vector.load %arg2[%swap3A, %swap3A_6] : memref<128x1xf32, #tpu.memory_space<vmem>>, vector<128x1xf32>
    tpu.vector_store %arg2[%swap3A, %swap3A_6], %broadcast_in_dim3A {strides = array<i32>} : memref<128x1xf32, #tpu.memory_space<vmem>>, vector<128x1xf32>,
    %iota3A = tpu.iota {dimensions = array<i32: 1>} : vector<128x2048xi32>
    %eq3A = vector.broadcast %get3A_4 : vector<128x1xi32> to vector<128x2048xi32>
    %eq3A_8 = arith.cmpi eq, %iota3A, %eq3A : vector<128x2048xi32>
    %jit3A = arith.constant 0.000000e+00 : f32
    %broadcast_in_dim3A_9 = vector.broadcast %jit3A : f32 to vector<128x2048xf32>
    %select_n3A = arith.select %eq3A_8, %get3A_1, %broadcast_in_dim3A_9 : vector<128x2048xi1>, vector<128x2048xf32>
    %reduce_sum3A = arith.constant dense<0.000000e+00> : vector<128xf32>
    %reduce_sum3A_10 = vector.multi_reduction <add>, %select_n3A, %reduce_sum3A [1] : vector<128x2048xf32> to vector<128xf32>
    %broadcast_in_dim3A_11 = vector.shape_cast %reduce_sum3A_10 : vector<128xf32> to vector<128x1xf32>
    %swap3A_12 = arith.constant 0 : index
    %swap3A_13 = arith.constant 0 : index
    %swap3A_14 = vector.load %arg3[%swap3A_12, %swap3A_13] : memref<128x1xf32, #tpu.memory_space<vmem>>, vector<128x1xf32>
    tpu.vector_store %arg3[%swap3A_12, %swap3A_13], %broadcast_in_dim3A_11 {strides = array<i32>} : memref<128x1xf32, #tpu.memory_space<vmem>>, vector<128x1xf32>,
    %bitcast_convert_type3A = tpu.bitcast %get3A_1 : vector<128x2048xf32> -> vector<128x2048xi32>
    %ge3A = arith.constant -2147483648 : i32
    %ge3A_15 = vector.broadcast %ge3A : i32 to vector<128x2048xi32>
    %ge3A_16 = arith.cmpi uge, %bitcast_convert_type3A, %ge3A_15 : vector<128x2048xi32>
    %not3A = arith.constant dense<-1> : vector<128x2048xi32>
    %not3A_17 = arith.xori %bitcast_convert_type3A, %not3A : vector<128x2048xi32>
    %or3A = arith.constant -2147483648 : i32
    %or3A_18 = vector.broadcast %or3A : i32 to vector<128x2048xi32>
    %or3A_19 = arith.ori %bitcast_convert_type3A, %or3A_18 : vector<128x2048xi32>
    %select_n3A_20 = arith.select %ge3A_16, %not3A_17, %or3A_19 : vector<128x2048xi1>, vector<128x2048xi32>
    %bitcast_convert_type3A_21 = tpu.bitcast %select_n3A_20 : vector<128x2048xi32> -> vector<128x2048xi32>
    %jit3A_22 = arith.constant 0 : i32
    %broadcast_in_dim3A_23 = vector.broadcast %jit3A_22 : i32 to vector<128x2048xi32>
    %select_n3A_24 = arith.select %eq3A_8, %bitcast_convert_type3A_21, %broadcast_in_dim3A_23 : vector<128x2048xi1>, vector<128x2048xi32>
    %reduce_sum3A_25 = arith.constant dense<0> : vector<128xi32>
    %reduce_sum3A_26 = vector.multi_reduction <add>, %select_n3A_24, %reduce_sum3A_25 [1] : vector<128x2048xi32> to vector<128xi32>
    %broadcast_in_dim3A_27 = vector.shape_cast %reduce_sum3A_26 : vector<128xi32> to vector<128x1xi32>
    %swap3A_28 = arith.constant 0 : index
    %swap3A_29 = arith.constant 0 : index
    %swap3A_30 = vector.load %arg4[%swap3A_28, %swap3A_29] : memref<128x1xi32, #tpu.memory_space<vmem>>, vector<128x1xi32>
    tpu.vector_store %arg4[%swap3A_28, %swap3A_29], %broadcast_in_dim3A_27 {strides = array<i32>} : memref<128x1xi32, #tpu.memory_space<vmem>>, vector<128x1xi32>,
    return
  }
}

</mosaic_0001>

<sc_bundles>
// kernel: kernel.5.cloned.1.call-start
scs
__scs_entry_jumppad:
0x0: {  	(pc) =	sbr.rel $0x88, $3  }
0x1: {  	(tag) =	ssettag $0x0;
	lr =	simm.s32 $0x1  }
0x2: {  	[smem:$0x3F9F] =	sst lr;
	_ =	strace $0xD0000000  }
0x3: {  	_ = 	snop  }
0x4: {  	_ = 	snop  }
0x5: {  	_ = 	snop  }
0x6: {  	_ = 	snop  }
0x7: {  	_ = 	snop  }
__scs_overlays_trampoline_lowered:
0x8: {  	[smem:$0x3FAE] =	sst s0  }
0x9: {  	[smem:$0x3FAF] =	sst s1  }
0xa: {  	[smem:$0x3FB0] =	sst s2  }
0xb: {  	[smem:$0x3FB1] =	sst s3  }
0xc: {  	[smem:$0x3FB2] =	sst s4  }
0xd: {  	[smem:$0x3FB3] =	sst s5  }
0xe: {  	[smem:$0x3FB4] =	sst s6  }
0xf: {  	[smem:$0x3FB5] =	sst s7  }
0x10: {  	[smem:$0x3FB6] =	sst s8  }
0x11: {  	[smem:$0x3FB7] =	sst s9;
	s0 =	simm.s32 @!p0 $0x0  }
0x12: {  	s1 =	sld [smem:$0x3F9D];
	s0 =	simm.s32 @p0 $0x1  }
0x13: {  	[smem:$0x3FB8] =	sst s0;
	s0 =	simm.s32 @!p1 $0x0  }
0x14: {  	s2 =	sld [smem:$0x3F9C];
	s0 =	simm.s32 @p1 $0x1  }
0x15: {  	[smem:$0x3FB9] =	sst s0;
	s0 =	simm.s32 @!p2 $0x0  }
0x16: {  	s3 =	sld [smem:$0x3FDB];
	s0 =	simm.s32 @p2 $0x1  }
0x17: {  	s4 =	simm.s32 $0x1BF5;
	[smem:$0x3FBB] =	sst s0  }
0x18: {  	s0 =	sld [smem:$0x3F9E];
	_ =	swait.ge [sflag:s4], $0x0  }
0x19: {  	s7 =	sld [smem:$0x3F9F]  }
0x1a: {  	s8 =	sadd.s32 $0xFFFFE003, lr  }
0x1b: {  	s9 =	sadd.s32 $0xFFFFFEF7, lr;
	s5 =	simm.s32 $0xFFFFFFFF;
	p2 =	slt.u32 s8, $0xFFFFF086  }
0x1c: {  	p1 =	slt.u32 s9, $0xF7A;
	s5 =	simm.s32 @!p2 $0x0  }
0x1d: {  	s5 =	simm.s32 @p1 $0x1;
	p0 =	seq.s32 s7, s2  }
0x1e: {  	s7 =	smul.u32 @!p0 $0xF7A, s2;
	p2 =	seq.s32 @!p0 s5, $0x0  }
0x1f: {  	s9 =	smul.u32 $0xF7A, s1;
	s8 =	simm.s32 @!p0 $0x1BF5;
	p2 =	por !p2, p0  }
0x20: {  	[sflag:s8] =	ssyncset.s32 @!p0 $0xFFFFF086;
	s6 =	sadd.s32 @!p0 s3, s7;
	s7 =	simm.s32 @!p0 $0x108  }
0x21: {  	s3 =	sadd.s32 s3, s9;
	s6 =	sadd.s32 @!p0 $0x88, s6;
	s7 =	simm.s32 @p2 $0x1082  }
0x22: {  	[simem:s7], [sflag:s8] =	dma.local @!p0 [hbm:s6], $0xF7A  }
0x23: {  	s9 =	sor.u32 $0xD0000000, s2;
	s6 =	simm.s32 $0x108;
	_ =	swait.ge @!p0 [sflag:s8], $0x0  }
0x24: {  	s3 =	sadd.s32 $0x88, s3;
	s6 =	simm.s32 @!p1 $0x1082;
	[sflag:s4] =	ssyncset.s32 $0xFFFFF086  }
0x25: {  	[simem:s6], [sflag:s4] =	dma.local [hbm:s3], $0xF7A  }
0x26: {  	[smem:$0x3F9F] =	sst s1;
	(tag) =	ssettag s2;
	_ =	strace s9  }
0x27: {  	s1 =	sld [smem:$0x3FAF]  }
0x28: {  	s2 =	sld [smem:$0x3FB0]  }
0x29: {  	s4 =	sld [smem:$0x3FB2]  }
0x2a: {  	p0 =	seq.s32 s5, $0x0;
	s5 =	sld [smem:$0x3FB3]  }
0x2b: {  	s6 =	sld [smem:$0x3FB4]  }
0x2c: {  	s7 =	sld [smem:$0x3FB5]  }
0x2d: {  	s3 =	simm.s32 $0x108;
	s8 =	sld [smem:$0x3FB6]  }
0x2e: {  	s3 =	simm.s32 @!p0 $0x1082;
	s9 =	sld [smem:$0x3FB7]  }
0x2f: {  	lr =	sadd.s32 s0, s3;
	s0 =	sld [smem:$0x3FAE]  }
0x30: {  	s3 =	sld [smem:$0x3FB1]  }
0x31: {  	[smem:$0x3FBA] =	sst s10  }
0x32: {  	s10 =	sld [smem:$0x3FB8];
	_ =	sdelay $0x3  }
0x33: {  	p0 =	seq.s32 s10, $0x1;
	s10 =	sld [smem:$0x3FBA];
	_ =	sdelay $0x3  }
0x34: {  	[smem:$0x3FBA] =	sst s10  }
0x35: {  	s10 =	sld [smem:$0x3FB9];
	_ =	sdelay $0x3  }
0x36: {  	p1 =	seq.s32 s10, $0x1;
	s10 =	sld [smem:$0x3FBA];
	_ =	sdelay $0x3  }
0x37: {  	[smem:$0x3FBA] =	sst s10  }
0x38: {  	s10 =	sld [smem:$0x3FBB]  }
0x39: {  	_ = 	snop;
	(pc) =	sbr.ind lr, $3  }
0x3a: {  	_ = 	snop  }
0x3b: {  	_ = 	snop  }
0x3c: {  	p2 =	seq.s32 s10, $0x1;
	s10 =	sld [smem:$0x3FBA]  }
0x3d: {  	_ =	shalt  }
0x3e: {  	_ =	shalt  }
0x3f: {  	_ =	shalt  }
0x40: {  	_ =	shalt  }
0x41: {  	_ =	shalt  }
0x42: {  	_ =	shalt  }
0x43: {  	_ =	shalt  }
0x44: {  	_ =	shalt  }
0x45: {  	_ =	shalt  }
0x46: {  	_ =	shalt  }
0x47: {  	_ =	shalt  }
0x48: {  	_ =	shalt  }
0x49: {  	_ =	shalt  }
0x4a: {  	_ =	shalt  }
0x4b: {  	_ =	shalt  }
0x4c: {  	_ =	shalt  }
0x4d: {  	_ =	shalt  }
0x4e: {  	_ =	shalt  }
0x4f: {  	_ =	shalt  }
0x50: {  	_ =	shalt  }
0x51: {  	_ =	shalt  }
0x52: {  	_ =	shalt  }
0x53: {  	_ =	shalt  }
0x54: {  	_ =	shalt  }
0x55: {  	_ =	shalt  }
0x56: {  	_ =	shalt  }
0x57: {  	_ =	shalt  }
0x58: {  	_ =	shalt  }
0x59: {  	_ =	shalt  }
0x5a: {  	_ =	shalt  }
0x5b: {  	_ =	shalt  }
0x5c: {  	_ =	shalt  }
0x5d: {  	_ =	shalt  }
0x5e: {  	_ =	shalt  }
0x5f: {  	_ =	shalt  }
0x60: {  	_ =	shalt  }
0x61: {  	_ =	shalt  }
0x62: {  	_ =	shalt  }
0x63: {  	_ =	shalt  }
0x64: {  	_ =	shalt  }
0x65: {  	_ =	shalt  }
0x66: {  	_ =	shalt  }
0x67: {  	_ =	shalt  }
0x68: {  	_ =	shalt  }
0x69: {  	_ =	shalt  }
0x6a: {  	_ =	shalt  }
0x6b: {  	_ =	shalt  }
0x6c: {  	_ =	shalt  }
0x6d: {  	_ =	shalt  }
0x6e: {  	_ =	shalt  }
0x6f: {  	_ =	shalt  }
0x70: {  	_ =	shalt  }
0x71: {  	_ =	shalt  }
0x72: {  	_ =	shalt  }
0x73: {  	_ =	shalt  }
0x74: {  	_ =	shalt  }
0x75: {  	_ =	shalt  }
0x76: {  	_ =	shalt  }
0x77: {  	_ =	shalt  }
0x78: {  	_ =	shalt  }
0x79: {  	_ =	shalt  }
0x7a: {  	_ =	shalt  }
0x7b: {  	_ =	shalt  }
0x7c: {  	_ =	shalt  }
0x7d: {  	_ =	shalt  }
0x7e: {  	_ =	shalt  }
0x7f: {  	_ =	shalt  }
0x80: {  	_ =	shalt  }
0x81: {  	_ =	shalt  }
0x82: {  	_ =	shalt  }
0x83: {  	_ =	shalt  }
0x84: {  	_ =	shalt  }
0x85: {  	_ =	shalt  }
0x86: {  	_ =	shalt  }
0x87: {  	_ =	shalt  }
.Lfunc_end0:
.L_simem_size_0:
called_computation_lowered:
.L_overlay_start_0:
0x88: {  	s2 =	sld [smem:$0x3FD9]  }
0x89: {  	s3 =	sld [smem:$0x3FFE];
	_ =	sdelay $0x1  }
0x8a: {  	s1 =	srdreg.scid  }
0x8b: {  	s0 =	sand.u32 $0x1, s1  }
0x8c: {  	s17 =	sshll.u32 s0, $0xA;
	s2 =	sadd.s32 s3, s2  }
0x8d: {  	s2 =	sadd.s32 s2, s17  }
0x8e: {  	[smem:$0x3FC6] =	sst s2  }
0x8f: {  	_ = 	snop  }
0x90: {  	s2 =	sld [smem:$0x3FC9];
	(tm) =	ssettm $0x1  }
0x91: {  	s18 =	sld [smem:$0x3FFB];
	_ =	sdelay $0x3  }
0x92: {  	_ =	strace s18  }
0x93: {  	s3 =	sld [smem:$0x3FFC];
	_ =	sdelay $0x3  }
0x94: {  	_ =	strace s3  }
0x95: {  	s3 =	sld [smem:$0x3FFD];
	_ =	sdelay $0x3  }
0x96: {  	_ =	strace s3  }
0x97: {  	_ =	strace $0x8FFFFFFF  }
0x98: {  	s19 =	sld [smem:$0x3FDB];
	_ =	sdelay $0x1  }
0x99: {  	s4 =	simm.s32 $_scs_section_size  }
0x9a: {  	s5 =	simm.s32 $_size__tile_overlayer_lowered;
	s6 =	simm.s32 $_tile_overlayer_lowered  }
0x9b: {  	s22 =	simm.s32 $0x1BFF;
	s21 =	sshll.u32 s6, $0x1;
	s3 =	sadd.s32 s4, s19  }
0x9c: {  	s7 =	simm.s32 $0x0;
	s20 =	sshll.u32 s5, $0x1;
	s5 =	sadd.s32 s21, s3  }
0x9d: {  	[timem:s7], [sflag:s22] =	dma.local [hbm:s5], s20  }
0x9e: {  	_ =	swait.ge [sflag:s22], s20  }
0x9f: {  	s4 =	ssub.s32 $0x0, s20;
	[sflag:s22] =	ssyncset.done $0x0  }
0xa0: {  	[sflag:s22] =	ssyncadd.s32 s4;
	_ =	sdelay $0x1  }
0xa1: {  	s23 =	simm.s32 $0x1B8B  }
0xa2: {  	_ =	swait.ge [sflag:s23], $0x1  }
0xa3: {  	[sflag:s23] =	ssyncset.done $0x0  }
0xa4: {  	s25 =	simm.s32 $0x1B8E;
	s24 =	sld [smem:$0x3FFE];
	[sflag:s23] =	ssyncadd.s32 $0xFFFFFFFF  }
0xa5: {  	s26 =	simm.s32 $execute0_lowered;
	[smem:$0x3FD2] =	sst s25  }
0xa6: {  	s5 =	sshll.u32 s26, $0x1;
	_ =	strace $0x80000046;
	[dreg:$0x1] =	wrdreg $0xFFFFFFFF  }
0xa7: {  	s28 =	simm.s32 $_size_execute0_lowered;
	s3 =	sadd.s32 s3, s5;
	[dreg:$0x0] =	wrdreg $0x0  }
0xa8: {  	s5 =	sshll.u32 s28, $0x1;
	[dreg:$0x2] =	wrdreg s3  }
0xa9: {  	[dreg:$0x3] =	wrdreg s5  }
0xaa: {  	[dreg:$0x4] =	wrdreg $0xC0  }
0xab: {  	_ =	task [dreg:s7], $0x5FFFF  }
0xac: {  	[dreg:$0x1] =	wrdreg $0xFFFFFFFF  }
0xad: {  	[dreg:$0x0] =	wrdreg $0x60  }
0xae: {  	[dreg:$0x2] =	wrdreg s2  }
0xaf: {  	[dreg:$0x3] =	wrdreg s24  }
0xb0: {  	[dreg:$0x4] =	wrdreg $0x9  }
0xb1: {  	_ =	task.clear_ibuf [dreg:s7], $0x5FFFF;
	_ =	strace $0x90000046  }
0xb2: {  	s29 =	simm.s32 $0x9;
	_ =	strace $0x80000048  }
0xb3: {  	_ =	swait.ge [sflag:s29], $0x1  }
0xb4: {  	[sflag:s29] =	ssyncadd.s32 $0xFFFFFFFF  }
0xb5: {  	_ =	strace $0x90000048  }
0xb6: {  	_ =	sfence  }
0xb7: {  	s30 =	sld [smem:$0x0];
	_ =	sdelay $0x2  }
0xb8: {  	s31 =	sshll.u32 s1, $0xD;
	s1 =	sshrl.u32 s1, $0x2  }
0xb9: {  	s3 =	sand.u32 $0x4000, s31;
	s1 =	sadd.s32 s1, s30  }
0xba: {  	s0 =	sor.u32 s3, s0;
	s1 =	sshll.u32 s1, $0x11  }
0xbb: {  	s0 =	sor.u32 s1, s0  }
0xbc: {  	s0 =	sadd.s32 $0x8F2B, s0  }
0xbd: {  	[sflag:s0] =	ssyncadd.remote.s32 $0x1  }
0xbe: {  	_ =	sfence.sel $0xFFFF  }
0xbf: {  	[dreg:$0x0] =	wrdreg $0xFFFFFFFF;
	(pc) =	sbr.abs _section_cstart, $3  }
0xc0: {  	[dreg:$0x1] =	wrdreg $0xFFFFFFFF  }
0xc1: {  	_ =	task.clear_ibuf [dreg:s7], $0x2FFFF;
	_ =	strace $0x9FFFFFFF  }
0xc2: {  	(tm) =	ssettm $0x7FFFFFFF  }
0xc3: {  	_ =	shalt  }
tec
execute0_lowered:
.L_overlay_start_1:
0x0: {  	(tag) =	ssettag $0x1  }
0x1: {  	v0 =	vlaneseq.u32  }
0x2: {  	v1 =	vmul.u32 $0x10, v0  }
0x3: {  	s0 =	rddreg [dreg:$0x0];
	s1 =	simm.s32 $0x0;
	v4 =	vmul.u32 $0xFFFFFFFF, v0  }
0x4: {  	[smem:$0x7FF] =	sst s1;
	v5 =	vor.u32 $0xE, v1  }
0x5: {  	s3 =	rddreg [dreg:$0x1];
	_ =	strace $0x80000047;
	v19 =	vadd.s32 $0xF, v4;
	v4 =	vor.u32 $0x100, v1;
	[tilespmem:$0x1FDE0] =	vst v5  }
0x6: {  	v57 =	vor.u32 $0xA, v1;
	[tilespmem:$0x1FE00] =	vst v4  }
0x7: {  	v58 =	vor.u32 $0xB, v1;
	[tilespmem:$0x1FFC0] =	vst v57  }
0x8: {  	v59 =	vor.u32 $0xC, v1;
	[tilespmem:$0x1FFD0] =	vst v58  }
0x9: {  	v60 =	vor.u32 $0xD, v1;
	[tilespmem:$0x1FFE0] =	vst v59  }
0xa: {  	v5 =	vor.u32 $0xF, v1;
	[tilespmem:$0x1FFF0] =	vst v60  }
0xb: {  	v4 =	vor.u32 $0x101, v1;
	[tilespmem:$0x1FDF0] =	vst v5  }
0xc: {  	[tilespmem:$0x1FE10] =	vst v4;
	v4 =	vor.u32 $0x102, v1  }
0xd: {  	[tilespmem:$0x1FE20] =	vst v4;
	v4 =	vor.u32 $0x103, v1  }
0xe: {  	[tilespmem:$0x1FE30] =	vst v4;
	v4 =	vor.u32 $0x104, v1  }
0xf: {  	[tilespmem:$0x1FE40] =	vst v4;
	v4 =	vor.u32 $0x105, v1  }
0x10: {  	[tilespmem:$0x1FE50] =	vst v4;
	v4 =	vor.u32 $0x106, v1  }
0x11: {  	[tilespmem:$0x1FE60] =	vst v4;
	v4 =	vor.u32 $0x107, v1  }
0x12: {  	[tilespmem:$0x1FE70] =	vst v4;
	v4 =	vor.u32 $0x108, v1  }
0x13: {  	[tilespmem:$0x1FE80] =	vst v4;
	v4 =	vor.u32 $0x109, v1  }
0x14: {  	[tilespmem:$0x1FE90] =	vst v4;
	v4 =	vor.u32 $0x10A, v1  }
0x15: {  	s2 =	srdreg.scid;
	s22 =	stileid.u32;
	[tilespmem:$0x1FEA0] =	vst v4;
	v4 =	vor.u32 $0x10B, v1  }
0x16: {  	s15 =	simm.s32 $0x1000;
	s16 =	simm.s32 $0x1800;
	s17 =	simm.s32 $0x1;
	[tilespmem:$0x1FEB0] =	vst v4;
	v4 =	vor.u32 $0x10C, v1  }
0x17: {  	s18 =	simm.s32 $0x6000;
	s19 =	simm.s32 $0x4000;
	s20 =	simm.s32 $0x6400;
	[tilespmem:$0x1FEC0] =	vst v4;
	v4 =	vor.u32 $0x10D, v1  }
0x18: {  	s21 =	simm.s32 $0x6480;
	s4 =	sand.u32 $0x1, s2;
	s10 =	sadd.s32 $0xC00, s3;
	[tilespmem:$0x1FED0] =	vst v4;
	v4 =	vor.u32 $0x10E, v1  }
0x19: {  	s6 =	sshll.u32 s22, $0xE;
	s13 =	sshll.u32 s22, $0xA;
	s5 =	sshll.u32 s4, $0x9;
	[tilespmem:$0x1FEE0] =	vst v4;
	v4 =	vor.u32 $0x10F, v1  }
0x1a: {  	s22 =	simm.s32 $0x6500;
	s23 =	ssub.s32 $0x2, s4;
	s8 =	sor.u32 $0x80, s5;
	[tilespmem:$0x1FEF0] =	vst v4;
	v4 =	vor.u32 $0x100, v0  }
0x1b: {  	s24 =	sor.u32 s5, s6;
	s9 =	sshrl.u32 s23, $0x1;
	s25 =	sor.u32 $0x100, s5;
	[tilespmem:$0x1FF00] =	vst v4;
	v4 =	vor.u32 $0x200, v1  }
0x1c: {  	s12 =	sor.u32 $0x180, s5;
	s5 =	sor.u32 s5, s13;
	s7 =	sor.u32 s6, s8;
	[tilespmem:$0x1FF10] =	vst v4;
	v4 =	vor.u32 $0x201, v1  }
0x1d: {  	s4 =	sshrl.u32 s24, $0x3;
	s11 =	ssub.s32 s23, s9;
	s26 =	sor.u32 s6, s25;
	[tilespmem:$0x1FF20] =	vst v4;
	v4 =	vor.u32 $0x202, v1  }
0x1e: {  	s6 =	sor.u32 s6, s12;
	s14 =	sshrl.u32 s5, $0x3;
	s28 =	sor.u32 s13, s8;
	[tilespmem:$0x1FF30] =	vst v4;
	v4 =	vor.u32 $0x203, v1  }
0x1f: {  	s29 =	sor.u32 s13, s25;
	s30 =	sor.u32 s13, s12;
	s12 =	simm.s32 $0x80;
	[tilespmem:$0x1FF40] =	vst v4;
	v4 =	vor.u32 $0x204, v1  }
0x20: {  	s23 =	simm.s32 $0x6580;
	s24 =	simm.s32 $0x2;
	s25 =	simm.s32 $0x0;
	[tilespmem:$0x1FF50] =	vst v4;
	v4 =	vor.u32 $0x205, v1  }
0x21: {  	v2 =	vimm.f32 $0.0e+00;
	s7 =	sshrl.u32 s7, $0x3;
	s3 =	sadd.s32 s0, s4;
	s6 =	sshrl.u32 s6, $0x3;
	[tilespmem:$0x1FF60] =	vst v4;
	v4 =	vor.u32 $0x206, v1  }
.Ltmp0:
0x22: {  	v3 =	vimm.f32 $1.000000000e+00;
	v48 =	vimm.s32 $0x0;
	s31 =	sshrl.u32 s29, $0x3;
	s13 =	sshrl.u32 s30, $0x3;
	[tilespmem:$0x1FF70] =	vst v4;
	v4 =	vor.u32 $0x207, v1;
	(pc) =	sbr.rel .LBB2_1-.Ltmp0, $4  }
0x23: {  	v53 =	vor.u32 $0x1, v1;
	v54 =	vor.u32 $0x2, v1;
	s11 =	smax.u32 s11, $0x1;
	s4 =	sadd.s32 s0, s7;
	s7 =	sshrl.u32 s26, $0x3;
	[tilespmem:$0x1FF80] =	vst v4;
	v4 =	vor.u32 $0x208, v1  }
0x24: {  	v55 =	vor.u32 $0x3, v1;
	v56 =	vor.u32 $0x4, v1;
	s6 =	sadd.s32 s0, s6;
	s9 =	sadd.s32 s10, s31;
	s5 =	sadd.s32 s0, s7;
	[tilespmem:$0x1FF90] =	vst v4;
	v4 =	vor.u32 $0x209, v1  }
0x25: {  	v47 =	vor.u32 $0x5, v1;
	v49 =	vor.u32 $0x6, v1;
	s7 =	sadd.s32 s10, s14;
	s0 =	sshrl.u32 s28, $0x3;
	s14 =	simm.s32 $0x800;
	[tilespmem:$0x1FFA0] =	vst v4;
	v4 =	vor.u32 $0x20A, v1  }
0x26: {  	v50 =	vor.u32 $0x7, v1;
	v51 =	vor.u32 $0x8, v1;
	v52 =	vor.u32 $0x9, v1;
	s8 =	sadd.s32 s10, s0;
	s10 =	sadd.s32 s10, s13;
	s13 =	simm.s32 $0x400;
	[tilespmem:$0x1FFB0] =	vst v4  }
.LBB2_14:
0x27: {  	_ =	sdelay $0x3  }
0x28: {  	v16 =	vld.idx.msk [tilespmem:v1+s18+$0x0], $0xffff;
	_ =	sdelay $0x1  }
0x29: {  	v17 =	vld.idx.msk [tilespmem:v57+s18+$0x0], $0xffff;
	_ =	sdelay $0x1  }
0x2a: {  	v18 =	vld.idx.msk [tilespmem:v58+s18+$0x0], $0xffff  }
0x2b: {  	v16 =	vadd.f32 $0.0e+00, v16  }
0x2c: {  	v20 =	vld.idx.msk [tilespmem:v59+s18+$0x0], $0xffff  }
0x2d: {  	v16 =	vadd.f32 v17, v16  }
0x2e: {  	v17 =	vld.idx.msk [tilespmem:v60+s18+$0x0], $0xffff  }
0x2f: {  	v16 =	vadd.f32 v18, v16  }
0x30: {  	v18 =	vld.idx.msk [tilespmem:v61+s18+$0x0], $0xffff  }
0x31: {  	v53 =	vmov v57;
	v57 =	vld [tilespmem:$0x1FFC0];
	v16 =	vadd.f32 v20, v16  }
0x32: {  	v20 =	vld.idx.msk [tilespmem:v62+s18+$0x0], $0xffff  }
0x33: {  	v54 =	vmov v58;
	v58 =	vld [tilespmem:$0x1FFD0];
	v16 =	vadd.f32 v17, v16  }
0x34: {  	v17 =	vld.idx.msk [tilespmem:v63+s18+$0x0], $0xffff  }
0x35: {  	v16 =	vadd.f32 v18, v16  }
0x36: {  	v18 =	vld.idx.msk [tilespmem:v4+s18+$0x0], $0xffff  }
0x37: {  	v16 =	vadd.f32 v20, v16  }
0x38: {  	v20 =	vld.idx.msk [tilespmem:v5+s18+$0x0], $0xffff  }
0x39: {  	v51 =	vmov v4;
	v4 =	vld [tilespmem:$0x1FDE0];
	v16 =	vadd.f32 v17, v16  }
0x3a: {  	v17 =	vld.idx.msk [tilespmem:v57+s18+$0x0], $0xffff  }
0x3b: {  	v16 =	vadd.f32 v18, v16  }
0x3c: {  	v18 =	vld.idx.msk [tilespmem:v58+s18+$0x0], $0xffff  }
0x3d: {  	v55 =	vmov v59;
	v59 =	vld [tilespmem:$0x1FFE0];
	v16 =	vadd.f32 v20, v16;
	_ =	sdelay $0x1  }
0x3e: {  	v16 =	vadd.f32 v17, v16;
	_ =	sdelay $0x1  }
0x3f: {  	v16 =	vadd.f32 v18, v16;
	v18 =	vld.idx.msk [tilespmem:v4+s18+$0x0], $0xffff  }
0x40: {  	v4 =	vld [tilespmem:$0x1FDF0];
	_ =	sdelay $0x2  }
0x41: {  	v20 =	vld.idx.msk [tilespmem:v59+s18+$0x0], $0xffff;
	_ =	sdelay $0x4  }
0x42: {  	v16 =	vadd.f32 v20, v16;
	v20 =	vld.idx.msk [tilespmem:v4+s18+$0x0], $0xffff  }
0x43: {  	v4 =	vld [tilespmem:$0x1FE00];
	_ =	sdelay $0x1  }
0x44: {  	v56 =	vmov v60;
	v60 =	vld [tilespmem:$0x1FFF0];
	_ =	sdelay $0x5  }
0x45: {  	v28 =	vld.idx.msk [tilespmem:v4+s18+$0x0], $0xffff  }
0x46: {  	v4 =	vld [tilespmem:$0x1FE10]  }
0x47: {  	v17 =	vld.idx.msk [tilespmem:v60+s18+$0x0], $0xffff;
	_ =	sdelay $0x4  }
0x48: {  	v16 =	vadd.f32 v17, v16;
	_ =	sdelay $0x1  }
0x49: {  	v16 =	vadd.f32 v18, v16;
	v18 =	vld.idx.msk [tilespmem:v4+s18+$0x0], $0xffff  }
0x4a: {  	v4 =	vld [tilespmem:$0x1FE20];
	_ =	sdelay $0x7  }
0x4b: {  	v17 =	vadd.f32 v20, v16;
	v16 =	vld.idx.msk [tilespmem:v4+s18+$0x0], $0xffff  }
0x4c: {  	v4 =	vld [tilespmem:$0x1FE30];
	_ =	sdelay $0x7  }
0x4d: {  	v34 =	vld.idx.msk [tilespmem:v4+s18+$0x0], $0xffff  }
0x4e: {  	v4 =	vld [tilespmem:$0x1FE40];
	_ =	sdelay $0x5  }
0x4f: {  	v20 =	vadd.f32 $0.0e+00, v28;
	_ =	sdelay $0x1  }
0x50: {  	v18 =	vadd.f32 v18, v20;
	v20 =	vld.idx.msk [tilespmem:v4+s18+$0x0], $0xffff  }
0x51: {  	v4 =	vld [tilespmem:$0x1FE50];
	_ =	sdelay $0x7  }
0x52: {  	v16 =	vadd.f32 v16, v18;
	v18 =	vld.idx.msk [tilespmem:v4+s18+$0x0], $0xffff  }
0x53: {  	v4 =	vld [tilespmem:$0x1FE60];
	_ =	sdelay $0x7  }
0x54: {  	v41 =	vld.idx.msk [tilespmem:v4+s18+$0x0], $0xffff  }
0x55: {  	v4 =	vld [tilespmem:$0x1FE70];
	_ =	sdelay $0x5  }
0x56: {  	v16 =	vadd.f32 v34, v16;
	_ =	sdelay $0x1  }
0x57: {  	v16 =	vadd.f32 v20, v16;
	v20 =	vld.idx.msk [tilespmem:v4+s18+$0x0], $0xffff  }
0x58: {  	v4 =	vld [tilespmem:$0x1FE80];
	_ =	sdelay $0x7  }
0x59: {  	v42 =	vld.idx.msk [tilespmem:v4+s18+$0x0], $0xffff  }
0x5a: {  	v4 =	vld [tilespmem:$0x1FE90];
	_ =	sdelay $0x7  }
0x5b: {  	v43 =	vld.idx.msk [tilespmem:v4+s18+$0x0], $0xffff  }
0x5c: {  	v4 =	vld [tilespmem:$0x1FEA0];
	_ =	sdelay $0x3  }
0x5d: {  	v16 =	vadd.f32 v18, v16;
	_ =	sdelay $0x1  }
0x5e: {  	v16 =	vadd.f32 v41, v16;
	_ =	sdelay $0x1  }
0x5f: {  	v16 =	vadd.f32 v20, v16;
	v20 =	vld.idx.msk [tilespmem:v4+s18+$0x0], $0xffff  }
0x60: {  	v4 =	vld [tilespmem:$0x1FEB0];
	_ =	sdelay $0x7  }
0x61: {  	v35 =	vld.idx.msk [tilespmem:v4+s18+$0x0], $0xffff  }
0x62: {  	v4 =	vld [tilespmem:$0x1FEC0];
	_ =	sdelay $0x7  }
0x63: {  	v37 =	vld.idx.msk [tilespmem:v4+s18+$0x0], $0xffff  }
0x64: {  	v4 =	vld [tilespmem:$0x1FED0];
	_ =	sdelay $0x7  }
0x65: {  	v38 =	vld.idx.msk [tilespmem:v4+s18+$0x0], $0xffff  }
0x66: {  	v4 =	vld [tilespmem:$0x1FEE0];
	_ =	sdelay $0x7  }
0x67: {  	v45 =	vld.idx.msk [tilespmem:v4+s18+$0x0], $0xffff  }
0x68: {  	v4 =	vld [tilespmem:$0x1FEF0];
	_ =	sdelay $0x7  }
0x69: {  	v46 =	vld.idx.msk [tilespmem:v4+s18+$0x0], $0xffff  }
0x6a: {  	v4 =	vld [tilespmem:$0x1FF10];
	_ =	sdelay $0x7  }
0x6b: {  	v47 =	vmov v61;
	v61 =	vld.idx.msk [tilespmem:v4+s18+$0x0], $0xffff  }
0x6c: {  	v4 =	vld [tilespmem:$0x1FF20];
	_ =	sdelay $0x7  }
0x6d: {  	v49 =	vmov v62;
	v62 =	vld.idx.msk [tilespmem:v4+s18+$0x0], $0xffff  }
0x6e: {  	v4 =	vld [tilespmem:$0x1FF30];
	_ =	sdelay $0x7  }
0x6f: {  	v39 =	vld.idx.msk [tilespmem:v4+s18+$0x0], $0xffff  }
0x70: {  	v40 =	vperm.xlane v17, v19;
	v4 =	vld [tilespmem:$0x1FF40];
	_ =	sdelay $0x1  }
0x71: {  	(xrf2) =	vadd.scan.msk.f32 $0xffff, v40;
	_ =	sdelay $0x5  }
0x72: {  	v16 =	vadd.f32 v42, v16;
	v42 =	vld.idx.msk [tilespmem:v4+s18+$0x0], $0xffff  }
0x73: {  	v4 =	vld [tilespmem:$0x1FF50];
	_ =	sdelay $0x2  }
0x74: {  	v18, _, _ =	vpop (xrf2)  }
0x75: {  	v18 =	vperm.xlane v18, v19;
	_ =	sdelay $0x1  }
0x76: {  	vm0 =	vge.f32 v18, v31  }
0x77: {  	v34 =	vmpcnt.ones.xlane vm0  }
0x78: {  	v28 =	vadd.f32 v43, v16;
	v43 =	vld.idx.msk [tilespmem:v4+s18+$0x0], $0xffff  }
0x79: {  	v36 =	vadd.s32 $0xFFFFFFFF, v34;
	v4 =	vld [tilespmem:$0x1FF60]  }
0x7a: {  	v16 =	vshll.u32 v36, $0x4  }
0x7b: {  	v44 =	vor.u32 v0, v16;
	_ =	sdelay $0x4  }
0x7c: {  	v20 =	vadd.f32 v20, v28;
	v28 =	vld.idx.msk [tilespmem:v44+s18+$0x0], $0xffff  }
0x7d: {  	v44 =	vld.idx.msk [tilespmem:v4+s18+$0x0], $0xffff  }
0x7e: {  	v4 =	vld [tilespmem:$0x1FF70];
	_ =	sdelay $0x1  }
0x7f: {  	v20 =	vadd.f32 v35, v20;
	_ =	sdelay $0x1  }
0x80: {  	v20 =	vadd.f32 v37, v20;
	_ =	sdelay $0x1  }
0x81: {  	v20 =	vadd.f32 v38, v20;
	_ =	sdelay $0x1  }
0x82: {  	v20 =	vadd.f32 v45, v20;
	v45 =	vld.idx.msk [tilespmem:v4+s18+$0x0], $0xffff  }
0x83: {  	v4 =	vld [tilespmem:$0x1FF80];
	_ =	sdelay $0x7  }
0x84: {  	v20 =	vadd.f32 v46, v20;
	v46 =	vld.idx.msk [tilespmem:v4+s18+$0x0], $0xffff  }
0x85: {  	v4 =	vld [tilespmem:$0x1FF90];
	_ =	sdelay $0x7  }
0x86: {  	v40 =	vld.idx.msk [tilespmem:v4+s18+$0x0], $0xffff  }
0x87: {  	v4 =	vld [tilespmem:$0x1FFA0];
	_ =	sdelay $0x5  }
0x88: {  	v28 =	vperm.xlane v28, v19;
	v41 =	vadd.f32 $0.0e+00, v61;
	_ =	sdelay $0x1  }
0x89: {  	(xrf2) =	vadd.scan.msk.f32 $0xffff, v28;
	v28 =	vadd.f32 v62, v41;
	v62 =	vld.idx.msk [tilespmem:v4+s18+$0x0], $0xffff  }
0x8a: {  	v4 =	vld [tilespmem:$0x1FFB0];
	_ =	sdelay $0x2  }
0x8b: {  	v50 =	vmov v63;
	v63 =	vperm.xlane v20, v19;
	_ =	sdelay $0x1  }
0x8c: {  	(xrf2) =	vadd.scan.msk.f32 $0xffff, v63;
	_ =	sdelay $0x2  }
0x8d: {  	v41 =	vld.idx.msk [tilespmem:v4+s18+$0x0], $0xffff  }
0x8e: {  	v28 =	vadd.f32 v39, v28;
	v4 =	vld [tilespmem:$0x1FCD0];
	_ =	sdelay $0x1  }
0x8f: {  	v28 =	vadd.f32 v42, v28;
	_ =	sdelay $0x1  }
0x90: {  	v28 =	vadd.f32 v43, v28  }
0x91: {  	v39, _, _ =	vpop (xrf2)  }
0x92: {  	v61, _, _ =	vpop (xrf2);
	v28 =	vadd.f32 v44, v28  }
0x93: {  	v38 =	vperm.xlane v61, v19  }
0x94: {  	v28 =	vadd.f32 v45, v28;
	v42 =	vld.idx.msk [tilespmem:v4+s18+$0x0], $0xffff  }
0x95: {  	vm7 =	vge.f32 v38, v32;
	v4 =	vld [tilespmem:$0x1FF00]  }
0x96: {  	v37 =	vmpcnt.ones.xlane vm7;
	v28 =	vadd.f32 v46, v28;
	_ =	sdelay $0x1  }
0x97: {  	v28 =	vadd.f32 v40, v28;
	v40 =	vadd.s32 $0xFFFFFFFF, v37  }
0x98: {  	v43 =	vshll.u32 v40, $0x4  }
0x99: {  	v63 =	vadd.s32 v4, v43;
	v4 =	vld [tilespmem:$0x1FCE0];
	_ =	sdelay $0x7  }
0x9a: {  	v44 =	vld.idx.msk [tilespmem:v4+s18+$0x0], $0xffff  }
0x9b: {  	v4 =	vld [tilespmem:$0x1FCF0];
	_ =	sdelay $0x7  }
0x9c: {  	v61 =	vld.idx.msk [tilespmem:v4+s18+$0x0], $0xffff  }
0x9d: {  	v4 =	vld [tilespmem:$0x1FD00];
	_ =	sdelay $0x7  }
0x9e: {  	v28 =	vadd.f32 v62, v28;
	v62 =	vld.idx.msk [tilespmem:v4+s18+$0x0], $0xffff  }
0x9f: {  	v4 =	vld [tilespmem:$0x1FD10];
	_ =	sdelay $0x6  }
0xa0: {  	v35 =	vld.idx.msk [tilespmem:v63+s18+$0x0], $0xffff  }
0xa1: {  	v63 =	vld.idx.msk [tilespmem:v4+s18+$0x0], $0xffff  }
0xa2: {  	v4 =	vld [tilespmem:$0x1FD20];
	_ =	sdelay $0x1  }
0xa3: {  	v28 =	vadd.f32 v41, v28;
	_ =	sdelay $0x1  }
0xa4: {  	v28 =	vadd.f32 v42, v28;
	_ =	sdelay $0x1  }
0xa5: {  	v28 =	vadd.f32 v44, v28;
	_ =	sdelay $0x1  }
0xa6: {  	v28 =	vadd.f32 v61, v28;
	v61 =	vld.idx.msk [tilespmem:v4+s18+$0x0], $0xffff  }
0xa7: {  	v4 =	vld [tilespmem:$0x1FD30];
	_ =	sdelay $0x7  }
0xa8: {  	v28 =	vadd.f32 v62, v28;
	v62 =	vld.idx.msk [tilespmem:v4+s18+$0x0], $0xffff  }
0xa9: {  	v4 =	vld [tilespmem:$0x1FD40];
	_ =	sdelay $0x7  }
0xaa: {  	v28 =	vadd.f32 v63, v28;
	v63 =	vld.idx.msk [tilespmem:v4+s18+$0x0], $0xffff  }
0xab: {  	v4 =	vld [tilespmem:$0x1FD50];
	_ =	sdelay $0x7  }
0xac: {  	v46 =	vld.idx.msk [tilespmem:v4+s18+$0x0], $0xffff  }
0xad: {  	v4 =	vld [tilespmem:$0x1FD60];
	_ =	sdelay $0x5  }
0xae: {  	v41 =	vadd.f32 $0.0e+00, v61;
	_ =	sdelay $0x1  }
0xaf: {  	v61 =	vadd.f32 v62, v41;
	v62 =	vld.idx.msk [tilespmem:v4+s18+$0x0], $0xffff  }
0xb0: {  	v4 =	vld [tilespmem:$0x1FD70];
	_ =	sdelay $0x5  }
0xb1: {  	v35 =	vperm.xlane v35, v19;
	_ =	sdelay $0x1  }
0xb2: {  	(xrf2) =	vadd.scan.msk.f32 $0xffff, v35;
	v35 =	vadd.f32 v63, v61;
	v63 =	vld.idx.msk [tilespmem:v4+s18+$0x0], $0xffff  }
0xb3: {  	v4 =	vld [tilespmem:$0x1FD80];
	_ =	sdelay $0x5  }
0xb4: {  	v52 =	vmov v5;
	v5 =	vld [tilespmem:$0x1FDB0];
	_ =	sdelay $0x1  }
0xb5: {  	v35 =	vadd.f32 v46, v35;
	v61 =	vld.idx.msk [tilespmem:v4+s18+$0x0], $0xffff  }
0xb6: {  	v4 =	vld [tilespmem:$0x1FD90]  }
0xb7: {  	v35 =	vadd.f32 v62, v35;
	_ =	sdelay $0x1  }
0xb8: {  	v35 =	vadd.f32 v63, v35;
	_ =	sdelay $0x1  }
0xb9: {  	v35 =	vadd.f32 v61, v35;
	v61 =	vld.idx.msk [tilespmem:v5+s18+$0x0], $0xffff  }
0xba: {  	v5 =	vld [tilespmem:$0x1FDC0]  }
0xbb: {  	v45 =	vperm.xlane v28, v19  }
0xbc: {  	v62 =	vld.idx.msk [tilespmem:v4+s18+$0x0], $0xffff  }
0xbd: {  	(xrf2) =	vadd.scan.msk.f32 $0xffff, v45;
	v4 =	vld [tilespmem:$0x1FDA0];
	_ =	sdelay $0x4  }
0xbe: {  	v35 =	vadd.f32 v62, v35;
	v62 =	vld.idx.msk [tilespmem:v5+s18+$0x0], $0xffff  }
0xbf: {  	v5 =	vld [tilespmem:$0x1FDD0];
	_ =	sdelay $0x1  }
0xc0: {  	v4 =	vld.idx.msk [tilespmem:v4+s18+$0x0], $0xffff  }
0xc1: {  	v42, _, _ =	vpop (xrf2)  }
0xc2: {  	v63, _, _ =	vpop (xrf2)  }
0xc3: {  	v41 =	vperm.xlane v63, v19;
	_ =	sdelay $0x1  }
0xc4: {  	vm8 =	vge.f32 v41, v33;
	v4 =	vadd.f32 v4, v35  }
0xc5: {  	v35 =	vmpcnt.ones.xlane vm8;
	v5 =	vld.idx.msk [tilespmem:v5+s18+$0x0], $0xffff  }
0xc6: {  	v4 =	vadd.f32 v61, v4  }
0xc7: {  	v6 =	vld.idx.msk [tilespmem:v6+s18+$0x0], $0xffff;
	v45 =	vadd.s32 $0xFFFFFFFF, v35  }
0xc8: {  	v44 =	vshll.u32 v45, $0x4;
	v4 =	vadd.f32 v62, v4  }
0xc9: {  	v7 =	vld.idx.msk [tilespmem:v7+s18+$0x0], $0xffff;
	v10 =	vadd.s32 v10, v44  }
0xca: {  	v4 =	vadd.f32 v5, v4  }
0xcb: {  	v5 =	vld.idx.msk [tilespmem:v8+s18+$0x0], $0xffff  }
0xcc: {  	v4 =	vadd.f32 v6, v4  }
0xcd: {  	v63 =	vld.idx.msk [tilespmem:v9+s18+$0x0], $0xffff  }
0xce: {  	v46 =	vld.idx.msk [tilespmem:v10+s18+$0x0], $0xffff;
	v4 =	vadd.f32 v7, v4;
	_ =	sdelay $0x1  }
0xcf: {  	v4 =	vadd.f32 v5, v4;
	_ =	sdelay $0x1  }
0xd0: {  	v4 =	vadd.f32 v63, v4  }
0xd1: {  	v5 =	vperm.xlane v46, v19  }
0xd2: {  	v6 =	vperm.xlane v4, v19  }
0xd3: {  	(xrf2) =	vadd.scan.msk.f32 $0xffff, v5  }
0xd4: {  	(xrf2) =	vadd.scan.msk.f32 $0xffff, v6;
	_ =	sdelay $0x8  }
0xd5: {  	v5, _, _ =	vpop (xrf2)  }
0xd6: {  	v6, _, _ =	vpop (xrf2)  }
0xd7: {  	v6 =	vperm.xlane v6, v19;
	_ =	sdelay $0x1  }
0xd8: {  	vm9 =	vge.f32 v6, v27  }
0xd9: {  	v61 =	vmpcnt.ones.xlane vm9;
	_ =	sdelay $0x1  }
0xda: {  	v62 =	vadd.s32 $0xFFFFFFFF, v61  }
0xdb: {  	v9 =	vshll.u32 v62, $0x4  }
0xdc: {  	v63 =	vadd.s32 v11, v9;
	_ =	sdelay $0x4  }
0xdd: {  	v10 =	vld.idx.msk [tilespmem:v63+s18+$0x0], $0xffff;
	_ =	sdelay $0x4  }
0xde: {  	v10 =	vperm.xlane v10, v19  }
0xdf: {  	v34 =	vadd.s32 $0xF, v34;
	vm10 =	vlt.s32 v36, $0x0;
	v37 =	vadd.s32 $0xF, v37  }
0xe0: {  	vm11 =	vlt.s32 v40, $0x0;
	vm12 =	vlt.s32 v45, $0x0;
	v46 =	vperm.xlane v39, v19;
	(xrf2) =	vadd.scan.msk.f32 $0xffff, v10  }
0xe1: {  	v39 =	vshll.u32 v15, $0x18;
	v7 =	vadd.s32 $0xF, v61;
	vm13 =	vlt.s32 v62, $0x0  }
0xe2: {  	v5 =	vperm.xlane v5, v19;
	v11 =	vsel vm10, v34, v36;
	v7 =	vsel vm13, v7, v62  }
0xe3: {  	v36 =	vperm.xlane v17, v11;
	v11 =	vperm.xlane v18, v11;
	v17 =	vadd.s32 $0xF, v35  }
0xe4: {  	v4 =	vperm.xlane v4, v7;
	v6 =	vperm.xlane v6, v7;
	v35 =	vshll.u32 v13, $0x18  }
0xe5: {  	v17 =	vsel vm12, v17, v45;
	v10 =	vsub.f32 v11, v36;
	v11 =	vsel vm11, v37, v40  }
0xe6: {  	v45 =	vshll.u32 v22, $0x10;
	v18 =	vperm.xlane v20, v11;
	v11 =	vperm.xlane v38, v11  }
0xe7: {  	v4 =	vsub.f32 v6, v4;
	v20 =	vperm.xlane v28, v17;
	v17 =	vperm.xlane v41, v17  }
0xe8: {  	v36 =	vshll.u32 v24, $0x10;
	v11 =	vsub.f32 v11, v18;
	v18 =	vperm.xlane v42, v19  }
0xe9: {  	v37 =	vshll.u32 v30, $0x8;
	v40 =	vshll.u32 v23, $0x10;
	v17 =	vsub.f32 v17, v20  }
0xea: {  	v8 =	vor.u32 v39, v40;
	v61 =	vadd.f32 v46, v10;
	v62 =	vadd.f32 v18, v11;
	v63, _, _ =	vpop (xrf2)  }
0xeb: {  	v41 =	vshll.u32 v29, $0x8;
	v5 =	vadd.f32 v5, v17;
	v28 =	vperm.xlane v63, v19  }
0xec: {  	v46 =	vshll.u32 v26, $0x8;
	vm14 =	vge.f32 v61, v31;
	vm1 =	vge.f32 v62, v32  }
0xed: {  	vm2 =	vge.f32 v5, v33;
	v5 =	vmpcnt.ones.xlane vm14;
	v4 =	vadd.f32 v28, v4  }
0xee: {  	v42 =	vor.u32 v41, v8;
	v61 =	vshll.u32 v12, $0x18;
	v38 =	vmpcnt.ones.xlane vm1  }
0xef: {  	v5 =	vadd.s32 v5, v16;
	vm15 =	vge.f32 v4, v27;
	v4 =	vor.u32 v35, v36  }
0xf0: {  	v34 =	vmpcnt.ones.xlane vm2;
	v5 =	vadd.s32 $0xFFFFFFFF, v5;
	v4 =	vor.u32 v37, v4  }
0xf1: {  	v62 =	vshll.u32 v21, $0x10;
	v4 =	vor.u32 v5, v4;
	v5 =	vadd.s32 v38, v43  }
0xf2: {  	v6 =	vadd.s32 v34, v44;
	v44 =	vshll.u32 v14, $0x18;
	[tilespmem:$0x6400] =	vst v4;
	v5 =	vadd.s32 $0xFFFFFFFF, v5  }
0xf3: {  	v43 =	vmpcnt.ones.xlane vm15;
	v4 =	vor.u32 v44, v45;
	v5 =	vor.u32 v5, v42;
	[hbm4b:s7+s1] =	stream.linear.scatter [tilespmem:s20], [sflag:$0x2], $0x80, $0x38;
	[tilespmem:$0x6600] =	vst v63  }
0xf4: {  	v63 =	vshll.u32 v25, $0x8;
	v4 =	vor.u32 v46, v4;
	[tilespmem:$0x6480] =	vst v5;
	v5 =	vadd.s32 $0xFFFFFFFF, v6  }
0xf5: {  	v8 =	vadd.s32 v43, v9;
	v4 =	vor.u32 v5, v4;
	v5 =	vor.u32 v61, v62;
	[hbm4b:s8+s1] =	stream.linear.scatter [tilespmem:s21], [sflag:$0x2], $0x80, $0x38;
	[tilespmem:$0x6600] =	vst v63  }
0xf6: {  	[tilespmem:$0x6500] =	vst v4;
	v4 =	vor.u32 v63, v5;
	v5 =	vadd.s32 $0xFFFFFFFF, v8  }
0xf7: {  	v4 =	vor.u32 v5, v4;
	[hbm4b:s9+s1] =	stream.linear.scatter [tilespmem:s22], [sflag:$0x2], $0x80, $0x38;
	[tilespmem:$0x6600] =	vst v63  }
0xf8: {  	[tilespmem:$0x6580] =	vst v4  }
0xf9: {  	[hbm4b:s10+s1] =	stream.linear.scatter [tilespmem:s23], [sflag:$0x2], $0x80, $0x38;
	[tilespmem:$0x6600] =	vst v63  }
0xfa: {  	_ =	swait.ge [sflag:s24], $0x80  }
0xfb: {  	[sflag:s24] =	ssyncset.done $0x0  }
0xfc: {  	[sflag:s24] =	ssyncadd.s32 $0xFFFFFF80  }
0xfd: {  	_ =	swait.ge [sflag:s24], $0x80  }
0xfe: {  	[sflag:s24] =	ssyncset.done $0x0  }
0xff: {  	s25 =	sadd.s32 $0x1, s25;
	[sflag:s24] =	ssyncadd.s32 $0xFFFFFF80  }
0x100: {  	p0 =	sne.s32 s25, s11;
	_ =	swait.ge [sflag:s24], $0x80  }
.Ltmp1:
0x101: {  	[sflag:s24] =	ssyncset.done $0x0;
	(pc) =	sbr.rel @!p0 .LBB2_15-.Ltmp1, $4  }
0x102: {  	[sflag:s24] =	ssyncadd.s32 $0xFFFFFF80  }
0x103: {  	_ =	swait.ge [sflag:s24], $0x80  }
0x104: {  	[sflag:s24] =	ssyncset.done $0x0  }
0x105: {  	[sflag:s24] =	ssyncadd.s32 $0xFFFFFF80  }
.LBB2_1:
0x106: {  	[tilespmem:s1], [sflag:$0x1] =	stream.strided.gather [hbm4b:s3+s12], $0x800, s13, s12, $0x38;
	[tilespmem:$0x6600] =	vst v63  }
0x107: {  	_ = 	snop  }
0x108: {  	[tilespmem:s14], [sflag:$0x1] =	stream.strided.gather [hbm4b:s4+s12], $0x800, s13, s12, $0x38;
	[tilespmem:$0x6600] =	vst v63  }
0x109: {  	_ = 	snop  }
0x10a: {  	[tilespmem:s15], [sflag:$0x1] =	stream.strided.gather [hbm4b:s5+s12], $0x800, s13, s12, $0x38;
	[tilespmem:$0x6600] =	vst v63  }
0x10b: {  	_ = 	snop  }
0x10c: {  	[tilespmem:s16], [sflag:$0x1] =	stream.strided.gather [hbm4b:s6+s12], $0x800, s13, s12, $0x38;
	[tilespmem:$0x6600] =	vst v63  }
0x10d: {  	_ =	swait.ge [sflag:s17], $0x800  }
0x10e: {  	[sflag:s17] =	ssyncset.done $0x0  }
0x10f: {  	[sflag:s17] =	ssyncadd.s32 $0xFFFFF800  }
0x110: {  	_ =	swait.ge [sflag:s17], $0x800  }
0x111: {  	[sflag:s17] =	ssyncset.done $0x0  }
0x112: {  	[sflag:s17] =	ssyncadd.s32 $0xFFFFF800  }
0x113: {  	_ =	swait.ge [sflag:s17], $0x800  }
0x114: {  	[sflag:s17] =	ssyncset.done $0x0  }
0x115: {  	[sflag:s17] =	ssyncadd.s32 $0xFFFFF800  }
0x116: {  	_ =	swait.ge [sflag:s17], $0x800  }
0x117: {  	[sflag:s17] =	ssyncset.done $0x0  }
0x118: {  	[sflag:s17] =	ssyncadd.s32 $0xFFFFF800  }
0x119: {  	[tilespmem:$0x6000] =	vst v2  }
0x11a: {  	[tilespmem:$0x6010] =	vst v2  }
0x11b: {  	[tilespmem:$0x6020] =	vst v2  }
0x11c: {  	[tilespmem:$0x6030] =	vst v2  }
0x11d: {  	[tilespmem:$0x6040] =	vst v2  }
0x11e: {  	[tilespmem:$0x6050] =	vst v2  }
0x11f: {  	[tilespmem:$0x6060] =	vst v2  }
0x120: {  	[tilespmem:$0x6070] =	vst v2  }
0x121: {  	[tilespmem:$0x6080] =	vst v2  }
0x122: {  	[tilespmem:$0x6090] =	vst v2  }
0x123: {  	[tilespmem:$0x60A0] =	vst v2  }
0x124: {  	[tilespmem:$0x60B0] =	vst v2  }
0x125: {  	[tilespmem:$0x60C0] =	vst v2  }
0x126: {  	[tilespmem:$0x60D0] =	vst v2  }
0x127: {  	[tilespmem:$0x60E0] =	vst v2  }
0x128: {  	[tilespmem:$0x60F0] =	vst v2  }
0x129: {  	[tilespmem:$0x6100] =	vst v2  }
0x12a: {  	[tilespmem:$0x6110] =	vst v2  }
0x12b: {  	[tilespmem:$0x6120] =	vst v2  }
0x12c: {  	[tilespmem:$0x6130] =	vst v2  }
0x12d: {  	[tilespmem:$0x6140] =	vst v2  }
0x12e: {  	[tilespmem:$0x6150] =	vst v2  }
0x12f: {  	[tilespmem:$0x6160] =	vst v2  }
0x130: {  	[tilespmem:$0x6170] =	vst v2  }
0x131: {  	[tilespmem:$0x6180] =	vst v2  }
0x132: {  	[tilespmem:$0x6190] =	vst v2  }
0x133: {  	[tilespmem:$0x61A0] =	vst v2  }
0x134: {  	[tilespmem:$0x61B0] =	vst v2  }
0x135: {  	[tilespmem:$0x61C0] =	vst v2  }
0x136: {  	[tilespmem:$0x61D0] =	vst v2  }
0x137: {  	[tilespmem:$0x61E0] =	vst v2  }
0x138: {  	[tilespmem:$0x61F0] =	vst v2  }
0x139: {  	[tilespmem:$0x6200] =	vst v2  }
0x13a: {  	[tilespmem:$0x6210] =	vst v2  }
0x13b: {  	[tilespmem:$0x6220] =	vst v2  }
0x13c: {  	[tilespmem:$0x6230] =	vst v2  }
0x13d: {  	[tilespmem:$0x6240] =	vst v2  }
0x13e: {  	[tilespmem:$0x6250] =	vst v2  }
0x13f: {  	[tilespmem:$0x6260] =	vst v2  }
0x140: {  	[tilespmem:$0x6270] =	vst v2  }
0x141: {  	[tilespmem:$0x6280] =	vst v2  }
0x142: {  	[tilespmem:$0x6290] =	vst v2  }
0x143: {  	[tilespmem:$0x62A0] =	vst v2  }
0x144: {  	[tilespmem:$0x62B0] =	vst v2  }
0x145: {  	[tilespmem:$0x62C0] =	vst v2  }
0x146: {  	[tilespmem:$0x62D0] =	vst v2  }
0x147: {  	[tilespmem:$0x62E0] =	vst v2  }
0x148: {  	[tilespmem:$0x62F0] =	vst v2  }
0x149: {  	[tilespmem:$0x6300] =	vst v2  }
0x14a: {  	[tilespmem:$0x6310] =	vst v2  }
0x14b: {  	[tilespmem:$0x6320] =	vst v2  }
0x14c: {  	[tilespmem:$0x6330] =	vst v2  }
0x14d: {  	[tilespmem:$0x6340] =	vst v2  }
0x14e: {  	[tilespmem:$0x6350] =	vst v2  }
0x14f: {  	[tilespmem:$0x6360] =	vst v2  }
0x150: {  	[tilespmem:$0x6370] =	vst v2  }
0x151: {  	[tilespmem:$0x6380] =	vst v2  }
0x152: {  	[tilespmem:$0x6390] =	vst v2  }
0x153: {  	[tilespmem:$0x63A0] =	vst v2  }
0x154: {  	[tilespmem:$0x63B0] =	vst v2  }
0x155: {  	[tilespmem:$0x63C0] =	vst v2  }
0x156: {  	[tilespmem:$0x63D0] =	vst v2  }
0x157: {  	s26 =	simm.s32 $0x1810;
	s28 =	simm.s32 $0x1010;
	s29 =	simm.s32 $0x810;
	[tilespmem:$0x63E0] =	vst v2  }
0x158: {  	s30 =	simm.s32 $0x2000;
	s31 =	simm.s32 $0x10;
	s0 =	simm.s32 $0x0;
	[tilespmem:$0x63F0] =	vst v2  }
.LBB2_2:
0x159: {  	v4 =	vld [tilespmem:s31+$0xFFFFFFF0];
	_ =	sdelay $0x4  }
0x15a: {  	v5 =	vshra.s32 v4, $0x1F  }
0x15b: {  	v5 =	vor.u32 $0x80000000, v5  }
0x15c: {  	v4 =	vxor.u32 v4, v5  }
0x15d: {  	v5 =	vshrl.u32 v4, $0x18;
	_ =	sdelay $0x3  }
0x15e: {  	[tilespmem:s30+$0x0] =	vst v4  }
0x15f: {  	[tilespmem:v5+s18+$0x0] =	vst.idx.add.f32.msk $0xffff, v3  }
0x160: {  	v4 =	vld [tilespmem:s29+$0xFFFFFFF0];
	_ =	sdelay $0x4  }
0x161: {  	v5 =	vshra.s32 v4, $0x1F  }
0x162: {  	v5 =	vor.u32 $0x80000000, v5  }
0x163: {  	v4 =	vxor.u32 v4, v5  }
0x164: {  	v5 =	vshrl.u32 v4, $0x18  }
0x165: {  	v5 =	vor.u32 $0x100, v5;
	_ =	sdelay $0x2  }
0x166: {  	s2 =	sand.u32 $0x7E0, s0  }
0x167: {  	[tilespmem:s2+$0x2800] =	vst v4  }
0x168: {  	[tilespmem:v5+s18+$0x0] =	vst.idx.add.f32.msk $0xffff, v3  }
0x169: {  	v4 =	vld [tilespmem:s28+$0xFFFFFFF0];
	_ =	sdelay $0x4  }
0x16a: {  	v5 =	vshra.s32 v4, $0x1F  }
0x16b: {  	v5 =	vor.u32 $0x80000000, v5  }
0x16c: {  	v4 =	vxor.u32 v4, v5  }
0x16d: {  	v5 =	vshrl.u32 v4, $0x18  }
0x16e: {  	v5 =	vor.u32 $0x200, v5;
	_ =	sdelay $0x3  }
0x16f: {  	[tilespmem:s2+$0x3000] =	vst v4  }
0x170: {  	[tilespmem:v5+s18+$0x0] =	vst.idx.add.f32.msk $0xffff, v3  }
0x171: {  	v4 =	vld [tilespmem:s26+$0xFFFFFFF0];
	_ =	sdelay $0x4  }
0x172: {  	v5 =	vshra.s32 v4, $0x1F  }
0x173: {  	v5 =	vor.u32 $0x80000000, v5  }
0x174: {  	v4 =	vxor.u32 v4, v5  }
0x175: {  	v5 =	vshrl.u32 v4, $0x18  }
0x176: {  	v5 =	vor.u32 $0x300, v5;
	_ =	sdelay $0x3  }
0x177: {  	[tilespmem:s2+$0x3800] =	vst v4  }
0x178: {  	[tilespmem:v5+s18+$0x0] =	vst.idx.add.f32.msk $0xffff, v3  }
0x179: {  	v4 =	vld [tilespmem:s31+$0x0];
	_ =	sdelay $0x4  }
0x17a: {  	v5 =	vshra.s32 v4, $0x1F  }
0x17b: {  	v5 =	vor.u32 $0x80000000, v5  }
0x17c: {  	v4 =	vxor.u32 v4, v5  }
0x17d: {  	v5 =	vshrl.u32 v4, $0x18;
	_ =	sdelay $0x3  }
0x17e: {  	[tilespmem:s30+$0x10] =	vst v4  }
0x17f: {  	[tilespmem:v5+s18+$0x0] =	vst.idx.add.f32.msk $0xffff, v3  }
0x180: {  	v4 =	vld [tilespmem:s29+$0x0];
	_ =	sdelay $0x4  }
0x181: {  	v5 =	vshra.s32 v4, $0x1F  }
0x182: {  	v5 =	vor.u32 $0x80000000, v5  }
0x183: {  	v4 =	vxor.u32 v4, v5  }
0x184: {  	v5 =	vshrl.u32 v4, $0x18  }
0x185: {  	v5 =	vor.u32 $0x100, v5;
	_ =	sdelay $0x3  }
0x186: {  	[tilespmem:s30+$0x810] =	vst v4  }
0x187: {  	[tilespmem:v5+s18+$0x0] =	vst.idx.add.f32.msk $0xffff, v3  }
0x188: {  	v4 =	vld [tilespmem:s28+$0x0];
	_ =	sdelay $0x4  }
0x189: {  	v5 =	vshra.s32 v4, $0x1F  }
0x18a: {  	v5 =	vor.u32 $0x80000000, v5  }
0x18b: {  	v4 =	vxor.u32 v4, v5  }
0x18c: {  	v5 =	vshrl.u32 v4, $0x18  }
0x18d: {  	v5 =	vor.u32 $0x200, v5;
	_ =	sdelay $0x3  }
0x18e: {  	[tilespmem:s30+$0x1010] =	vst v4  }
0x18f: {  	[tilespmem:v5+s18+$0x0] =	vst.idx.add.f32.msk $0xffff, v3  }
0x190: {  	v4 =	vld [tilespmem:s26+$0x0];
	_ =	sdelay $0x4  }
0x191: {  	v5 =	vshra.s32 v4, $0x1F  }
0x192: {  	v5 =	vor.u32 $0x80000000, v5  }
0x193: {  	v4 =	vxor.u32 v4, v5  }
0x194: {  	v5 =	vshrl.u32 v4, $0x18  }
0x195: {  	p0 =	sne.s32 s0, $0x7E0;
	v5 =	vor.u32 $0x300, v5  }
.Ltmp2:
0x196: {  	_ = 	snop;
	(pc) =	sbr.rel @p0 .LBB2_2-.Ltmp2, $3  }
0x197: {  	_ =	sdelay $0x1  }
0x198: {  	s0 =	sadd.s32 $0x20, s0;
	s31 =	sadd.s32 $0x20, s31;
	s29 =	sadd.s32 $0x20, s29;
	[tilespmem:s30+$0x1810] =	vst v4  }
0x199: {  	s28 =	sadd.s32 $0x20, s28;
	s26 =	sadd.s32 $0x20, s26;
	s30 =	sadd.s32 $0x20, s30;
	[tilespmem:v5+s18+$0x0] =	vst.idx.add.f32.msk $0xffff, v3  }
0x19a: {  	_ =	sdelay $0x3  }
0x19b: {  	v4 =	vld.idx.msk [tilespmem:v1+s18+$0x0], $0xffff;
	_ =	sdelay $0x1  }
0x19c: {  	v5 =	vld.idx.msk [tilespmem:v53+s18+$0x0], $0xffff;
	_ =	sdelay $0x1  }
0x19d: {  	v6 =	vld.idx.msk [tilespmem:v54+s18+$0x0], $0xffff  }
0x19e: {  	v4 =	vadd.f32 $0.0e+00, v4  }
0x19f: {  	v7 =	vld.idx.msk [tilespmem:v55+s18+$0x0], $0xffff  }
0x1a0: {  	v4 =	vadd.f32 v5, v4  }
0x1a1: {  	v5 =	vld.idx.msk [tilespmem:v56+s18+$0x0], $0xffff  }
0x1a2: {  	v4 =	vadd.f32 v6, v4  }
0x1a3: {  	v6 =	vld.idx.msk [tilespmem:v47+s18+$0x0], $0xffff  }
0x1a4: {  	v4 =	vadd.f32 v7, v4  }
0x1a5: {  	v7 =	vld.idx.msk [tilespmem:v49+s18+$0x0], $0xffff  }
0x1a6: {  	v4 =	vadd.f32 v5, v4  }
0x1a7: {  	v5 =	vld.idx.msk [tilespmem:v50+s18+$0x0], $0xffff  }
0x1a8: {  	v4 =	vadd.f32 v6, v4  }
0x1a9: {  	v6 =	vld.idx.msk [tilespmem:v51+s18+$0x0], $0xffff  }
0x1aa: {  	v4 =	vadd.f32 v7, v4  }
0x1ab: {  	v7 =	vld.idx.msk [tilespmem:v52+s18+$0x0], $0xffff  }
0x1ac: {  	v4 =	vadd.f32 v5, v4  }
0x1ad: {  	v5 =	vld.idx.msk [tilespmem:v57+s18+$0x0], $0xffff  }
0x1ae: {  	v4 =	vadd.f32 v6, v4  }
0x1af: {  	v6 =	vld.idx.msk [tilespmem:v58+s18+$0x0], $0xffff  }
0x1b0: {  	v4 =	vadd.f32 v7, v4  }
0x1b1: {  	v7 =	vld.idx.msk [tilespmem:v59+s18+$0x0], $0xffff  }
0x1b2: {  	v4 =	vadd.f32 v5, v4;
	_ =	sdelay $0x1  }
0x1b3: {  	v4 =	vadd.f32 v6, v4;
	v6 =	vld [tilespmem:$0x1FDE0];
	_ =	sdelay $0x1  }
0x1b4: {  	v4 =	vadd.f32 v7, v4;
	v7 =	vld [tilespmem:$0x1FDF0];
	_ =	sdelay $0x3  }
0x1b5: {  	v5 =	vld.idx.msk [tilespmem:v60+s18+$0x0], $0xffff;
	_ =	sdelay $0x1  }
0x1b6: {  	v6 =	vld.idx.msk [tilespmem:v6+s18+$0x0], $0xffff;
	_ =	sdelay $0x1  }
0x1b7: {  	v7 =	vld.idx.msk [tilespmem:v7+s18+$0x0], $0xffff  }
0x1b8: {  	v4 =	vadd.f32 v5, v4;
	_ =	sdelay $0x1  }
0x1b9: {  	v5 =	vld [tilespmem:$0x1FE00];
	v4 =	vadd.f32 v6, v4;
	_ =	sdelay $0x1  }
0x1ba: {  	v14 =	vadd.f32 v7, v4;
	v4 =	vld [tilespmem:$0x1FE10];
	_ =	sdelay $0x5  }
0x1bb: {  	v5 =	vld.idx.msk [tilespmem:v5+s18+$0x0], $0xffff;
	_ =	sdelay $0x1  }
0x1bc: {  	v4 =	vld.idx.msk [tilespmem:v4+s18+$0x0], $0xffff  }
0x1bd: {  	v7 =	vld [tilespmem:$0x1FE20];
	v6 =	vperm.xlane v14, v19;
	_ =	sdelay $0x1  }
0x1be: {  	v5 =	vadd.f32 $0.0e+00, v5;
	(xrf2) =	vadd.scan.msk.f32 $0xffff, v6;
	v6 =	vld [tilespmem:$0x1FE30];
	_ =	sdelay $0x1  }
0x1bf: {  	v4 =	vadd.f32 v4, v5;
	v5 =	vld [tilespmem:$0x1FE40];
	_ =	sdelay $0x3  }
0x1c0: {  	v7 =	vld.idx.msk [tilespmem:v7+s18+$0x0], $0xffff;
	_ =	sdelay $0x1  }
0x1c1: {  	v6 =	vld.idx.msk [tilespmem:v6+s18+$0x0], $0xffff;
	_ =	sdelay $0x1  }
0x1c2: {  	v5 =	vld.idx.msk [tilespmem:v5+s18+$0x0], $0xffff  }
0x1c3: {  	v4 =	vadd.f32 v7, v4;
	v7 =	vld [tilespmem:$0x1FE50];
	_ =	sdelay $0x1  }
0x1c4: {  	v4 =	vadd.f32 v6, v4;
	v6 =	vld [tilespmem:$0x1FE60];
	_ =	sdelay $0x1  }
0x1c5: {  	v4 =	vadd.f32 v5, v4;
	v5 =	vld [tilespmem:$0x1FE70];
	_ =	sdelay $0x3  }
0x1c6: {  	v7 =	vld.idx.msk [tilespmem:v7+s18+$0x0], $0xffff;
	_ =	sdelay $0x1  }
0x1c7: {  	v6 =	vld.idx.msk [tilespmem:v6+s18+$0x0], $0xffff;
	_ =	sdelay $0x1  }
0x1c8: {  	v5 =	vld.idx.msk [tilespmem:v5+s18+$0x0], $0xffff  }
0x1c9: {  	v8 =	vld [tilespmem:$0x1FE80];
	v4 =	vadd.f32 v7, v4;
	_ =	sdelay $0x1  }
0x1ca: {  	v4 =	vadd.f32 v6, v4;
	v6 =	vld [tilespmem:$0x1FE90];
	_ =	sdelay $0x1  }
0x1cb: {  	v4 =	vadd.f32 v5, v4;
	v5 =	vld [tilespmem:$0x1FEA0]  }
0x1cc: {  	v7, _, _ =	vpop (xrf2)  }
0x1cd: {  	v15 =	vperm.xlane v7, v19;
	v7 =	vld [tilespmem:$0x1FEB0];
	_ =	sdelay $0x1  }
0x1ce: {  	v8 =	vld.idx.msk [tilespmem:v8+s18+$0x0], $0xffff;
	_ =	sdelay $0x1  }
0x1cf: {  	vm0 =	vge.f32 v15, $2.560000000e+02;
	v6 =	vld.idx.msk [tilespmem:v6+s18+$0x0], $0xffff  }
0x1d0: {  	v17 =	vmpcnt.ones.xlane vm0  }
0x1d1: {  	v5 =	vld.idx.msk [tilespmem:v5+s18+$0x0], $0xffff  }
0x1d2: {  	v18 =	vadd.s32 $0xFFFFFFFF, v17;
	v4 =	vadd.f32 v8, v4  }
0x1d3: {  	v12 =	vshll.u32 v18, $0x4;
	v7 =	vld.idx.msk [tilespmem:v7+s18+$0x0], $0xffff  }
0x1d4: {  	v8 =	vld [tilespmem:$0x1FEC0];
	v4 =	vadd.f32 v6, v4;
	v6 =	vor.u32 v0, v12;
	_ =	sdelay $0x1  }
0x1d5: {  	v4 =	vadd.f32 v5, v4;
	v5 =	vld [tilespmem:$0x1FED0];
	_ =	sdelay $0x1  }
0x1d6: {  	v4 =	vadd.f32 v7, v4;
	v7 =	vld [tilespmem:$0x1FEE0]  }
0x1d7: {  	v13 =	vld.idx.msk [tilespmem:v6+s18+$0x0], $0xffff  }
0x1d8: {  	v6 =	vld [tilespmem:$0x1FEF0];
	_ =	sdelay $0x1  }
0x1d9: {  	v8 =	vld.idx.msk [tilespmem:v8+s18+$0x0], $0xffff;
	_ =	sdelay $0x1  }
0x1da: {  	v5 =	vld.idx.msk [tilespmem:v5+s18+$0x0], $0xffff;
	_ =	sdelay $0x1  }
0x1db: {  	v7 =	vld.idx.msk [tilespmem:v7+s18+$0x0], $0xffff  }
0x1dc: {  	v4 =	vadd.f32 v8, v4  }
0x1dd: {  	v6 =	vld.idx.msk [tilespmem:v6+s18+$0x0], $0xffff  }
0x1de: {  	v4 =	vadd.f32 v5, v4;
	v5 =	vld [tilespmem:$0x1FF10];
	_ =	sdelay $0x1  }
0x1df: {  	v4 =	vadd.f32 v7, v4;
	v7 =	vld [tilespmem:$0x1FF20];
	_ =	sdelay $0x1  }
0x1e0: {  	v20 =	vadd.f32 v6, v4;
	v4 =	vld [tilespmem:$0x1FF30]  }
0x1e1: {  	v6 =	vperm.xlane v13, v19  }
0x1e2: {  	v9 =	vld [tilespmem:$0x1FF40]  }
0x1e3: {  	(xrf2) =	vadd.scan.msk.f32 $0xffff, v6;
	v6 =	vld [tilespmem:$0x1FF50]  }
0x1e4: {  	v5 =	vld.idx.msk [tilespmem:v5+s18+$0x0], $0xffff;
	_ =	sdelay $0x1  }
0x1e5: {  	v7 =	vld.idx.msk [tilespmem:v7+s18+$0x0], $0xffff;
	_ =	sdelay $0x1  }
0x1e6: {  	v4 =	vld.idx.msk [tilespmem:v4+s18+$0x0], $0xffff  }
0x1e7: {  	v5 =	vadd.f32 $0.0e+00, v5  }
0x1e8: {  	v9 =	vld.idx.msk [tilespmem:v9+s18+$0x0], $0xffff  }
0x1e9: {  	v5 =	vadd.f32 v7, v5  }
0x1ea: {  	v6 =	vld.idx.msk [tilespmem:v6+s18+$0x0], $0xffff  }
0x1eb: {  	v4 =	vadd.f32 v4, v5;
	v5 =	vld [tilespmem:$0x1FF60];
	_ =	sdelay $0x1  }
0x1ec: {  	v7 =	vld [tilespmem:$0x1FF70];
	v4 =	vadd.f32 v9, v4;
	_ =	sdelay $0x1  }
0x1ed: {  	v4 =	vadd.f32 v6, v4;
	v6 =	vld [tilespmem:$0x1FF80];
	_ =	sdelay $0x3  }
0x1ee: {  	v5 =	vld.idx.msk [tilespmem:v5+s18+$0x0], $0xffff;
	_ =	sdelay $0x1  }
0x1ef: {  	v7 =	vld.idx.msk [tilespmem:v7+s18+$0x0], $0xffff;
	_ =	sdelay $0x1  }
0x1f0: {  	v6 =	vld.idx.msk [tilespmem:v6+s18+$0x0], $0xffff  }
0x1f1: {  	v8 =	vperm.xlane v20, v19;
	v4 =	vadd.f32 v5, v4;
	v5 =	vld [tilespmem:$0x1FF90];
	_ =	sdelay $0x1  }
0x1f2: {  	(xrf2) =	vadd.scan.msk.f32 $0xffff, v8;
	v8 =	vld [tilespmem:$0x1FFA0];
	v4 =	vadd.f32 v7, v4;
	_ =	sdelay $0x1  }
0x1f3: {  	v4 =	vadd.f32 v6, v4;
	v6 =	vld [tilespmem:$0x1FFB0];
	_ =	sdelay $0x3  }
0x1f4: {  	v5 =	vld.idx.msk [tilespmem:v5+s18+$0x0], $0xffff;
	_ =	sdelay $0x1  }
0x1f5: {  	v8 =	vld.idx.msk [tilespmem:v8+s18+$0x0], $0xffff;
	_ =	sdelay $0x1  }
0x1f6: {  	v6 =	vld.idx.msk [tilespmem:v6+s18+$0x0], $0xffff  }
0x1f7: {  	v22, _, _ =	vpop (xrf2);
	v9 =	vor.u32 $0x20B, v1;
	v4 =	vadd.f32 v5, v4  }
0x1f8: {  	v7, _, _ =	vpop (xrf2)  }
0x1f9: {  	v23 =	vperm.xlane v7, v19;
	v7 =	vor.u32 $0x20C, v1;
	v4 =	vadd.f32 v8, v4;
	_ =	sdelay $0x1  }
0x1fa: {  	v10 =	vor.u32 $0x20D, v1;
	vm13 =	vge.f32 v23, $2.560000000e+02;
	v4 =	vadd.f32 v6, v4;
	v6 =	vld [tilespmem:$0x1FF00]  }
0x1fb: {  	v24 =	vmpcnt.ones.xlane vm13;
	v5 =	vld.idx.msk [tilespmem:v9+s18+$0x0], $0xffff  }
0x1fc: {  	[tilespmem:$0x1FCD0] =	vst v9;
	v9 =	vor.u32 $0x20E, v1  }
0x1fd: {  	[tilespmem:$0x1FCE0] =	vst v7;
	v25 =	vadd.s32 $0xFFFFFFFF, v24;
	v7 =	vld.idx.msk [tilespmem:v7+s18+$0x0], $0xffff  }
0x1fe: {  	v11 =	vor.u32 $0x20F, v1;
	v16 =	vshll.u32 v25, $0x4  }
0x1ff: {  	v8 =	vld.idx.msk [tilespmem:v10+s18+$0x0], $0xffff;
	v6 =	vadd.s32 v6, v16  }
0x200: {  	[tilespmem:$0x1FCF0] =	vst v10;
	v10 =	vor.u32 $0x300, v1;
	v4 =	vadd.f32 v5, v4  }
0x201: {  	v5 =	vld.idx.msk [tilespmem:v9+s18+$0x0], $0xffff  }
0x202: {  	[tilespmem:$0x1FD00] =	vst v9;
	v9 =	vor.u32 $0x301, v1;
	v4 =	vadd.f32 v7, v4  }
0x203: {  	v7 =	vld.idx.msk [tilespmem:v11+s18+$0x0], $0xffff  }
0x204: {  	v4 =	vadd.f32 v8, v4;
	v8 =	vor.u32 $0x302, v1;
	v27 =	vld.idx.msk [tilespmem:v6+s18+$0x0], $0xffff  }
0x205: {  	v6 =	vld.idx.msk [tilespmem:v10+s18+$0x0], $0xffff  }
0x206: {  	[tilespmem:$0x1FD20] =	vst v10;
	v4 =	vadd.f32 v5, v4;
	v10 =	vor.u32 $0x303, v1  }
0x207: {  	v5 =	vld.idx.msk [tilespmem:v9+s18+$0x0], $0xffff  }
0x208: {  	[tilespmem:$0x1FD30] =	vst v9;
	v9 =	vor.u32 $0x304, v1;
	v26 =	vadd.f32 v7, v4  }
0x209: {  	[tilespmem:$0x1FD10] =	vst v11;
	v7 =	vld.idx.msk [tilespmem:v8+s18+$0x0], $0xffff;
	v4 =	vperm.xlane v27, v19  }
0x20a: {  	v11 =	vor.u32 $0x305, v1;
	[tilespmem:$0x1FD40] =	vst v8;
	v8 =	vperm.xlane v26, v19;
	v6 =	vadd.f32 $0.0e+00, v6  }
0x20b: {  	(xrf2) =	vadd.scan.msk.f32 $0xffff, v4;
	v4 =	vld.idx.msk [tilespmem:v10+s18+$0x0], $0xffff  }
0x20c: {  	v5 =	vadd.f32 v5, v6;
	(xrf2) =	vadd.scan.msk.f32 $0xffff, v8;
	v8 =	vor.u32 $0x306, v1  }
0x20d: {  	v6 =	vld.idx.msk [tilespmem:v9+s18+$0x0], $0xffff  }
0x20e: {  	[tilespmem:$0x1FD60] =	vst v9;
	v9 =	vor.u32 $0x307, v1;
	v5 =	vadd.f32 v7, v5  }
0x20f: {  	v7 =	vld.idx.msk [tilespmem:v11+s18+$0x0], $0xffff  }
0x210: {  	[tilespmem:$0x1FD70] =	vst v11;
	v11 =	vor.u32 $0x308, v1;
	v5 =	vadd.f32 v4, v5  }
0x211: {  	[tilespmem:$0x1FD80] =	vst v8;
	v8 =	vld.idx.msk [tilespmem:v8+s18+$0x0], $0xffff  }
0x212: {  	v4 =	vor.u32 $0x309, v1;
	v5 =	vadd.f32 v6, v5  }
0x213: {  	v6 =	vld.idx.msk [tilespmem:v9+s18+$0x0], $0xffff  }
0x214: {  	[tilespmem:$0x1FD50] =	vst v10;
	v10 =	vor.u32 $0x30A, v1;
	v5 =	vadd.f32 v7, v5  }
0x215: {  	v7 =	vld.idx.msk [tilespmem:v11+s18+$0x0], $0xffff;
	v28, _, _ =	vpop (xrf2)  }
0x216: {  	[tilespmem:$0x1FD90] =	vst v9;
	v9, _, _ =	vpop (xrf2);
	v8 =	vadd.f32 v8, v5;
	v5 =	vor.u32 $0x30B, v1  }
0x217: {  	v29 =	vperm.xlane v9, v19;
	v9 =	vld.idx.msk [tilespmem:v4+s18+$0x0], $0xffff  }
0x218: {  	v8 =	vadd.f32 v6, v8;
	v6 =	vor.u32 $0x30C, v1  }
0x219: {  	[tilespmem:$0x1FDA0] =	vst v11;
	v11 =	vld.idx.msk [tilespmem:v10+s18+$0x0], $0xffff  }
0x21a: {  	vm14 =	vge.f32 v29, $2.560000000e+02;
	v8 =	vadd.f32 v7, v8;
	v7 =	vor.u32 $0x30D, v1  }
0x21b: {  	v30 =	vmpcnt.ones.xlane vm14;
	v21 =	vld.idx.msk [tilespmem:v5+s18+$0x0], $0xffff  }
0x21c: {  	v9 =	vadd.f32 v9, v8;
	v8 =	vor.u32 $0x30E, v1  }
0x21d: {  	[tilespmem:$0x1FDC0] =	vst v10;
	v10 =	vor.u32 $0x200, v0;
	v31 =	vadd.s32 $0xFFFFFFFF, v30;
	v33 =	vld.idx.msk [tilespmem:v6+s18+$0x0], $0xffff  }
0x21e: {  	v32 =	vshll.u32 v31, $0x4;
	v11 =	vadd.f32 v11, v9;
	v9 =	vor.u32 $0x30F, v1  }
0x21f: {  	v34 =	vadd.s32 v10, v32;
	v35 =	vld.idx.msk [tilespmem:v7+s18+$0x0], $0xffff  }
0x220: {  	v11 =	vadd.f32 v21, v11  }
0x221: {  	v21 =	vld.idx.msk [tilespmem:v8+s18+$0x0], $0xffff  }
0x222: {  	v11 =	vadd.f32 v33, v11  }
0x223: {  	v62 =	vld.idx.msk [tilespmem:v9+s18+$0x0], $0xffff  }
0x224: {  	v34 =	vld.idx.msk [tilespmem:v34+s18+$0x0], $0xffff;
	v11 =	vadd.f32 v35, v11;
	_ =	sdelay $0x1  }
0x225: {  	v11 =	vadd.f32 v21, v11;
	_ =	sdelay $0x1  }
0x226: {  	v33 =	vadd.f32 v62, v11  }
0x227: {  	v11 =	vperm.xlane v34, v19  }
0x228: {  	v21 =	vperm.xlane v33, v19  }
0x229: {  	(xrf2) =	vadd.scan.msk.f32 $0xffff, v11  }
0x22a: {  	(xrf2) =	vadd.scan.msk.f32 $0xffff, v21;
	_ =	sdelay $0x8  }
0x22b: {  	v63, _, _ =	vpop (xrf2)  }
0x22c: {  	v11, _, _ =	vpop (xrf2)  }
0x22d: {  	v36 =	vperm.xlane v11, v19;
	_ =	sdelay $0x1  }
0x22e: {  	vm15 =	vge.f32 v36, $2.560000000e+02  }
0x22f: {  	v37 =	vmpcnt.ones.xlane vm15;
	_ =	sdelay $0x1  }
0x230: {  	v38 =	vadd.s32 $0xFFFFFFFF, v37  }
0x231: {  	v11 =	vor.u32 $0x300, v0;
	v39 =	vshll.u32 v38, $0x4  }
0x232: {  	v21 =	vadd.s32 v11, v39;
	_ =	sdelay $0x4  }
0x233: {  	v40 =	vld.idx.msk [tilespmem:v21+s18+$0x0], $0xffff  }
0x234: {  	v17 =	vadd.s32 $0xF, v17;
	vm4 =	vlt.s32 v18, $0x0  }
0x235: {  	v17 =	vsel vm4, v17, v18  }
0x236: {  	v14 =	vperm.xlane v14, v17;
	v15 =	vperm.xlane v15, v17;
	_ =	sdelay $0x1  }
0x237: {  	v21 =	vsub.f32 v15, v14;
	v15 =	vperm.xlane v40, v19  }
0x238: {  	v14 =	vperm.xlane v22, v19  }
0x239: {  	(xrf2) =	vadd.scan.msk.f32 $0xffff, v15  }
0x23a: {  	v17 =	vadd.s32 $0xF, v24;
	vm5 =	vlt.s32 v25, $0x0;
	v15 =	vadd.f32 v14, v21  }
0x23b: {  	v17 =	vsel vm5, v17, v25;
	v28 =	vperm.xlane v28, v19;
	vm7 =	vlt.s32 v31, $0x0  }
0x23c: {  	vm6 =	vge.f32 v15, $2.560000000e+02;
	v15 =	vperm.xlane v20, v17;
	v17 =	vperm.xlane v23, v17  }
0x23d: {  	vm8 =	vlt.s32 v38, $0x0;
	v20 =	vadd.s32 $0xF, v30;
	v18 =	vmpcnt.ones.xlane vm6  }
0x23e: {  	v23 =	vadd.s32 $0xF, v37;
	v22 =	vsub.f32 v17, v15;
	v15 =	vsel vm7, v20, v31  }
0x23f: {  	v17 =	vperm.xlane v26, v15;
	v15 =	vperm.xlane v29, v15;
	v20 =	vadd.s32 $0xFFFFFFFF, v18  }
0x240: {  	v24 =	vsel vm8, v23, v38;
	vm9 =	vlt.s32 v20, $0x0  }
0x241: {  	v25 =	vadd.f32 v28, v22;
	v23 =	vsub.f32 v15, v17;
	v17 =	vperm.xlane v63, v19  }
0x242: {  	v15 =	vadd.s32 $0xF, v18;
	v18 =	vperm.xlane v33, v24;
	v24 =	vperm.xlane v36, v24  }
0x243: {  	v15 =	vsel vm9, v15, v20;
	vm10 =	vge.f32 v25, $2.560000000e+02;
	v29 =	vadd.f32 v17, v23;
	v26, _, _ =	vpop (xrf2)  }
0x244: {  	v30 =	vmpcnt.ones.xlane vm10;
	v25 =	vsub.f32 v24, v18;
	v18 =	vperm.xlane v26, v19  }
0x245: {  	v24 =	vperm.xlane v13, v15;
	v26 =	vperm.xlane v14, v15;
	vm11 =	vge.f32 v29, $2.560000000e+02  }
0x246: {  	v14 =	vadd.s32 $0xFFFFFFFF, v30;
	v15 =	vmpcnt.ones.xlane vm11;
	v29 =	vadd.f32 v18, v25  }
0x247: {  	v13 =	vadd.s32 v12, v20;
	v12 =	vadd.s32 $0xF, v30;
	vm12 =	vlt.s32 v14, $0x0  }
0x248: {  	v12 =	vsel vm12, v12, v14;
	v20 =	vadd.s32 $0xFFFFFFFF, v15;
	vm13 =	vge.f32 v29, $2.560000000e+02  }
0x249: {  	v15 =	vadd.s32 $0xF, v15;
	vm14 =	vlt.s32 v20, $0x0;
	v31 =	vmpcnt.ones.xlane vm13  }
0x24a: {  	v27 =	vperm.xlane v27, v12;
	v29 =	vperm.xlane v28, v12;
	v12 =	vsel vm14, v15, v20  }
0x24b: {  	v15 =	vadd.s32 v16, v14;
	v30 =	vperm.xlane v17, v12;
	v17 =	vadd.s32 $0xFFFFFFFF, v31  }
0x24c: {  	v28 =	vperm.xlane v34, v12;
	v12 =	vadd.s32 $0xF, v31;
	vm15 =	vlt.s32 v17, $0x0  }
0x24d: {  	v14 =	vadd.s32 v32, v20;
	v16 =	vimm.s32 $0x0;
	v12 =	vsel vm15, v12, v17  }
0x24e: {  	[tilespmem:$0x1FDB0] =	vst v4;
	v20 =	vimm.s32 $0x0;
	v32 =	vperm.xlane v18, v12;
	v31 =	vperm.xlane v40, v12  }
0x24f: {  	s26 =	simm.s32 $0x0;
	s28 =	simm.s32 $0x2000;
	[tilespmem:$0x1FDD0] =	vst v5;
	v12 =	vadd.s32 v39, v17;
	v17 =	vimm.s32 $0x0;
	v18 =	vimm.s32 $0x0  }
.LBB2_4:
0x250: {  	v33 =	vld [tilespmem:s28+$0x0];
	_ =	sdelay $0x4  }
0x251: {  	v34 =	vshrl.u32 v33, $0x18  }
0x252: {  	vm4 =	veq.s32 v34, v13  }
0x253: {  	v34 =	vsel vm4, $0x1, v48  }
0x254: {  	(xrf0) =	vadd.scan.msk.s32 $0xffff, v34;
	_ =	sdelay $0x4  }
0x255: {  	v37 =	vsel vm4, $0xFFFFFFFF, v48  }
0x256: {  	v34 =	vadd.s32 v37, v20;
	v35, _, _ =	vpop (xrf0)  }
0x257: {  	v34 =	vadd.s32 v35, v34;
	_ =	sdelay $0x4  }
0x258: {  	s0 =	sand.u32 $0x7E0, s26;
	[tilespmem:v34+s19+$0x0] =	vst.idx.msk vm4, v33  }
0x259: {  	v33 =	vld [tilespmem:s0+$0x2800];
	_ =	sdelay $0x4  }
0x25a: {  	v38 =	vshrl.u32 v33, $0x18  }
0x25b: {  	vm2 =	veq.s32 v38, v15  }
0x25c: {  	v34 =	vsel vm2, $0x1, v48  }
0x25d: {  	(xrf0) =	vadd.scan.msk.s32 $0xffff, v34;
	_ =	sdelay $0x4  }
0x25e: {  	v39 =	vsel vm2, $0xFFFFFFFF, v48  }
0x25f: {  	v34 =	vadd.s32 v39, v18;
	v40, _, _ =	vpop (xrf0)  }
0x260: {  	v34 =	vadd.s32 v40, v34  }
0x261: {  	v34 =	vadd.s32 $0x800, v34;
	_ =	sdelay $0x4  }
0x262: {  	[tilespmem:v34+s19+$0x0] =	vst.idx.msk vm2, v33  }
0x263: {  	v33 =	vld [tilespmem:s0+$0x3000];
	_ =	sdelay $0x4  }
0x264: {  	v41 =	vshrl.u32 v33, $0x18  }
0x265: {  	vm1 =	veq.s32 v41, v14  }
0x266: {  	v34 =	vsel vm1, $0x1, v48  }
0x267: {  	(xrf0) =	vadd.scan.msk.s32 $0xffff, v34;
	_ =	sdelay $0x4  }
0x268: {  	v42 =	vsel vm1, $0xFFFFFFFF, v48  }
0x269: {  	v34 =	vadd.s32 v42, v17;
	v43, _, _ =	vpop (xrf0)  }
0x26a: {  	v34 =	vadd.s32 v43, v34  }
0x26b: {  	v34 =	vadd.s32 $0x1000, v34;
	_ =	sdelay $0x4  }
0x26c: {  	[tilespmem:v34+s19+$0x0] =	vst.idx.msk vm1, v33  }
0x26d: {  	v33 =	vld [tilespmem:s0+$0x3800];
	_ =	sdelay $0x4  }
0x26e: {  	v44 =	vshrl.u32 v33, $0x18  }
0x26f: {  	vm0 =	veq.s32 v44, v12  }
0x270: {  	v34 =	vsel vm0, $0x1, v48  }
0x271: {  	(xrf0) =	vadd.scan.msk.s32 $0xffff, v34;
	_ =	sdelay $0x4  }
0x272: {  	v45 =	vsel vm0, $0xFFFFFFFF, v48  }
0x273: {  	v34 =	vadd.s32 v45, v16;
	v46, _, _ =	vpop (xrf0)  }
0x274: {  	v34 =	vadd.s32 v46, v34  }
0x275: {  	v34 =	vadd.s32 $0x1800, v34;
	_ =	sdelay $0x4  }
0x276: {  	[tilespmem:v34+s19+$0x0] =	vst.idx.msk vm0, v33  }
0x277: {  	v33 =	vld [tilespmem:s28+$0x10];
	_ =	sdelay $0x4  }
0x278: {  	v61 =	vshrl.u32 v33, $0x18  }
0x279: {  	vm3 =	veq.s32 v61, v13  }
0x27a: {  	v34 =	vsel vm3, $0x1, v48  }
0x27b: {  	(xrf0) =	vadd.scan.msk.s32 $0xffff, v34;
	_ =	sdelay $0x2  }
0x27c: {  	v62 =	vmpcnt.ones.xlane vm4;
	_ =	sdelay $0x1  }
0x27d: {  	v20 =	vadd.s32 v20, v62;
	v63 =	vsel vm3, $0xFFFFFFFF, v48  }
0x27e: {  	v34 =	vadd.s32 v63, v20;
	v36, _, _ =	vpop (xrf0)  }
0x27f: {  	v34 =	vadd.s32 v36, v34;
	_ =	sdelay $0x4  }
0x280: {  	[tilespmem:v34+s19+$0x0] =	vst.idx.msk vm3, v33  }
0x281: {  	v33 =	vld [tilespmem:s28+$0x810];
	_ =	sdelay $0x4  }
0x282: {  	v37 =	vshrl.u32 v33, $0x18  }
0x283: {  	vm13 =	veq.s32 v37, v15  }
0x284: {  	v34 =	vsel vm13, $0x1, v48  }
0x285: {  	(xrf0) =	vadd.scan.msk.s32 $0xffff, v34;
	_ =	sdelay $0x2  }
0x286: {  	v38 =	vmpcnt.ones.xlane vm2;
	_ =	sdelay $0x1  }
0x287: {  	v18 =	vadd.s32 v18, v38;
	v39 =	vsel vm13, $0xFFFFFFFF, v48  }
0x288: {  	v34 =	vadd.s32 v39, v18;
	v40, _, _ =	vpop (xrf0)  }
0x289: {  	v34 =	vadd.s32 v40, v34  }
0x28a: {  	v34 =	vadd.s32 $0x800, v34;
	_ =	sdelay $0x4  }
0x28b: {  	[tilespmem:v34+s19+$0x0] =	vst.idx.msk vm13, v33  }
0x28c: {  	v33 =	vld [tilespmem:s28+$0x1010];
	_ =	sdelay $0x4  }
0x28d: {  	v41 =	vshrl.u32 v33, $0x18  }
0x28e: {  	vm14 =	veq.s32 v41, v14  }
0x28f: {  	v34 =	vsel vm14, $0x1, v48  }
0x290: {  	(xrf0) =	vadd.scan.msk.s32 $0xffff, v34;
	_ =	sdelay $0x2  }
0x291: {  	v42 =	vmpcnt.ones.xlane vm1;
	_ =	sdelay $0x1  }
0x292: {  	v17 =	vadd.s32 v17, v42;
	v43 =	vsel vm14, $0xFFFFFFFF, v48  }
0x293: {  	v34 =	vadd.s32 v43, v17;
	v44, _, _ =	vpop (xrf0)  }
0x294: {  	v34 =	vadd.s32 v44, v34  }
0x295: {  	v34 =	vadd.s32 $0x1000, v34;
	_ =	sdelay $0x4  }
0x296: {  	[tilespmem:v34+s19+$0x0] =	vst.idx.msk vm14, v33  }
0x297: {  	v33 =	vld [tilespmem:s28+$0x1810];
	_ =	sdelay $0x4  }
0x298: {  	v45 =	vshrl.u32 v33, $0x18  }
0x299: {  	vm15 =	veq.s32 v45, v12  }
0x29a: {  	v34 =	vsel vm15, $0x1, v48  }
0x29b: {  	(xrf0) =	vadd.scan.msk.s32 $0xffff, v34;
	_ =	sdelay $0x2  }
0x29c: {  	v46 =	vmpcnt.ones.xlane vm0;
	_ =	sdelay $0x1  }
0x29d: {  	v16 =	vadd.s32 v16, v46;
	v61 =	vsel vm15, $0xFFFFFFFF, v48  }
0x29e: {  	v34 =	vadd.s32 v61, v16;
	v62, _, _ =	vpop (xrf0)  }
0x29f: {  	v34 =	vadd.s32 v62, v34  }
0x2a0: {  	p0 =	sne.s32 s26, $0x7E0;
	v34 =	vadd.s32 $0x1800, v34  }
.Ltmp3:
0x2a1: {  	_ = 	snop;
	(pc) =	sbr.rel @p0 .LBB2_4-.Ltmp3, $4  }
0x2a2: {  	v63 =	vmpcnt.ones.xlane vm3;
	v36 =	vmpcnt.ones.xlane vm13  }
0x2a3: {  	v37 =	vmpcnt.ones.xlane vm14;
	v38 =	vmpcnt.ones.xlane vm15  }
0x2a4: {  	v20 =	vadd.s32 v20, v63;
	v18 =	vadd.s32 v18, v36  }
0x2a5: {  	s26 =	sadd.s32 $0x20, s26;
	v17 =	vadd.s32 v17, v37;
	s28 =	sadd.s32 $0x20, s28;
	v16 =	vadd.s32 v16, v38;
	[tilespmem:v34+s19+$0x0] =	vst.idx.msk vm15, v33  }
0x2a6: {  	[tilespmem:$0x6000] =	vst v2  }
0x2a7: {  	[tilespmem:$0x6010] =	vst v2  }
0x2a8: {  	[tilespmem:$0x6020] =	vst v2  }
0x2a9: {  	[tilespmem:$0x6030] =	vst v2  }
0x2aa: {  	[tilespmem:$0x6040] =	vst v2  }
0x2ab: {  	[tilespmem:$0x6050] =	vst v2  }
0x2ac: {  	[tilespmem:$0x6060] =	vst v2  }
0x2ad: {  	[tilespmem:$0x6070] =	vst v2  }
0x2ae: {  	[tilespmem:$0x6080] =	vst v2  }
0x2af: {  	[tilespmem:$0x6090] =	vst v2  }
0x2b0: {  	[tilespmem:$0x60A0] =	vst v2  }
0x2b1: {  	[tilespmem:$0x60B0] =	vst v2  }
0x2b2: {  	[tilespmem:$0x60C0] =	vst v2  }
0x2b3: {  	[tilespmem:$0x60D0] =	vst v2  }
0x2b4: {  	[tilespmem:$0x60E0] =	vst v2  }
0x2b5: {  	[tilespmem:$0x60F0] =	vst v2  }
0x2b6: {  	[tilespmem:$0x6100] =	vst v2  }
0x2b7: {  	[tilespmem:$0x6110] =	vst v2  }
0x2b8: {  	[tilespmem:$0x6120] =	vst v2  }
0x2b9: {  	[tilespmem:$0x6130] =	vst v2  }
0x2ba: {  	[tilespmem:$0x6140] =	vst v2  }
0x2bb: {  	[tilespmem:$0x6150] =	vst v2  }
0x2bc: {  	[tilespmem:$0x6160] =	vst v2;
	v16 =	vtrunc.f32 v24;
	v17 =	vtrunc.f32 v27  }
0x2bd: {  	[tilespmem:$0x6170] =	vst v2;
	v18 =	vtrunc.f32 v28;
	v20 =	vtrunc.f32 v31  }
0x2be: {  	[tilespmem:$0x6180] =	vst v2;
	v16 =	vcvt.f32.s32 v16;
	v17 =	vcvt.f32.s32 v17  }
0x2bf: {  	[tilespmem:$0x6190] =	vst v2;
	v18 =	vcvt.f32.s32 v18;
	v20 =	vcvt.f32.s32 v20  }
0x2c0: {  	[tilespmem:$0x61A0] =	vst v2  }
0x2c1: {  	[tilespmem:$0x61B0] =	vst v2;
	vm0 =	vgt.s32 v16, v17;
	vm1 =	vgt.s32 v18, v20  }
0x2c2: {  	[tilespmem:$0x61C0] =	vst v2;
	v33 =	vsel vm0, v16, v17;
	v34 =	vsel vm1, v18, v20  }
0x2c3: {  	[tilespmem:$0x61D0] =	vst v2;
	vm0 =	vgt.s32 v33, v34  }
0x2c4: {  	[tilespmem:$0x61E0] =	vst v2;
	v33 =	vsel vm0, v33, v34  }
0x2c5: {  	[tilespmem:$0x61F0] =	vst v2;
	v33 =	vadd.s32 $0xF, v33  }
0x2c6: {  	[tilespmem:$0x6200] =	vst v2;
	v33 =	vshrl.u32 v33, $0x4  }
0x2c7: {  	[tilespmem:$0x6210] =	vst v2;
	v33 =	vor.u32 $0x80000000, v33  }
0x2c8: {  	[tilespmem:$0x6220] =	vst v2;
	(xrf0) =	vmax.scan.msk.u32 $0xffff, v33  }
0x2c9: {  	[tilespmem:$0x6230] =	vst v2  }
0x2ca: {  	[tilespmem:$0x6240] =	vst v2  }
0x2cb: {  	[tilespmem:$0x6250] =	vst v2  }
0x2cc: {  	[tilespmem:$0x6260] =	vst v2  }
0x2cd: {  	[tilespmem:$0x6270] =	vst v2  }
0x2ce: {  	[tilespmem:$0x6280] =	vst v2;
	v33, _, _ =	vpop (xrf0)  }
0x2cf: {  	[tilespmem:$0x6290] =	vst v2;
	(v2sf) =	vpush v33, $0xF  }
0x2d0: {  	[tilespmem:$0x62A0] =	vst v2  }
0x2d1: {  	[tilespmem:$0x62B0] =	vst v2  }
0x2d2: {  	[tilespmem:$0x62C0] =	vst v2  }
0x2d3: {  	[tilespmem:$0x62D0] =	vst v2  }
0x2d4: {  	[tilespmem:$0x62E0] =	vst v2  }
0x2d5: {  	[tilespmem:$0x62F0] =	vst v2  }
0x2d6: {  	[tilespmem:$0x6300] =	vst v2  }
0x2d7: {  	[tilespmem:$0x6310] =	vst v2  }
0x2d8: {  	[tilespmem:$0x6320] =	vst v2  }
0x2d9: {  	[tilespmem:$0x6330] =	vst v2  }
0x2da: {  	[tilespmem:$0x6340] =	vst v2  }
0x2db: {  	[tilespmem:$0x6350] =	vst v2  }
0x2dc: {  	[tilespmem:$0x6360] =	vst v2  }
0x2dd: {  	[tilespmem:$0x6370] =	vst v2  }
0x2de: {  	[tilespmem:$0x6380] =	vst v2;
	s0 =	spop (v2sf)  }
0x2df: {  	[tilespmem:$0x6390] =	vst v2;
	s26 =	sxor.u32 $0x80000000, s0  }
0x2e0: {  	v21 =	vadd.f32 v26, v21;
	v22 =	vadd.f32 v29, v22;
	[tilespmem:$0x63A0] =	vst v2;
	p0 =	slt.s32 s26, $0x1  }
.Ltmp4:
0x2e1: {  	v23 =	vadd.f32 v30, v23;
	v25 =	vadd.f32 v32, v25;
	[tilespmem:$0x63B0] =	vst v2;
	(pc) =	sbr.rel @p0 .LBB2_8-.Ltmp4, $4  }
0x2e2: {  	[tilespmem:$0x63C0] =	vst v2;
	v21 =	vsub.f32 v24, v21;
	v24 =	vsub.f32 v27, v22  }
0x2e3: {  	[tilespmem:$0x63D0] =	vst v2;
	v23 =	vsub.f32 v28, v23;
	v25 =	vsub.f32 v31, v25  }
0x2e4: {  	[tilespmem:$0x63E0] =	vst v2;
	v22 =	vadd.f32 $2.560000000e+02, v21;
	v21 =	vadd.f32 $2.560000000e+02, v24  }
0x2e5: {  	[tilespmem:$0x63F0] =	vst v2;
	v27 =	vadd.f32 $2.560000000e+02, v23;
	v28 =	vadd.f32 $2.560000000e+02, v25  }
0x2e6: {  	s0 =	simm.s32 $0x0;
	s28 =	simm.s32 $0x4000;
	s29 =	smov.u32 s26  }
.LBB2_7:
0x2e7: {  	v23 =	vld [tilespmem:s28+$0x0];
	_ =	sdelay $0x3  }
0x2e8: {  	v24 =	vor.u32 s0, v0  }
0x2e9: {  	vm0 =	vlt.s32 v24, v16;
	v23 =	vshrl.u32 v23, $0x10  }
0x2ea: {  	v23 =	vand.u32 $0xFF, v23;
	_ =	sdelay $0x4  }
0x2eb: {  	s2 =	sand.u32 $0xFFFFFFF0, s0;
	[tilespmem:v23+s18+$0x0] =	vst.idx.add.f32.msk vm0, v3  }
0x2ec: {  	v23 =	vld [tilespmem:s2+$0x4800];
	_ =	sdelay $0x4  }
0x2ed: {  	v23 =	vshrl.u32 v23, $0x10  }
0x2ee: {  	vm13 =	vlt.s32 v24, v17;
	v23 =	vand.u32 $0xFF, v23  }
0x2ef: {  	v23 =	vor.u32 $0x100, v23;
	_ =	sdelay $0x4  }
0x2f0: {  	[tilespmem:v23+s18+$0x0] =	vst.idx.add.f32.msk vm13, v3  }
0x2f1: {  	v23 =	vld [tilespmem:s2+$0x5000];
	_ =	sdelay $0x4  }
0x2f2: {  	v23 =	vshrl.u32 v23, $0x10  }
0x2f3: {  	vm14 =	vlt.s32 v24, v18;
	v23 =	vand.u32 $0xFF, v23  }
0x2f4: {  	v23 =	vor.u32 $0x200, v23;
	_ =	sdelay $0x4  }
0x2f5: {  	[tilespmem:v23+s18+$0x0] =	vst.idx.add.f32.msk vm14, v3  }
0x2f6: {  	v23 =	vld [tilespmem:s2+$0x5800];
	_ =	sdelay $0x4  }
0x2f7: {  	v23 =	vshrl.u32 v23, $0x10  }
0x2f8: {  	vm15 =	vlt.s32 v24, v20;
	v23 =	vand.u32 $0xFF, v23  }
0x2f9: {  	p1 =	sne.s32 s29, $0x1;
	v23 =	vor.u32 $0x300, v23  }
.Ltmp5:
0x2fa: {  	_ = 	snop;
	(pc) =	sbr.rel @p1 .LBB2_7-.Ltmp5, $2  }
0x2fb: {  	_ =	sdelay $0x2  }
0x2fc: {  	s0 =	sadd.s32 $0x10, s0;
	s28 =	sadd.s32 $0x10, s28;
	s29 =	sadd.s32 $0xFFFFFFFF, s29;
	[tilespmem:v23+s18+$0x0] =	vst.idx.add.f32.msk vm15, v3  }
.LBB2_8:
0x2fd: {  	_ =	sdelay $0x3  }
0x2fe: {  	v23 =	vld.idx.msk [tilespmem:v1+s18+$0x0], $0xffff;
	_ =	sdelay $0x1  }
0x2ff: {  	v24 =	vld.idx.msk [tilespmem:v53+s18+$0x0], $0xffff;
	_ =	sdelay $0x1  }
0x300: {  	v25 =	vld.idx.msk [tilespmem:v54+s18+$0x0], $0xffff  }
0x301: {  	v23 =	vadd.f32 $0.0e+00, v23  }
0x302: {  	v26 =	vld.idx.msk [tilespmem:v55+s18+$0x0], $0xffff  }
0x303: {  	v23 =	vadd.f32 v24, v23  }
0x304: {  	v24 =	vld.idx.msk [tilespmem:v56+s18+$0x0], $0xffff  }
0x305: {  	v23 =	vadd.f32 v25, v23  }
0x306: {  	v25 =	vld.idx.msk [tilespmem:v47+s18+$0x0], $0xffff  }
0x307: {  	v23 =	vadd.f32 v26, v23  }
0x308: {  	v26 =	vld.idx.msk [tilespmem:v49+s18+$0x0], $0xffff  }
0x309: {  	v23 =	vadd.f32 v24, v23  }
0x30a: {  	v24 =	vld.idx.msk [tilespmem:v50+s18+$0x0], $0xffff  }
0x30b: {  	v23 =	vadd.f32 v25, v23  }
0x30c: {  	v25 =	vld.idx.msk [tilespmem:v51+s18+$0x0], $0xffff  }
0x30d: {  	v23 =	vadd.f32 v26, v23  }
0x30e: {  	v26 =	vld.idx.msk [tilespmem:v52+s18+$0x0], $0xffff  }
0x30f: {  	v23 =	vadd.f32 v24, v23  }
0x310: {  	v24 =	vld.idx.msk [tilespmem:v57+s18+$0x0], $0xffff  }
0x311: {  	v23 =	vadd.f32 v25, v23  }
0x312: {  	v25 =	vld.idx.msk [tilespmem:v58+s18+$0x0], $0xffff  }
0x313: {  	v23 =	vadd.f32 v26, v23;
	_ =	sdelay $0x1  }
0x314: {  	v23 =	vadd.f32 v24, v23;
	_ =	sdelay $0x1  }
0x315: {  	v23 =	vadd.f32 v25, v23;
	v25 =	vld [tilespmem:$0x1FDE0];
	_ =	sdelay $0x3  }
0x316: {  	v26 =	vld.idx.msk [tilespmem:v59+s18+$0x0], $0xffff;
	_ =	sdelay $0x1  }
0x317: {  	v24 =	vld.idx.msk [tilespmem:v60+s18+$0x0], $0xffff;
	_ =	sdelay $0x1  }
0x318: {  	v25 =	vld.idx.msk [tilespmem:v25+s18+$0x0], $0xffff  }
0x319: {  	v23 =	vadd.f32 v26, v23;
	v26 =	vld [tilespmem:$0x1FDF0];
	_ =	sdelay $0x1  }
0x31a: {  	v23 =	vadd.f32 v24, v23;
	_ =	sdelay $0x1  }
0x31b: {  	v23 =	vadd.f32 v25, v23;
	v25 =	vld [tilespmem:$0x1FE10];
	_ =	sdelay $0x3  }
0x31c: {  	v26 =	vld.idx.msk [tilespmem:v26+s18+$0x0], $0xffff  }
0x31d: {  	v24 =	vld [tilespmem:$0x1FE00];
	_ =	sdelay $0x2  }
0x31e: {  	v29 =	vld.idx.msk [tilespmem:v25+s18+$0x0], $0xffff  }
0x31f: {  	v25 =	vadd.f32 v26, v23;
	v23 =	vld [tilespmem:$0x1FE20];
	_ =	sdelay $0x3  }
0x320: {  	v24 =	vld.idx.msk [tilespmem:v24+s18+$0x0], $0xffff;
	_ =	sdelay $0x3  }
0x321: {  	v23 =	vld.idx.msk [tilespmem:v23+s18+$0x0], $0xffff  }
0x322: {  	v30 =	vld [tilespmem:$0x1FE30];
	v24 =	vadd.f32 $0.0e+00, v24;
	v26 =	vperm.xlane v25, v19;
	_ =	sdelay $0x1  }
0x323: {  	(xrf2) =	vadd.scan.msk.f32 $0xffff, v26;
	v26 =	vld [tilespmem:$0x1FE40];
	v24 =	vadd.f32 v29, v24;
	_ =	sdelay $0x1  }
0x324: {  	v23 =	vadd.f32 v23, v24;
	v24 =	vld [tilespmem:$0x1FE50];
	_ =	sdelay $0x3  }
0x325: {  	v30 =	vld.idx.msk [tilespmem:v30+s18+$0x0], $0xffff;
	_ =	sdelay $0x1  }
0x326: {  	v26 =	vld.idx.msk [tilespmem:v26+s18+$0x0], $0xffff;
	_ =	sdelay $0x1  }
0x327: {  	v24 =	vld.idx.msk [tilespmem:v24+s18+$0x0], $0xffff  }
0x328: {  	v29 =	vld [tilespmem:$0x1FE60];
	v23 =	vadd.f32 v30, v23;
	_ =	sdelay $0x1  }
0x329: {  	v23 =	vadd.f32 v26, v23;
	v26 =	vld [tilespmem:$0x1FE70];
	_ =	sdelay $0x1  }
0x32a: {  	v23 =	vadd.f32 v24, v23;
	v24 =	vld [tilespmem:$0x1FE80];
	_ =	sdelay $0x1  }
0x32b: {  	v30 =	vld [tilespmem:$0x1FE90];
	_ =	sdelay $0x1  }
0x32c: {  	v29 =	vld.idx.msk [tilespmem:v29+s18+$0x0], $0xffff;
	_ =	sdelay $0x1  }
0x32d: {  	v26 =	vld.idx.msk [tilespmem:v26+s18+$0x0], $0xffff;
	_ =	sdelay $0x1  }
0x32e: {  	v24 =	vld.idx.msk [tilespmem:v24+s18+$0x0], $0xffff  }
0x32f: {  	v23 =	vadd.f32 v29, v23  }
0x330: {  	v30 =	vld.idx.msk [tilespmem:v30+s18+$0x0], $0xffff  }
0x331: {  	v23 =	vadd.f32 v26, v23;
	v26 =	vld [tilespmem:$0x1FEA0];
	_ =	sdelay $0x1  }
0x332: {  	v23 =	vadd.f32 v24, v23;
	v24 =	vld [tilespmem:$0x1FEB0]  }
0x333: {  	v29, _, _ =	vpop (xrf2)  }
0x334: {  	v31 =	vperm.xlane v29, v19;
	v29 =	vadd.f32 v30, v23;
	v23 =	vld [tilespmem:$0x1FEC0];
	_ =	sdelay $0x3  }
0x335: {  	v26 =	vld.idx.msk [tilespmem:v26+s18+$0x0], $0xffff;
	_ =	sdelay $0x1  }
0x336: {  	v24 =	vld.idx.msk [tilespmem:v24+s18+$0x0], $0xffff;
	_ =	sdelay $0x1  }
0x337: {  	v30 =	vld.idx.msk [tilespmem:v23+s18+$0x0], $0xffff  }
0x338: {  	v32 =	vld [tilespmem:$0x1FED0];
	v26 =	vadd.f32 v26, v29;
	_ =	sdelay $0x1  }
0x339: {  	v24 =	vadd.f32 v24, v26;
	v26 =	vld [tilespmem:$0x1FEE0]  }
0x33a: {  	vm0 =	vge.f32 v31, v22  }
0x33b: {  	v33 =	vmpcnt.ones.xlane vm0;
	v30 =	vadd.f32 v30, v24;
	v24 =	vld [tilespmem:$0x1FEF0];
	_ =	sdelay $0x1  }
0x33c: {  	v34 =	vadd.s32 $0xFFFFFFFF, v33  }
0x33d: {  	v23 =	vshll.u32 v34, $0x4  }
0x33e: {  	v32 =	vld.idx.msk [tilespmem:v32+s18+$0x0], $0xffff;
	v29 =	vor.u32 v0, v23;
	_ =	sdelay $0x1  }
0x33f: {  	v26 =	vld.idx.msk [tilespmem:v26+s18+$0x0], $0xffff;
	_ =	sdelay $0x1  }
0x340: {  	v35 =	vld.idx.msk [tilespmem:v24+s18+$0x0], $0xffff  }
0x341: {  	v24 =	vld.idx.msk [tilespmem:v29+s18+$0x0], $0xffff;
	v29 =	vadd.f32 v32, v30;
	_ =	sdelay $0x1  }
0x342: {  	v26 =	vadd.f32 v26, v29;
	v29 =	vld [tilespmem:$0x1FF10];
	_ =	sdelay $0x1  }
0x343: {  	v32 =	vadd.f32 v35, v26;
	v26 =	vld [tilespmem:$0x1FF20];
	_ =	sdelay $0x5  }
0x344: {  	v29 =	vld.idx.msk [tilespmem:v29+s18+$0x0], $0xffff;
	_ =	sdelay $0x1  }
0x345: {  	v26 =	vld.idx.msk [tilespmem:v26+s18+$0x0], $0xffff  }
0x346: {  	v36 =	vld [tilespmem:$0x1FF30];
	v30 =	vperm.xlane v24, v19;
	_ =	sdelay $0x1  }
0x347: {  	(xrf2) =	vadd.scan.msk.f32 $0xffff, v30;
	v30 =	vld [tilespmem:$0x1FF40];
	v29 =	vadd.f32 $0.0e+00, v29;
	_ =	sdelay $0x1  }
0x348: {  	v26 =	vadd.f32 v26, v29;
	v29 =	vld [tilespmem:$0x1FF50];
	_ =	sdelay $0x3  }
0x349: {  	v36 =	vld.idx.msk [tilespmem:v36+s18+$0x0], $0xffff;
	_ =	sdelay $0x1  }
0x34a: {  	v30 =	vld.idx.msk [tilespmem:v30+s18+$0x0], $0xffff;
	_ =	sdelay $0x1  }
0x34b: {  	v29 =	vld.idx.msk [tilespmem:v29+s18+$0x0], $0xffff  }
0x34c: {  	v57 =	vld [tilespmem:$0x1FF60];
	v26 =	vadd.f32 v36, v26;
	_ =	sdelay $0x1  }
0x34d: {  	v26 =	vadd.f32 v30, v26;
	v30 =	vld [tilespmem:$0x1FF70];
	_ =	sdelay $0x1  }
0x34e: {  	v26 =	vadd.f32 v29, v26;
	v29 =	vld [tilespmem:$0x1FF80];
	_ =	sdelay $0x1  }
0x34f: {  	v59 =	vld [tilespmem:$0x1FF90];
	v35 =	vperm.xlane v32, v19;
	_ =	sdelay $0x1  }
0x350: {  	(xrf2) =	vadd.scan.msk.f32 $0xffff, v35;
	v35 =	vld.idx.msk [tilespmem:v57+s18+$0x0], $0xffff;
	_ =	sdelay $0x1  }
0x351: {  	v30 =	vld.idx.msk [tilespmem:v30+s18+$0x0], $0xffff;
	_ =	sdelay $0x1  }
0x352: {  	v29 =	vld.idx.msk [tilespmem:v29+s18+$0x0], $0xffff  }
0x353: {  	v26 =	vadd.f32 v35, v26  }
0x354: {  	v36 =	vld.idx.msk [tilespmem:v59+s18+$0x0], $0xffff  }
0x355: {  	v26 =	vadd.f32 v30, v26;
	v30 =	vld [tilespmem:$0x1FFA0];
	_ =	sdelay $0x1  }
0x356: {  	v26 =	vadd.f32 v29, v26;
	v29 =	vld [tilespmem:$0x1FFB0];
	_ =	sdelay $0x1  }
0x357: {  	v60 =	vadd.f32 v36, v26;
	v26 =	vld [tilespmem:$0x1FCD0];
	_ =	sdelay $0x3  }
0x358: {  	v30 =	vld.idx.msk [tilespmem:v30+s18+$0x0], $0xffff;
	_ =	sdelay $0x1  }
0x359: {  	v29 =	vld.idx.msk [tilespmem:v29+s18+$0x0], $0xffff;
	_ =	sdelay $0x1  }
0x35a: {  	v43 =	vld.idx.msk [tilespmem:v26+s18+$0x0], $0xffff  }
0x35b: {  	v39 =	vld [tilespmem:$0x1FCE0];
	v30 =	vadd.f32 v30, v60;
	_ =	sdelay $0x1  }
0x35c: {  	v29 =	vadd.f32 v29, v30;
	v30 =	vld [tilespmem:$0x1FCF0];
	_ =	sdelay $0x1  }
0x35d: {  	v36 =	vadd.f32 v43, v29;
	v29 =	vld [tilespmem:$0x1FD00];
	_ =	sdelay $0x1  }
0x35e: {  	v46 =	vld [tilespmem:$0x1FD10];
	_ =	sdelay $0x1  }
0x35f: {  	v39 =	vld.idx.msk [tilespmem:v39+s18+$0x0], $0xffff;
	v38, _, _ =	vpop (xrf2)  }
0x360: {  	v58, _, _ =	vpop (xrf2)  }
0x361: {  	v37 =	vperm.xlane v58, v19;
	v30 =	vld.idx.msk [tilespmem:v30+s18+$0x0], $0xffff  }
0x362: {  	v44 =	vld [tilespmem:$0x1FF00]  }
0x363: {  	vm14 =	vge.f32 v37, v21;
	v42 =	vld.idx.msk [tilespmem:v29+s18+$0x0], $0xffff  }
0x364: {  	v40 =	vmpcnt.ones.xlane vm14;
	v45 =	vadd.f32 v39, v36  }
0x365: {  	v36 =	vld.idx.msk [tilespmem:v46+s18+$0x0], $0xffff  }
0x366: {  	v61 =	vmov v47;
	v47 =	vld [tilespmem:$0x1FD20];
	v41 =	vadd.s32 $0xFFFFFFFF, v40;
	v30 =	vadd.f32 v30, v45  }
0x367: {  	v26 =	vshll.u32 v41, $0x4  }
0x368: {  	v62 =	vmov v49;
	v49 =	vld [tilespmem:$0x1FD30];
	v35 =	vadd.s32 v44, v26;
	v30 =	vadd.f32 v42, v30;
	_ =	sdelay $0x1  }
0x369: {  	v42 =	vadd.f32 v36, v30;
	v30 =	vld [tilespmem:$0x1FD40]  }
0x36a: {  	v4 =	vmov v51;
	v51 =	vld [tilespmem:$0x1FD60]  }
0x36b: {  	v44 =	vld [tilespmem:$0x1FD50]  }
0x36c: {  	v29 =	vld.idx.msk [tilespmem:v35+s18+$0x0], $0xffff  }
0x36d: {  	v35 =	vld.idx.msk [tilespmem:v47+s18+$0x0], $0xffff  }
0x36e: {  	v5 =	vmov v52;
	v52 =	vld [tilespmem:$0x1FD70]  }
0x36f: {  	v39 =	vld.idx.msk [tilespmem:v49+s18+$0x0], $0xffff  }
0x370: {  	v57 =	vld [tilespmem:$0x1FD80]  }
0x371: {  	v30 =	vld.idx.msk [tilespmem:v30+s18+$0x0], $0xffff  }
0x372: {  	v63 =	vmov v50;
	v58 =	vld [tilespmem:$0x1FD90];
	v50 =	vperm.xlane v29, v19;
	v35 =	vadd.f32 $0.0e+00, v35  }
0x373: {  	v44 =	vld.idx.msk [tilespmem:v44+s18+$0x0], $0xffff;
	v43 =	vperm.xlane v42, v19  }
0x374: {  	v59 =	vld [tilespmem:$0x1FDA0];
	(xrf2) =	vadd.scan.msk.f32 $0xffff, v50;
	v35 =	vadd.f32 v39, v35  }
0x375: {  	v36 =	vld.idx.msk [tilespmem:v51+s18+$0x0], $0xffff;
	(xrf2) =	vadd.scan.msk.f32 $0xffff, v43  }
0x376: {  	v49 =	vld [tilespmem:$0x1FDB0];
	v30 =	vadd.f32 v30, v35  }
0x377: {  	v35 =	vld.idx.msk [tilespmem:v52+s18+$0x0], $0xffff  }
0x378: {  	v39 =	vld.idx.msk [tilespmem:v57+s18+$0x0], $0xffff;
	v30 =	vadd.f32 v44, v30  }
0x379: {  	v50 =	vld [tilespmem:$0x1FDC0]  }
0x37a: {  	v51 =	vld [tilespmem:$0x1FDD0];
	v30 =	vadd.f32 v36, v30  }
0x37b: {  	v36 =	vld.idx.msk [tilespmem:v58+s18+$0x0], $0xffff  }
0x37c: {  	v30 =	vadd.f32 v35, v30  }
0x37d: {  	v35 =	vld.idx.msk [tilespmem:v59+s18+$0x0], $0xffff  }
0x37e: {  	v43, _, _ =	vpop (xrf2);
	v30 =	vadd.f32 v39, v30  }
0x37f: {  	v60, _, _ =	vpop (xrf2);
	v44 =	vld.idx.msk [tilespmem:v49+s18+$0x0], $0xffff  }
0x380: {  	v45 =	vperm.xlane v60, v19;
	v30 =	vadd.f32 v36, v30  }
0x381: {  	v36 =	vld.idx.msk [tilespmem:v50+s18+$0x0], $0xffff  }
0x382: {  	vm15 =	vge.f32 v45, v27;
	v30 =	vadd.f32 v35, v30  }
0x383: {  	v46 =	vmpcnt.ones.xlane vm15;
	v35 =	vld.idx.msk [tilespmem:v51+s18+$0x0], $0xffff  }
0x384: {  	v52 =	vadd.f32 v44, v30  }
0x385: {  	v57 =	vld.idx.msk [tilespmem:v6+s18+$0x0], $0xffff;
	v44 =	vadd.s32 $0xFFFFFFFF, v46  }
0x386: {  	v30 =	vshll.u32 v44, $0x4;
	v36 =	vadd.f32 v36, v52  }
0x387: {  	v59 =	vld.idx.msk [tilespmem:v7+s18+$0x0], $0xffff;
	v58 =	vadd.s32 v10, v30  }
0x388: {  	v35 =	vadd.f32 v35, v36  }
0x389: {  	v60 =	vld.idx.msk [tilespmem:v8+s18+$0x0], $0xffff  }
0x38a: {  	v35 =	vadd.f32 v57, v35  }
0x38b: {  	v51 =	vld.idx.msk [tilespmem:v9+s18+$0x0], $0xffff  }
0x38c: {  	v36 =	vld.idx.msk [tilespmem:v58+s18+$0x0], $0xffff;
	v35 =	vadd.f32 v59, v35;
	_ =	sdelay $0x1  }
0x38d: {  	v35 =	vadd.f32 v60, v35;
	_ =	sdelay $0x1  }
0x38e: {  	v47 =	vadd.f32 v51, v35  }
0x38f: {  	v52 =	vperm.xlane v36, v19  }
0x390: {  	v57 =	vperm.xlane v47, v19  }
0x391: {  	(xrf2) =	vadd.scan.msk.f32 $0xffff, v52  }
0x392: {  	(xrf2) =	vadd.scan.msk.f32 $0xffff, v57;
	_ =	sdelay $0x8  }
0x393: {  	v49, _, _ =	vpop (xrf2)  }
0x394: {  	v58, _, _ =	vpop (xrf2)  }
0x395: {  	v50 =	vperm.xlane v58, v19;
	_ =	sdelay $0x1  }
0x396: {  	vm4 =	vge.f32 v50, v28  }
0x397: {  	v51 =	vmpcnt.ones.xlane vm4;
	_ =	sdelay $0x1  }
0x398: {  	v52 =	vadd.s32 $0xFFFFFFFF, v51  }
0x399: {  	v35 =	vshll.u32 v52, $0x4  }
0x39a: {  	v59 =	vadd.s32 v11, v35;
	_ =	sdelay $0x4  }
0x39b: {  	v39 =	vld.idx.msk [tilespmem:v59+s18+$0x0], $0xffff;
	[tilespmem:$0x6000] =	vst v2  }
0x39c: {  	[tilespmem:$0x6010] =	vst v2  }
0x39d: {  	[tilespmem:$0x6020] =	vst v2  }
0x39e: {  	[tilespmem:$0x6030] =	vst v2  }
0x39f: {  	[tilespmem:$0x6040] =	vst v2  }
0x3a0: {  	[tilespmem:$0x6050] =	vst v2  }
0x3a1: {  	[tilespmem:$0x6060] =	vst v2  }
0x3a2: {  	[tilespmem:$0x6070] =	vst v2  }
0x3a3: {  	[tilespmem:$0x6080] =	vst v2  }
0x3a4: {  	[tilespmem:$0x6090] =	vst v2  }
0x3a5: {  	[tilespmem:$0x60A0] =	vst v2  }
0x3a6: {  	[tilespmem:$0x60B0] =	vst v2  }
0x3a7: {  	[tilespmem:$0x60C0] =	vst v2  }
0x3a8: {  	[tilespmem:$0x60D0] =	vst v2  }
0x3a9: {  	[tilespmem:$0x60E0] =	vst v2  }
0x3aa: {  	[tilespmem:$0x60F0] =	vst v2  }
0x3ab: {  	[tilespmem:$0x6100] =	vst v2  }
0x3ac: {  	[tilespmem:$0x6110] =	vst v2  }
0x3ad: {  	[tilespmem:$0x6120] =	vst v2  }
0x3ae: {  	[tilespmem:$0x6130] =	vst v2  }
0x3af: {  	[tilespmem:$0x6140] =	vst v2  }
0x3b0: {  	[tilespmem:$0x6150] =	vst v2  }
0x3b1: {  	[tilespmem:$0x6160] =	vst v2  }
0x3b2: {  	[tilespmem:$0x6170] =	vst v2  }
0x3b3: {  	[tilespmem:$0x6180] =	vst v2  }
0x3b4: {  	[tilespmem:$0x6190] =	vst v2  }
0x3b5: {  	[tilespmem:$0x61A0] =	vst v2  }
0x3b6: {  	[tilespmem:$0x61B0] =	vst v2  }
0x3b7: {  	[tilespmem:$0x61C0] =	vst v2  }
0x3b8: {  	[tilespmem:$0x61D0] =	vst v2  }
0x3b9: {  	[tilespmem:$0x61E0] =	vst v2  }
0x3ba: {  	v33 =	vadd.s32 $0xF, v33;
	vm5 =	vlt.s32 v34, $0x0;
	[tilespmem:$0x61F0] =	vst v2  }
0x3bb: {  	v33 =	vsel vm5, v33, v34;
	[tilespmem:$0x6200] =	vst v2  }
0x3bc: {  	v25 =	vperm.xlane v25, v33;
	[tilespmem:$0x6210] =	vst v2  }
0x3bd: {  	v31 =	vperm.xlane v31, v33;
	[tilespmem:$0x6220] =	vst v2;
	v60 =	vperm.xlane v39, v19  }
0x3be: {  	[tilespmem:$0x6230] =	vst v2  }
0x3bf: {  	v25 =	vsub.f32 v31, v25;
	[tilespmem:$0x6240] =	vst v2;
	(xrf2) =	vadd.scan.msk.f32 $0xffff, v60  }
0x3c0: {  	v31 =	vperm.xlane v38, v19;
	vm6 =	vlt.s32 v41, $0x0;
	v57 =	vadd.s32 $0xF, v40;
	[tilespmem:$0x6250] =	vst v2  }
0x3c1: {  	v33 =	vsel vm6, v57, v41;
	[tilespmem:$0x6260] =	vst v2  }
0x3c2: {  	v32 =	vperm.xlane v32, v33;
	v33 =	vperm.xlane v37, v33;
	v58 =	vadd.f32 v31, v25;
	[tilespmem:$0x6270] =	vst v2  }
0x3c3: {  	vm1 =	vlt.s32 v44, $0x0;
	[tilespmem:$0x6280] =	vst v2  }
0x3c4: {  	v32 =	vsub.f32 v33, v32;
	v33 =	vperm.xlane v43, v19;
	vm7 =	vge.f32 v58, v22;
	[tilespmem:$0x6290] =	vst v2  }
0x3c5: {  	v38 =	vperm.xlane v49, v19;
	v37 =	vmpcnt.ones.xlane vm7;
	v59 =	vadd.s32 $0xF, v46;
	[tilespmem:$0x62A0] =	vst v2  }
0x3c6: {  	vm8 =	vlt.s32 v52, $0x0;
	v46 =	vadd.s32 $0xF, v51;
	[tilespmem:$0x62B0] =	vst v2;
	v34 =	vsel vm1, v59, v44  }
0x3c7: {  	[tilespmem:$0x62C0] =	vst v2;
	v40 =	vsel vm8, v46, v52;
	v51 =	vperm.xlane v42, v34;
	v34 =	vperm.xlane v45, v34  }
0x3c8: {  	[tilespmem:$0x62D0] =	vst v2;
	v57 =	vperm.xlane v47, v40;
	v40 =	vperm.xlane v50, v40  }
0x3c9: {  	[tilespmem:$0x62E0] =	vst v2;
	v42 =	vadd.s32 $0xFFFFFFFF, v37;
	v34 =	vsub.f32 v34, v51;
	v60 =	vadd.f32 v33, v32;
	v58, _, _ =	vpop (xrf2)  }
0x3ca: {  	[tilespmem:$0x62F0] =	vst v2;
	v37 =	vadd.s32 $0xF, v37;
	v40 =	vsub.f32 v40, v57;
	v41 =	vperm.xlane v58, v19  }
0x3cb: {  	[tilespmem:$0x6300] =	vst v2;
	vm10 =	vlt.s32 v42, $0x0;
	vm9 =	vge.f32 v60, v21;
	v60 =	vadd.f32 v38, v34  }
0x3cc: {  	[tilespmem:$0x6310] =	vst v2;
	v37 =	vsel vm10, v37, v42;
	v59 =	vmpcnt.ones.xlane vm9;
	v49 =	vadd.f32 v41, v40  }
0x3cd: {  	[tilespmem:$0x6320] =	vst v2;
	v31 =	vperm.xlane v31, v37;
	vm12 =	vge.f32 v60, v27  }
0x3ce: {  	[tilespmem:$0x6330] =	vst v2;
	v45 =	vadd.s32 $0xFFFFFFFF, v59;
	v50 =	vadd.s32 $0xF, v59;
	vm13 =	vge.f32 v49, v28  }
0x3cf: {  	[tilespmem:$0x6340] =	vst v2;
	v51 =	vmpcnt.ones.xlane vm12;
	vm11 =	vlt.s32 v45, $0x0;
	v46 =	vmpcnt.ones.xlane vm13  }
0x3d0: {  	[tilespmem:$0x6350] =	vst v2;
	v24 =	vperm.xlane v24, v37;
	v25 =	vadd.f32 v31, v25;
	v43 =	vsel vm11, v50, v45  }
0x3d1: {  	[tilespmem:$0x6360] =	vst v2;
	v52 =	vadd.s32 $0xFFFFFFFF, v51;
	v44 =	vadd.s32 $0xF, v51;
	v57 =	vadd.s32 $0xFFFFFFFF, v46  }
0x3d2: {  	[tilespmem:$0x6370] =	vst v2;
	vm14 =	vlt.s32 v52, $0x0;
	v46 =	vadd.s32 $0xF, v46;
	vm15 =	vlt.s32 v57, $0x0  }
0x3d3: {  	[tilespmem:$0x6380] =	vst v2;
	v33 =	vperm.xlane v33, v43;
	v31 =	vsel vm14, v44, v52;
	v58 =	vsel vm15, v46, v57  }
0x3d4: {  	[tilespmem:$0x6390] =	vst v2;
	v24 =	vsub.f32 v24, v25;
	v38 =	vperm.xlane v38, v31;
	v41 =	vperm.xlane v41, v58  }
0x3d5: {  	[tilespmem:$0x63A0] =	vst v2;
	v29 =	vperm.xlane v29, v43;
	v31 =	vperm.xlane v36, v31;
	v32 =	vadd.f32 v33, v32  }
.Ltmp6:
0x3d6: {  	[tilespmem:$0x63B0] =	vst v2;
	v34 =	vadd.f32 v38, v34;
	v59 =	vperm.xlane v39, v58;
	v60 =	vadd.f32 v41, v40;
	(pc) =	sbr.rel @p0 .LBB2_11-.Ltmp6, $4  }
0x3d7: {  	[tilespmem:$0x63C0] =	vst v2;
	v25 =	vadd.f32 v24, v22;
	v22 =	vsub.f32 v29, v32  }
0x3d8: {  	[tilespmem:$0x63D0] =	vst v2;
	v24 =	vadd.s32 v23, v42;
	v29 =	vsub.f32 v31, v34;
	v31 =	vsub.f32 v59, v60  }
0x3d9: {  	[tilespmem:$0x63E0] =	vst v2;
	v23 =	vadd.s32 v26, v45;
	v26 =	vadd.f32 v22, v21;
	v22 =	vadd.s32 v30, v52  }
0x3da: {  	[tilespmem:$0x63F0] =	vst v2;
	v27 =	vadd.f32 v29, v27;
	v21 =	vadd.s32 v35, v57;
	v28 =	vadd.f32 v31, v28  }
0x3db: {  	s0 =	simm.s32 $0x0;
	s28 =	simm.s32 $0x4000;
	s29 =	smov.u32 s26  }
.LBB2_10:
0x3dc: {  	v29 =	vld [tilespmem:s28+$0x0];
	_ =	sdelay $0x4  }
0x3dd: {  	v30 =	vshrl.u32 v29, $0x10  }
0x3de: {  	v31 =	vor.u32 s0, v0;
	v30 =	vand.u32 $0xFF, v30  }
0x3df: {  	vm0 =	vlt.s32 v31, v16;
	vm1 =	veq.s32 v30, v24  }
0x3e0: {  	v29 =	vshrl.u32 v29, $0x8;
	vm0 =	vmand vm0, vm1  }
0x3e1: {  	v29 =	vand.u32 $0xFF, v29;
	_ =	sdelay $0x4  }
0x3e2: {  	s2 =	sand.u32 $0xFFFFFFF0, s0;
	[tilespmem:v29+s18+$0x0] =	vst.idx.add.f32.msk vm0, v3  }
0x3e3: {  	v29 =	vld [tilespmem:s2+$0x4800];
	_ =	sdelay $0x4  }
0x3e4: {  	v30 =	vshrl.u32 v29, $0x10  }
0x3e5: {  	v30 =	vand.u32 $0xFF, v30  }
0x3e6: {  	vm10 =	vlt.s32 v31, v17;
	v29 =	vshrl.u32 v29, $0x8;
	vm11 =	veq.s32 v30, v23  }
0x3e7: {  	v29 =	vand.u32 $0xFF, v29;
	vm0 =	vmand vm10, vm11  }
0x3e8: {  	v29 =	vor.u32 $0x100, v29;
	_ =	sdelay $0x4  }
0x3e9: {  	[tilespmem:v29+s18+$0x0] =	vst.idx.add.f32.msk vm0, v3  }
0x3ea: {  	v29 =	vld [tilespmem:s2+$0x5000];
	_ =	sdelay $0x4  }
0x3eb: {  	v30 =	vshrl.u32 v29, $0x10  }
0x3ec: {  	v30 =	vand.u32 $0xFF, v30  }
0x3ed: {  	vm12 =	vlt.s32 v31, v18;
	v29 =	vshrl.u32 v29, $0x8;
	vm13 =	veq.s32 v30, v22  }
0x3ee: {  	v29 =	vand.u32 $0xFF, v29;
	vm0 =	vmand vm12, vm13  }
0x3ef: {  	v29 =	vor.u32 $0x200, v29;
	_ =	sdelay $0x4  }
0x3f0: {  	[tilespmem:v29+s18+$0x0] =	vst.idx.add.f32.msk vm0, v3  }
0x3f1: {  	v29 =	vld [tilespmem:s2+$0x5800];
	_ =	sdelay $0x4  }
0x3f2: {  	v30 =	vshrl.u32 v29, $0x10  }
0x3f3: {  	v30 =	vand.u32 $0xFF, v30  }
0x3f4: {  	vm14 =	vlt.s32 v31, v20;
	v29 =	vshrl.u32 v29, $0x8;
	vm15 =	veq.s32 v30, v21  }
0x3f5: {  	v29 =	vand.u32 $0xFF, v29;
	vm0 =	vmand vm14, vm15  }
0x3f6: {  	p1 =	sne.s32 s29, $0x1;
	v29 =	vor.u32 $0x300, v29  }
.Ltmp7:
0x3f7: {  	_ = 	snop;
	(pc) =	sbr.rel @p1 .LBB2_10-.Ltmp7, $2  }
0x3f8: {  	_ =	sdelay $0x2  }
0x3f9: {  	s0 =	sadd.s32 $0x10, s0;
	s28 =	sadd.s32 $0x10, s28;
	s29 =	sadd.s32 $0xFFFFFFFF, s29;
	[tilespmem:v29+s18+$0x0] =	vst.idx.add.f32.msk vm0, v3  }
.LBB2_11:
0x3fa: {  	_ =	sdelay $0x3  }
0x3fb: {  	v29 =	vld.idx.msk [tilespmem:v1+s18+$0x0], $0xffff;
	_ =	sdelay $0x1  }
0x3fc: {  	v30 =	vld.idx.msk [tilespmem:v53+s18+$0x0], $0xffff;
	_ =	sdelay $0x1  }
0x3fd: {  	v31 =	vld.idx.msk [tilespmem:v54+s18+$0x0], $0xffff  }
0x3fe: {  	v29 =	vadd.f32 $0.0e+00, v29  }
0x3ff: {  	v32 =	vld.idx.msk [tilespmem:v55+s18+$0x0], $0xffff  }
0x400: {  	v29 =	vadd.f32 v30, v29  }
0x401: {  	v30 =	vld.idx.msk [tilespmem:v56+s18+$0x0], $0xffff  }
0x402: {  	v29 =	vadd.f32 v31, v29  }
0x403: {  	v31 =	vld.idx.msk [tilespmem:v61+s18+$0x0], $0xffff  }
0x404: {  	v29 =	vadd.f32 v32, v29  }
0x405: {  	v38 =	vld.idx.msk [tilespmem:v62+s18+$0x0], $0xffff  }
0x406: {  	v29 =	vadd.f32 v30, v29  }
0x407: {  	v30 =	vld.idx.msk [tilespmem:v63+s18+$0x0], $0xffff  }
0x408: {  	v29 =	vadd.f32 v31, v29  }
0x409: {  	v31 =	vld.idx.msk [tilespmem:v4+s18+$0x0], $0xffff  }
0x40a: {  	v29 =	vadd.f32 v38, v29;
	_ =	sdelay $0x1  }
0x40b: {  	v29 =	vadd.f32 v30, v29;
	v30 =	vld [tilespmem:$0x1FFC0];
	_ =	sdelay $0x1  }
0x40c: {  	v29 =	vadd.f32 v31, v29;
	v31 =	vld [tilespmem:$0x1FFD0];
	_ =	sdelay $0x3  }
0x40d: {  	v39 =	vld.idx.msk [tilespmem:v5+s18+$0x0], $0xffff;
	_ =	sdelay $0x1  }
0x40e: {  	v30 =	vld.idx.msk [tilespmem:v30+s18+$0x0], $0xffff;
	_ =	sdelay $0x1  }
0x40f: {  	v31 =	vld.idx.msk [tilespmem:v31+s18+$0x0], $0xffff  }
0x410: {  	v40 =	vld [tilespmem:$0x1FFE0];
	v29 =	vadd.f32 v39, v29;
	_ =	sdelay $0x1  }
0x411: {  	v29 =	vadd.f32 v30, v29;
	v30 =	vld [tilespmem:$0x1FFF0];
	_ =	sdelay $0x1  }
0x412: {  	v29 =	vadd.f32 v31, v29;
	v31 =	vld [tilespmem:$0x1FDE0];
	_ =	sdelay $0x3  }
0x413: {  	v32 =	vld.idx.msk [tilespmem:v40+s18+$0x0], $0xffff;
	_ =	sdelay $0x1  }
0x414: {  	v30 =	vld.idx.msk [tilespmem:v30+s18+$0x0], $0xffff;
	_ =	sdelay $0x1  }
0x415: {  	v31 =	vld.idx.msk [tilespmem:v31+s18+$0x0], $0xffff  }
0x416: {  	v41 =	vld [tilespmem:$0x1FDF0];
	v29 =	vadd.f32 v32, v29;
	_ =	sdelay $0x1  }
0x417: {  	v29 =	vadd.f32 v30, v29;
	_ =	sdelay $0x1  }
0x418: {  	v29 =	vadd.f32 v31, v29;
	v31 =	vld [tilespmem:$0x1FE10];
	_ =	sdelay $0x3  }
0x419: {  	v32 =	vld.idx.msk [tilespmem:v41+s18+$0x0], $0xffff  }
0x41a: {  	v30 =	vld [tilespmem:$0x1FE00];
	_ =	sdelay $0x2  }
0x41b: {  	v33 =	vld.idx.msk [tilespmem:v31+s18+$0x0], $0xffff  }
0x41c: {  	v31 =	vadd.f32 v32, v29;
	v29 =	vld [tilespmem:$0x1FE20];
	_ =	sdelay $0x3  }
0x41d: {  	v30 =	vld.idx.msk [tilespmem:v30+s18+$0x0], $0xffff;
	_ =	sdelay $0x3  }
0x41e: {  	v29 =	vld.idx.msk [tilespmem:v29+s18+$0x0], $0xffff  }
0x41f: {  	v34 =	vld [tilespmem:$0x1FE30];
	v30 =	vadd.f32 $0.0e+00, v30;
	_ =	sdelay $0x1  }
0x420: {  	v42 =	vld [tilespmem:$0x1FE40];
	v30 =	vadd.f32 v33, v30;
	_ =	sdelay $0x1  }
0x421: {  	v29 =	vadd.f32 v29, v30;
	v30 =	vld [tilespmem:$0x1FE50];
	_ =	sdelay $0x3  }
0x422: {  	v34 =	vld.idx.msk [tilespmem:v34+s18+$0x0], $0xffff;
	v32 =	vperm.xlane v31, v19;
	_ =	sdelay $0x1  }
0x423: {  	(xrf2) =	vadd.scan.msk.f32 $0xffff, v32;
	v32 =	vld.idx.msk [tilespmem:v42+s18+$0x0], $0xffff;
	_ =	sdelay $0x1  }
0x424: {  	v30 =	vld.idx.msk [tilespmem:v30+s18+$0x0], $0xffff  }
0x425: {  	v43 =	vld [tilespmem:$0x1FE60];
	v29 =	vadd.f32 v34, v29;
	_ =	sdelay $0x1  }
0x426: {  	v44 =	vld [tilespmem:$0x1FE70];
	v29 =	vadd.f32 v32, v29;
	_ =	sdelay $0x1  }
0x427: {  	v29 =	vadd.f32 v30, v29;
	v30 =	vld [tilespmem:$0x1FE80];
	_ =	sdelay $0x1  }
0x428: {  	v46 =	vld [tilespmem:$0x1FE90];
	_ =	sdelay $0x1  }
0x429: {  	v33 =	vld.idx.msk [tilespmem:v43+s18+$0x0], $0xffff;
	_ =	sdelay $0x1  }
0x42a: {  	v32 =	vld.idx.msk [tilespmem:v44+s18+$0x0], $0xffff;
	_ =	sdelay $0x1  }
0x42b: {  	v30 =	vld.idx.msk [tilespmem:v30+s18+$0x0], $0xffff  }
0x42c: {  	v29 =	vadd.f32 v33, v29  }
0x42d: {  	v34 =	vld.idx.msk [tilespmem:v46+s18+$0x0], $0xffff  }
0x42e: {  	v47 =	vld [tilespmem:$0x1FEA0];
	v29 =	vadd.f32 v32, v29;
	_ =	sdelay $0x1  }
0x42f: {  	v29 =	vadd.f32 v30, v29;
	v30 =	vld [tilespmem:$0x1FEB0];
	_ =	sdelay $0x1  }
0x430: {  	v49 =	vadd.f32 v34, v29;
	v29 =	vld [tilespmem:$0x1FEC0];
	_ =	sdelay $0x3  }
0x431: {  	v32 =	vld.idx.msk [tilespmem:v47+s18+$0x0], $0xffff;
	_ =	sdelay $0x1  }
0x432: {  	v30 =	vld.idx.msk [tilespmem:v30+s18+$0x0], $0xffff  }
0x433: {  	v36 =	vld [tilespmem:$0x1FED0]  }
0x434: {  	v50 =	vld.idx.msk [tilespmem:v29+s18+$0x0], $0xffff  }
0x435: {  	v40 =	vld [tilespmem:$0x1FF30];
	v45, _, _ =	vpop (xrf2);
	v32 =	vadd.f32 v32, v49  }
0x436: {  	v35 =	vperm.xlane v45, v19  }
0x437: {  	v52 =	vld [tilespmem:$0x1FEE0];
	v30 =	vadd.f32 v30, v32  }
0x438: {  	vm0 =	vge.f32 v35, v25  }
0x439: {  	v37 =	vmpcnt.ones.xlane vm0;
	v34 =	vadd.f32 v50, v30;
	v30 =	vld [tilespmem:$0x1FEF0]  }
0x43a: {  	v58 =	vmov v54;
	v54 =	vld [tilespmem:$0x1FF10]  }
0x43b: {  	v59 =	vmov v55;
	v55 =	vld [tilespmem:$0x1FF20];
	v38 =	vadd.s32 $0xFFFFFFFF, v37  }
0x43c: {  	v36 =	vld.idx.msk [tilespmem:v36+s18+$0x0], $0xffff;
	v29 =	vshll.u32 v38, $0x4  }
0x43d: {  	v40 =	vld.idx.msk [tilespmem:v40+s18+$0x0], $0xffff;
	v51 =	vor.u32 v0, v29  }
0x43e: {  	v43 =	vld [tilespmem:$0x1FCE0]  }
0x43f: {  	v32 =	vld.idx.msk [tilespmem:v52+s18+$0x0], $0xffff  }
0x440: {  	v44 =	vld [tilespmem:$0x1FF40]  }
0x441: {  	v39 =	vld.idx.msk [tilespmem:v30+s18+$0x0], $0xffff  }
0x442: {  	v57 =	vmov v53;
	v53 =	vadd.f32 v36, v34;
	v30 =	vld.idx.msk [tilespmem:v51+s18+$0x0], $0xffff  }
0x443: {  	v45 =	vld [tilespmem:$0x1FF50]  }
0x444: {  	v33 =	vld.idx.msk [tilespmem:v54+s18+$0x0], $0xffff;
	v32 =	vadd.f32 v32, v53  }
0x445: {  	v46 =	vld [tilespmem:$0x1FF60]  }
0x446: {  	v36 =	vadd.f32 v39, v32;
	v32 =	vld.idx.msk [tilespmem:v55+s18+$0x0], $0xffff  }
0x447: {  	v60 =	vmov v56;
	v43 =	vld.idx.msk [tilespmem:v43+s18+$0x0], $0xffff;
	v56 =	vperm.xlane v30, v19  }
0x448: {  	v47 =	vld [tilespmem:$0x1FF70];
	v39 =	vperm.xlane v36, v19  }
0x449: {  	v33 =	vadd.f32 $0.0e+00, v33;
	v49 =	vld [tilespmem:$0x1FF80];
	(xrf2) =	vadd.scan.msk.f32 $0xffff, v56  }
0x44a: {  	v34 =	vld.idx.msk [tilespmem:v44+s18+$0x0], $0xffff;
	(xrf2) =	vadd.scan.msk.f32 $0xffff, v39  }
0x44b: {  	v51 =	vld [tilespmem:$0x1FF90];
	v32 =	vadd.f32 v32, v33  }
0x44c: {  	v33 =	vld.idx.msk [tilespmem:v45+s18+$0x0], $0xffff  }
0x44d: {  	v52 =	vld [tilespmem:$0x1FFA0];
	v32 =	vadd.f32 v40, v32  }
0x44e: {  	v39 =	vld.idx.msk [tilespmem:v46+s18+$0x0], $0xffff  }
0x44f: {  	v53 =	vld [tilespmem:$0x1FFB0];
	v32 =	vadd.f32 v34, v32  }
0x450: {  	v34 =	vld.idx.msk [tilespmem:v47+s18+$0x0], $0xffff  }
0x451: {  	v55 =	vld [tilespmem:$0x1FCD0];
	v32 =	vadd.f32 v33, v32  }
0x452: {  	v33 =	vld.idx.msk [tilespmem:v49+s18+$0x0], $0xffff  }
0x453: {  	v46 =	vld [tilespmem:$0x1FF00];
	v42, _, _ =	vpop (xrf2);
	v32 =	vadd.f32 v39, v32  }
0x454: {  	v40 =	vld.idx.msk [tilespmem:v51+s18+$0x0], $0xffff;
	v50, _, _ =	vpop (xrf2)  }
0x455: {  	v47 =	vld [tilespmem:$0x1FCF0];
	v41 =	vperm.xlane v50, v19;
	v32 =	vadd.f32 v34, v32  }
0x456: {  	v34 =	vld.idx.msk [tilespmem:v52+s18+$0x0], $0xffff  }
0x457: {  	v49 =	vld [tilespmem:$0x1FD00];
	vm14 =	vge.f32 v41, v26;
	v32 =	vadd.f32 v33, v32  }
0x458: {  	v33 =	vld.idx.msk [tilespmem:v53+s18+$0x0], $0xffff;
	v44 =	vmpcnt.ones.xlane vm14  }
0x459: {  	v51 =	vld [tilespmem:$0x1FD10];
	v54 =	vadd.f32 v40, v32  }
0x45a: {  	v56 =	vld.idx.msk [tilespmem:v55+s18+$0x0], $0xffff;
	v45 =	vadd.s32 $0xFFFFFFFF, v44  }
0x45b: {  	v52 =	vld [tilespmem:$0x1FD20];
	v32 =	vshll.u32 v45, $0x4;
	v34 =	vadd.f32 v34, v54  }
0x45c: {  	v53 =	vld [tilespmem:$0x1FD30];
	v39 =	vadd.s32 v46, v32  }
0x45d: {  	v54 =	vld [tilespmem:$0x1FD40];
	v33 =	vadd.f32 v33, v34  }
0x45e: {  	v34 =	vld.idx.msk [tilespmem:v47+s18+$0x0], $0xffff  }
0x45f: {  	v46 =	vld.idx.msk [tilespmem:v49+s18+$0x0], $0xffff;
	v40 =	vadd.f32 v56, v33  }
0x460: {  	v49 =	vld [tilespmem:$0x1FD50]  }
0x461: {  	v33 =	vld.idx.msk [tilespmem:v39+s18+$0x0], $0xffff;
	v50 =	vadd.f32 v43, v40  }
0x462: {  	v40 =	vld.idx.msk [tilespmem:v51+s18+$0x0], $0xffff  }
0x463: {  	v39 =	vld.idx.msk [tilespmem:v52+s18+$0x0], $0xffff;
	v34 =	vadd.f32 v34, v50;
	_ =	sdelay $0x1  }
0x464: {  	v43 =	vld.idx.msk [tilespmem:v53+s18+$0x0], $0xffff;
	v34 =	vadd.f32 v46, v34;
	_ =	sdelay $0x1  }
0x465: {  	v46 =	vadd.f32 v40, v34;
	v34 =	vld.idx.msk [tilespmem:v54+s18+$0x0], $0xffff  }
0x466: {  	v39 =	vadd.f32 $0.0e+00, v39  }
0x467: {  	v49 =	vld.idx.msk [tilespmem:v49+s18+$0x0], $0xffff;
	v55 =	vperm.xlane v33, v19  }
0x468: {  	v56 =	vld [tilespmem:$0x1FD60];
	v39 =	vadd.f32 v43, v39;
	v47 =	vperm.xlane v46, v19  }
0x469: {  	(xrf2) =	vadd.scan.msk.f32 $0xffff, v55  }
0x46a: {  	(xrf2) =	vadd.scan.msk.f32 $0xffff, v47;
	v47 =	vld [tilespmem:$0x1FD70];
	v34 =	vadd.f32 v34, v39;
	_ =	sdelay $0x1  }
0x46b: {  	v34 =	vadd.f32 v49, v34;
	v49 =	vld [tilespmem:$0x1FD80];
	_ =	sdelay $0x1  }
0x46c: {  	v50 =	vld [tilespmem:$0x1FD90]  }
0x46d: {  	v51 =	vld [tilespmem:$0x1FDA0]  }
0x46e: {  	v40 =	vld.idx.msk [tilespmem:v56+s18+$0x0], $0xffff  }
0x46f: {  	v53 =	vld [tilespmem:$0x1FDB0]  }
0x470: {  	v39 =	vld.idx.msk [tilespmem:v47+s18+$0x0], $0xffff  }
0x471: {  	v54 =	vld [tilespmem:$0x1FDC0]  }
0x472: {  	v43 =	vld.idx.msk [tilespmem:v49+s18+$0x0], $0xffff  }
0x473: {  	v55 =	vld [tilespmem:$0x1FDD0];
	v34 =	vadd.f32 v40, v34  }
0x474: {  	v40 =	vld.idx.msk [tilespmem:v50+s18+$0x0], $0xffff  }
0x475: {  	v34 =	vadd.f32 v39, v34  }
0x476: {  	v39 =	vld.idx.msk [tilespmem:v51+s18+$0x0], $0xffff  }
0x477: {  	v47, _, _ =	vpop (xrf2);
	v34 =	vadd.f32 v43, v34  }
0x478: {  	v52, _, _ =	vpop (xrf2);
	v49 =	vld.idx.msk [tilespmem:v53+s18+$0x0], $0xffff  }
0x479: {  	v50 =	vperm.xlane v52, v19;
	v34 =	vadd.f32 v40, v34  }
0x47a: {  	v40 =	vld.idx.msk [tilespmem:v54+s18+$0x0], $0xffff  }
0x47b: {  	vm15 =	vge.f32 v50, v27;
	v34 =	vadd.f32 v39, v34  }
0x47c: {  	v51 =	vmpcnt.ones.xlane vm15;
	v39 =	vld.idx.msk [tilespmem:v55+s18+$0x0], $0xffff  }
0x47d: {  	v56 =	vadd.f32 v49, v34  }
0x47e: {  	v52 =	vld.idx.msk [tilespmem:v6+s18+$0x0], $0xffff;
	v49 =	vadd.s32 $0xFFFFFFFF, v51  }
0x47f: {  	v34 =	vshll.u32 v49, $0x4;
	v40 =	vadd.f32 v40, v56  }
0x480: {  	v53 =	vld.idx.msk [tilespmem:v7+s18+$0x0], $0xffff;
	v43 =	vadd.s32 v10, v34  }
0x481: {  	v39 =	vadd.f32 v39, v40  }
0x482: {  	v54 =	vld.idx.msk [tilespmem:v8+s18+$0x0], $0xffff  }
0x483: {  	v39 =	vadd.f32 v52, v39  }
0x484: {  	v56 =	vld.idx.msk [tilespmem:v9+s18+$0x0], $0xffff  }
0x485: {  	v40 =	vld.idx.msk [tilespmem:v43+s18+$0x0], $0xffff;
	v39 =	vadd.f32 v53, v39;
	_ =	sdelay $0x1  }
0x486: {  	v39 =	vadd.f32 v54, v39;
	_ =	sdelay $0x1  }
0x487: {  	v52 =	vadd.f32 v56, v39  }
0x488: {  	v55 =	vperm.xlane v40, v19  }
0x489: {  	v56 =	vperm.xlane v52, v19  }
0x48a: {  	(xrf2) =	vadd.scan.msk.f32 $0xffff, v55  }
0x48b: {  	(xrf2) =	vadd.scan.msk.f32 $0xffff, v56;
	_ =	sdelay $0x8  }
0x48c: {  	v53, _, _ =	vpop (xrf2)  }
0x48d: {  	v43, _, _ =	vpop (xrf2)  }
0x48e: {  	v54 =	vperm.xlane v43, v19;
	_ =	sdelay $0x1  }
0x48f: {  	vm4 =	vge.f32 v54, v28  }
0x490: {  	v55 =	vmpcnt.ones.xlane vm4;
	_ =	sdelay $0x1  }
0x491: {  	v56 =	vadd.s32 $0xFFFFFFFF, v55  }
0x492: {  	v39 =	vshll.u32 v56, $0x4  }
0x493: {  	v43 =	vadd.s32 v11, v39;
	_ =	sdelay $0x4  }
0x494: {  	v43 =	vld.idx.msk [tilespmem:v43+s18+$0x0], $0xffff;
	[tilespmem:$0x6000] =	vst v2  }
0x495: {  	[tilespmem:$0x6010] =	vst v2  }
0x496: {  	[tilespmem:$0x6020] =	vst v2  }
0x497: {  	[tilespmem:$0x6030] =	vst v2  }
0x498: {  	[tilespmem:$0x6040] =	vst v2  }
0x499: {  	[tilespmem:$0x6050] =	vst v2  }
0x49a: {  	[tilespmem:$0x6060] =	vst v2  }
0x49b: {  	[tilespmem:$0x6070] =	vst v2  }
0x49c: {  	[tilespmem:$0x6080] =	vst v2  }
0x49d: {  	[tilespmem:$0x6090] =	vst v2  }
0x49e: {  	[tilespmem:$0x60A0] =	vst v2  }
0x49f: {  	[tilespmem:$0x60B0] =	vst v2  }
0x4a0: {  	[tilespmem:$0x60C0] =	vst v2  }
0x4a1: {  	[tilespmem:$0x60D0] =	vst v2  }
0x4a2: {  	[tilespmem:$0x60E0] =	vst v2  }
0x4a3: {  	[tilespmem:$0x60F0] =	vst v2  }
0x4a4: {  	[tilespmem:$0x6100] =	vst v2  }
0x4a5: {  	[tilespmem:$0x6110] =	vst v2  }
0x4a6: {  	[tilespmem:$0x6120] =	vst v2  }
0x4a7: {  	[tilespmem:$0x6130] =	vst v2  }
0x4a8: {  	[tilespmem:$0x6140] =	vst v2  }
0x4a9: {  	[tilespmem:$0x6150] =	vst v2  }
0x4aa: {  	[tilespmem:$0x6160] =	vst v2  }
0x4ab: {  	[tilespmem:$0x6170] =	vst v2  }
0x4ac: {  	[tilespmem:$0x6180] =	vst v2  }
0x4ad: {  	[tilespmem:$0x6190] =	vst v2  }
0x4ae: {  	[tilespmem:$0x61A0] =	vst v2  }
0x4af: {  	[tilespmem:$0x61B0] =	vst v2  }
0x4b0: {  	[tilespmem:$0x61C0] =	vst v2  }
0x4b1: {  	[tilespmem:$0x61D0] =	vst v2  }
0x4b2: {  	[tilespmem:$0x61E0] =	vst v2  }
0x4b3: {  	v37 =	vadd.s32 $0xF, v37;
	vm5 =	vlt.s32 v38, $0x0;
	[tilespmem:$0x61F0] =	vst v2  }
0x4b4: {  	v37 =	vsel vm5, v37, v38;
	[tilespmem:$0x6200] =	vst v2  }
0x4b5: {  	v31 =	vperm.xlane v31, v37;
	[tilespmem:$0x6210] =	vst v2  }
0x4b6: {  	v35 =	vperm.xlane v35, v37;
	[tilespmem:$0x6220] =	vst v2;
	v37 =	vperm.xlane v43, v19  }
0x4b7: {  	[tilespmem:$0x6230] =	vst v2  }
0x4b8: {  	v31 =	vsub.f32 v35, v31;
	v35 =	vperm.xlane v42, v19;
	[tilespmem:$0x6240] =	vst v2;
	(xrf2) =	vadd.scan.msk.f32 $0xffff, v37  }
0x4b9: {  	v44 =	vadd.s32 $0xF, v44;
	vm6 =	vlt.s32 v45, $0x0;
	[tilespmem:$0x6250] =	vst v2  }
0x4ba: {  	[tilespmem:$0x6260] =	vst v2;
	v37 =	vsel vm6, v44, v45;
	v45 =	vadd.f32 v35, v31  }
0x4bb: {  	[tilespmem:$0x6270] =	vst v2;
	v36 =	vperm.xlane v36, v37;
	v37 =	vperm.xlane v41, v37  }
0x4bc: {  	vm1 =	vlt.s32 v49, $0x0;
	[tilespmem:$0x6280] =	vst v2;
	vm7 =	vge.f32 v45, v25  }
0x4bd: {  	[tilespmem:$0x6290] =	vst v2;
	v36 =	vsub.f32 v37, v36;
	v37 =	vperm.xlane v47, v19;
	v47 =	vadd.s32 $0xF, v51  }
0x4be: {  	vm8 =	vlt.s32 v56, $0x0;
	[tilespmem:$0x62A0] =	vst v2;
	v41 =	vmpcnt.ones.xlane vm7;
	v38 =	vsel vm1, v47, v49  }
0x4bf: {  	[tilespmem:$0x62B0] =	vst v2;
	v49 =	vadd.s32 $0xF, v55;
	v42 =	vadd.f32 v37, v36;
	v51 =	vperm.xlane v46, v38  }
0x4c0: {  	[tilespmem:$0x62C0] =	vst v2;
	v38 =	vperm.xlane v50, v38;
	v44 =	vsel vm8, v49, v56;
	v46 =	vadd.s32 $0xFFFFFFFF, v41  }
0x4c1: {  	[tilespmem:$0x62D0] =	vst v2;
	v41 =	vadd.s32 $0xF, v41;
	v52 =	vperm.xlane v52, v44;
	v44 =	vperm.xlane v54, v44  }
0x4c2: {  	[tilespmem:$0x62E0] =	vst v2;
	vm10 =	vlt.s32 v46, $0x0;
	vm9 =	vge.f32 v42, v26;
	v42 =	vperm.xlane v53, v19;
	v53, _, _ =	vpop (xrf2)  }
0x4c3: {  	[tilespmem:$0x62F0] =	vst v2;
	v38 =	vsub.f32 v38, v51;
	v44 =	vsub.f32 v44, v52;
	v45 =	vperm.xlane v53, v19  }
0x4c4: {  	[tilespmem:$0x6300] =	vst v2;
	v41 =	vsel vm10, v41, v46;
	v54 =	vmpcnt.ones.xlane vm9  }
0x4c5: {  	[tilespmem:$0x6310] =	vst v2;
	v35 =	vperm.xlane v35, v41;
	v55 =	vadd.f32 v42, v38;
	v56 =	vadd.f32 v45, v44  }
0x4c6: {  	[tilespmem:$0x6320] =	vst v2;
	v30 =	vperm.xlane v30, v41;
	v50 =	vadd.s32 $0xFFFFFFFF, v54;
	v54 =	vadd.s32 $0xF, v54  }
0x4c7: {  	[tilespmem:$0x6330] =	vst v2;
	vm11 =	vlt.s32 v50, $0x0;
	vm12 =	vge.f32 v55, v27;
	vm13 =	vge.f32 v56, v28  }
0x4c8: {  	[tilespmem:$0x6340] =	vst v2;
	v55 =	vmpcnt.ones.xlane vm12;
	v47 =	vsel vm11, v54, v50;
	v51 =	vmpcnt.ones.xlane vm13  }
0x4c9: {  	[tilespmem:$0x6350] =	vst v2;
	v37 =	vperm.xlane v37, v47;
	v33 =	vperm.xlane v33, v47  }
0x4ca: {  	[tilespmem:$0x6360] =	vst v2;
	v41 =	vadd.s32 $0xFFFFFFFF, v55;
	v49 =	vadd.s32 $0xF, v55;
	v47 =	vadd.s32 $0xFFFFFFFF, v51  }
0x4cb: {  	[tilespmem:$0x6370] =	vst v2;
	vm14 =	vlt.s32 v41, $0x0;
	v51 =	vadd.s32 $0xF, v51;
	vm15 =	vlt.s32 v47, $0x0  }
0x4cc: {  	[tilespmem:$0x6380] =	vst v2;
	v31 =	vadd.f32 v35, v31;
	v56 =	vsel vm14, v49, v41;
	v52 =	vsel vm15, v51, v47  }
0x4cd: {  	[tilespmem:$0x6390] =	vst v2;
	v42 =	vperm.xlane v42, v56;
	v45 =	vperm.xlane v45, v52  }
0x4ce: {  	[tilespmem:$0x63A0] =	vst v2;
	v30 =	vsub.f32 v30, v31;
	v36 =	vadd.f32 v37, v36;
	v35 =	vperm.xlane v40, v56  }
.Ltmp8:
0x4cf: {  	[tilespmem:$0x63B0] =	vst v2;
	v38 =	vadd.f32 v42, v38;
	v53 =	vperm.xlane v43, v52;
	v54 =	vadd.f32 v45, v44;
	(pc) =	sbr.rel @p0 .LBB2_14-.Ltmp8, $4  }
0x4d0: {  	[tilespmem:$0x63C0] =	vst v2;
	v31 =	vadd.f32 v30, v25;
	v25 =	vsub.f32 v33, v36  }
0x4d1: {  	[tilespmem:$0x63D0] =	vst v2;
	v30 =	vadd.s32 v29, v46;
	v55 =	vsub.f32 v35, v38;
	v56 =	vsub.f32 v53, v54  }
0x4d2: {  	[tilespmem:$0x63E0] =	vst v2;
	v29 =	vadd.s32 v32, v50;
	v32 =	vadd.f32 v25, v26;
	v26 =	vadd.s32 v34, v41  }
0x4d3: {  	[tilespmem:$0x63F0] =	vst v2;
	v25 =	vadd.s32 v39, v47;
	v33 =	vadd.f32 v55, v27;
	v27 =	vadd.f32 v56, v28  }
0x4d4: {  	s0 =	simm.s32 $0x0;
	s28 =	simm.s32 $0x4000  }
.LBB2_13:
0x4d5: {  	v28 =	vld [tilespmem:s28+$0x0];
	_ =	sdelay $0x4  }
0x4d6: {  	v34 =	vshrl.u32 v28, $0x10;
	v35 =	vshrl.u32 v28, $0x8  }
0x4d7: {  	v34 =	vand.u32 $0xFF, v34;
	v35 =	vand.u32 $0xFF, v35  }
0x4d8: {  	v36 =	vor.u32 s0, v0;
	vm0 =	veq.s32 v34, v24;
	vm1 =	veq.s32 v35, v30  }
0x4d9: {  	vm2 =	vlt.s32 v36, v16;
	vm0 =	vmand vm0, vm1  }
0x4da: {  	vm0 =	vmand vm0, vm2  }
0x4db: {  	v28 =	vand.u32 $0xFF, v28;
	_ =	sdelay $0x4  }
0x4dc: {  	s2 =	sand.u32 $0xFFFFFFF0, s0;
	[tilespmem:v28+s18+$0x0] =	vst.idx.add.f32.msk vm0, v3  }
0x4dd: {  	v28 =	vld [tilespmem:s2+$0x4800];
	_ =	sdelay $0x4  }
0x4de: {  	v51 =	vshrl.u32 v28, $0x10;
	v52 =	vshrl.u32 v28, $0x8  }
0x4df: {  	v34 =	vand.u32 $0xFF, v51;
	v35 =	vand.u32 $0xFF, v52  }
0x4e0: {  	vm7 =	veq.s32 v34, v23;
	vm8 =	veq.s32 v35, v29  }
0x4e1: {  	vm9 =	vlt.s32 v36, v17;
	vm0 =	vmand vm7, vm8  }
0x4e2: {  	v28 =	vand.u32 $0xFF, v28;
	vm0 =	vmand vm0, vm9  }
0x4e3: {  	v28 =	vor.u32 $0x100, v28;
	_ =	sdelay $0x4  }
0x4e4: {  	[tilespmem:v28+s18+$0x0] =	vst.idx.add.f32.msk vm0, v3  }
0x4e5: {  	v28 =	vld [tilespmem:s2+$0x5000];
	_ =	sdelay $0x4  }
0x4e6: {  	v53 =	vshrl.u32 v28, $0x10;
	v54 =	vshrl.u32 v28, $0x8  }
0x4e7: {  	v34 =	vand.u32 $0xFF, v53;
	v35 =	vand.u32 $0xFF, v54  }
0x4e8: {  	vm10 =	veq.s32 v34, v22;
	vm11 =	veq.s32 v35, v26  }
0x4e9: {  	vm12 =	vlt.s32 v36, v18;
	vm0 =	vmand vm10, vm11  }
0x4ea: {  	v28 =	vand.u32 $0xFF, v28;
	vm0 =	vmand vm0, vm12  }
0x4eb: {  	v28 =	vor.u32 $0x200, v28;
	_ =	sdelay $0x4  }
0x4ec: {  	[tilespmem:v28+s18+$0x0] =	vst.idx.add.f32.msk vm0, v3  }
0x4ed: {  	v28 =	vld [tilespmem:s2+$0x5800];
	_ =	sdelay $0x4  }
0x4ee: {  	v55 =	vshrl.u32 v28, $0x10;
	v56 =	vshrl.u32 v28, $0x8  }
0x4ef: {  	v34 =	vand.u32 $0xFF, v55;
	v35 =	vand.u32 $0xFF, v56  }
0x4f0: {  	vm13 =	veq.s32 v34, v21;
	vm14 =	veq.s32 v35, v25  }
0x4f1: {  	vm15 =	vlt.s32 v36, v20;
	vm0 =	vmand vm13, vm14  }
0x4f2: {  	v28 =	vand.u32 $0xFF, v28;
	vm0 =	vmand vm0, vm15  }
0x4f3: {  	p0 =	sne.s32 s26, $0x1;
	v28 =	vor.u32 $0x300, v28  }
.Ltmp9:
0x4f4: {  	_ = 	snop;
	(pc) =	sbr.rel @p0 .LBB2_13-.Ltmp9, $2  }
0x4f5: {  	_ =	sdelay $0x2  }
0x4f6: {  	s0 =	sadd.s32 $0x10, s0;
	s28 =	sadd.s32 $0x10, s28;
	s26 =	sadd.s32 $0xFFFFFFFF, s26;
	[tilespmem:v28+s18+$0x0] =	vst.idx.add.f32.msk vm0, v3  }
.Ltmp10:
0x4f7: {  	_ = 	snop;
	(pc) =	sbr.rel .LBB2_14-.Ltmp10, $1  }
0x4f8: {  	_ =	sdelay $0x3  }
.LBB2_15:
0x4f9: {  	_ =	sfence.sel $0x180000  }
0x4fa: {  	[bflag:$0x0] =	sbarrier.arrive $0xFFFF  }
0x4fb: {  	_ =	strace $0x90000047  }
0x4fc: {  	s0 =	stileid.u32;
	[bflag:$0x2] =	sbarrier.arrive $0xFFFF  }
0x4fd: {  	p0 =	sne.s32 s0, $0x0;
	s0 =	rddreg [dreg:$0x2]  }
0x4fe: {  	s0 =	sadd.s32 @!p0 $0x100000, s0  }
0x4ff: {  	[sflag:s0] =	ssyncadd.tile.s32 @!p0 $0x1;
	_ =	shalt  }
.Lfunc_end2:
_tile_overlayer_lowered:
.L_overlay_start_2:
0x500: {  	(tag) =	ssettag $0x2  }
0x501: {  	s0 =	rddreg [dreg:$0x0];
	s2 =	stileid.u32  }
0x502: {  	s1 =	rddreg [dreg:$0x1];
	p0 =	sne.s32 s2, $0x0  }
0x503: {  	s3 =	rddreg [dreg:$0x2];
	[bflag:$0x3] =	sbarrier.arrive $0xFFFF;
	s2 =	simm.s32 @!p0 $0x1C03  }
0x504: {  	[timem:s3], [sflag:s2] =	dma.local @!p0 [hbm:s0], s1  }
0x505: {  	s0 =	simm.s32 @!p0 $0x3  }
0x506: {  	_ =	swait.ge @!p0 [sflag:s0], s1  }
0x507: {  	s1 =	ssub.s32 @!p0 $0x0, s1;
	[sflag:s0] =	ssyncset.done @!p0 $0x0  }
0x508: {  	[sflag:s0] =	ssyncadd.s32 @!p0 s1  }
0x509: {  	[bflag:$0x3] =	sbarrier.arrive $0xFFFF  }
0x50a: {  	_ =	shalt  }

</sc_bundles>
